<compile_context>
chip_gen: v7x
topology: tpu7x:2x2x1
jax: 0.10.2.dev20260603
libtpu: 0.0.44.dev20260713+nightly
codegen_flags: <defaults>
</compile_context>

<pallas_src>
import functools
import jax
import jax.numpy as jnp
from jax import lax
from jax.experimental import pallas as pl
from jax.experimental.pallas import tpu as pltpu
from jax.experimental.pallas import tpu_sc as plsc

N = 50000
D = 128
E = 300000
NPASS = 4
DC = D // NPASS
NSUB = 16
GROUP = 128
EPAD = 301056
NGRP = EPAD // (NSUB * GROUP)
KB = 21
NCHUNK = NGRP // KB
NBUF = 6
LOOKAHEAD = 4
ROWS_PER_SUB = 3128
NROWA = ROWS_PER_SUB * NSUB
TRASH_ROW = NROWA - 1


def _sc_segment_sums(xu_flat, xi_flat, src0, dst0, src1, dst1, zeros_in):
    mesh = plsc.VectorSubcoreMesh(core_axis_name="c", subcore_axis_name="s")

    @functools.partial(
        pl.kernel,
        out_type=jax.ShapeDtypeStruct((2, NROWA, D), jnp.float32),
        mesh=mesh,
        scratch_types=[
            pltpu.VMEM((KB, GROUP), jnp.int32),
            pltpu.VMEM((KB, GROUP), jnp.int32),
            pltpu.VMEM((NBUF, GROUP, DC), jnp.float32),
            pltpu.VMEM_SHARED((NROWA, DC), jnp.float32),
            pltpu.SemaphoreType.DMA((NBUF,)),
            pltpu.SemaphoreType.DMA((NBUF,)),
            pltpu.SemaphoreType.DMA,
        ],
        compiler_params=pltpu.CompilerParams(use_tc_tiling_on_sc=False),
    )
    def k(xu_hbm, xi_hbm, src0_hbm, dst0_hbm, src1_hbm, dst1_hbm, z_hbm,
          agg_hbm, srcbuf, dstbuf, rows, acc, semg, sems, semz):
        c = lax.axis_index("c")
        s = lax.axis_index("s")

        def run(x_hbm, src_hbm, dst_hbm, rel):
            slab = acc.at[pl.ds(s * ROWS_PER_SUB, ROWS_PER_SUB)]
            pltpu.async_copy(z_hbm, slab, semz)
            for p in range(NPASS):
                pltpu.make_async_copy(z_hbm, slab, semz).wait()
                plsc.subcore_barrier()

                def chunk_body(ci, _):
                    pltpu.sync_copy(src_hbm.at[p, s, ci], srcbuf)
                    pltpu.sync_copy(dst_hbm.at[s, ci], dstbuf)
                    for g0 in range(LOOKAHEAD):
                        pltpu.async_copy(x_hbm.at[srcbuf.at[g0]],
                                         rows.at[g0], semg.at[g0])

                    def body(g, _):
                        b = lax.rem(g, NBUF)
                        pltpu.make_async_copy(x_hbm.at[srcbuf.at[g]],
                                              rows.at[b], semg.at[b]).wait()
                        pltpu.async_copy(rows.at[b], acc.at[dstbuf.at[g]],
                                         sems.at[b], add=True)

                        @pl.when(g + LOOKAHEAD < KB)
                        def _():
                            bf = lax.rem(g + LOOKAHEAD, NBUF)

                            @pl.when(g >= NBUF - LOOKAHEAD)
                            def _():
                                pltpu.make_async_copy(
                                    rows.at[bf], acc.at[dstbuf.at[g]],
                                    sems.at[bf]).wait()

                            pltpu.async_copy(x_hbm.at[srcbuf.at[g + LOOKAHEAD]],
                                             rows.at[bf], semg.at[bf])
                        return 0

                    lax.fori_loop(0, KB, body, 0)
                    for b in range(NBUF):
                        pltpu.make_async_copy(rows.at[b], acc.at[dstbuf.at[0]],
                                              sems.at[b]).wait()
                    return 0

                lax.fori_loop(0, NCHUNK, chunk_body, 0)
                plsc.subcore_barrier()
                pltpu.sync_copy(
                    slab,
                    agg_hbm.at[rel, pl.ds(s * ROWS_PER_SUB, ROWS_PER_SUB),
                               pl.ds(p * DC, DC)],
                )
                if p < NPASS - 1:
                    pltpu.async_copy(z_hbm, slab, semz)

        @pl.when(c == 0)
        def _():
            run(xu_hbm, src0_hbm, dst0_hbm, 0)

        @pl.when(c == 1)
        def _():
            run(xi_hbm, src1_hbm, dst1_hbm, 1)

    return k(xu_flat, xi_flat, src0, dst0, src1, dst1, zeros_in)


def _tc_body(xu_ref, xi_ref, au_ref, ai_ref, wsu_ref, wsi_ref, wru_ref,
             wri_ref, bu_ref, bi_ref, ou_ref, oi_ref):
    hu = jnp.dot(xu_ref[...], wsu_ref[...], preferred_element_type=jnp.float32)
    hi = jnp.dot(xi_ref[...], wsi_ref[...], preferred_element_type=jnp.float32)
    hu += jnp.dot(au_ref[0], wru_ref[...], preferred_element_type=jnp.float32)
    hi += jnp.dot(ai_ref[0], wri_ref[...], preferred_element_type=jnp.float32)
    ou_ref[...] = jnp.maximum(hu + bu_ref[...], 0.0)
    oi_ref[...] = jnp.maximum(hi + bi_ref[...], 0.0)


def _tc_combine(x_user, x_item, agg, wsu, wsi, wru, wri, bu, bi):
    BM = 2000
    grid = (N // BM,)
    row_spec = pl.BlockSpec((BM, D), lambda m: (m, 0))
    agg_u_spec = pl.BlockSpec((1, BM, D), lambda m: (1, m, 0))
    agg_i_spec = pl.BlockSpec((1, BM, D), lambda m: (0, m, 0))
    w_spec = pl.BlockSpec((D, D), lambda m: (0, 0))
    b_spec = pl.BlockSpec((1, D), lambda m: (0, 0))
    return pl.pallas_call(
        _tc_body,
        grid=grid,
        in_specs=[row_spec, row_spec, agg_u_spec, agg_i_spec,
                  w_spec, w_spec, w_spec, w_spec, b_spec, b_spec],
        out_specs=[row_spec, row_spec],
        out_shape=[jax.ShapeDtypeStruct((N, D), jnp.float32),
                   jax.ShapeDtypeStruct((N, D), jnp.float32)],
    )(x_user, x_item, agg, agg, wsu, wsi, wru, wri, bu, bi)


def kernel(x_user, x_item, edge_index_u2i, edge_index_i2u,
           Wself_user, Wself_item, Wrel_u2i, Wrel_i2u, b_user, b_item):
    npad = EPAD - E
    poff = jnp.arange(NPASS, dtype=jnp.int32).reshape(NPASS, 1, 1, 1, 1)

    def edge_layout(src, dst):
        src_p = jnp.concatenate(
            [src * 4, jnp.zeros((npad,), dtype=jnp.int32)]).reshape(
                NSUB, NCHUNK, KB, GROUP)
        dst_p = jnp.concatenate(
            [dst, jnp.full((npad,), TRASH_ROW, dtype=jnp.int32)]).reshape(
                NSUB, NCHUNK, KB, GROUP)
        return src_p[None] + poff, dst_p

    src0, dst0 = edge_layout(edge_index_u2i[0], edge_index_u2i[1])
    src1, dst1 = edge_layout(edge_index_i2u[0], edge_index_i2u[1])
    zeros_in = jnp.zeros((ROWS_PER_SUB, DC), dtype=jnp.float32)

    agg = _sc_segment_sums(
        x_user.reshape(N * NPASS, DC), x_item.reshape(N * NPASS, DC),
        src0, dst0, src1, dst1, zeros_in)

    out_user, out_item = _tc_combine(
        x_user, x_item, agg,
        Wself_user[-1], Wself_item[-1], Wrel_i2u[-1], Wrel_u2i[-1],
        b_user[-1].reshape(1, D), b_item[-1].reshape(1, D))
    return (out_user[None], out_item[None])

# --- scband reference (transcript-rebuilt; emitter-appended) ---
"""Pipeline reference for scband-hetero-conv-layers-70626442215717 (READ-ONLY COPY).

The authoritative reference and input builder live on the scoring server;
editing this copy changes nothing except your own understanding.
"""

import jax, jax.numpy as jnp
import numpy as np

N_USER = 50000
N_ITEM = 50000
D = 128
E = 300000
L = 2


def setup_inputs(seed: int = 0) -> dict:
    key = jax.random.key(seed)
    ks = jax.random.split(key, 12)
    x_user = jax.random.normal(ks[0], (N_USER, D), dtype=jnp.float32)
    x_item = jax.random.normal(ks[1], (N_ITEM, D), dtype=jnp.float32)
    edge_index_u2i = jnp.stack([
        jax.random.randint(ks[2], (E,), 0, N_USER, dtype=jnp.int64) if jax.config.jax_enable_x64 else jax.random.randint(ks[2], (E,), 0, N_USER).astype(jnp.int32),
        jax.random.randint(ks[3], (E,), 0, N_ITEM).astype(jnp.int32),
    ]).astype(jnp.int32)
    edge_index_i2u = jnp.stack([
        jax.random.randint(ks[4], (E,), 0, N_ITEM).astype(jnp.int32),
        jax.random.randint(ks[5], (E,), 0, N_USER).astype(jnp.int32),
    ]).astype(jnp.int32)
    # Per-layer hetero-conv parameters (GraphConv-style: self transform + relation transform)
    scale = 0.05
    Wself_user = jax.random.normal(ks[6], (L, D, D), dtype=jnp.float32) * scale
    Wself_item = jax.random.normal(ks[7], (L, D, D), dtype=jnp.float32) * scale
    Wrel_u2i = jax.random.normal(ks[8], (L, D, D), dtype=jnp.float32) * scale
    Wrel_i2u = jax.random.normal(ks[9], (L, D, D), dtype=jnp.float32) * scale
    b_user = jnp.zeros((L, D), dtype=jnp.float32)
    b_item = jnp.zeros((L, D), dtype=jnp.float32)
    return {
        "x_user": x_user,
        "x_item": x_item,
        "edge_index_u2i": edge_index_u2i,
        "edge_index_i2u": edge_index_i2u,
        "Wself_user": Wself_user,
        "Wself_item": Wself_item,
        "Wrel_u2i": Wrel_u2i,
        "Wrel_i2u": Wrel_i2u,
        "b_user": b_user,
        "b_item": b_item,
    }


def reference(x_user, x_item, edge_index_u2i, edge_index_i2u,
              Wself_user, Wself_item, Wrel_u2i, Wrel_i2u, b_user, b_item):
    # Faithful translation of HeteroConvLayers.forward with LP=False:
    # each layer recomputes conv_i(data) from the ORIGINAL data (data is never
    # updated in the torch loop), so graph_output is overwritten each iteration.
    src_u = edge_index_u2i[0]
    dst_i = edge_index_u2i[1]
    src_i = edge_index_i2u[0]
    dst_u = edge_index_i2u[1]
    out_user = None
    out_item = None
    for i in range(L):
        # message passing: gather src features along edges, scatter-add into dst
        agg_item = jax.ops.segment_sum(jnp.take(x_user, src_u, axis=0), dst_i, num_segments=N_ITEM)
        agg_user = jax.ops.segment_sum(jnp.take(x_item, src_i, axis=0), dst_u, num_segments=N_USER)
        h_user = x_user @ Wself_user[i] + agg_user @ Wrel_i2u[i] + b_user[i]
        h_item = x_item @ Wself_item[i] + agg_item @ Wrel_u2i[i] + b_item[i]
        out_user = jax.nn.relu(h_user)
        out_item = jax.nn.relu(h_item)
    # final unsqueeze(0) per node type
    return (out_user[None], out_item[None])

if __name__ == "__main__":
    import jax
    _d = setup_inputs()
    print(jax.jit(kernel)(*tuple(_d.values())))

</pallas_src>

<mosaic_0001>
#map = affine_map<(d0, d1) -> (0, 0)>
#map1 = affine_map<(d0, d1) -> (0, 0, 0, 0, 0)>
#map2 = affine_map<(d0, d1) -> (0, 0, 0, 0)>
#map3 = affine_map<(d0, d1) -> (0, 0, 0)>
module attributes {stable_mosaic.version = 14 : i64} {
  func.func @k(%arg0: i32, %arg1: i32, %arg2: memref<200000x32xf32, #tpu.memory_space<hbm>>, %arg3: memref<200000x32xf32, #tpu.memory_space<hbm>>, %arg4: memref<4x16x7x21x128xi32, #tpu.memory_space<hbm>>, %arg5: memref<16x7x21x128xi32, #tpu.memory_space<hbm>>, %arg6: memref<4x16x7x21x128xi32, #tpu.memory_space<hbm>>, %arg7: memref<16x7x21x128xi32, #tpu.memory_space<hbm>>, %arg8: memref<3128x32xf32, #tpu.memory_space<hbm>>, %arg9: memref<2x50048x128xf32, #tpu.memory_space<hbm>>, %arg10: memref<21x128xi32, #tpu.memory_space<vmem>>, %arg11: memref<21x128xi32, #tpu.memory_space<vmem>>, %arg12: memref<6x128x32xf32, #tpu.memory_space<vmem>>, %arg13: memref<50048x32xf32, #tpu.memory_space<vmem_shared>>, %arg14: memref<6x!tpu.dma_semaphore, #tpu.memory_space<semaphore_mem>>, %arg15: memref<6x!tpu.dma_semaphore, #tpu.memory_space<semaphore_mem>>, %arg16: memref<!tpu.dma_semaphore, #tpu.memory_space<semaphore_mem>>) attributes {dimension_semantics = [#tpu.dimension_semantics<core_parallel>, #tpu.dimension_semantics<subcore_parallel>], iteration_bounds = array<i64: 2, 16>, scalar_prefetch = 0 : i64, scratch_operands = 7 : i64, tpu.core_type = #tpu.core_type<sc_vector_subcore>, window_params = [{transform_indices = #map}, {transform_indices = #map}, {transform_indices = #map1}, {transform_indices = #map2}, {transform_indices = #map1}, {transform_indices = #map2}, {transform_indices = #map}, {transform_indices = #map3}]} {
    %eq3A = arith.constant 0 : i32
    %eq3A_0 = arith.cmpi eq, %arg0, %eq3A : i32
    %convert_element_type3A = arith.extui %eq3A_0 : i1 to i32
    %cond3A = arith.constant 0 : i32
    %cond3A_1 = arith.cmpi ne, %convert_element_type3A, %cond3A : i32
    scf.if %cond3A_1 {
      %mul3A = arith.constant 3128 : i32
      %mul3A_7 = arith.muli %arg1, %mul3A : i32
      %dma_start3A = arith.constant 0 : i32
      %dma_start3A_8 = tpu.memref_slice %arg13[%mul3A_7, %dma_start3A] : memref<50048x32xf32, #tpu.memory_space<vmem_shared>> -> memref<3128x32xf32, #tpu.memory_space<vmem_shared>>
      tpu.enqueue_dma source(%arg8 : memref<3128x32xf32, #tpu.memory_space<hbm>>) target(%dma_start3A_8 : memref<3128x32xf32, #tpu.memory_space<vmem_shared>>) target_semaphore(%arg16 : memref<!tpu.dma_semaphore, #tpu.memory_space<semaphore_mem>>)
      %dma_wait3A = arith.constant 0 : i32
      %dma_wait3A_9 = tpu.memref_slice %arg13[%mul3A_7, %dma_wait3A] : memref<50048x32xf32, #tpu.memory_space<vmem_shared>> -> memref<3128x32xf32, #tpu.memory_space<vmem_shared>>
      tpu.wait_dma2 semaphore(%arg16 : memref<!tpu.dma_semaphore, #tpu.memory_space<semaphore_mem>>) src(%arg8 : memref<3128x32xf32, #tpu.memory_space<hbm>>) dst(%dma_wait3A_9 : memref<3128x32xf32, #tpu.memory_space<vmem_shared>>)
      %barrier3A = arith.constant 0 : index
      tpu.barrier barrier_id(%barrier3A)
      %scan3A = arith.constant 0 : i32
      %scan3A_10 = arith.constant 0 : i32
      %scan3A_11 = arith.constant 7 : i32
      %scan3A_12 = arith.addi %scan3A_10, %scan3A_11 : i32
      %scan3A_13 = arith.constant 1 : i32
      %scan3A_14 = scf.for %scan3A_67 = %scan3A_10 to %scan3A_12 step %scan3A_13 iter_args(%scan3A_68 = %scan3A) -> (i32)  : i32 {
        %run_scoped3A_69 = arith.constant 0 : i32
        "tpu.region"() ({
          %run_scoped3A_228 = tpu.sem_alloc : memref<!tpu.dma_semaphore, #tpu.memory_space<semaphore_mem>>
          %dma_start3A_229 = arith.constant 0 : i32
          %dma_start3A_230 = arith.constant 0 : i32
          %dma_start3A_231 = tpu.memref_slice %arg4[%run_scoped3A_69, %arg1, %scan3A_67, %dma_start3A_229, %dma_start3A_230] : memref<4x16x7x21x128xi32, #tpu.memory_space<hbm>> -> memref<1x1x1x21x128xi32, #tpu.memory_space<hbm>>
          %dma_start3A_232 = tpu.memref_squeeze %dma_start3A_231 : memref<1x1x1x21x128xi32, #tpu.memory_space<hbm>> -> memref<21x128xi32, #tpu.memory_space<hbm>>
          %dma_start3A_233 = arith.constant 0 : i32
          %dma_start3A_234 = arith.constant 0 : i32
          %dma_start3A_235 = tpu.memref_slice %arg4[%run_scoped3A_69, %arg1, %scan3A_67, %dma_start3A_233, %dma_start3A_234] : memref<4x16x7x21x128xi32, #tpu.memory_space<hbm>> -> memref<1x1x1x21x128xi32, #tpu.memory_space<hbm>>
          %dma_start3A_236 = tpu.memref_squeeze %dma_start3A_235 : memref<1x1x1x21x128xi32, #tpu.memory_space<hbm>> -> memref<21x128xi32, #tpu.memory_space<hbm>>
          tpu.enqueue_dma source(%dma_start3A_236 : memref<21x128xi32, #tpu.memory_space<hbm>>) target(%arg10 : memref<21x128xi32, #tpu.memory_space<vmem>>) target_semaphore(%run_scoped3A_228 : memref<!tpu.dma_semaphore, #tpu.memory_space<semaphore_mem>>)
          %dma_wait3A_237 = arith.constant 0 : i32
          %dma_wait3A_238 = arith.constant 0 : i32
          %dma_wait3A_239 = tpu.memref_slice %arg4[%run_scoped3A_69, %arg1, %scan3A_67, %dma_wait3A_237, %dma_wait3A_238] : memref<4x16x7x21x128xi32, #tpu.memory_space<hbm>> -> memref<1x1x1x21x128xi32, #tpu.memory_space<hbm>>
          %dma_wait3A_240 = tpu.memref_squeeze %dma_wait3A_239 : memref<1x1x1x21x128xi32, #tpu.memory_space<hbm>> -> memref<21x128xi32, #tpu.memory_space<hbm>>
          %dma_wait3A_241 = arith.constant 0 : i32
          %dma_wait3A_242 = arith.constant 0 : i32
          %dma_wait3A_243 = tpu.memref_slice %arg4[%run_scoped3A_69, %arg1, %scan3A_67, %dma_wait3A_241, %dma_wait3A_242] : memref<4x16x7x21x128xi32, #tpu.memory_space<hbm>> -> memref<1x1x1x21x128xi32, #tpu.memory_space<hbm>>
          %dma_wait3A_244 = tpu.memref_squeeze %dma_wait3A_243 : memref<1x1x1x21x128xi32, #tpu.memory_space<hbm>> -> memref<21x128xi32, #tpu.memory_space<hbm>>
          tpu.wait_dma2 semaphore(%run_scoped3A_228 : memref<!tpu.dma_semaphore, #tpu.memory_space<semaphore_mem>>) src(%dma_wait3A_244 : memref<21x128xi32, #tpu.memory_space<hbm>>) dst(%arg10 : memref<21x128xi32, #tpu.memory_space<vmem>>)
          tpu.yield
        }) : () -> ()
        "tpu.region"() ({
          %run_scoped3A_228 = tpu.sem_alloc : memref<!tpu.dma_semaphore, #tpu.memory_space<semaphore_mem>>
          %dma_start3A_229 = arith.constant 0 : i32
          %dma_start3A_230 = arith.constant 0 : i32
          %dma_start3A_231 = tpu.memref_slice %arg5[%arg1, %scan3A_67, %dma_start3A_229, %dma_start3A_230] : memref<16x7x21x128xi32, #tpu.memory_space<hbm>> -> memref<1x1x21x128xi32, #tpu.memory_space<hbm>>
          %dma_start3A_232 = tpu.memref_squeeze %dma_start3A_231 : memref<1x1x21x128xi32, #tpu.memory_space<hbm>> -> memref<21x128xi32, #tpu.memory_space<hbm>>
          %dma_start3A_233 = arith.constant 0 : i32
          %dma_start3A_234 = arith.constant 0 : i32
          %dma_start3A_235 = tpu.memref_slice %arg5[%arg1, %scan3A_67, %dma_start3A_233, %dma_start3A_234] : memref<16x7x21x128xi32, #tpu.memory_space<hbm>> -> memref<1x1x21x128xi32, #tpu.memory_space<hbm>>
          %dma_start3A_236 = tpu.memref_squeeze %dma_start3A_235 : memref<1x1x21x128xi32, #tpu.memory_space<hbm>> -> memref<21x128xi32, #tpu.memory_space<hbm>>
          tpu.enqueue_dma source(%dma_start3A_236 : memref<21x128xi32, #tpu.memory_space<hbm>>) target(%arg11 : memref<21x128xi32, #tpu.memory_space<vmem>>) target_semaphore(%run_scoped3A_228 : memref<!tpu.dma_semaphore, #tpu.memory_space<semaphore_mem>>)
          %dma_wait3A_237 = arith.constant 0 : i32
          %dma_wait3A_238 = arith.constant 0 : i32
          %dma_wait3A_239 = tpu.memref_slice %arg5[%arg1, %scan3A_67, %dma_wait3A_237, %dma_wait3A_238] : memref<16x7x21x128xi32, #tpu.memory_space<hbm>> -> memref<1x1x21x128xi32, #tpu.memory_space<hbm>>
          %dma_wait3A_240 = tpu.memref_squeeze %dma_wait3A_239 : memref<1x1x21x128xi32, #tpu.memory_space<hbm>> -> memref<21x128xi32, #tpu.memory_space<hbm>>
          %dma_wait3A_241 = arith.constant 0 : i32
          %dma_wait3A_242 = arith.constant 0 : i32
          %dma_wait3A_243 = tpu.memref_slice %arg5[%arg1, %scan3A_67, %dma_wait3A_241, %dma_wait3A_242] : memref<16x7x21x128xi32, #tpu.memory_space<hbm>> -> memref<1x1x21x128xi32, #tpu.memory_space<hbm>>
          %dma_wait3A_244 = tpu.memref_squeeze %dma_wait3A_243 : memref<1x1x21x128xi32, #tpu.memory_space<hbm>> -> memref<21x128xi32, #tpu.memory_space<hbm>>
          tpu.wait_dma2 semaphore(%run_scoped3A_228 : memref<!tpu.dma_semaphore, #tpu.memory_space<semaphore_mem>>) src(%dma_wait3A_244 : memref<21x128xi32, #tpu.memory_space<hbm>>) dst(%arg11 : memref<21x128xi32, #tpu.memory_space<vmem>>)
          tpu.yield
        }) : () -> ()
        %dma_start3A_70 = arith.constant 0 : i32
        %dma_start3A_71 = arith.constant 0 : i32
        %dma_start3A_72 = arith.constant 0 : i32
        %dma_start3A_73 = arith.constant 0 : i32
        %dma_start3A_74 = arith.constant 0 : i32
        %dma_start3A_75 = tpu.memref_slice %arg12[%dma_start3A_71, %dma_start3A_73, %dma_start3A_74] : memref<6x128x32xf32, #tpu.memory_space<vmem>> -> memref<1x128x32xf32, #tpu.memory_space<vmem>>
        %dma_start3A_76 = tpu.memref_squeeze %dma_start3A_75 : memref<1x128x32xf32, #tpu.memory_space<vmem>> -> memref<128x32xf32, #tpu.memory_space<vmem>>
        %dma_start3A_77 = arith.constant 0 : i32
        %dma_start3A_78 = tpu.memref_slice %arg10[%dma_start3A_70, %dma_start3A_77] : memref<21x128xi32, #tpu.memory_space<vmem>> -> memref<1x128xi32, #tpu.memory_space<vmem>>
        %dma_start3A_79 = tpu.memref_squeeze %dma_start3A_78 : memref<1x128xi32, #tpu.memory_space<vmem>> -> memref<128xi32, #tpu.memory_space<vmem>>
        %dma_start3A_80 = arith.constant 0 : i32
        %dma_start3A_81 = arith.constant 0 : i32
        %dma_start3A_82 = tpu.memref_slice %arg2[%dma_start3A_80, %dma_start3A_81] : memref<200000x32xf32, #tpu.memory_space<hbm>> -> memref<200000x32xf32, #tpu.memory_space<hbm>>
        %dma_start3A_83 = tpu.memref_slice %arg14[%dma_start3A_72] : memref<6x!tpu.dma_semaphore, #tpu.memory_space<semaphore_mem>> -> memref<1x!tpu.dma_semaphore, #tpu.memory_space<semaphore_mem>>
        %dma_start3A_84 = tpu.memref_squeeze %dma_start3A_83 : memref<1x!tpu.dma_semaphore, #tpu.memory_space<semaphore_mem>> -> memref<!tpu.dma_semaphore, #tpu.memory_space<semaphore_mem>>
        tpu.enqueue_indirect_dma source(%dma_start3A_82 : memref<200000x32xf32, #tpu.memory_space<hbm>>) target(%dma_start3A_76 : memref<128x32xf32, #tpu.memory_space<vmem>>) offsets(%dma_start3A_79 : memref<128xi32, #tpu.memory_space<vmem>>) semaphore(%dma_start3A_84 : memref<!tpu.dma_semaphore, #tpu.memory_space<semaphore_mem>>)
        %dma_start3A_85 = arith.constant 1 : i32
        %dma_start3A_86 = arith.constant 1 : i32
        %dma_start3A_87 = arith.constant 1 : i32
        %dma_start3A_88 = arith.constant 0 : i32
        %dma_start3A_89 = arith.constant 0 : i32
        %dma_start3A_90 = tpu.memref_slice %arg12[%dma_start3A_86, %dma_start3A_88, %dma_start3A_89] : memref<6x128x32xf32, #tpu.memory_space<vmem>> -> memref<1x128x32xf32, #tpu.memory_space<vmem>>
        %dma_start3A_91 = tpu.memref_squeeze %dma_start3A_90 : memref<1x128x32xf32, #tpu.memory_space<vmem>> -> memref<128x32xf32, #tpu.memory_space<vmem>>
        %dma_start3A_92 = arith.constant 0 : i32
        %dma_start3A_93 = tpu.memref_slice %arg10[%dma_start3A_85, %dma_start3A_92] : memref<21x128xi32, #tpu.memory_space<vmem>> -> memref<1x128xi32, #tpu.memory_space<vmem>>
        %dma_start3A_94 = tpu.memref_squeeze %dma_start3A_93 : memref<1x128xi32, #tpu.memory_space<vmem>> -> memref<128xi32, #tpu.memory_space<vmem>>
        %dma_start3A_95 = arith.constant 0 : i32
        %dma_start3A_96 = arith.constant 0 : i32
        %dma_start3A_97 = tpu.memref_slice %arg2[%dma_start3A_95, %dma_start3A_96] : memref<200000x32xf32, #tpu.memory_space<hbm>> -> memref<200000x32xf32, #tpu.memory_space<hbm>>
        %dma_start3A_98 = tpu.memref_slice %arg14[%dma_start3A_87] : memref<6x!tpu.dma_semaphore, #tpu.memory_space<semaphore_mem>> -> memref<1x!tpu.dma_semaphore, #tpu.memory_space<semaphore_mem>>
        %dma_start3A_99 = tpu.memref_squeeze %dma_start3A_98 : memref<1x!tpu.dma_semaphore, #tpu.memory_space<semaphore_mem>> -> memref<!tpu.dma_semaphore, #tpu.memory_space<semaphore_mem>>
        tpu.enqueue_indirect_dma source(%dma_start3A_97 : memref<200000x32xf32, #tpu.memory_space<hbm>>) target(%dma_start3A_91 : memref<128x32xf32, #tpu.memory_space<vmem>>) offsets(%dma_start3A_94 : memref<128xi32, #tpu.memory_space<vmem>>) semaphore(%dma_start3A_99 : memref<!tpu.dma_semaphore, #tpu.memory_space<semaphore_mem>>)
        %dma_start3A_100 = arith.constant 2 : i32
        %dma_start3A_101 = arith.constant 2 : i32
        %dma_start3A_102 = arith.constant 2 : i32
        %dma_start3A_103 = arith.constant 0 : i32
        %dma_start3A_104 = arith.constant 0 : i32
        %dma_start3A_105 = tpu.memref_slice %arg12[%dma_start3A_101, %dma_start3A_103, %dma_start3A_104] : memref<6x128x32xf32, #tpu.memory_space<vmem>> -> memref<1x128x32xf32, #tpu.memory_space<vmem>>
        %dma_start3A_106 = tpu.memref_squeeze %dma_start3A_105 : memref<1x128x32xf32, #tpu.memory_space<vmem>> -> memref<128x32xf32, #tpu.memory_space<vmem>>
        %dma_start3A_107 = arith.constant 0 : i32
        %dma_start3A_108 = tpu.memref_slice %arg10[%dma_start3A_100, %dma_start3A_107] : memref<21x128xi32, #tpu.memory_space<vmem>> -> memref<1x128xi32, #tpu.memory_space<vmem>>
        %dma_start3A_109 = tpu.memref_squeeze %dma_start3A_108 : memref<1x128xi32, #tpu.memory_space<vmem>> -> memref<128xi32, #tpu.memory_space<vmem>>
        %dma_start3A_110 = arith.constant 0 : i32
        %dma_start3A_111 = arith.constant 0 : i32
        %dma_start3A_112 = tpu.memref_slice %arg2[%dma_start3A_110, %dma_start3A_111] : memref<200000x32xf32, #tpu.memory_space<hbm>> -> memref<200000x32xf32, #tpu.memory_space<hbm>>
        %dma_start3A_113 = tpu.memref_slice %arg14[%dma_start3A_102] : memref<6x!tpu.dma_semaphore, #tpu.memory_space<semaphore_mem>> -> memref<1x!tpu.dma_semaphore, #tpu.memory_space<semaphore_mem>>
        %dma_start3A_114 = tpu.memref_squeeze %dma_start3A_113 : memref<1x!tpu.dma_semaphore, #tpu.memory_space<semaphore_mem>> -> memref<!tpu.dma_semaphore, #tpu.memory_space<semaphore_mem>>
        tpu.enqueue_indirect_dma source(%dma_start3A_112 : memref<200000x32xf32, #tpu.memory_space<hbm>>) target(%dma_start3A_106 : memref<128x32xf32, #tpu.memory_space<vmem>>) offsets(%dma_start3A_109 : memref<128xi32, #tpu.memory_space<vmem>>) semaphore(%dma_start3A_114 : memref<!tpu.dma_semaphore, #tpu.memory_space<semaphore_mem>>)
        %dma_start3A_115 = arith.constant 3 : i32
        %dma_start3A_116 = arith.constant 3 : i32
        %dma_start3A_117 = arith.constant 3 : i32
        %dma_start3A_118 = arith.constant 0 : i32
        %dma_start3A_119 = arith.constant 0 : i32
        %dma_start3A_120 = tpu.memref_slice %arg12[%dma_start3A_116, %dma_start3A_118, %dma_start3A_119] : memref<6x128x32xf32, #tpu.memory_space<vmem>> -> memref<1x128x32xf32, #tpu.memory_space<vmem>>
        %dma_start3A_121 = tpu.memref_squeeze %dma_start3A_120 : memref<1x128x32xf32, #tpu.memory_space<vmem>> -> memref<128x32xf32, #tpu.memory_space<vmem>>
        %dma_start3A_122 = arith.constant 0 : i32
        %dma_start3A_123 = tpu.memref_slice %arg10[%dma_start3A_115, %dma_start3A_122] : memref<21x128xi32, #tpu.memory_space<vmem>> -> memref<1x128xi32, #tpu.memory_space<vmem>>
        %dma_start3A_124 = tpu.memref_squeeze %dma_start3A_123 : memref<1x128xi32, #tpu.memory_space<vmem>> -> memref<128xi32, #tpu.memory_space<vmem>>
        %dma_start3A_125 = arith.constant 0 : i32
        %dma_start3A_126 = arith.constant 0 : i32
        %dma_start3A_127 = tpu.memref_slice %arg2[%dma_start3A_125, %dma_start3A_126] : memref<200000x32xf32, #tpu.memory_space<hbm>> -> memref<200000x32xf32, #tpu.memory_space<hbm>>
        %dma_start3A_128 = tpu.memref_slice %arg14[%dma_start3A_117] : memref<6x!tpu.dma_semaphore, #tpu.memory_space<semaphore_mem>> -> memref<1x!tpu.dma_semaphore, #tpu.memory_space<semaphore_mem>>
        %dma_start3A_129 = tpu.memref_squeeze %dma_start3A_128 : memref<1x!tpu.dma_semaphore, #tpu.memory_space<semaphore_mem>> -> memref<!tpu.dma_semaphore, #tpu.memory_space<semaphore_mem>>
        tpu.enqueue_indirect_dma source(%dma_start3A_127 : memref<200000x32xf32, #tpu.memory_space<hbm>>) target(%dma_start3A_121 : memref<128x32xf32, #tpu.memory_space<vmem>>) offsets(%dma_start3A_124 : memref<128xi32, #tpu.memory_space<vmem>>) semaphore(%dma_start3A_129 : memref<!tpu.dma_semaphore, #tpu.memory_space<semaphore_mem>>)
        %scan3A_130 = arith.constant 0 : i32
        %scan3A_131 = arith.constant 0 : i32
        %scan3A_132 = arith.constant 21 : i32
        %scan3A_133 = arith.addi %scan3A_131, %scan3A_132 : i32
        %scan3A_134 = arith.constant 1 : i32
        %scan3A_135 = scf.for %scan3A_228 = %scan3A_131 to %scan3A_133 step %scan3A_134 iter_args(%scan3A_229 = %scan3A_130) -> (i32)  : i32 {
          %rem3A = arith.constant 6 : i32
          %rem3A_230 = arith.remsi %scan3A_228, %rem3A : i32
          %dma_wait3A_231 = arith.constant 0 : i32
          %dma_wait3A_232 = arith.constant 0 : i32
          %dma_wait3A_233 = tpu.memref_slice %arg12[%rem3A_230, %dma_wait3A_231, %dma_wait3A_232] : memref<6x128x32xf32, #tpu.memory_space<vmem>> -> memref<1x128x32xf32, #tpu.memory_space<vmem>>
          %dma_wait3A_234 = tpu.memref_squeeze %dma_wait3A_233 : memref<1x128x32xf32, #tpu.memory_space<vmem>> -> memref<128x32xf32, #tpu.memory_space<vmem>>
          %dma_wait3A_235 = arith.constant 0 : i32
          %dma_wait3A_236 = tpu.memref_slice %arg10[%scan3A_228, %dma_wait3A_235] : memref<21x128xi32, #tpu.memory_space<vmem>> -> memref<1x128xi32, #tpu.memory_space<vmem>>
          %dma_wait3A_237 = tpu.memref_squeeze %dma_wait3A_236 : memref<1x128xi32, #tpu.memory_space<vmem>> -> memref<128xi32, #tpu.memory_space<vmem>>
          %dma_wait3A_238 = arith.constant 0 : i32
          %dma_wait3A_239 = arith.constant 0 : i32
          %dma_wait3A_240 = tpu.memref_slice %arg2[%dma_wait3A_238, %dma_wait3A_239] : memref<200000x32xf32, #tpu.memory_space<hbm>> -> memref<200000x32xf32, #tpu.memory_space<hbm>>
          %dma_wait3A_241 = tpu.memref_slice %arg14[%rem3A_230] : memref<6x!tpu.dma_semaphore, #tpu.memory_space<semaphore_mem>> -> memref<1x!tpu.dma_semaphore, #tpu.memory_space<semaphore_mem>>
          %dma_wait3A_242 = tpu.memref_squeeze %dma_wait3A_241 : memref<1x!tpu.dma_semaphore, #tpu.memory_space<semaphore_mem>> -> memref<!tpu.dma_semaphore, #tpu.memory_space<semaphore_mem>>
          tpu.wait_indirect_dma semaphore(%dma_wait3A_242 : memref<!tpu.dma_semaphore, #tpu.memory_space<semaphore_mem>>) src(%dma_wait3A_240 : memref<200000x32xf32, #tpu.memory_space<hbm>>) dst(%dma_wait3A_234 : memref<128x32xf32, #tpu.memory_space<vmem>>)
          %dma_start3A_243 = arith.constant 0 : i32
          %dma_start3A_244 = arith.constant 0 : i32
          %dma_start3A_245 = tpu.memref_slice %arg12[%rem3A_230, %dma_start3A_243, %dma_start3A_244] : memref<6x128x32xf32, #tpu.memory_space<vmem>> -> memref<1x128x32xf32, #tpu.memory_space<vmem>>
          %dma_start3A_246 = tpu.memref_squeeze %dma_start3A_245 : memref<1x128x32xf32, #tpu.memory_space<vmem>> -> memref<128x32xf32, #tpu.memory_space<vmem>>
          %dma_start3A_247 = arith.constant 0 : i32
          %dma_start3A_248 = tpu.memref_slice %arg11[%scan3A_228, %dma_start3A_247] : memref<21x128xi32, #tpu.memory_space<vmem>> -> memref<1x128xi32, #tpu.memory_space<vmem>>
          %dma_start3A_249 = tpu.memref_squeeze %dma_start3A_248 : memref<1x128xi32, #tpu.memory_space<vmem>> -> memref<128xi32, #tpu.memory_space<vmem>>
          %dma_start3A_250 = arith.constant 0 : i32
          %dma_start3A_251 = arith.constant 0 : i32
          %dma_start3A_252 = tpu.memref_slice %arg13[%dma_start3A_250, %dma_start3A_251] : memref<50048x32xf32, #tpu.memory_space<vmem_shared>> -> memref<50048x32xf32, #tpu.memory_space<vmem_shared>>
          %dma_start3A_253 = tpu.memref_slice %arg15[%rem3A_230] : memref<6x!tpu.dma_semaphore, #tpu.memory_space<semaphore_mem>> -> memref<1x!tpu.dma_semaphore, #tpu.memory_space<semaphore_mem>>
          %dma_start3A_254 = tpu.memref_squeeze %dma_start3A_253 : memref<1x!tpu.dma_semaphore, #tpu.memory_space<semaphore_mem>> -> memref<!tpu.dma_semaphore, #tpu.memory_space<semaphore_mem>>
          tpu.enqueue_indirect_dma source(%dma_start3A_246 : memref<128x32xf32, #tpu.memory_space<vmem>>) target(%dma_start3A_252 : memref<50048x32xf32, #tpu.memory_space<vmem_shared>>) offsets(%dma_start3A_249 : memref<128xi32, #tpu.memory_space<vmem>>) semaphore(%dma_start3A_254 : memref<!tpu.dma_semaphore, #tpu.memory_space<semaphore_mem>>) {add = true}
          %add3A = arith.constant 4 : i32
          %add3A_255 = arith.addi %scan3A_228, %add3A : i32
          %lt3A = arith.constant 21 : i32
          %lt3A_256 = arith.cmpi slt, %add3A_255, %lt3A : i32
          %convert_element_type3A_257 = arith.extui %lt3A_256 : i1 to i32
          %cond3A_258 = arith.constant 0 : i32
          %cond3A_259 = arith.cmpi ne, %convert_element_type3A_257, %cond3A_258 : i32
          scf.if %cond3A_259 {
            %add3A_261 = arith.constant 4 : i32
            %add3A_262 = arith.addi %scan3A_228, %add3A_261 : i32
            %rem3A_263 = arith.constant 6 : i32
            %rem3A_264 = arith.remsi %add3A_262, %rem3A_263 : i32
            %ge3A = arith.constant 2 : i32
            %ge3A_265 = arith.cmpi sge, %scan3A_228, %ge3A : i32
            %convert_element_type3A_266 = arith.extui %ge3A_265 : i1 to i32
            %cond3A_267 = arith.constant 0 : i32
            %cond3A_268 = arith.cmpi ne, %convert_element_type3A_266, %cond3A_267 : i32
            scf.if %cond3A_268 {
              %dma_wait3A_283 = arith.constant 0 : i32
              %dma_wait3A_284 = arith.constant 0 : i32
              %dma_wait3A_285 = tpu.memref_slice %arg12[%rem3A_264, %dma_wait3A_283, %dma_wait3A_284] : memref<6x128x32xf32, #tpu.memory_space<vmem>> -> memref<1x128x32xf32, #tpu.memory_space<vmem>>
              %dma_wait3A_286 = tpu.memref_squeeze %dma_wait3A_285 : memref<1x128x32xf32, #tpu.memory_space<vmem>> -> memref<128x32xf32, #tpu.memory_space<vmem>>
              %dma_wait3A_287 = arith.constant 0 : i32
              %dma_wait3A_288 = tpu.memref_slice %arg11[%scan3A_228, %dma_wait3A_287] : memref<21x128xi32, #tpu.memory_space<vmem>> -> memref<1x128xi32, #tpu.memory_space<vmem>>
              %dma_wait3A_289 = tpu.memref_squeeze %dma_wait3A_288 : memref<1x128xi32, #tpu.memory_space<vmem>> -> memref<128xi32, #tpu.memory_space<vmem>>
              %dma_wait3A_290 = arith.constant 0 : i32
              %dma_wait3A_291 = arith.constant 0 : i32
              %dma_wait3A_292 = tpu.memref_slice %arg13[%dma_wait3A_290, %dma_wait3A_291] : memref<50048x32xf32, #tpu.memory_space<vmem_shared>> -> memref<50048x32xf32, #tpu.memory_space<vmem_shared>>
              %dma_wait3A_293 = tpu.memref_slice %arg15[%rem3A_264] : memref<6x!tpu.dma_semaphore, #tpu.memory_space<semaphore_mem>> -> memref<1x!tpu.dma_semaphore, #tpu.memory_space<semaphore_mem>>
              %dma_wait3A_294 = tpu.memref_squeeze %dma_wait3A_293 : memref<1x!tpu.dma_semaphore, #tpu.memory_space<semaphore_mem>> -> memref<!tpu.dma_semaphore, #tpu.memory_space<semaphore_mem>>
              tpu.wait_indirect_dma semaphore(%dma_wait3A_294 : memref<!tpu.dma_semaphore, #tpu.memory_space<semaphore_mem>>) src(%dma_wait3A_286 : memref<128x32xf32, #tpu.memory_space<vmem>>) dst(%dma_wait3A_292 : memref<50048x32xf32, #tpu.memory_space<vmem_shared>>)
            } else {
            }
            %add3A_269 = arith.constant 4 : i32
            %add3A_270 = arith.addi %scan3A_228, %add3A_269 : i32
            %dma_start3A_271 = arith.constant 0 : i32
            %dma_start3A_272 = arith.constant 0 : i32
            %dma_start3A_273 = tpu.memref_slice %arg12[%rem3A_264, %dma_start3A_271, %dma_start3A_272] : memref<6x128x32xf32, #tpu.memory_space<vmem>> -> memref<1x128x32xf32, #tpu.memory_space<vmem>>
            %dma_start3A_274 = tpu.memref_squeeze %dma_start3A_273 : memref<1x128x32xf32, #tpu.memory_space<vmem>> -> memref<128x32xf32, #tpu.memory_space<vmem>>
            %dma_start3A_275 = arith.constant 0 : i32
            %dma_start3A_276 = tpu.memref_slice %arg10[%add3A_270, %dma_start3A_275] : memref<21x128xi32, #tpu.memory_space<vmem>> -> memref<1x128xi32, #tpu.memory_space<vmem>>
            %dma_start3A_277 = tpu.memref_squeeze %dma_start3A_276 : memref<1x128xi32, #tpu.memory_space<vmem>> -> memref<128xi32, #tpu.memory_space<vmem>>
            %dma_start3A_278 = arith.constant 0 : i32
            %dma_start3A_279 = arith.constant 0 : i32
            %dma_start3A_280 = tpu.memref_slice %arg2[%dma_start3A_278, %dma_start3A_279] : memref<200000x32xf32, #tpu.memory_space<hbm>> -> memref<200000x32xf32, #tpu.memory_space<hbm>>
            %dma_start3A_281 = tpu.memref_slice %arg14[%rem3A_264] : memref<6x!tpu.dma_semaphore, #tpu.memory_space<semaphore_mem>> -> memref<1x!tpu.dma_semaphore, #tpu.memory_space<semaphore_mem>>
            %dma_start3A_282 = tpu.memref_squeeze %dma_start3A_281 : memref<1x!tpu.dma_semaphore, #tpu.memory_space<semaphore_mem>> -> memref<!tpu.dma_semaphore, #tpu.memory_space<semaphore_mem>>
            tpu.enqueue_indirect_dma source(%dma_start3A_280 : memref<200000x32xf32, #tpu.memory_space<hbm>>) target(%dma_start3A_274 : memref<128x32xf32, #tpu.memory_space<vmem>>) offsets(%dma_start3A_277 : memref<128xi32, #tpu.memory_space<vmem>>) semaphore(%dma_start3A_282 : memref<!tpu.dma_semaphore, #tpu.memory_space<semaphore_mem>>)
          } else {
          }
          %scan3A_260 = arith.constant 0 : i32
          scf.yield %scan3A_260 : i32
        }
        %scan3A_136 = arith.constant 21 : i32
        %dma_wait3A_137 = arith.constant 0 : i32
        %dma_wait3A_138 = arith.constant 0 : i32
        %dma_wait3A_139 = arith.constant 0 : i32
        %dma_wait3A_140 = arith.constant 0 : i32
        %dma_wait3A_141 = arith.constant 0 : i32
        %dma_wait3A_142 = tpu.memref_slice %arg12[%dma_wait3A_137, %dma_wait3A_140, %dma_wait3A_141] : memref<6x128x32xf32, #tpu.memory_space<vmem>> -> memref<1x128x32xf32, #tpu.memory_space<vmem>>
        %dma_wait3A_143 = tpu.memref_squeeze %dma_wait3A_142 : memref<1x128x32xf32, #tpu.memory_space<vmem>> -> memref<128x32xf32, #tpu.memory_space<vmem>>
        %dma_wait3A_144 = arith.constant 0 : i32
        %dma_wait3A_145 = tpu.memref_slice %arg11[%dma_wait3A_138, %dma_wait3A_144] : memref<21x128xi32, #tpu.memory_space<vmem>> -> memref<1x128xi32, #tpu.memory_space<vmem>>
        %dma_wait3A_146 = tpu.memref_squeeze %dma_wait3A_145 : memref<1x128xi32, #tpu.memory_space<vmem>> -> memref<128xi32, #tpu.memory_space<vmem>>
        %dma_wait3A_147 = arith.constant 0 : i32
        %dma_wait3A_148 = arith.constant 0 : i32
        %dma_wait3A_149 = tpu.memref_slice %arg13[%dma_wait3A_147, %dma_wait3A_148] : memref<50048x32xf32, #tpu.memory_space<vmem_shared>> -> memref<50048x32xf32, #tpu.memory_space<vmem_shared>>
        %dma_wait3A_150 = tpu.memref_slice %arg15[%dma_wait3A_139] : memref<6x!tpu.dma_semaphore, #tpu.memory_space<semaphore_mem>> -> memref<1x!tpu.dma_semaphore, #tpu.memory_space<semaphore_mem>>
        %dma_wait3A_151 = tpu.memref_squeeze %dma_wait3A_150 : memref<1x!tpu.dma_semaphore, #tpu.memory_space<semaphore_mem>> -> memref<!tpu.dma_semaphore, #tpu.memory_space<semaphore_mem>>
        tpu.wait_indirect_dma semaphore(%dma_wait3A_151 : memref<!tpu.dma_semaphore, #tpu.memory_space<semaphore_mem>>) src(%dma_wait3A_143 : memref<128x32xf32, #tpu.memory_space<vmem>>) dst(%dma_wait3A_149 : memref<50048x32xf32, #tpu.memory_space<vmem_shared>>)
        %dma_wait3A_152 = arith.constant 1 : i32
        %dma_wait3A_153 = arith.constant 0 : i32
        %dma_wait3A_154 = arith.constant 1 : i32
        %dma_wait3A_155 = arith.constant 0 : i32
        %dma_wait3A_156 = arith.constant 0 : i32
        %dma_wait3A_157 = tpu.memref_slice %arg12[%dma_wait3A_152, %dma_wait3A_155, %dma_wait3A_156] : memref<6x128x32xf32, #tpu.memory_space<vmem>> -> memref<1x128x32xf32, #tpu.memory_space<vmem>>
        %dma_wait3A_158 = tpu.memref_squeeze %dma_wait3A_157 : memref<1x128x32xf32, #tpu.memory_space<vmem>> -> memref<128x32xf32, #tpu.memory_space<vmem>>
        %dma_wait3A_159 = arith.constant 0 : i32
        %dma_wait3A_160 = tpu.memref_slice %arg11[%dma_wait3A_153, %dma_wait3A_159] : memref<21x128xi32, #tpu.memory_space<vmem>> -> memref<1x128xi32, #tpu.memory_space<vmem>>
        %dma_wait3A_161 = tpu.memref_squeeze %dma_wait3A_160 : memref<1x128xi32, #tpu.memory_space<vmem>> -> memref<128xi32, #tpu.memory_space<vmem>>
        %dma_wait3A_162 = arith.constant 0 : i32
        %dma_wait3A_163 = arith.constant 0 : i32
        %dma_wait3A_164 = tpu.memref_slice %arg13[%dma_wait3A_162, %dma_wait3A_163] : memref<50048x32xf32, #tpu.memory_space<vmem_shared>> -> memref<50048x32xf32, #tpu.memory_space<vmem_shared>>
        %dma_wait3A_165 = tpu.memref_slice %arg15[%dma_wait3A_154] : memref<6x!tpu.dma_semaphore, #tpu.memory_space<semaphore_mem>> -> memref<1x!tpu.dma_semaphore, #tpu.memory_space<semaphore_mem>>
        %dma_wait3A_166 = tpu.memref_squeeze %dma_wait3A_165 : memref<1x!tpu.dma_semaphore, #tpu.memory_space<semaphore_mem>> -> memref<!tpu.dma_semaphore, #tpu.memory_space<semaphore_mem>>
        tpu.wait_indirect_dma semaphore(%dma_wait3A_166 : memref<!tpu.dma_semaphore, #tpu.memory_space<semaphore_mem>>) src(%dma_wait3A_158 : memref<128x32xf32, #tpu.memory_space<vmem>>) dst(%dma_wait3A_164 : memref<50048x32xf32, #tpu.memory_space<vmem_shared>>)
        %dma_wait3A_167 = arith.constant 2 : i32
        %dma_wait3A_168 = arith.constant 0 : i32
        %dma_wait3A_169 = arith.constant 2 : i32
        %dma_wait3A_170 = arith.constant 0 : i32
        %dma_wait3A_171 = arith.constant 0 : i32
        %dma_wait3A_172 = tpu.memref_slice %arg12[%dma_wait3A_167, %dma_wait3A_170, %dma_wait3A_171] : memref<6x128x32xf32, #tpu.memory_space<vmem>> -> memref<1x128x32xf32, #tpu.memory_space<vmem>>
        %dma_wait3A_173 = tpu.memref_squeeze %dma_wait3A_172 : memref<1x128x32xf32, #tpu.memory_space<vmem>> -> memref<128x32xf32, #tpu.memory_space<vmem>>
        %dma_wait3A_174 = arith.constant 0 : i32
        %dma_wait3A_175 = tpu.memref_slice %arg11[%dma_wait3A_168, %dma_wait3A_174] : memref<21x128xi32, #tpu.memory_space<vmem>> -> memref<1x128xi32, #tpu.memory_space<vmem>>
        %dma_wait3A_176 = tpu.memref_squeeze %dma_wait3A_175 : memref<1x128xi32, #tpu.memory_space<vmem>> -> memref<128xi32, #tpu.memory_space<vmem>>
        %dma_wait3A_177 = arith.constant 0 : i32
        %dma_wait3A_178 = arith.constant 0 : i32
        %dma_wait3A_179 = tpu.memref_slice %arg13[%dma_wait3A_177, %dma_wait3A_178] : memref<50048x32xf32, #tpu.memory_space<vmem_shared>> -> memref<50048x32xf32, #tpu.memory_space<vmem_shared>>
        %dma_wait3A_180 = tpu.memref_slice %arg15[%dma_wait3A_169] : memref<6x!tpu.dma_semaphore, #tpu.memory_space<semaphore_mem>> -> memref<1x!tpu.dma_semaphore, #tpu.memory_space<semaphore_mem>>
        %dma_wait3A_181 = tpu.memref_squeeze %dma_wait3A_180 : memref<1x!tpu.dma_semaphore, #tpu.memory_space<semaphore_mem>> -> memref<!tpu.dma_semaphore, #tpu.memory_space<semaphore_mem>>
        tpu.wait_indirect_dma semaphore(%dma_wait3A_181 : memref<!tpu.dma_semaphore, #tpu.memory_space<semaphore_mem>>) src(%dma_wait3A_173 : memref<128x32xf32, #tpu.memory_space<vmem>>) dst(%dma_wait3A_179 : memref<50048x32xf32, #tpu.memory_space<vmem_shared>>)
        %dma_wait3A_182 = arith.constant 3 : i32
        %dma_wait3A_183 = arith.constant 0 : i32
        %dma_wait3A_184 = arith.constant 3 : i32
        %dma_wait3A_185 = arith.constant 0 : i32
        %dma_wait3A_186 = arith.constant 0 : i32
        %dma_wait3A_187 = tpu.memref_slice %arg12[%dma_wait3A_182, %dma_wait3A_185, %dma_wait3A_186] : memref<6x128x32xf32, #tpu.memory_space<vmem>> -> memref<1x128x32xf32, #tpu.memory_space<vmem>>
        %dma_wait3A_188 = tpu.memref_squeeze %dma_wait3A_187 : memref<1x128x32xf32, #tpu.memory_space<vmem>> -> memref<128x32xf32, #tpu.memory_space<vmem>>
        %dma_wait3A_189 = arith.constant 0 : i32
        %dma_wait3A_190 = tpu.memref_slice %arg11[%dma_wait3A_183, %dma_wait3A_189] : memref<21x128xi32, #tpu.memory_space<vmem>> -> memref<1x128xi32, #tpu.memory_space<vmem>>
        %dma_wait3A_191 = tpu.memref_squeeze %dma_wait3A_190 : memref<1x128xi32, #tpu.memory_space<vmem>> -> memref<128xi32, #tpu.memory_space<vmem>>
        %dma_wait3A_192 = arith.constant 0 : i32
        %dma_wait3A_193 = arith.constant 0 : i32
        %dma_wait3A_194 = tpu.memref_slice %arg13[%dma_wait3A_192, %dma_wait3A_193] : memref<50048x32xf32, #tpu.memory_space<vmem_shared>> -> memref<50048x32xf32, #tpu.memory_space<vmem_shared>>
        %dma_wait3A_195 = tpu.memref_slice %arg15[%dma_wait3A_184] : memref<6x!tpu.dma_semaphore, #tpu.memory_space<semaphore_mem>> -> memref<1x!tpu.dma_semaphore, #tpu.memory_space<semaphore_mem>>
        %dma_wait3A_196 = tpu.memref_squeeze %dma_wait3A_195 : memref<1x!tpu.dma_semaphore, #tpu.memory_space<semaphore_mem>> -> memref<!tpu.dma_semaphore, #tpu.memory_space<semaphore_mem>>
        tpu.wait_indirect_dma semaphore(%dma_wait3A_196 : memref<!tpu.dma_semaphore, #tpu.memory_space<semaphore_mem>>) src(%dma_wait3A_188 : memref<128x32xf32, #tpu.memory_space<vmem>>) dst(%dma_wait3A_194 : memref<50048x32xf32, #tpu.memory_space<vmem_shared>>)
        %dma_wait3A_197 = arith.constant 4 : i32
        %dma_wait3A_198 = arith.constant 0 : i32
        %dma_wait3A_199 = arith.constant 4 : i32
        %dma_wait3A_200 = arith.constant 0 : i32
        %dma_wait3A_201 = arith.constant 0 : i32
        %dma_wait3A_202 = tpu.memref_slice %arg12[%dma_wait3A_197, %dma_wait3A_200, %dma_wait3A_201] : memref<6x128x32xf32, #tpu.memory_space<vmem>> -> memref<1x128x32xf32, #tpu.memory_space<vmem>>
        %dma_wait3A_203 = tpu.memref_squeeze %dma_wait3A_202 : memref<1x128x32xf32, #tpu.memory_space<vmem>> -> memref<128x32xf32, #tpu.memory_space<vmem>>
        %dma_wait3A_204 = arith.constant 0 : i32
        %dma_wait3A_205 = tpu.memref_slice %arg11[%dma_wait3A_198, %dma_wait3A_204] : memref<21x128xi32, #tpu.memory_space<vmem>> -> memref<1x128xi32, #tpu.memory_space<vmem>>
        %dma_wait3A_206 = tpu.memref_squeeze %dma_wait3A_205 : memref<1x128xi32, #tpu.memory_space<vmem>> -> memref<128xi32, #tpu.memory_space<vmem>>
        %dma_wait3A_207 = arith.constant 0 : i32
        %dma_wait3A_208 = arith.constant 0 : i32
        %dma_wait3A_209 = tpu.memref_slice %arg13[%dma_wait3A_207, %dma_wait3A_208] : memref<50048x32xf32, #tpu.memory_space<vmem_shared>> -> memref<50048x32xf32, #tpu.memory_space<vmem_shared>>
        %dma_wait3A_210 = tpu.memref_slice %arg15[%dma_wait3A_199] : memref<6x!tpu.dma_semaphore, #tpu.memory_space<semaphore_mem>> -> memref<1x!tpu.dma_semaphore, #tpu.memory_space<semaphore_mem>>
        %dma_wait3A_211 = tpu.memref_squeeze %dma_wait3A_210 : memref<1x!tpu.dma_semaphore, #tpu.memory_space<semaphore_mem>> -> memref<!tpu.dma_semaphore, #tpu.memory_space<semaphore_mem>>
        tpu.wait_indirect_dma semaphore(%dma_wait3A_211 : memref<!tpu.dma_semaphore, #tpu.memory_space<semaphore_mem>>) src(%dma_wait3A_203 : memref<128x32xf32, #tpu.memory_space<vmem>>) dst(%dma_wait3A_209 : memref<50048x32xf32, #tpu.memory_space<vmem_shared>>)
        %dma_wait3A_212 = arith.constant 5 : i32
        %dma_wait3A_213 = arith.constant 0 : i32
        %dma_wait3A_214 = arith.constant 5 : i32
        %dma_wait3A_215 = arith.constant 0 : i32
        %dma_wait3A_216 = arith.constant 0 : i32
        %dma_wait3A_217 = tpu.memref_slice %arg12[%dma_wait3A_212, %dma_wait3A_215, %dma_wait3A_216] : memref<6x128x32xf32, #tpu.memory_space<vmem>> -> memref<1x128x32xf32, #tpu.memory_space<vmem>>
        %dma_wait3A_218 = tpu.memref_squeeze %dma_wait3A_217 : memref<1x128x32xf32, #tpu.memory_space<vmem>> -> memref<128x32xf32, #tpu.memory_space<vmem>>
        %dma_wait3A_219 = arith.constant 0 : i32
        %dma_wait3A_220 = tpu.memref_slice %arg11[%dma_wait3A_213, %dma_wait3A_219] : memref<21x128xi32, #tpu.memory_space<vmem>> -> memref<1x128xi32, #tpu.memory_space<vmem>>
        %dma_wait3A_221 = tpu.memref_squeeze %dma_wait3A_220 : memref<1x128xi32, #tpu.memory_space<vmem>> -> memref<128xi32, #tpu.memory_space<vmem>>
        %dma_wait3A_222 = arith.constant 0 : i32
        %dma_wait3A_223 = arith.constant 0 : i32
        %dma_wait3A_224 = tpu.memref_slice %arg13[%dma_wait3A_222, %dma_wait3A_223] : memref<50048x32xf32, #tpu.memory_space<vmem_shared>> -> memref<50048x32xf32, #tpu.memory_space<vmem_shared>>
        %dma_wait3A_225 = tpu.memref_slice %arg15[%dma_wait3A_214] : memref<6x!tpu.dma_semaphore, #tpu.memory_space<semaphore_mem>> -> memref<1x!tpu.dma_semaphore, #tpu.memory_space<semaphore_mem>>
        %dma_wait3A_226 = tpu.memref_squeeze %dma_wait3A_225 : memref<1x!tpu.dma_semaphore, #tpu.memory_space<semaphore_mem>> -> memref<!tpu.dma_semaphore, #tpu.memory_space<semaphore_mem>>
        tpu.wait_indirect_dma semaphore(%dma_wait3A_226 : memref<!tpu.dma_semaphore, #tpu.memory_space<semaphore_mem>>) src(%dma_wait3A_218 : memref<128x32xf32, #tpu.memory_space<vmem>>) dst(%dma_wait3A_224 : memref<50048x32xf32, #tpu.memory_space<vmem_shared>>)
        %scan3A_227 = arith.constant 0 : i32
        scf.yield %scan3A_227 : i32
      }
      %scan3A_15 = arith.constant 7 : i32
      %barrier3A_16 = arith.constant 0 : index
      tpu.barrier barrier_id(%barrier3A_16)
      %mul3A_17 = arith.constant 3128 : i32
      %mul3A_18 = arith.muli %arg1, %mul3A_17 : i32
      %run_scoped3A = arith.constant 0 : i32
      "tpu.region"() ({
        %run_scoped3A_67 = tpu.sem_alloc : memref<!tpu.dma_semaphore, #tpu.memory_space<semaphore_mem>>
        %dma_start3A_68 = arith.constant 0 : i32
        %dma_start3A_69 = tpu.memref_slice %arg9[%run_scoped3A, %mul3A_18, %dma_start3A_68] : memref<2x50048x128xf32, #tpu.memory_space<hbm>> -> memref<1x3128x32xf32, #tpu.memory_space<hbm>>
        %dma_start3A_70 = tpu.memref_squeeze %dma_start3A_69 : memref<1x3128x32xf32, #tpu.memory_space<hbm>> -> memref<3128x32xf32, #tpu.memory_space<hbm>>
        %dma_start3A_71 = arith.constant 0 : i32
        %dma_start3A_72 = tpu.memref_slice %arg13[%mul3A_7, %dma_start3A_71] : memref<50048x32xf32, #tpu.memory_space<vmem_shared>> -> memref<3128x32xf32, #tpu.memory_space<vmem_shared>>
        tpu.enqueue_dma source(%dma_start3A_72 : memref<3128x32xf32, #tpu.memory_space<vmem_shared>>) target(%dma_start3A_70 : memref<3128x32xf32, #tpu.memory_space<hbm>>) target_semaphore(%run_scoped3A_67 : memref<!tpu.dma_semaphore, #tpu.memory_space<semaphore_mem>>)
        %dma_wait3A_73 = arith.constant 0 : i32
        %dma_wait3A_74 = tpu.memref_slice %arg9[%run_scoped3A, %mul3A_18, %dma_wait3A_73] : memref<2x50048x128xf32, #tpu.memory_space<hbm>> -> memref<1x3128x32xf32, #tpu.memory_space<hbm>>
        %dma_wait3A_75 = tpu.memref_squeeze %dma_wait3A_74 : memref<1x3128x32xf32, #tpu.memory_space<hbm>> -> memref<3128x32xf32, #tpu.memory_space<hbm>>
        %dma_wait3A_76 = arith.constant 0 : i32
        %dma_wait3A_77 = tpu.memref_slice %arg13[%mul3A_7, %dma_wait3A_76] : memref<50048x32xf32, #tpu.memory_space<vmem_shared>> -> memref<3128x32xf32, #tpu.memory_space<vmem_shared>>
        tpu.wait_dma2 semaphore(%run_scoped3A_67 : memref<!tpu.dma_semaphore, #tpu.memory_space<semaphore_mem>>) src(%dma_wait3A_77 : memref<3128x32xf32, #tpu.memory_space<vmem_shared>>) dst(%dma_wait3A_75 : memref<3128x32xf32, #tpu.memory_space<hbm>>)
        tpu.yield
      }) : () -> ()
      %dma_start3A_19 = arith.constant 0 : i32
      %dma_start3A_20 = tpu.memref_slice %arg13[%mul3A_7, %dma_start3A_19] : memref<50048x32xf32, #tpu.memory_space<vmem_shared>> -> memref<3128x32xf32, #tpu.memory_space<vmem_shared>>
      tpu.enqueue_dma source(%arg8 : memref<3128x32xf32, #tpu.memory_space<hbm>>) target(%dma_start3A_20 : memref<3128x32xf32, #tpu.memory_space<vmem_shared>>) target_semaphore(%arg16 : memref<!tpu.dma_semaphore, #tpu.memory_space<semaphore_mem>>)
      %dma_wait3A_21 = arith.constant 0 : i32
      %dma_wait3A_22 = tpu.memref_slice %arg13[%mul3A_7, %dma_wait3A_21] : memref<50048x32xf32, #tpu.memory_space<vmem_shared>> -> memref<3128x32xf32, #tpu.memory_space<vmem_shared>>
      tpu.wait_dma2 semaphore(%arg16 : memref<!tpu.dma_semaphore, #tpu.memory_space<semaphore_mem>>) src(%arg8 : memref<3128x32xf32, #tpu.memory_space<hbm>>) dst(%dma_wait3A_22 : memref<3128x32xf32, #tpu.memory_space<vmem_shared>>)
      %barrier3A_23 = arith.constant 0 : index
      tpu.barrier barrier_id(%barrier3A_23)
      %scan3A_24 = arith.constant 0 : i32
      %scan3A_25 = arith.constant 0 : i32
      %scan3A_26 = arith.constant 7 : i32
      %scan3A_27 = arith.addi %scan3A_25, %scan3A_26 : i32
      %scan3A_28 = arith.constant 1 : i32
      %scan3A_29 = scf.for %scan3A_67 = %scan3A_25 to %scan3A_27 step %scan3A_28 iter_args(%scan3A_68 = %scan3A_24) -> (i32)  : i32 {
        %run_scoped3A_69 = arith.constant 1 : i32
        "tpu.region"() ({
          %run_scoped3A_228 = tpu.sem_alloc : memref<!tpu.dma_semaphore, #tpu.memory_space<semaphore_mem>>
          %dma_start3A_229 = arith.constant 0 : i32
          %dma_start3A_230 = arith.constant 0 : i32
          %dma_start3A_231 = tpu.memref_slice %arg4[%run_scoped3A_69, %arg1, %scan3A_67, %dma_start3A_229, %dma_start3A_230] : memref<4x16x7x21x128xi32, #tpu.memory_space<hbm>> -> memref<1x1x1x21x128xi32, #tpu.memory_space<hbm>>
          %dma_start3A_232 = tpu.memref_squeeze %dma_start3A_231 : memref<1x1x1x21x128xi32, #tpu.memory_space<hbm>> -> memref<21x128xi32, #tpu.memory_space<hbm>>
          %dma_start3A_233 = arith.constant 0 : i32
          %dma_start3A_234 = arith.constant 0 : i32
          %dma_start3A_235 = tpu.memref_slice %arg4[%run_scoped3A_69, %arg1, %scan3A_67, %dma_start3A_233, %dma_start3A_234] : memref<4x16x7x21x128xi32, #tpu.memory_space<hbm>> -> memref<1x1x1x21x128xi32, #tpu.memory_space<hbm>>
          %dma_start3A_236 = tpu.memref_squeeze %dma_start3A_235 : memref<1x1x1x21x128xi32, #tpu.memory_space<hbm>> -> memref<21x128xi32, #tpu.memory_space<hbm>>
          tpu.enqueue_dma source(%dma_start3A_236 : memref<21x128xi32, #tpu.memory_space<hbm>>) target(%arg10 : memref<21x128xi32, #tpu.memory_space<vmem>>) target_semaphore(%run_scoped3A_228 : memref<!tpu.dma_semaphore, #tpu.memory_space<semaphore_mem>>)
          %dma_wait3A_237 = arith.constant 0 : i32
          %dma_wait3A_238 = arith.constant 0 : i32
          %dma_wait3A_239 = tpu.memref_slice %arg4[%run_scoped3A_69, %arg1, %scan3A_67, %dma_wait3A_237, %dma_wait3A_238] : memref<4x16x7x21x128xi32, #tpu.memory_space<hbm>> -> memref<1x1x1x21x128xi32, #tpu.memory_space<hbm>>
          %dma_wait3A_240 = tpu.memref_squeeze %dma_wait3A_239 : memref<1x1x1x21x128xi32, #tpu.memory_space<hbm>> -> memref<21x128xi32, #tpu.memory_space<hbm>>
          %dma_wait3A_241 = arith.constant 0 : i32
          %dma_wait3A_242 = arith.constant 0 : i32
          %dma_wait3A_243 = tpu.memref_slice %arg4[%run_scoped3A_69, %arg1, %scan3A_67, %dma_wait3A_241, %dma_wait3A_242] : memref<4x16x7x21x128xi32, #tpu.memory_space<hbm>> -> memref<1x1x1x21x128xi32, #tpu.memory_space<hbm>>
          %dma_wait3A_244 = tpu.memref_squeeze %dma_wait3A_243 : memref<1x1x1x21x128xi32, #tpu.memory_space<hbm>> -> memref<21x128xi32, #tpu.memory_space<hbm>>
          tpu.wait_dma2 semaphore(%run_scoped3A_228 : memref<!tpu.dma_semaphore, #tpu.memory_space<semaphore_mem>>) src(%dma_wait3A_244 : memref<21x128xi32, #tpu.memory_space<hbm>>) dst(%arg10 : memref<21x128xi32, #tpu.memory_space<vmem>>)
          tpu.yield
        }) : () -> ()
        "tpu.region"() ({
          %run_scoped3A_228 = tpu.sem_alloc : memref<!tpu.dma_semaphore, #tpu.memory_space<semaphore_mem>>
          %dma_start3A_229 = arith.constant 0 : i32
          %dma_start3A_230 = arith.constant 0 : i32
          %dma_start3A_231 = tpu.memref_slice %arg5[%arg1, %scan3A_67, %dma_start3A_229, %dma_start3A_230] : memref<16x7x21x128xi32, #tpu.memory_space<hbm>> -> memref<1x1x21x128xi32, #tpu.memory_space<hbm>>
          %dma_start3A_232 = tpu.memref_squeeze %dma_start3A_231 : memref<1x1x21x128xi32, #tpu.memory_space<hbm>> -> memref<21x128xi32, #tpu.memory_space<hbm>>
          %dma_start3A_233 = arith.constant 0 : i32
          %dma_start3A_234 = arith.constant 0 : i32
          %dma_start3A_235 = tpu.memref_slice %arg5[%arg1, %scan3A_67, %dma_start3A_233, %dma_start3A_234] : memref<16x7x21x128xi32, #tpu.memory_space<hbm>> -> memref<1x1x21x128xi32, #tpu.memory_space<hbm>>
          %dma_start3A_236 = tpu.memref_squeeze %dma_start3A_235 : memref<1x1x21x128xi32, #tpu.memory_space<hbm>> -> memref<21x128xi32, #tpu.memory_space<hbm>>
          tpu.enqueue_dma source(%dma_start3A_236 : memref<21x128xi32, #tpu.memory_space<hbm>>) target(%arg11 : memref<21x128xi32, #tpu.memory_space<vmem>>) target_semaphore(%run_scoped3A_228 : memref<!tpu.dma_semaphore, #tpu.memory_space<semaphore_mem>>)
          %dma_wait3A_237 = arith.constant 0 : i32
          %dma_wait3A_238 = arith.constant 0 : i32
          %dma_wait3A_239 = tpu.memref_slice %arg5[%arg1, %scan3A_67, %dma_wait3A_237, %dma_wait3A_238] : memref<16x7x21x128xi32, #tpu.memory_space<hbm>> -> memref<1x1x21x128xi32, #tpu.memory_space<hbm>>
          %dma_wait3A_240 = tpu.memref_squeeze %dma_wait3A_239 : memref<1x1x21x128xi32, #tpu.memory_space<hbm>> -> memref<21x128xi32, #tpu.memory_space<hbm>>
          %dma_wait3A_241 = arith.constant 0 : i32
          %dma_wait3A_242 = arith.constant 0 : i32
          %dma_wait3A_243 = tpu.memref_slice %arg5[%arg1, %scan3A_67, %dma_wait3A_241, %dma_wait3A_242] : memref<16x7x21x128xi32, #tpu.memory_space<hbm>> -> memref<1x1x21x128xi32, #tpu.memory_space<hbm>>
          %dma_wait3A_244 = tpu.memref_squeeze %dma_wait3A_243 : memref<1x1x21x128xi32, #tpu.memory_space<hbm>> -> memref<21x128xi32, #tpu.memory_space<hbm>>
          tpu.wait_dma2 semaphore(%run_scoped3A_228 : memref<!tpu.dma_semaphore, #tpu.memory_space<semaphore_mem>>) src(%dma_wait3A_244 : memref<21x128xi32, #tpu.memory_space<hbm>>) dst(%arg11 : memref<21x128xi32, #tpu.memory_space<vmem>>)
          tpu.yield
        }) : () -> ()
        %dma_start3A_70 = arith.constant 0 : i32
        %dma_start3A_71 = arith.constant 0 : i32
        %dma_start3A_72 = arith.constant 0 : i32
        %dma_start3A_73 = arith.constant 0 : i32
        %dma_start3A_74 = arith.constant 0 : i32
        %dma_start3A_75 = tpu.memref_slice %arg12[%dma_start3A_71, %dma_start3A_73, %dma_start3A_74] : memref<6x128x32xf32, #tpu.memory_space<vmem>> -> memref<1x128x32xf32, #tpu.memory_space<vmem>>
        %dma_start3A_76 = tpu.memref_squeeze %dma_start3A_75 : memref<1x128x32xf32, #tpu.memory_space<vmem>> -> memref<128x32xf32, #tpu.memory_space<vmem>>
        %dma_start3A_77 = arith.constant 0 : i32
        %dma_start3A_78 = tpu.memref_slice %arg10[%dma_start3A_70, %dma_start3A_77] : memref<21x128xi32, #tpu.memory_space<vmem>> -> memref<1x128xi32, #tpu.memory_space<vmem>>
        %dma_start3A_79 = tpu.memref_squeeze %dma_start3A_78 : memref<1x128xi32, #tpu.memory_space<vmem>> -> memref<128xi32, #tpu.memory_space<vmem>>
        %dma_start3A_80 = arith.constant 0 : i32
        %dma_start3A_81 = arith.constant 0 : i32
        %dma_start3A_82 = tpu.memref_slice %arg2[%dma_start3A_80, %dma_start3A_81] : memref<200000x32xf32, #tpu.memory_space<hbm>> -> memref<200000x32xf32, #tpu.memory_space<hbm>>
        %dma_start3A_83 = tpu.memref_slice %arg14[%dma_start3A_72] : memref<6x!tpu.dma_semaphore, #tpu.memory_space<semaphore_mem>> -> memref<1x!tpu.dma_semaphore, #tpu.memory_space<semaphore_mem>>
        %dma_start3A_84 = tpu.memref_squeeze %dma_start3A_83 : memref<1x!tpu.dma_semaphore, #tpu.memory_space<semaphore_mem>> -> memref<!tpu.dma_semaphore, #tpu.memory_space<semaphore_mem>>
        tpu.enqueue_indirect_dma source(%dma_start3A_82 : memref<200000x32xf32, #tpu.memory_space<hbm>>) target(%dma_start3A_76 : memref<128x32xf32, #tpu.memory_space<vmem>>) offsets(%dma_start3A_79 : memref<128xi32, #tpu.memory_space<vmem>>) semaphore(%dma_start3A_84 : memref<!tpu.dma_semaphore, #tpu.memory_space<semaphore_mem>>)
        %dma_start3A_85 = arith.constant 1 : i32
        %dma_start3A_86 = arith.constant 1 : i32
        %dma_start3A_87 = arith.constant 1 : i32
        %dma_start3A_88 = arith.constant 0 : i32
        %dma_start3A_89 = arith.constant 0 : i32
        %dma_start3A_90 = tpu.memref_slice %arg12[%dma_start3A_86, %dma_start3A_88, %dma_start3A_89] : memref<6x128x32xf32, #tpu.memory_space<vmem>> -> memref<1x128x32xf32, #tpu.memory_space<vmem>>
        %dma_start3A_91 = tpu.memref_squeeze %dma_start3A_90 : memref<1x128x32xf32, #tpu.memory_space<vmem>> -> memref<128x32xf32, #tpu.memory_space<vmem>>
        %dma_start3A_92 = arith.constant 0 : i32
        %dma_start3A_93 = tpu.memref_slice %arg10[%dma_start3A_85, %dma_start3A_92] : memref<21x128xi32, #tpu.memory_space<vmem>> -> memref<1x128xi32, #tpu.memory_space<vmem>>
        %dma_start3A_94 = tpu.memref_squeeze %dma_start3A_93 : memref<1x128xi32, #tpu.memory_space<vmem>> -> memref<128xi32, #tpu.memory_space<vmem>>
        %dma_start3A_95 = arith.constant 0 : i32
        %dma_start3A_96 = arith.constant 0 : i32
        %dma_start3A_97 = tpu.memref_slice %arg2[%dma_start3A_95, %dma_start3A_96] : memref<200000x32xf32, #tpu.memory_space<hbm>> -> memref<200000x32xf32, #tpu.memory_space<hbm>>
        %dma_start3A_98 = tpu.memref_slice %arg14[%dma_start3A_87] : memref<6x!tpu.dma_semaphore, #tpu.memory_space<semaphore_mem>> -> memref<1x!tpu.dma_semaphore, #tpu.memory_space<semaphore_mem>>
        %dma_start3A_99 = tpu.memref_squeeze %dma_start3A_98 : memref<1x!tpu.dma_semaphore, #tpu.memory_space<semaphore_mem>> -> memref<!tpu.dma_semaphore, #tpu.memory_space<semaphore_mem>>
        tpu.enqueue_indirect_dma source(%dma_start3A_97 : memref<200000x32xf32, #tpu.memory_space<hbm>>) target(%dma_start3A_91 : memref<128x32xf32, #tpu.memory_space<vmem>>) offsets(%dma_start3A_94 : memref<128xi32, #tpu.memory_space<vmem>>) semaphore(%dma_start3A_99 : memref<!tpu.dma_semaphore, #tpu.memory_space<semaphore_mem>>)
        %dma_start3A_100 = arith.constant 2 : i32
        %dma_start3A_101 = arith.constant 2 : i32
        %dma_start3A_102 = arith.constant 2 : i32
        %dma_start3A_103 = arith.constant 0 : i32
        %dma_start3A_104 = arith.constant 0 : i32
        %dma_start3A_105 = tpu.memref_slice %arg12[%dma_start3A_101, %dma_start3A_103, %dma_start3A_104] : memref<6x128x32xf32, #tpu.memory_space<vmem>> -> memref<1x128x32xf32, #tpu.memory_space<vmem>>
        %dma_start3A_106 = tpu.memref_squeeze %dma_start3A_105 : memref<1x128x32xf32, #tpu.memory_space<vmem>> -> memref<128x32xf32, #tpu.memory_space<vmem>>
        %dma_start3A_107 = arith.constant 0 : i32
        %dma_start3A_108 = tpu.memref_slice %arg10[%dma_start3A_100, %dma_start3A_107] : memref<21x128xi32, #tpu.memory_space<vmem>> -> memref<1x128xi32, #tpu.memory_space<vmem>>
        %dma_start3A_109 = tpu.memref_squeeze %dma_start3A_108 : memref<1x128xi32, #tpu.memory_space<vmem>> -> memref<128xi32, #tpu.memory_space<vmem>>
        %dma_start3A_110 = arith.constant 0 : i32
        %dma_start3A_111 = arith.constant 0 : i32
        %dma_start3A_112 = tpu.memref_slice %arg2[%dma_start3A_110, %dma_start3A_111] : memref<200000x32xf32, #tpu.memory_space<hbm>> -> memref<200000x32xf32, #tpu.memory_space<hbm>>
        %dma_start3A_113 = tpu.memref_slice %arg14[%dma_start3A_102] : memref<6x!tpu.dma_semaphore, #tpu.memory_space<semaphore_mem>> -> memref<1x!tpu.dma_semaphore, #tpu.memory_space<semaphore_mem>>
        %dma_start3A_114 = tpu.memref_squeeze %dma_start3A_113 : memref<1x!tpu.dma_semaphore, #tpu.memory_space<semaphore_mem>> -> memref<!tpu.dma_semaphore, #tpu.memory_space<semaphore_mem>>
        tpu.enqueue_indirect_dma source(%dma_start3A_112 : memref<200000x32xf32, #tpu.memory_space<hbm>>) target(%dma_start3A_106 : memref<128x32xf32, #tpu.memory_space<vmem>>) offsets(%dma_start3A_109 : memref<128xi32, #tpu.memory_space<vmem>>) semaphore(%dma_start3A_114 : memref<!tpu.dma_semaphore, #tpu.memory_space<semaphore_mem>>)
        %dma_start3A_115 = arith.constant 3 : i32
        %dma_start3A_116 = arith.constant 3 : i32
        %dma_start3A_117 = arith.constant 3 : i32
        %dma_start3A_118 = arith.constant 0 : i32
        %dma_start3A_119 = arith.constant 0 : i32
        %dma_start3A_120 = tpu.memref_slice %arg12[%dma_start3A_116, %dma_start3A_118, %dma_start3A_119] : memref<6x128x32xf32, #tpu.memory_space<vmem>> -> memref<1x128x32xf32, #tpu.memory_space<vmem>>
        %dma_start3A_121 = tpu.memref_squeeze %dma_start3A_120 : memref<1x128x32xf32, #tpu.memory_space<vmem>> -> memref<128x32xf32, #tpu.memory_space<vmem>>
        %dma_start3A_122 = arith.constant 0 : i32
        %dma_start3A_123 = tpu.memref_slice %arg10[%dma_start3A_115, %dma_start3A_122] : memref<21x128xi32, #tpu.memory_space<vmem>> -> memref<1x128xi32, #tpu.memory_space<vmem>>
        %dma_start3A_124 = tpu.memref_squeeze %dma_start3A_123 : memref<1x128xi32, #tpu.memory_space<vmem>> -> memref<128xi32, #tpu.memory_space<vmem>>
        %dma_start3A_125 = arith.constant 0 : i32
        %dma_start3A_126 = arith.constant 0 : i32
        %dma_start3A_127 = tpu.memref_slice %arg2[%dma_start3A_125, %dma_start3A_126] : memref<200000x32xf32, #tpu.memory_space<hbm>> -> memref<200000x32xf32, #tpu.memory_space<hbm>>
        %dma_start3A_128 = tpu.memref_slice %arg14[%dma_start3A_117] : memref<6x!tpu.dma_semaphore, #tpu.memory_space<semaphore_mem>> -> memref<1x!tpu.dma_semaphore, #tpu.memory_space<semaphore_mem>>
        %dma_start3A_129 = tpu.memref_squeeze %dma_start3A_128 : memref<1x!tpu.dma_semaphore, #tpu.memory_space<semaphore_mem>> -> memref<!tpu.dma_semaphore, #tpu.memory_space<semaphore_mem>>
        tpu.enqueue_indirect_dma source(%dma_start3A_127 : memref<200000x32xf32, #tpu.memory_space<hbm>>) target(%dma_start3A_121 : memref<128x32xf32, #tpu.memory_space<vmem>>) offsets(%dma_start3A_124 : memref<128xi32, #tpu.memory_space<vmem>>) semaphore(%dma_start3A_129 : memref<!tpu.dma_semaphore, #tpu.memory_space<semaphore_mem>>)
        %scan3A_130 = arith.constant 0 : i32
        %scan3A_131 = arith.constant 0 : i32
        %scan3A_132 = arith.constant 21 : i32
        %scan3A_133 = arith.addi %scan3A_131, %scan3A_132 : i32
        %scan3A_134 = arith.constant 1 : i32
        %scan3A_135 = scf.for %scan3A_228 = %scan3A_131 to %scan3A_133 step %scan3A_134 iter_args(%scan3A_229 = %scan3A_130) -> (i32)  : i32 {
          %rem3A = arith.constant 6 : i32
          %rem3A_230 = arith.remsi %scan3A_228, %rem3A : i32
          %dma_wait3A_231 = arith.constant 0 : i32
          %dma_wait3A_232 = arith.constant 0 : i32
          %dma_wait3A_233 = tpu.memref_slice %arg12[%rem3A_230, %dma_wait3A_231, %dma_wait3A_232] : memref<6x128x32xf32, #tpu.memory_space<vmem>> -> memref<1x128x32xf32, #tpu.memory_space<vmem>>
          %dma_wait3A_234 = tpu.memref_squeeze %dma_wait3A_233 : memref<1x128x32xf32, #tpu.memory_space<vmem>> -> memref<128x32xf32, #tpu.memory_space<vmem>>
          %dma_wait3A_235 = arith.constant 0 : i32
          %dma_wait3A_236 = tpu.memref_slice %arg10[%scan3A_228, %dma_wait3A_235] : memref<21x128xi32, #tpu.memory_space<vmem>> -> memref<1x128xi32, #tpu.memory_space<vmem>>
          %dma_wait3A_237 = tpu.memref_squeeze %dma_wait3A_236 : memref<1x128xi32, #tpu.memory_space<vmem>> -> memref<128xi32, #tpu.memory_space<vmem>>
          %dma_wait3A_238 = arith.constant 0 : i32
          %dma_wait3A_239 = arith.constant 0 : i32
          %dma_wait3A_240 = tpu.memref_slice %arg2[%dma_wait3A_238, %dma_wait3A_239] : memref<200000x32xf32, #tpu.memory_space<hbm>> -> memref<200000x32xf32, #tpu.memory_space<hbm>>
          %dma_wait3A_241 = tpu.memref_slice %arg14[%rem3A_230] : memref<6x!tpu.dma_semaphore, #tpu.memory_space<semaphore_mem>> -> memref<1x!tpu.dma_semaphore, #tpu.memory_space<semaphore_mem>>
          %dma_wait3A_242 = tpu.memref_squeeze %dma_wait3A_241 : memref<1x!tpu.dma_semaphore, #tpu.memory_space<semaphore_mem>> -> memref<!tpu.dma_semaphore, #tpu.memory_space<semaphore_mem>>
          tpu.wait_indirect_dma semaphore(%dma_wait3A_242 : memref<!tpu.dma_semaphore, #tpu.memory_space<semaphore_mem>>) src(%dma_wait3A_240 : memref<200000x32xf32, #tpu.memory_space<hbm>>) dst(%dma_wait3A_234 : memref<128x32xf32, #tpu.memory_space<vmem>>)
          %dma_start3A_243 = arith.constant 0 : i32
          %dma_start3A_244 = arith.constant 0 : i32
          %dma_start3A_245 = tpu.memref_slice %arg12[%rem3A_230, %dma_start3A_243, %dma_start3A_244] : memref<6x128x32xf32, #tpu.memory_space<vmem>> -> memref<1x128x32xf32, #tpu.memory_space<vmem>>
          %dma_start3A_246 = tpu.memref_squeeze %dma_start3A_245 : memref<1x128x32xf32, #tpu.memory_space<vmem>> -> memref<128x32xf32, #tpu.memory_space<vmem>>
          %dma_start3A_247 = arith.constant 0 : i32
          %dma_start3A_248 = tpu.memref_slice %arg11[%scan3A_228, %dma_start3A_247] : memref<21x128xi32, #tpu.memory_space<vmem>> -> memref<1x128xi32, #tpu.memory_space<vmem>>
          %dma_start3A_249 = tpu.memref_squeeze %dma_start3A_248 : memref<1x128xi32, #tpu.memory_space<vmem>> -> memref<128xi32, #tpu.memory_space<vmem>>
          %dma_start3A_250 = arith.constant 0 : i32
          %dma_start3A_251 = arith.constant 0 : i32
          %dma_start3A_252 = tpu.memref_slice %arg13[%dma_start3A_250, %dma_start3A_251] : memref<50048x32xf32, #tpu.memory_space<vmem_shared>> -> memref<50048x32xf32, #tpu.memory_space<vmem_shared>>
          %dma_start3A_253 = tpu.memref_slice %arg15[%rem3A_230] : memref<6x!tpu.dma_semaphore, #tpu.memory_space<semaphore_mem>> -> memref<1x!tpu.dma_semaphore, #tpu.memory_space<semaphore_mem>>
          %dma_start3A_254 = tpu.memref_squeeze %dma_start3A_253 : memref<1x!tpu.dma_semaphore, #tpu.memory_space<semaphore_mem>> -> memref<!tpu.dma_semaphore, #tpu.memory_space<semaphore_mem>>
          tpu.enqueue_indirect_dma source(%dma_start3A_246 : memref<128x32xf32, #tpu.memory_space<vmem>>) target(%dma_start3A_252 : memref<50048x32xf32, #tpu.memory_space<vmem_shared>>) offsets(%dma_start3A_249 : memref<128xi32, #tpu.memory_space<vmem>>) semaphore(%dma_start3A_254 : memref<!tpu.dma_semaphore, #tpu.memory_space<semaphore_mem>>) {add = true}
          %add3A = arith.constant 4 : i32
          %add3A_255 = arith.addi %scan3A_228, %add3A : i32
          %lt3A = arith.constant 21 : i32
          %lt3A_256 = arith.cmpi slt, %add3A_255, %lt3A : i32
          %convert_element_type3A_257 = arith.extui %lt3A_256 : i1 to i32
          %cond3A_258 = arith.constant 0 : i32
          %cond3A_259 = arith.cmpi ne, %convert_element_type3A_257, %cond3A_258 : i32
          scf.if %cond3A_259 {
            %add3A_261 = arith.constant 4 : i32
            %add3A_262 = arith.addi %scan3A_228, %add3A_261 : i32
            %rem3A_263 = arith.constant 6 : i32
            %rem3A_264 = arith.remsi %add3A_262, %rem3A_263 : i32
            %ge3A = arith.constant 2 : i32
            %ge3A_265 = arith.cmpi sge, %scan3A_228, %ge3A : i32
            %convert_element_type3A_266 = arith.extui %ge3A_265 : i1 to i32
            %cond3A_267 = arith.constant 0 : i32
            %cond3A_268 = arith.cmpi ne, %convert_element_type3A_266, %cond3A_267 : i32
            scf.if %cond3A_268 {
              %dma_wait3A_283 = arith.constant 0 : i32
              %dma_wait3A_284 = arith.constant 0 : i32
              %dma_wait3A_285 = tpu.memref_slice %arg12[%rem3A_264, %dma_wait3A_283, %dma_wait3A_284] : memref<6x128x32xf32, #tpu.memory_space<vmem>> -> memref<1x128x32xf32, #tpu.memory_space<vmem>>
              %dma_wait3A_286 = tpu.memref_squeeze %dma_wait3A_285 : memref<1x128x32xf32, #tpu.memory_space<vmem>> -> memref<128x32xf32, #tpu.memory_space<vmem>>
              %dma_wait3A_287 = arith.constant 0 : i32
              %dma_wait3A_288 = tpu.memref_slice %arg11[%scan3A_228, %dma_wait3A_287] : memref<21x128xi32, #tpu.memory_space<vmem>> -> memref<1x128xi32, #tpu.memory_space<vmem>>
              %dma_wait3A_289 = tpu.memref_squeeze %dma_wait3A_288 : memref<1x128xi32, #tpu.memory_space<vmem>> -> memref<128xi32, #tpu.memory_space<vmem>>
              %dma_wait3A_290 = arith.constant 0 : i32
              %dma_wait3A_291 = arith.constant 0 : i32
              %dma_wait3A_292 = tpu.memref_slice %arg13[%dma_wait3A_290, %dma_wait3A_291] : memref<50048x32xf32, #tpu.memory_space<vmem_shared>> -> memref<50048x32xf32, #tpu.memory_space<vmem_shared>>
              %dma_wait3A_293 = tpu.memref_slice %arg15[%rem3A_264] : memref<6x!tpu.dma_semaphore, #tpu.memory_space<semaphore_mem>> -> memref<1x!tpu.dma_semaphore, #tpu.memory_space<semaphore_mem>>
              %dma_wait3A_294 = tpu.memref_squeeze %dma_wait3A_293 : memref<1x!tpu.dma_semaphore, #tpu.memory_space<semaphore_mem>> -> memref<!tpu.dma_semaphore, #tpu.memory_space<semaphore_mem>>
              tpu.wait_indirect_dma semaphore(%dma_wait3A_294 : memref<!tpu.dma_semaphore, #tpu.memory_space<semaphore_mem>>) src(%dma_wait3A_286 : memref<128x32xf32, #tpu.memory_space<vmem>>) dst(%dma_wait3A_292 : memref<50048x32xf32, #tpu.memory_space<vmem_shared>>)
            } else {
            }
            %add3A_269 = arith.constant 4 : i32
            %add3A_270 = arith.addi %scan3A_228, %add3A_269 : i32
            %dma_start3A_271 = arith.constant 0 : i32
            %dma_start3A_272 = arith.constant 0 : i32
            %dma_start3A_273 = tpu.memref_slice %arg12[%rem3A_264, %dma_start3A_271, %dma_start3A_272] : memref<6x128x32xf32, #tpu.memory_space<vmem>> -> memref<1x128x32xf32, #tpu.memory_space<vmem>>
            %dma_start3A_274 = tpu.memref_squeeze %dma_start3A_273 : memref<1x128x32xf32, #tpu.memory_space<vmem>> -> memref<128x32xf32, #tpu.memory_space<vmem>>
            %dma_start3A_275 = arith.constant 0 : i32
            %dma_start3A_276 = tpu.memref_slice %arg10[%add3A_270, %dma_start3A_275] : memref<21x128xi32, #tpu.memory_space<vmem>> -> memref<1x128xi32, #tpu.memory_space<vmem>>
            %dma_start3A_277 = tpu.memref_squeeze %dma_start3A_276 : memref<1x128xi32, #tpu.memory_space<vmem>> -> memref<128xi32, #tpu.memory_space<vmem>>
            %dma_start3A_278 = arith.constant 0 : i32
            %dma_start3A_279 = arith.constant 0 : i32
            %dma_start3A_280 = tpu.memref_slice %arg2[%dma_start3A_278, %dma_start3A_279] : memref<200000x32xf32, #tpu.memory_space<hbm>> -> memref<200000x32xf32, #tpu.memory_space<hbm>>
            %dma_start3A_281 = tpu.memref_slice %arg14[%rem3A_264] : memref<6x!tpu.dma_semaphore, #tpu.memory_space<semaphore_mem>> -> memref<1x!tpu.dma_semaphore, #tpu.memory_space<semaphore_mem>>
            %dma_start3A_282 = tpu.memref_squeeze %dma_start3A_281 : memref<1x!tpu.dma_semaphore, #tpu.memory_space<semaphore_mem>> -> memref<!tpu.dma_semaphore, #tpu.memory_space<semaphore_mem>>
            tpu.enqueue_indirect_dma source(%dma_start3A_280 : memref<200000x32xf32, #tpu.memory_space<hbm>>) target(%dma_start3A_274 : memref<128x32xf32, #tpu.memory_space<vmem>>) offsets(%dma_start3A_277 : memref<128xi32, #tpu.memory_space<vmem>>) semaphore(%dma_start3A_282 : memref<!tpu.dma_semaphore, #tpu.memory_space<semaphore_mem>>)
          } else {
          }
          %scan3A_260 = arith.constant 0 : i32
          scf.yield %scan3A_260 : i32
        }
        %scan3A_136 = arith.constant 21 : i32
        %dma_wait3A_137 = arith.constant 0 : i32
        %dma_wait3A_138 = arith.constant 0 : i32
        %dma_wait3A_139 = arith.constant 0 : i32
        %dma_wait3A_140 = arith.constant 0 : i32
        %dma_wait3A_141 = arith.constant 0 : i32
        %dma_wait3A_142 = tpu.memref_slice %arg12[%dma_wait3A_137, %dma_wait3A_140, %dma_wait3A_141] : memref<6x128x32xf32, #tpu.memory_space<vmem>> -> memref<1x128x32xf32, #tpu.memory_space<vmem>>
        %dma_wait3A_143 = tpu.memref_squeeze %dma_wait3A_142 : memref<1x128x32xf32, #tpu.memory_space<vmem>> -> memref<128x32xf32, #tpu.memory_space<vmem>>
        %dma_wait3A_144 = arith.constant 0 : i32
        %dma_wait3A_145 = tpu.memref_slice %arg11[%dma_wait3A_138, %dma_wait3A_144] : memref<21x128xi32, #tpu.memory_space<vmem>> -> memref<1x128xi32, #tpu.memory_space<vmem>>
        %dma_wait3A_146 = tpu.memref_squeeze %dma_wait3A_145 : memref<1x128xi32, #tpu.memory_space<vmem>> -> memref<128xi32, #tpu.memory_space<vmem>>
        %dma_wait3A_147 = arith.constant 0 : i32
        %dma_wait3A_148 = arith.constant 0 : i32
        %dma_wait3A_149 = tpu.memref_slice %arg13[%dma_wait3A_147, %dma_wait3A_148] : memref<50048x32xf32, #tpu.memory_space<vmem_shared>> -> memref<50048x32xf32, #tpu.memory_space<vmem_shared>>
        %dma_wait3A_150 = tpu.memref_slice %arg15[%dma_wait3A_139] : memref<6x!tpu.dma_semaphore, #tpu.memory_space<semaphore_mem>> -> memref<1x!tpu.dma_semaphore, #tpu.memory_space<semaphore_mem>>
        %dma_wait3A_151 = tpu.memref_squeeze %dma_wait3A_150 : memref<1x!tpu.dma_semaphore, #tpu.memory_space<semaphore_mem>> -> memref<!tpu.dma_semaphore, #tpu.memory_space<semaphore_mem>>
        tpu.wait_indirect_dma semaphore(%dma_wait3A_151 : memref<!tpu.dma_semaphore, #tpu.memory_space<semaphore_mem>>) src(%dma_wait3A_143 : memref<128x32xf32, #tpu.memory_space<vmem>>) dst(%dma_wait3A_149 : memref<50048x32xf32, #tpu.memory_space<vmem_shared>>)
        %dma_wait3A_152 = arith.constant 1 : i32
        %dma_wait3A_153 = arith.constant 0 : i32
        %dma_wait3A_154 = arith.constant 1 : i32
        %dma_wait3A_155 = arith.constant 0 : i32
        %dma_wait3A_156 = arith.constant 0 : i32
        %dma_wait3A_157 = tpu.memref_slice %arg12[%dma_wait3A_152, %dma_wait3A_155, %dma_wait3A_156] : memref<6x128x32xf32, #tpu.memory_space<vmem>> -> memref<1x128x32xf32, #tpu.memory_space<vmem>>
        %dma_wait3A_158 = tpu.memref_squeeze %dma_wait3A_157 : memref<1x128x32xf32, #tpu.memory_space<vmem>> -> memref<128x32xf32, #tpu.memory_space<vmem>>
        %dma_wait3A_159 = arith.constant 0 : i32
        %dma_wait3A_160 = tpu.memref_slice %arg11[%dma_wait3A_153, %dma_wait3A_159] : memref<21x128xi32, #tpu.memory_space<vmem>> -> memref<1x128xi32, #tpu.memory_space<vmem>>
        %dma_wait3A_161 = tpu.memref_squeeze %dma_wait3A_160 : memref<1x128xi32, #tpu.memory_space<vmem>> -> memref<128xi32, #tpu.memory_space<vmem>>
        %dma_wait3A_162 = arith.constant 0 : i32
        %dma_wait3A_163 = arith.constant 0 : i32
        %dma_wait3A_164 = tpu.memref_slice %arg13[%dma_wait3A_162, %dma_wait3A_163] : memref<50048x32xf32, #tpu.memory_space<vmem_shared>> -> memref<50048x32xf32, #tpu.memory_space<vmem_shared>>
        %dma_wait3A_165 = tpu.memref_slice %arg15[%dma_wait3A_154] : memref<6x!tpu.dma_semaphore, #tpu.memory_space<semaphore_mem>> -> memref<1x!tpu.dma_semaphore, #tpu.memory_space<semaphore_mem>>
        %dma_wait3A_166 = tpu.memref_squeeze %dma_wait3A_165 : memref<1x!tpu.dma_semaphore, #tpu.memory_space<semaphore_mem>> -> memref<!tpu.dma_semaphore, #tpu.memory_space<semaphore_mem>>
        tpu.wait_indirect_dma semaphore(%dma_wait3A_166 : memref<!tpu.dma_semaphore, #tpu.memory_space<semaphore_mem>>) src(%dma_wait3A_158 : memref<128x32xf32, #tpu.memory_space<vmem>>) dst(%dma_wait3A_164 : memref<50048x32xf32, #tpu.memory_space<vmem_shared>>)
        %dma_wait3A_167 = arith.constant 2 : i32
        %dma_wait3A_168 = arith.constant 0 : i32
        %dma_wait3A_169 = arith.constant 2 : i32
        %dma_wait3A_170 = arith.constant 0 : i32
        %dma_wait3A_171 = arith.constant 0 : i32
        %dma_wait3A_172 = tpu.memref_slice %arg12[%dma_wait3A_167, %dma_wait3A_170, %dma_wait3A_171] : memref<6x128x32xf32, #tpu.memory_space<vmem>> -> memref<1x128x32xf32, #tpu.memory_space<vmem>>
        %dma_wait3A_173 = tpu.memref_squeeze %dma_wait3A_172 : memref<1x128x32xf32, #tpu.memory_space<vmem>> -> memref<128x32xf32, #tpu.memory_space<vmem>>
        %dma_wait3A_174 = arith.constant 0 : i32
        %dma_wait3A_175 = tpu.memref_slice %arg11[%dma_wait3A_168, %dma_wait3A_174] : memref<21x128xi32, #tpu.memory_space<vmem>> -> memref<1x128xi32, #tpu.memory_space<vmem>>
        %dma_wait3A_176 = tpu.memref_squeeze %dma_wait3A_175 : memref<1x128xi32, #tpu.memory_space<vmem>> -> memref<128xi32, #tpu.memory_space<vmem>>
        %dma_wait3A_177 = arith.constant 0 : i32
        %dma_wait3A_178 = arith.constant 0 : i32
        %dma_wait3A_179 = tpu.memref_slice %arg13[%dma_wait3A_177, %dma_wait3A_178] : memref<50048x32xf32, #tpu.memory_space<vmem_shared>> -> memref<50048x32xf32, #tpu.memory_space<vmem_shared>>
        %dma_wait3A_180 = tpu.memref_slice %arg15[%dma_wait3A_169] : memref<6x!tpu.dma_semaphore, #tpu.memory_space<semaphore_mem>> -> memref<1x!tpu.dma_semaphore, #tpu.memory_space<semaphore_mem>>
        %dma_wait3A_181 = tpu.memref_squeeze %dma_wait3A_180 : memref<1x!tpu.dma_semaphore, #tpu.memory_space<semaphore_mem>> -> memref<!tpu.dma_semaphore, #tpu.memory_space<semaphore_mem>>
        tpu.wait_indirect_dma semaphore(%dma_wait3A_181 : memref<!tpu.dma_semaphore, #tpu.memory_space<semaphore_mem>>) src(%dma_wait3A_173 : memref<128x32xf32, #tpu.memory_space<vmem>>) dst(%dma_wait3A_179 : memref<50048x32xf32, #tpu.memory_space<vmem_shared>>)
        %dma_wait3A_182 = arith.constant 3 : i32
        %dma_wait3A_183 = arith.constant 0 : i32
        %dma_wait3A_184 = arith.constant 3 : i32
        %dma_wait3A_185 = arith.constant 0 : i32
        %dma_wait3A_186 = arith.constant 0 : i32
        %dma_wait3A_187 = tpu.memref_slice %arg12[%dma_wait3A_182, %dma_wait3A_185, %dma_wait3A_186] : memref<6x128x32xf32, #tpu.memory_space<vmem>> -> memref<1x128x32xf32, #tpu.memory_space<vmem>>
        %dma_wait3A_188 = tpu.memref_squeeze %dma_wait3A_187 : memref<1x128x32xf32, #tpu.memory_space<vmem>> -> memref<128x32xf32, #tpu.memory_space<vmem>>
        %dma_wait3A_189 = arith.constant 0 : i32
        %dma_wait3A_190 = tpu.memref_slice %arg11[%dma_wait3A_183, %dma_wait3A_189] : memref<21x128xi32, #tpu.memory_space<vmem>> -> memref<1x128xi32, #tpu.memory_space<vmem>>
        %dma_wait3A_191 = tpu.memref_squeeze %dma_wait3A_190 : memref<1x128xi32, #tpu.memory_space<vmem>> -> memref<128xi32, #tpu.memory_space<vmem>>
        %dma_wait3A_192 = arith.constant 0 : i32
        %dma_wait3A_193 = arith.constant 0 : i32
        %dma_wait3A_194 = tpu.memref_slice %arg13[%dma_wait3A_192, %dma_wait3A_193] : memref<50048x32xf32, #tpu.memory_space<vmem_shared>> -> memref<50048x32xf32, #tpu.memory_space<vmem_shared>>
        %dma_wait3A_195 = tpu.memref_slice %arg15[%dma_wait3A_184] : memref<6x!tpu.dma_semaphore, #tpu.memory_space<semaphore_mem>> -> memref<1x!tpu.dma_semaphore, #tpu.memory_space<semaphore_mem>>
        %dma_wait3A_196 = tpu.memref_squeeze %dma_wait3A_195 : memref<1x!tpu.dma_semaphore, #tpu.memory_space<semaphore_mem>> -> memref<!tpu.dma_semaphore, #tpu.memory_space<semaphore_mem>>
        tpu.wait_indirect_dma semaphore(%dma_wait3A_196 : memref<!tpu.dma_semaphore, #tpu.memory_space<semaphore_mem>>) src(%dma_wait3A_188 : memref<128x32xf32, #tpu.memory_space<vmem>>) dst(%dma_wait3A_194 : memref<50048x32xf32, #tpu.memory_space<vmem_shared>>)
        %dma_wait3A_197 = arith.constant 4 : i32
        %dma_wait3A_198 = arith.constant 0 : i32
        %dma_wait3A_199 = arith.constant 4 : i32
        %dma_wait3A_200 = arith.constant 0 : i32
        %dma_wait3A_201 = arith.constant 0 : i32
        %dma_wait3A_202 = tpu.memref_slice %arg12[%dma_wait3A_197, %dma_wait3A_200, %dma_wait3A_201] : memref<6x128x32xf32, #tpu.memory_space<vmem>> -> memref<1x128x32xf32, #tpu.memory_space<vmem>>
        %dma_wait3A_203 = tpu.memref_squeeze %dma_wait3A_202 : memref<1x128x32xf32, #tpu.memory_space<vmem>> -> memref<128x32xf32, #tpu.memory_space<vmem>>
        %dma_wait3A_204 = arith.constant 0 : i32
        %dma_wait3A_205 = tpu.memref_slice %arg11[%dma_wait3A_198, %dma_wait3A_204] : memref<21x128xi32, #tpu.memory_space<vmem>> -> memref<1x128xi32, #tpu.memory_space<vmem>>
        %dma_wait3A_206 = tpu.memref_squeeze %dma_wait3A_205 : memref<1x128xi32, #tpu.memory_space<vmem>> -> memref<128xi32, #tpu.memory_space<vmem>>
        %dma_wait3A_207 = arith.constant 0 : i32
        %dma_wait3A_208 = arith.constant 0 : i32
        %dma_wait3A_209 = tpu.memref_slice %arg13[%dma_wait3A_207, %dma_wait3A_208] : memref<50048x32xf32, #tpu.memory_space<vmem_shared>> -> memref<50048x32xf32, #tpu.memory_space<vmem_shared>>
        %dma_wait3A_210 = tpu.memref_slice %arg15[%dma_wait3A_199] : memref<6x!tpu.dma_semaphore, #tpu.memory_space<semaphore_mem>> -> memref<1x!tpu.dma_semaphore, #tpu.memory_space<semaphore_mem>>
        %dma_wait3A_211 = tpu.memref_squeeze %dma_wait3A_210 : memref<1x!tpu.dma_semaphore, #tpu.memory_space<semaphore_mem>> -> memref<!tpu.dma_semaphore, #tpu.memory_space<semaphore_mem>>
        tpu.wait_indirect_dma semaphore(%dma_wait3A_211 : memref<!tpu.dma_semaphore, #tpu.memory_space<semaphore_mem>>) src(%dma_wait3A_203 : memref<128x32xf32, #tpu.memory_space<vmem>>) dst(%dma_wait3A_209 : memref<50048x32xf32, #tpu.memory_space<vmem_shared>>)
        %dma_wait3A_212 = arith.constant 5 : i32
        %dma_wait3A_213 = arith.constant 0 : i32
        %dma_wait3A_214 = arith.constant 5 : i32
        %dma_wait3A_215 = arith.constant 0 : i32
        %dma_wait3A_216 = arith.constant 0 : i32
        %dma_wait3A_217 = tpu.memref_slice %arg12[%dma_wait3A_212, %dma_wait3A_215, %dma_wait3A_216] : memref<6x128x32xf32, #tpu.memory_space<vmem>> -> memref<1x128x32xf32, #tpu.memory_space<vmem>>
        %dma_wait3A_218 = tpu.memref_squeeze %dma_wait3A_217 : memref<1x128x32xf32, #tpu.memory_space<vmem>> -> memref<128x32xf32, #tpu.memory_space<vmem>>
        %dma_wait3A_219 = arith.constant 0 : i32
        %dma_wait3A_220 = tpu.memref_slice %arg11[%dma_wait3A_213, %dma_wait3A_219] : memref<21x128xi32, #tpu.memory_space<vmem>> -> memref<1x128xi32, #tpu.memory_space<vmem>>
        %dma_wait3A_221 = tpu.memref_squeeze %dma_wait3A_220 : memref<1x128xi32, #tpu.memory_space<vmem>> -> memref<128xi32, #tpu.memory_space<vmem>>
        %dma_wait3A_222 = arith.constant 0 : i32
        %dma_wait3A_223 = arith.constant 0 : i32
        %dma_wait3A_224 = tpu.memref_slice %arg13[%dma_wait3A_222, %dma_wait3A_223] : memref<50048x32xf32, #tpu.memory_space<vmem_shared>> -> memref<50048x32xf32, #tpu.memory_space<vmem_shared>>
        %dma_wait3A_225 = tpu.memref_slice %arg15[%dma_wait3A_214] : memref<6x!tpu.dma_semaphore, #tpu.memory_space<semaphore_mem>> -> memref<1x!tpu.dma_semaphore, #tpu.memory_space<semaphore_mem>>
        %dma_wait3A_226 = tpu.memref_squeeze %dma_wait3A_225 : memref<1x!tpu.dma_semaphore, #tpu.memory_space<semaphore_mem>> -> memref<!tpu.dma_semaphore, #tpu.memory_space<semaphore_mem>>
        tpu.wait_indirect_dma semaphore(%dma_wait3A_226 : memref<!tpu.dma_semaphore, #tpu.memory_space<semaphore_mem>>) src(%dma_wait3A_218 : memref<128x32xf32, #tpu.memory_space<vmem>>) dst(%dma_wait3A_224 : memref<50048x32xf32, #tpu.memory_space<vmem_shared>>)
        %scan3A_227 = arith.constant 0 : i32
        scf.yield %scan3A_227 : i32
      }
      %scan3A_30 = arith.constant 7 : i32
      %barrier3A_31 = arith.constant 0 : index
      tpu.barrier barrier_id(%barrier3A_31)
      %mul3A_32 = arith.constant 3128 : i32
      %mul3A_33 = arith.muli %arg1, %mul3A_32 : i32
      %run_scoped3A_34 = arith.constant 0 : i32
      "tpu.region"() ({
        %run_scoped3A_67 = tpu.sem_alloc : memref<!tpu.dma_semaphore, #tpu.memory_space<semaphore_mem>>
        %dma_start3A_68 = arith.constant 32 : i32
        %dma_start3A_69 = tpu.memref_slice %arg9[%run_scoped3A_34, %mul3A_33, %dma_start3A_68] : memref<2x50048x128xf32, #tpu.memory_space<hbm>> -> memref<1x3128x32xf32, #tpu.memory_space<hbm>>
        %dma_start3A_70 = tpu.memref_squeeze %dma_start3A_69 : memref<1x3128x32xf32, #tpu.memory_space<hbm>> -> memref<3128x32xf32, #tpu.memory_space<hbm>>
        %dma_start3A_71 = arith.constant 0 : i32
        %dma_start3A_72 = tpu.memref_slice %arg13[%mul3A_7, %dma_start3A_71] : memref<50048x32xf32, #tpu.memory_space<vmem_shared>> -> memref<3128x32xf32, #tpu.memory_space<vmem_shared>>
        tpu.enqueue_dma source(%dma_start3A_72 : memref<3128x32xf32, #tpu.memory_space<vmem_shared>>) target(%dma_start3A_70 : memref<3128x32xf32, #tpu.memory_space<hbm>>) target_semaphore(%run_scoped3A_67 : memref<!tpu.dma_semaphore, #tpu.memory_space<semaphore_mem>>)
        %dma_wait3A_73 = arith.constant 32 : i32
        %dma_wait3A_74 = tpu.memref_slice %arg9[%run_scoped3A_34, %mul3A_33, %dma_wait3A_73] : memref<2x50048x128xf32, #tpu.memory_space<hbm>> -> memref<1x3128x32xf32, #tpu.memory_space<hbm>>
        %dma_wait3A_75 = tpu.memref_squeeze %dma_wait3A_74 : memref<1x3128x32xf32, #tpu.memory_space<hbm>> -> memref<3128x32xf32, #tpu.memory_space<hbm>>
        %dma_wait3A_76 = arith.constant 0 : i32
        %dma_wait3A_77 = tpu.memref_slice %arg13[%mul3A_7, %dma_wait3A_76] : memref<50048x32xf32, #tpu.memory_space<vmem_shared>> -> memref<3128x32xf32, #tpu.memory_space<vmem_shared>>
        tpu.wait_dma2 semaphore(%run_scoped3A_67 : memref<!tpu.dma_semaphore, #tpu.memory_space<semaphore_mem>>) src(%dma_wait3A_77 : memref<3128x32xf32, #tpu.memory_space<vmem_shared>>) dst(%dma_wait3A_75 : memref<3128x32xf32, #tpu.memory_space<hbm>>)
        tpu.yield
      }) : () -> ()
      %dma_start3A_35 = arith.constant 0 : i32
      %dma_start3A_36 = tpu.memref_slice %arg13[%mul3A_7, %dma_start3A_35] : memref<50048x32xf32, #tpu.memory_space<vmem_shared>> -> memref<3128x32xf32, #tpu.memory_space<vmem_shared>>
      tpu.enqueue_dma source(%arg8 : memref<3128x32xf32, #tpu.memory_space<hbm>>) target(%dma_start3A_36 : memref<3128x32xf32, #tpu.memory_space<vmem_shared>>) target_semaphore(%arg16 : memref<!tpu.dma_semaphore, #tpu.memory_space<semaphore_mem>>)
      %dma_wait3A_37 = arith.constant 0 : i32
      %dma_wait3A_38 = tpu.memref_slice %arg13[%mul3A_7, %dma_wait3A_37] : memref<50048x32xf32, #tpu.memory_space<vmem_shared>> -> memref<3128x32xf32, #tpu.memory_space<vmem_shared>>
      tpu.wait_dma2 semaphore(%arg16 : memref<!tpu.dma_semaphore, #tpu.memory_space<semaphore_mem>>) src(%arg8 : memref<3128x32xf32, #tpu.memory_space<hbm>>) dst(%dma_wait3A_38 : memref<3128x32xf32, #tpu.memory_space<vmem_shared>>)
      %barrier3A_39 = arith.constant 0 : index
      tpu.barrier barrier_id(%barrier3A_39)
      %scan3A_40 = arith.constant 0 : i32
      %scan3A_41 = arith.constant 0 : i32
      %scan3A_42 = arith.constant 7 : i32
      %scan3A_43 = arith.addi %scan3A_41, %scan3A_42 : i32
      %scan3A_44 = arith.constant 1 : i32
      %scan3A_45 = scf.for %scan3A_67 = %scan3A_41 to %scan3A_43 step %scan3A_44 iter_args(%scan3A_68 = %scan3A_40) -> (i32)  : i32 {
        %run_scoped3A_69 = arith.constant 2 : i32
        "tpu.region"() ({
          %run_scoped3A_228 = tpu.sem_alloc : memref<!tpu.dma_semaphore, #tpu.memory_space<semaphore_mem>>
          %dma_start3A_229 = arith.constant 0 : i32
          %dma_start3A_230 = arith.constant 0 : i32
          %dma_start3A_231 = tpu.memref_slice %arg4[%run_scoped3A_69, %arg1, %scan3A_67, %dma_start3A_229, %dma_start3A_230] : memref<4x16x7x21x128xi32, #tpu.memory_space<hbm>> -> memref<1x1x1x21x128xi32, #tpu.memory_space<hbm>>
          %dma_start3A_232 = tpu.memref_squeeze %dma_start3A_231 : memref<1x1x1x21x128xi32, #tpu.memory_space<hbm>> -> memref<21x128xi32, #tpu.memory_space<hbm>>
          %dma_start3A_233 = arith.constant 0 : i32
          %dma_start3A_234 = arith.constant 0 : i32
          %dma_start3A_235 = tpu.memref_slice %arg4[%run_scoped3A_69, %arg1, %scan3A_67, %dma_start3A_233, %dma_start3A_234] : memref<4x16x7x21x128xi32, #tpu.memory_space<hbm>> -> memref<1x1x1x21x128xi32, #tpu.memory_space<hbm>>
          %dma_start3A_236 = tpu.memref_squeeze %dma_start3A_235 : memref<1x1x1x21x128xi32, #tpu.memory_space<hbm>> -> memref<21x128xi32, #tpu.memory_space<hbm>>
          tpu.enqueue_dma source(%dma_start3A_236 : memref<21x128xi32, #tpu.memory_space<hbm>>) target(%arg10 : memref<21x128xi32, #tpu.memory_space<vmem>>) target_semaphore(%run_scoped3A_228 : memref<!tpu.dma_semaphore, #tpu.memory_space<semaphore_mem>>)
          %dma_wait3A_237 = arith.constant 0 : i32
          %dma_wait3A_238 = arith.constant 0 : i32
          %dma_wait3A_239 = tpu.memref_slice %arg4[%run_scoped3A_69, %arg1, %scan3A_67, %dma_wait3A_237, %dma_wait3A_238] : memref<4x16x7x21x128xi32, #tpu.memory_space<hbm>> -> memref<1x1x1x21x128xi32, #tpu.memory_space<hbm>>
          %dma_wait3A_240 = tpu.memref_squeeze %dma_wait3A_239 : memref<1x1x1x21x128xi32, #tpu.memory_space<hbm>> -> memref<21x128xi32, #tpu.memory_space<hbm>>
          %dma_wait3A_241 = arith.constant 0 : i32
          %dma_wait3A_242 = arith.constant 0 : i32
          %dma_wait3A_243 = tpu.memref_slice %arg4[%run_scoped3A_69, %arg1, %scan3A_67, %dma_wait3A_241, %dma_wait3A_242] : memref<4x16x7x21x128xi32, #tpu.memory_space<hbm>> -> memref<1x1x1x21x128xi32, #tpu.memory_space<hbm>>
          %dma_wait3A_244 = tpu.memref_squeeze %dma_wait3A_243 : memref<1x1x1x21x128xi32, #tpu.memory_space<hbm>> -> memref<21x128xi32, #tpu.memory_space<hbm>>
          tpu.wait_dma2 semaphore(%run_scoped3A_228 : memref<!tpu.dma_semaphore, #tpu.memory_space<semaphore_mem>>) src(%dma_wait3A_244 : memref<21x128xi32, #tpu.memory_space<hbm>>) dst(%arg10 : memref<21x128xi32, #tpu.memory_space<vmem>>)
          tpu.yield
        }) : () -> ()
        "tpu.region"() ({
          %run_scoped3A_228 = tpu.sem_alloc : memref<!tpu.dma_semaphore, #tpu.memory_space<semaphore_mem>>
          %dma_start3A_229 = arith.constant 0 : i32
          %dma_start3A_230 = arith.constant 0 : i32
          %dma_start3A_231 = tpu.memref_slice %arg5[%arg1, %scan3A_67, %dma_start3A_229, %dma_start3A_230] : memref<16x7x21x128xi32, #tpu.memory_space<hbm>> -> memref<1x1x21x128xi32, #tpu.memory_space<hbm>>
          %dma_start3A_232 = tpu.memref_squeeze %dma_start3A_231 : memref<1x1x21x128xi32, #tpu.memory_space<hbm>> -> memref<21x128xi32, #tpu.memory_space<hbm>>
          %dma_start3A_233 = arith.constant 0 : i32
          %dma_start3A_234 = arith.constant 0 : i32
          %dma_start3A_235 = tpu.memref_slice %arg5[%arg1, %scan3A_67, %dma_start3A_233, %dma_start3A_234] : memref<16x7x21x128xi32, #tpu.memory_space<hbm>> -> memref<1x1x21x128xi32, #tpu.memory_space<hbm>>
          %dma_start3A_236 = tpu.memref_squeeze %dma_start3A_235 : memref<1x1x21x128xi32, #tpu.memory_space<hbm>> -> memref<21x128xi32, #tpu.memory_space<hbm>>
          tpu.enqueue_dma source(%dma_start3A_236 : memref<21x128xi32, #tpu.memory_space<hbm>>) target(%arg11 : memref<21x128xi32, #tpu.memory_space<vmem>>) target_semaphore(%run_scoped3A_228 : memref<!tpu.dma_semaphore, #tpu.memory_space<semaphore_mem>>)
          %dma_wait3A_237 = arith.constant 0 : i32
          %dma_wait3A_238 = arith.constant 0 : i32
          %dma_wait3A_239 = tpu.memref_slice %arg5[%arg1, %scan3A_67, %dma_wait3A_237, %dma_wait3A_238] : memref<16x7x21x128xi32, #tpu.memory_space<hbm>> -> memref<1x1x21x128xi32, #tpu.memory_space<hbm>>
          %dma_wait3A_240 = tpu.memref_squeeze %dma_wait3A_239 : memref<1x1x21x128xi32, #tpu.memory_space<hbm>> -> memref<21x128xi32, #tpu.memory_space<hbm>>
          %dma_wait3A_241 = arith.constant 0 : i32
          %dma_wait3A_242 = arith.constant 0 : i32
          %dma_wait3A_243 = tpu.memref_slice %arg5[%arg1, %scan3A_67, %dma_wait3A_241, %dma_wait3A_242] : memref<16x7x21x128xi32, #tpu.memory_space<hbm>> -> memref<1x1x21x128xi32, #tpu.memory_space<hbm>>
          %dma_wait3A_244 = tpu.memref_squeeze %dma_wait3A_243 : memref<1x1x21x128xi32, #tpu.memory_space<hbm>> -> memref<21x128xi32, #tpu.memory_space<hbm>>
          tpu.wait_dma2 semaphore(%run_scoped3A_228 : memref<!tpu.dma_semaphore, #tpu.memory_space<semaphore_mem>>) src(%dma_wait3A_244 : memref<21x128xi32, #tpu.memory_space<hbm>>) dst(%arg11 : memref<21x128xi32, #tpu.memory_space<vmem>>)
          tpu.yield
        }) : () -> ()
        %dma_start3A_70 = arith.constant 0 : i32
        %dma_start3A_71 = arith.constant 0 : i32
        %dma_start3A_72 = arith.constant 0 : i32
        %dma_start3A_73 = arith.constant 0 : i32
        %dma_start3A_74 = arith.constant 0 : i32
        %dma_start3A_75 = tpu.memref_slice %arg12[%dma_start3A_71, %dma_start3A_73, %dma_start3A_74] : memref<6x128x32xf32, #tpu.memory_space<vmem>> -> memref<1x128x32xf32, #tpu.memory_space<vmem>>
        %dma_start3A_76 = tpu.memref_squeeze %dma_start3A_75 : memref<1x128x32xf32, #tpu.memory_space<vmem>> -> memref<128x32xf32, #tpu.memory_space<vmem>>
        %dma_start3A_77 = arith.constant 0 : i32
        %dma_start3A_78 = tpu.memref_slice %arg10[%dma_start3A_70, %dma_start3A_77] : memref<21x128xi32, #tpu.memory_space<vmem>> -> memref<1x128xi32, #tpu.memory_space<vmem>>
        %dma_start3A_79 = tpu.memref_squeeze %dma_start3A_78 : memref<1x128xi32, #tpu.memory_space<vmem>> -> memref<128xi32, #tpu.memory_space<vmem>>
        %dma_start3A_80 = arith.constant 0 : i32
        %dma_start3A_81 = arith.constant 0 : i32
        %dma_start3A_82 = tpu.memref_slice %arg2[%dma_start3A_80, %dma_start3A_81] : memref<200000x32xf32, #tpu.memory_space<hbm>> -> memref<200000x32xf32, #tpu.memory_space<hbm>>
        %dma_start3A_83 = tpu.memref_slice %arg14[%dma_start3A_72] : memref<6x!tpu.dma_semaphore, #tpu.memory_space<semaphore_mem>> -> memref<1x!tpu.dma_semaphore, #tpu.memory_space<semaphore_mem>>
        %dma_start3A_84 = tpu.memref_squeeze %dma_start3A_83 : memref<1x!tpu.dma_semaphore, #tpu.memory_space<semaphore_mem>> -> memref<!tpu.dma_semaphore, #tpu.memory_space<semaphore_mem>>
        tpu.enqueue_indirect_dma source(%dma_start3A_82 : memref<200000x32xf32, #tpu.memory_space<hbm>>) target(%dma_start3A_76 : memref<128x32xf32, #tpu.memory_space<vmem>>) offsets(%dma_start3A_79 : memref<128xi32, #tpu.memory_space<vmem>>) semaphore(%dma_start3A_84 : memref<!tpu.dma_semaphore, #tpu.memory_space<semaphore_mem>>)
        %dma_start3A_85 = arith.constant 1 : i32
        %dma_start3A_86 = arith.constant 1 : i32
        %dma_start3A_87 = arith.constant 1 : i32
        %dma_start3A_88 = arith.constant 0 : i32
        %dma_start3A_89 = arith.constant 0 : i32
        %dma_start3A_90 = tpu.memref_slice %arg12[%dma_start3A_86, %dma_start3A_88, %dma_start3A_89] : memref<6x128x32xf32, #tpu.memory_space<vmem>> -> memref<1x128x32xf32, #tpu.memory_space<vmem>>
        %dma_start3A_91 = tpu.memref_squeeze %dma_start3A_90 : memref<1x128x32xf32, #tpu.memory_space<vmem>> -> memref<128x32xf32, #tpu.memory_space<vmem>>
        %dma_start3A_92 = arith.constant 0 : i32
        %dma_start3A_93 = tpu.memref_slice %arg10[%dma_start3A_85, %dma_start3A_92] : memref<21x128xi32, #tpu.memory_space<vmem>> -> memref<1x128xi32, #tpu.memory_space<vmem>>
        %dma_start3A_94 = tpu.memref_squeeze %dma_start3A_93 : memref<1x128xi32, #tpu.memory_space<vmem>> -> memref<128xi32, #tpu.memory_space<vmem>>
        %dma_start3A_95 = arith.constant 0 : i32
        %dma_start3A_96 = arith.constant 0 : i32
        %dma_start3A_97 = tpu.memref_slice %arg2[%dma_start3A_95, %dma_start3A_96] : memref<200000x32xf32, #tpu.memory_space<hbm>> -> memref<200000x32xf32, #tpu.memory_space<hbm>>
        %dma_start3A_98 = tpu.memref_slice %arg14[%dma_start3A_87] : memref<6x!tpu.dma_semaphore, #tpu.memory_space<semaphore_mem>> -> memref<1x!tpu.dma_semaphore, #tpu.memory_space<semaphore_mem>>
        %dma_start3A_99 = tpu.memref_squeeze %dma_start3A_98 : memref<1x!tpu.dma_semaphore, #tpu.memory_space<semaphore_mem>> -> memref<!tpu.dma_semaphore, #tpu.memory_space<semaphore_mem>>
        tpu.enqueue_indirect_dma source(%dma_start3A_97 : memref<200000x32xf32, #tpu.memory_space<hbm>>) target(%dma_start3A_91 : memref<128x32xf32, #tpu.memory_space<vmem>>) offsets(%dma_start3A_94 : memref<128xi32, #tpu.memory_space<vmem>>) semaphore(%dma_start3A_99 : memref<!tpu.dma_semaphore, #tpu.memory_space<semaphore_mem>>)
        %dma_start3A_100 = arith.constant 2 : i32
        %dma_start3A_101 = arith.constant 2 : i32
        %dma_start3A_102 = arith.constant 2 : i32
        %dma_start3A_103 = arith.constant 0 : i32
        %dma_start3A_104 = arith.constant 0 : i32
        %dma_start3A_105 = tpu.memref_slice %arg12[%dma_start3A_101, %dma_start3A_103, %dma_start3A_104] : memref<6x128x32xf32, #tpu.memory_space<vmem>> -> memref<1x128x32xf32, #tpu.memory_space<vmem>>
        %dma_start3A_106 = tpu.memref_squeeze %dma_start3A_105 : memref<1x128x32xf32, #tpu.memory_space<vmem>> -> memref<128x32xf32, #tpu.memory_space<vmem>>
        %dma_start3A_107 = arith.constant 0 : i32
        %dma_start3A_108 = tpu.memref_slice %arg10[%dma_start3A_100, %dma_start3A_107] : memref<21x128xi32, #tpu.memory_space<vmem>> -> memref<1x128xi32, #tpu.memory_space<vmem>>
        %dma_start3A_109 = tpu.memref_squeeze %dma_start3A_108 : memref<1x128xi32, #tpu.memory_space<vmem>> -> memref<128xi32, #tpu.memory_space<vmem>>
        %dma_start3A_110 = arith.constant 0 : i32
        %dma_start3A_111 = arith.constant 0 : i32
        %dma_start3A_112 = tpu.memref_slice %arg2[%dma_start3A_110, %dma_start3A_111] : memref<200000x32xf32, #tpu.memory_space<hbm>> -> memref<200000x32xf32, #tpu.memory_space<hbm>>
        %dma_start3A_113 = tpu.memref_slice %arg14[%dma_start3A_102] : memref<6x!tpu.dma_semaphore, #tpu.memory_space<semaphore_mem>> -> memref<1x!tpu.dma_semaphore, #tpu.memory_space<semaphore_mem>>
        %dma_start3A_114 = tpu.memref_squeeze %dma_start3A_113 : memref<1x!tpu.dma_semaphore, #tpu.memory_space<semaphore_mem>> -> memref<!tpu.dma_semaphore, #tpu.memory_space<semaphore_mem>>
        tpu.enqueue_indirect_dma source(%dma_start3A_112 : memref<200000x32xf32, #tpu.memory_space<hbm>>) target(%dma_start3A_106 : memref<128x32xf32, #tpu.memory_space<vmem>>) offsets(%dma_start3A_109 : memref<128xi32, #tpu.memory_space<vmem>>) semaphore(%dma_start3A_114 : memref<!tpu.dma_semaphore, #tpu.memory_space<semaphore_mem>>)
        %dma_start3A_115 = arith.constant 3 : i32
        %dma_start3A_116 = arith.constant 3 : i32
        %dma_start3A_117 = arith.constant 3 : i32
        %dma_start3A_118 = arith.constant 0 : i32
        %dma_start3A_119 = arith.constant 0 : i32
        %dma_start3A_120 = tpu.memref_slice %arg12[%dma_start3A_116, %dma_start3A_118, %dma_start3A_119] : memref<6x128x32xf32, #tpu.memory_space<vmem>> -> memref<1x128x32xf32, #tpu.memory_space<vmem>>
        %dma_start3A_121 = tpu.memref_squeeze %dma_start3A_120 : memref<1x128x32xf32, #tpu.memory_space<vmem>> -> memref<128x32xf32, #tpu.memory_space<vmem>>
        %dma_start3A_122 = arith.constant 0 : i32
        %dma_start3A_123 = tpu.memref_slice %arg10[%dma_start3A_115, %dma_start3A_122] : memref<21x128xi32, #tpu.memory_space<vmem>> -> memref<1x128xi32, #tpu.memory_space<vmem>>
        %dma_start3A_124 = tpu.memref_squeeze %dma_start3A_123 : memref<1x128xi32, #tpu.memory_space<vmem>> -> memref<128xi32, #tpu.memory_space<vmem>>
        %dma_start3A_125 = arith.constant 0 : i32
        %dma_start3A_126 = arith.constant 0 : i32
        %dma_start3A_127 = tpu.memref_slice %arg2[%dma_start3A_125, %dma_start3A_126] : memref<200000x32xf32, #tpu.memory_space<hbm>> -> memref<200000x32xf32, #tpu.memory_space<hbm>>
        %dma_start3A_128 = tpu.memref_slice %arg14[%dma_start3A_117] : memref<6x!tpu.dma_semaphore, #tpu.memory_space<semaphore_mem>> -> memref<1x!tpu.dma_semaphore, #tpu.memory_space<semaphore_mem>>
        %dma_start3A_129 = tpu.memref_squeeze %dma_start3A_128 : memref<1x!tpu.dma_semaphore, #tpu.memory_space<semaphore_mem>> -> memref<!tpu.dma_semaphore, #tpu.memory_space<semaphore_mem>>
        tpu.enqueue_indirect_dma source(%dma_start3A_127 : memref<200000x32xf32, #tpu.memory_space<hbm>>) target(%dma_start3A_121 : memref<128x32xf32, #tpu.memory_space<vmem>>) offsets(%dma_start3A_124 : memref<128xi32, #tpu.memory_space<vmem>>) semaphore(%dma_start3A_129 : memref<!tpu.dma_semaphore, #tpu.memory_space<semaphore_mem>>)
        %scan3A_130 = arith.constant 0 : i32
        %scan3A_131 = arith.constant 0 : i32
        %scan3A_132 = arith.constant 21 : i32
        %scan3A_133 = arith.addi %scan3A_131, %scan3A_132 : i32
        %scan3A_134 = arith.constant 1 : i32
        %scan3A_135 = scf.for %scan3A_228 = %scan3A_131 to %scan3A_133 step %scan3A_134 iter_args(%scan3A_229 = %scan3A_130) -> (i32)  : i32 {
          %rem3A = arith.constant 6 : i32
          %rem3A_230 = arith.remsi %scan3A_228, %rem3A : i32
          %dma_wait3A_231 = arith.constant 0 : i32
          %dma_wait3A_232 = arith.constant 0 : i32
          %dma_wait3A_233 = tpu.memref_slice %arg12[%rem3A_230, %dma_wait3A_231, %dma_wait3A_232] : memref<6x128x32xf32, #tpu.memory_space<vmem>> -> memref<1x128x32xf32, #tpu.memory_space<vmem>>
          %dma_wait3A_234 = tpu.memref_squeeze %dma_wait3A_233 : memref<1x128x32xf32, #tpu.memory_space<vmem>> -> memref<128x32xf32, #tpu.memory_space<vmem>>
          %dma_wait3A_235 = arith.constant 0 : i32
          %dma_wait3A_236 = tpu.memref_slice %arg10[%scan3A_228, %dma_wait3A_235] : memref<21x128xi32, #tpu.memory_space<vmem>> -> memref<1x128xi32, #tpu.memory_space<vmem>>
          %dma_wait3A_237 = tpu.memref_squeeze %dma_wait3A_236 : memref<1x128xi32, #tpu.memory_space<vmem>> -> memref<128xi32, #tpu.memory_space<vmem>>
          %dma_wait3A_238 = arith.constant 0 : i32
          %dma_wait3A_239 = arith.constant 0 : i32
          %dma_wait3A_240 = tpu.memref_slice %arg2[%dma_wait3A_238, %dma_wait3A_239] : memref<200000x32xf32, #tpu.memory_space<hbm>> -> memref<200000x32xf32, #tpu.memory_space<hbm>>
          %dma_wait3A_241 = tpu.memref_slice %arg14[%rem3A_230] : memref<6x!tpu.dma_semaphore, #tpu.memory_space<semaphore_mem>> -> memref<1x!tpu.dma_semaphore, #tpu.memory_space<semaphore_mem>>
          %dma_wait3A_242 = tpu.memref_squeeze %dma_wait3A_241 : memref<1x!tpu.dma_semaphore, #tpu.memory_space<semaphore_mem>> -> memref<!tpu.dma_semaphore, #tpu.memory_space<semaphore_mem>>
          tpu.wait_indirect_dma semaphore(%dma_wait3A_242 : memref<!tpu.dma_semaphore, #tpu.memory_space<semaphore_mem>>) src(%dma_wait3A_240 : memref<200000x32xf32, #tpu.memory_space<hbm>>) dst(%dma_wait3A_234 : memref<128x32xf32, #tpu.memory_space<vmem>>)
          %dma_start3A_243 = arith.constant 0 : i32
          %dma_start3A_244 = arith.constant 0 : i32
          %dma_start3A_245 = tpu.memref_slice %arg12[%rem3A_230, %dma_start3A_243, %dma_start3A_244] : memref<6x128x32xf32, #tpu.memory_space<vmem>> -> memref<1x128x32xf32, #tpu.memory_space<vmem>>
          %dma_start3A_246 = tpu.memref_squeeze %dma_start3A_245 : memref<1x128x32xf32, #tpu.memory_space<vmem>> -> memref<128x32xf32, #tpu.memory_space<vmem>>
          %dma_start3A_247 = arith.constant 0 : i32
          %dma_start3A_248 = tpu.memref_slice %arg11[%scan3A_228, %dma_start3A_247] : memref<21x128xi32, #tpu.memory_space<vmem>> -> memref<1x128xi32, #tpu.memory_space<vmem>>
          %dma_start3A_249 = tpu.memref_squeeze %dma_start3A_248 : memref<1x128xi32, #tpu.memory_space<vmem>> -> memref<128xi32, #tpu.memory_space<vmem>>
          %dma_start3A_250 = arith.constant 0 : i32
          %dma_start3A_251 = arith.constant 0 : i32
          %dma_start3A_252 = tpu.memref_slice %arg13[%dma_start3A_250, %dma_start3A_251] : memref<50048x32xf32, #tpu.memory_space<vmem_shared>> -> memref<50048x32xf32, #tpu.memory_space<vmem_shared>>
          %dma_start3A_253 = tpu.memref_slice %arg15[%rem3A_230] : memref<6x!tpu.dma_semaphore, #tpu.memory_space<semaphore_mem>> -> memref<1x!tpu.dma_semaphore, #tpu.memory_space<semaphore_mem>>
          %dma_start3A_254 = tpu.memref_squeeze %dma_start3A_253 : memref<1x!tpu.dma_semaphore, #tpu.memory_space<semaphore_mem>> -> memref<!tpu.dma_semaphore, #tpu.memory_space<semaphore_mem>>
          tpu.enqueue_indirect_dma source(%dma_start3A_246 : memref<128x32xf32, #tpu.memory_space<vmem>>) target(%dma_start3A_252 : memref<50048x32xf32, #tpu.memory_space<vmem_shared>>) offsets(%dma_start3A_249 : memref<128xi32, #tpu.memory_space<vmem>>) semaphore(%dma_start3A_254 : memref<!tpu.dma_semaphore, #tpu.memory_space<semaphore_mem>>) {add = true}
          %add3A = arith.constant 4 : i32
          %add3A_255 = arith.addi %scan3A_228, %add3A : i32
          %lt3A = arith.constant 21 : i32
          %lt3A_256 = arith.cmpi slt, %add3A_255, %lt3A : i32
          %convert_element_type3A_257 = arith.extui %lt3A_256 : i1 to i32
          %cond3A_258 = arith.constant 0 : i32
          %cond3A_259 = arith.cmpi ne, %convert_element_type3A_257, %cond3A_258 : i32
          scf.if %cond3A_259 {
            %add3A_261 = arith.constant 4 : i32
            %add3A_262 = arith.addi %scan3A_228, %add3A_261 : i32
            %rem3A_263 = arith.constant 6 : i32
            %rem3A_264 = arith.remsi %add3A_262, %rem3A_263 : i32
            %ge3A = arith.constant 2 : i32
            %ge3A_265 = arith.cmpi sge, %scan3A_228, %ge3A : i32
            %convert_element_type3A_266 = arith.extui %ge3A_265 : i1 to i32
            %cond3A_267 = arith.constant 0 : i32
            %cond3A_268 = arith.cmpi ne, %convert_element_type3A_266, %cond3A_267 : i32
            scf.if %cond3A_268 {
              %dma_wait3A_283 = arith.constant 0 : i32
              %dma_wait3A_284 = arith.constant 0 : i32
              %dma_wait3A_285 = tpu.memref_slice %arg12[%rem3A_264, %dma_wait3A_283, %dma_wait3A_284] : memref<6x128x32xf32, #tpu.memory_space<vmem>> -> memref<1x128x32xf32, #tpu.memory_space<vmem>>
              %dma_wait3A_286 = tpu.memref_squeeze %dma_wait3A_285 : memref<1x128x32xf32, #tpu.memory_space<vmem>> -> memref<128x32xf32, #tpu.memory_space<vmem>>
              %dma_wait3A_287 = arith.constant 0 : i32
              %dma_wait3A_288 = tpu.memref_slice %arg11[%scan3A_228, %dma_wait3A_287] : memref<21x128xi32, #tpu.memory_space<vmem>> -> memref<1x128xi32, #tpu.memory_space<vmem>>
              %dma_wait3A_289 = tpu.memref_squeeze %dma_wait3A_288 : memref<1x128xi32, #tpu.memory_space<vmem>> -> memref<128xi32, #tpu.memory_space<vmem>>
              %dma_wait3A_290 = arith.constant 0 : i32
              %dma_wait3A_291 = arith.constant 0 : i32
              %dma_wait3A_292 = tpu.memref_slice %arg13[%dma_wait3A_290, %dma_wait3A_291] : memref<50048x32xf32, #tpu.memory_space<vmem_shared>> -> memref<50048x32xf32, #tpu.memory_space<vmem_shared>>
              %dma_wait3A_293 = tpu.memref_slice %arg15[%rem3A_264] : memref<6x!tpu.dma_semaphore, #tpu.memory_space<semaphore_mem>> -> memref<1x!tpu.dma_semaphore, #tpu.memory_space<semaphore_mem>>
              %dma_wait3A_294 = tpu.memref_squeeze %dma_wait3A_293 : memref<1x!tpu.dma_semaphore, #tpu.memory_space<semaphore_mem>> -> memref<!tpu.dma_semaphore, #tpu.memory_space<semaphore_mem>>
              tpu.wait_indirect_dma semaphore(%dma_wait3A_294 : memref<!tpu.dma_semaphore, #tpu.memory_space<semaphore_mem>>) src(%dma_wait3A_286 : memref<128x32xf32, #tpu.memory_space<vmem>>) dst(%dma_wait3A_292 : memref<50048x32xf32, #tpu.memory_space<vmem_shared>>)
            } else {
            }
            %add3A_269 = arith.constant 4 : i32
            %add3A_270 = arith.addi %scan3A_228, %add3A_269 : i32
            %dma_start3A_271 = arith.constant 0 : i32
            %dma_start3A_272 = arith.constant 0 : i32
            %dma_start3A_273 = tpu.memref_slice %arg12[%rem3A_264, %dma_start3A_271, %dma_start3A_272] : memref<6x128x32xf32, #tpu.memory_space<vmem>> -> memref<1x128x32xf32, #tpu.memory_space<vmem>>
            %dma_start3A_274 = tpu.memref_squeeze %dma_start3A_273 : memref<1x128x32xf32, #tpu.memory_space<vmem>> -> memref<128x32xf32, #tpu.memory_space<vmem>>
            %dma_start3A_275 = arith.constant 0 : i32
            %dma_start3A_276 = tpu.memref_slice %arg10[%add3A_270, %dma_start3A_275] : memref<21x128xi32, #tpu.memory_space<vmem>> -> memref<1x128xi32, #tpu.memory_space<vmem>>
            %dma_start3A_277 = tpu.memref_squeeze %dma_start3A_276 : memref<1x128xi32, #tpu.memory_space<vmem>> -> memref<128xi32, #tpu.memory_space<vmem>>
            %dma_start3A_278 = arith.constant 0 : i32
            %dma_start3A_279 = arith.constant 0 : i32
            %dma_start3A_280 = tpu.memref_slice %arg2[%dma_start3A_278, %dma_start3A_279] : memref<200000x32xf32, #tpu.memory_space<hbm>> -> memref<200000x32xf32, #tpu.memory_space<hbm>>
            %dma_start3A_281 = tpu.memref_slice %arg14[%rem3A_264] : memref<6x!tpu.dma_semaphore, #tpu.memory_space<semaphore_mem>> -> memref<1x!tpu.dma_semaphore, #tpu.memory_space<semaphore_mem>>
            %dma_start3A_282 = tpu.memref_squeeze %dma_start3A_281 : memref<1x!tpu.dma_semaphore, #tpu.memory_space<semaphore_mem>> -> memref<!tpu.dma_semaphore, #tpu.memory_space<semaphore_mem>>
            tpu.enqueue_indirect_dma source(%dma_start3A_280 : memref<200000x32xf32, #tpu.memory_space<hbm>>) target(%dma_start3A_274 : memref<128x32xf32, #tpu.memory_space<vmem>>) offsets(%dma_start3A_277 : memref<128xi32, #tpu.memory_space<vmem>>) semaphore(%dma_start3A_282 : memref<!tpu.dma_semaphore, #tpu.memory_space<semaphore_mem>>)
          } else {
          }
          %scan3A_260 = arith.constant 0 : i32
          scf.yield %scan3A_260 : i32
        }
        %scan3A_136 = arith.constant 21 : i32
        %dma_wait3A_137 = arith.constant 0 : i32
        %dma_wait3A_138 = arith.constant 0 : i32
        %dma_wait3A_139 = arith.constant 0 : i32
        %dma_wait3A_140 = arith.constant 0 : i32
        %dma_wait3A_141 = arith.constant 0 : i32
        %dma_wait3A_142 = tpu.memref_slice %arg12[%dma_wait3A_137, %dma_wait3A_140, %dma_wait3A_141] : memref<6x128x32xf32, #tpu.memory_space<vmem>> -> memref<1x128x32xf32, #tpu.memory_space<vmem>>
        %dma_wait3A_143 = tpu.memref_squeeze %dma_wait3A_142 : memref<1x128x32xf32, #tpu.memory_space<vmem>> -> memref<128x32xf32, #tpu.memory_space<vmem>>
        %dma_wait3A_144 = arith.constant 0 : i32
        %dma_wait3A_145 = tpu.memref_slice %arg11[%dma_wait3A_138, %dma_wait3A_144] : memref<21x128xi32, #tpu.memory_space<vmem>> -> memref<1x128xi32, #tpu.memory_space<vmem>>
        %dma_wait3A_146 = tpu.memref_squeeze %dma_wait3A_145 : memref<1x128xi32, #tpu.memory_space<vmem>> -> memref<128xi32, #tpu.memory_space<vmem>>
        %dma_wait3A_147 = arith.constant 0 : i32
        %dma_wait3A_148 = arith.constant 0 : i32
        %dma_wait3A_149 = tpu.memref_slice %arg13[%dma_wait3A_147, %dma_wait3A_148] : memref<50048x32xf32, #tpu.memory_space<vmem_shared>> -> memref<50048x32xf32, #tpu.memory_space<vmem_shared>>
        %dma_wait3A_150 = tpu.memref_slice %arg15[%dma_wait3A_139] : memref<6x!tpu.dma_semaphore, #tpu.memory_space<semaphore_mem>> -> memref<1x!tpu.dma_semaphore, #tpu.memory_space<semaphore_mem>>
        %dma_wait3A_151 = tpu.memref_squeeze %dma_wait3A_150 : memref<1x!tpu.dma_semaphore, #tpu.memory_space<semaphore_mem>> -> memref<!tpu.dma_semaphore, #tpu.memory_space<semaphore_mem>>
        tpu.wait_indirect_dma semaphore(%dma_wait3A_151 : memref<!tpu.dma_semaphore, #tpu.memory_space<semaphore_mem>>) src(%dma_wait3A_143 : memref<128x32xf32, #tpu.memory_space<vmem>>) dst(%dma_wait3A_149 : memref<50048x32xf32, #tpu.memory_space<vmem_shared>>)
        %dma_wait3A_152 = arith.constant 1 : i32
        %dma_wait3A_153 = arith.constant 0 : i32
        %dma_wait3A_154 = arith.constant 1 : i32
        %dma_wait3A_155 = arith.constant 0 : i32
        %dma_wait3A_156 = arith.constant 0 : i32
        %dma_wait3A_157 = tpu.memref_slice %arg12[%dma_wait3A_152, %dma_wait3A_155, %dma_wait3A_156] : memref<6x128x32xf32, #tpu.memory_space<vmem>> -> memref<1x128x32xf32, #tpu.memory_space<vmem>>
        %dma_wait3A_158 = tpu.memref_squeeze %dma_wait3A_157 : memref<1x128x32xf32, #tpu.memory_space<vmem>> -> memref<128x32xf32, #tpu.memory_space<vmem>>
        %dma_wait3A_159 = arith.constant 0 : i32
        %dma_wait3A_160 = tpu.memref_slice %arg11[%dma_wait3A_153, %dma_wait3A_159] : memref<21x128xi32, #tpu.memory_space<vmem>> -> memref<1x128xi32, #tpu.memory_space<vmem>>
        %dma_wait3A_161 = tpu.memref_squeeze %dma_wait3A_160 : memref<1x128xi32, #tpu.memory_space<vmem>> -> memref<128xi32, #tpu.memory_space<vmem>>
        %dma_wait3A_162 = arith.constant 0 : i32
        %dma_wait3A_163 = arith.constant 0 : i32
        %dma_wait3A_164 = tpu.memref_slice %arg13[%dma_wait3A_162, %dma_wait3A_163] : memref<50048x32xf32, #tpu.memory_space<vmem_shared>> -> memref<50048x32xf32, #tpu.memory_space<vmem_shared>>
        %dma_wait3A_165 = tpu.memref_slice %arg15[%dma_wait3A_154] : memref<6x!tpu.dma_semaphore, #tpu.memory_space<semaphore_mem>> -> memref<1x!tpu.dma_semaphore, #tpu.memory_space<semaphore_mem>>
        %dma_wait3A_166 = tpu.memref_squeeze %dma_wait3A_165 : memref<1x!tpu.dma_semaphore, #tpu.memory_space<semaphore_mem>> -> memref<!tpu.dma_semaphore, #tpu.memory_space<semaphore_mem>>
        tpu.wait_indirect_dma semaphore(%dma_wait3A_166 : memref<!tpu.dma_semaphore, #tpu.memory_space<semaphore_mem>>) src(%dma_wait3A_158 : memref<128x32xf32, #tpu.memory_space<vmem>>) dst(%dma_wait3A_164 : memref<50048x32xf32, #tpu.memory_space<vmem_shared>>)
        %dma_wait3A_167 = arith.constant 2 : i32
        %dma_wait3A_168 = arith.constant 0 : i32
        %dma_wait3A_169 = arith.constant 2 : i32
        %dma_wait3A_170 = arith.constant 0 : i32
        %dma_wait3A_171 = arith.constant 0 : i32
        %dma_wait3A_172 = tpu.memref_slice %arg12[%dma_wait3A_167, %dma_wait3A_170, %dma_wait3A_171] : memref<6x128x32xf32, #tpu.memory_space<vmem>> -> memref<1x128x32xf32, #tpu.memory_space<vmem>>
        %dma_wait3A_173 = tpu.memref_squeeze %dma_wait3A_172 : memref<1x128x32xf32, #tpu.memory_space<vmem>> -> memref<128x32xf32, #tpu.memory_space<vmem>>
        %dma_wait3A_174 = arith.constant 0 : i32
        %dma_wait3A_175 = tpu.memref_slice %arg11[%dma_wait3A_168, %dma_wait3A_174] : memref<21x128xi32, #tpu.memory_space<vmem>> -> memref<1x128xi32, #tpu.memory_space<vmem>>
        %dma_wait3A_176 = tpu.memref_squeeze %dma_wait3A_175 : memref<1x128xi32, #tpu.memory_space<vmem>> -> memref<128xi32, #tpu.memory_space<vmem>>
        %dma_wait3A_177 = arith.constant 0 : i32
        %dma_wait3A_178 = arith.constant 0 : i32
        %dma_wait3A_179 = tpu.memref_slice %arg13[%dma_wait3A_177, %dma_wait3A_178] : memref<50048x32xf32, #tpu.memory_space<vmem_shared>> -> memref<50048x32xf32, #tpu.memory_space<vmem_shared>>
        %dma_wait3A_180 = tpu.memref_slice %arg15[%dma_wait3A_169] : memref<6x!tpu.dma_semaphore, #tpu.memory_space<semaphore_mem>> -> memref<1x!tpu.dma_semaphore, #tpu.memory_space<semaphore_mem>>
        %dma_wait3A_181 = tpu.memref_squeeze %dma_wait3A_180 : memref<1x!tpu.dma_semaphore, #tpu.memory_space<semaphore_mem>> -> memref<!tpu.dma_semaphore, #tpu.memory_space<semaphore_mem>>
        tpu.wait_indirect_dma semaphore(%dma_wait3A_181 : memref<!tpu.dma_semaphore, #tpu.memory_space<semaphore_mem>>) src(%dma_wait3A_173 : memref<128x32xf32, #tpu.memory_space<vmem>>) dst(%dma_wait3A_179 : memref<50048x32xf32, #tpu.memory_space<vmem_shared>>)
        %dma_wait3A_182 = arith.constant 3 : i32
        %dma_wait3A_183 = arith.constant 0 : i32
        %dma_wait3A_184 = arith.constant 3 : i32
        %dma_wait3A_185 = arith.constant 0 : i32
        %dma_wait3A_186 = arith.constant 0 : i32
        %dma_wait3A_187 = tpu.memref_slice %arg12[%dma_wait3A_182, %dma_wait3A_185, %dma_wait3A_186] : memref<6x128x32xf32, #tpu.memory_space<vmem>> -> memref<1x128x32xf32, #tpu.memory_space<vmem>>
        %dma_wait3A_188 = tpu.memref_squeeze %dma_wait3A_187 : memref<1x128x32xf32, #tpu.memory_space<vmem>> -> memref<128x32xf32, #tpu.memory_space<vmem>>
        %dma_wait3A_189 = arith.constant 0 : i32
        %dma_wait3A_190 = tpu.memref_slice %arg11[%dma_wait3A_183, %dma_wait3A_189] : memref<21x128xi32, #tpu.memory_space<vmem>> -> memref<1x128xi32, #tpu.memory_space<vmem>>
        %dma_wait3A_191 = tpu.memref_squeeze %dma_wait3A_190 : memref<1x128xi32, #tpu.memory_space<vmem>> -> memref<128xi32, #tpu.memory_space<vmem>>
        %dma_wait3A_192 = arith.constant 0 : i32
        %dma_wait3A_193 = arith.constant 0 : i32
        %dma_wait3A_194 = tpu.memref_slice %arg13[%dma_wait3A_192, %dma_wait3A_193] : memref<50048x32xf32, #tpu.memory_space<vmem_shared>> -> memref<50048x32xf32, #tpu.memory_space<vmem_shared>>
        %dma_wait3A_195 = tpu.memref_slice %arg15[%dma_wait3A_184] : memref<6x!tpu.dma_semaphore, #tpu.memory_space<semaphore_mem>> -> memref<1x!tpu.dma_semaphore, #tpu.memory_space<semaphore_mem>>
        %dma_wait3A_196 = tpu.memref_squeeze %dma_wait3A_195 : memref<1x!tpu.dma_semaphore, #tpu.memory_space<semaphore_mem>> -> memref<!tpu.dma_semaphore, #tpu.memory_space<semaphore_mem>>
        tpu.wait_indirect_dma semaphore(%dma_wait3A_196 : memref<!tpu.dma_semaphore, #tpu.memory_space<semaphore_mem>>) src(%dma_wait3A_188 : memref<128x32xf32, #tpu.memory_space<vmem>>) dst(%dma_wait3A_194 : memref<50048x32xf32, #tpu.memory_space<vmem_shared>>)
        %dma_wait3A_197 = arith.constant 4 : i32
        %dma_wait3A_198 = arith.constant 0 : i32
        %dma_wait3A_199 = arith.constant 4 : i32
        %dma_wait3A_200 = arith.constant 0 : i32
        %dma_wait3A_201 = arith.constant 0 : i32
        %dma_wait3A_202 = tpu.memref_slice %arg12[%dma_wait3A_197, %dma_wait3A_200, %dma_wait3A_201] : memref<6x128x32xf32, #tpu.memory_space<vmem>> -> memref<1x128x32xf32, #tpu.memory_space<vmem>>
        %dma_wait3A_203 = tpu.memref_squeeze %dma_wait3A_202 : memref<1x128x32xf32, #tpu.memory_space<vmem>> -> memref<128x32xf32, #tpu.memory_space<vmem>>
        %dma_wait3A_204 = arith.constant 0 : i32
        %dma_wait3A_205 = tpu.memref_slice %arg11[%dma_wait3A_198, %dma_wait3A_204] : memref<21x128xi32, #tpu.memory_space<vmem>> -> memref<1x128xi32, #tpu.memory_space<vmem>>
        %dma_wait3A_206 = tpu.memref_squeeze %dma_wait3A_205 : memref<1x128xi32, #tpu.memory_space<vmem>> -> memref<128xi32, #tpu.memory_space<vmem>>
        %dma_wait3A_207 = arith.constant 0 : i32
        %dma_wait3A_208 = arith.constant 0 : i32
        %dma_wait3A_209 = tpu.memref_slice %arg13[%dma_wait3A_207, %dma_wait3A_208] : memref<50048x32xf32, #tpu.memory_space<vmem_shared>> -> memref<50048x32xf32, #tpu.memory_space<vmem_shared>>
        %dma_wait3A_210 = tpu.memref_slice %arg15[%dma_wait3A_199] : memref<6x!tpu.dma_semaphore, #tpu.memory_space<semaphore_mem>> -> memref<1x!tpu.dma_semaphore, #tpu.memory_space<semaphore_mem>>
        %dma_wait3A_211 = tpu.memref_squeeze %dma_wait3A_210 : memref<1x!tpu.dma_semaphore, #tpu.memory_space<semaphore_mem>> -> memref<!tpu.dma_semaphore, #tpu.memory_space<semaphore_mem>>
        tpu.wait_indirect_dma semaphore(%dma_wait3A_211 : memref<!tpu.dma_semaphore, #tpu.memory_space<semaphore_mem>>) src(%dma_wait3A_203 : memref<128x32xf32, #tpu.memory_space<vmem>>) dst(%dma_wait3A_209 : memref<50048x32xf32, #tpu.memory_space<vmem_shared>>)
        %dma_wait3A_212 = arith.constant 5 : i32
        %dma_wait3A_213 = arith.constant 0 : i32
        %dma_wait3A_214 = arith.constant 5 : i32
        %dma_wait3A_215 = arith.constant 0 : i32
        %dma_wait3A_216 = arith.constant 0 : i32
        %dma_wait3A_217 = tpu.memref_slice %arg12[%dma_wait3A_212, %dma_wait3A_215, %dma_wait3A_216] : memref<6x128x32xf32, #tpu.memory_space<vmem>> -> memref<1x128x32xf32, #tpu.memory_space<vmem>>
        %dma_wait3A_218 = tpu.memref_squeeze %dma_wait3A_217 : memref<1x128x32xf32, #tpu.memory_space<vmem>> -> memref<128x32xf32, #tpu.memory_space<vmem>>
        %dma_wait3A_219 = arith.constant 0 : i32
        %dma_wait3A_220 = tpu.memref_slice %arg11[%dma_wait3A_213, %dma_wait3A_219] : memref<21x128xi32, #tpu.memory_space<vmem>> -> memref<1x128xi32, #tpu.memory_space<vmem>>
        %dma_wait3A_221 = tpu.memref_squeeze %dma_wait3A_220 : memref<1x128xi32, #tpu.memory_space<vmem>> -> memref<128xi32, #tpu.memory_space<vmem>>
        %dma_wait3A_222 = arith.constant 0 : i32
        %dma_wait3A_223 = arith.constant 0 : i32
        %dma_wait3A_224 = tpu.memref_slice %arg13[%dma_wait3A_222, %dma_wait3A_223] : memref<50048x32xf32, #tpu.memory_space<vmem_shared>> -> memref<50048x32xf32, #tpu.memory_space<vmem_shared>>
        %dma_wait3A_225 = tpu.memref_slice %arg15[%dma_wait3A_214] : memref<6x!tpu.dma_semaphore, #tpu.memory_space<semaphore_mem>> -> memref<1x!tpu.dma_semaphore, #tpu.memory_space<semaphore_mem>>
        %dma_wait3A_226 = tpu.memref_squeeze %dma_wait3A_225 : memref<1x!tpu.dma_semaphore, #tpu.memory_space<semaphore_mem>> -> memref<!tpu.dma_semaphore, #tpu.memory_space<semaphore_mem>>
        tpu.wait_indirect_dma semaphore(%dma_wait3A_226 : memref<!tpu.dma_semaphore, #tpu.memory_space<semaphore_mem>>) src(%dma_wait3A_218 : memref<128x32xf32, #tpu.memory_space<vmem>>) dst(%dma_wait3A_224 : memref<50048x32xf32, #tpu.memory_space<vmem_shared>>)
        %scan3A_227 = arith.constant 0 : i32
        scf.yield %scan3A_227 : i32
      }
      %scan3A_46 = arith.constant 7 : i32
      %barrier3A_47 = arith.constant 0 : index
      tpu.barrier barrier_id(%barrier3A_47)
      %mul3A_48 = arith.constant 3128 : i32
      %mul3A_49 = arith.muli %arg1, %mul3A_48 : i32
      %run_scoped3A_50 = arith.constant 0 : i32
      "tpu.region"() ({
        %run_scoped3A_67 = tpu.sem_alloc : memref<!tpu.dma_semaphore, #tpu.memory_space<semaphore_mem>>
        %dma_start3A_68 = arith.constant 64 : i32
        %dma_start3A_69 = tpu.memref_slice %arg9[%run_scoped3A_50, %mul3A_49, %dma_start3A_68] : memref<2x50048x128xf32, #tpu.memory_space<hbm>> -> memref<1x3128x32xf32, #tpu.memory_space<hbm>>
        %dma_start3A_70 = tpu.memref_squeeze %dma_start3A_69 : memref<1x3128x32xf32, #tpu.memory_space<hbm>> -> memref<3128x32xf32, #tpu.memory_space<hbm>>
        %dma_start3A_71 = arith.constant 0 : i32
        %dma_start3A_72 = tpu.memref_slice %arg13[%mul3A_7, %dma_start3A_71] : memref<50048x32xf32, #tpu.memory_space<vmem_shared>> -> memref<3128x32xf32, #tpu.memory_space<vmem_shared>>
        tpu.enqueue_dma source(%dma_start3A_72 : memref<3128x32xf32, #tpu.memory_space<vmem_shared>>) target(%dma_start3A_70 : memref<3128x32xf32, #tpu.memory_space<hbm>>) target_semaphore(%run_scoped3A_67 : memref<!tpu.dma_semaphore, #tpu.memory_space<semaphore_mem>>)
        %dma_wait3A_73 = arith.constant 64 : i32
        %dma_wait3A_74 = tpu.memref_slice %arg9[%run_scoped3A_50, %mul3A_49, %dma_wait3A_73] : memref<2x50048x128xf32, #tpu.memory_space<hbm>> -> memref<1x3128x32xf32, #tpu.memory_space<hbm>>
        %dma_wait3A_75 = tpu.memref_squeeze %dma_wait3A_74 : memref<1x3128x32xf32, #tpu.memory_space<hbm>> -> memref<3128x32xf32, #tpu.memory_space<hbm>>
        %dma_wait3A_76 = arith.constant 0 : i32
        %dma_wait3A_77 = tpu.memref_slice %arg13[%mul3A_7, %dma_wait3A_76] : memref<50048x32xf32, #tpu.memory_space<vmem_shared>> -> memref<3128x32xf32, #tpu.memory_space<vmem_shared>>
        tpu.wait_dma2 semaphore(%run_scoped3A_67 : memref<!tpu.dma_semaphore, #tpu.memory_space<semaphore_mem>>) src(%dma_wait3A_77 : memref<3128x32xf32, #tpu.memory_space<vmem_shared>>) dst(%dma_wait3A_75 : memref<3128x32xf32, #tpu.memory_space<hbm>>)
        tpu.yield
      }) : () -> ()
      %dma_start3A_51 = arith.constant 0 : i32
      %dma_start3A_52 = tpu.memref_slice %arg13[%mul3A_7, %dma_start3A_51] : memref<50048x32xf32, #tpu.memory_space<vmem_shared>> -> memref<3128x32xf32, #tpu.memory_space<vmem_shared>>
      tpu.enqueue_dma source(%arg8 : memref<3128x32xf32, #tpu.memory_space<hbm>>) target(%dma_start3A_52 : memref<3128x32xf32, #tpu.memory_space<vmem_shared>>) target_semaphore(%arg16 : memref<!tpu.dma_semaphore, #tpu.memory_space<semaphore_mem>>)
      %dma_wait3A_53 = arith.constant 0 : i32
      %dma_wait3A_54 = tpu.memref_slice %arg13[%mul3A_7, %dma_wait3A_53] : memref<50048x32xf32, #tpu.memory_space<vmem_shared>> -> memref<3128x32xf32, #tpu.memory_space<vmem_shared>>
      tpu.wait_dma2 semaphore(%arg16 : memref<!tpu.dma_semaphore, #tpu.memory_space<semaphore_mem>>) src(%arg8 : memref<3128x32xf32, #tpu.memory_space<hbm>>) dst(%dma_wait3A_54 : memref<3128x32xf32, #tpu.memory_space<vmem_shared>>)
      %barrier3A_55 = arith.constant 0 : index
      tpu.barrier barrier_id(%barrier3A_55)
      %scan3A_56 = arith.constant 0 : i32
      %scan3A_57 = arith.constant 0 : i32
      %scan3A_58 = arith.constant 7 : i32
      %scan3A_59 = arith.addi %scan3A_57, %scan3A_58 : i32
      %scan3A_60 = arith.constant 1 : i32
      %scan3A_61 = scf.for %scan3A_67 = %scan3A_57 to %scan3A_59 step %scan3A_60 iter_args(%scan3A_68 = %scan3A_56) -> (i32)  : i32 {
        %run_scoped3A_69 = arith.constant 3 : i32
        "tpu.region"() ({
          %run_scoped3A_228 = tpu.sem_alloc : memref<!tpu.dma_semaphore, #tpu.memory_space<semaphore_mem>>
          %dma_start3A_229 = arith.constant 0 : i32
          %dma_start3A_230 = arith.constant 0 : i32
          %dma_start3A_231 = tpu.memref_slice %arg4[%run_scoped3A_69, %arg1, %scan3A_67, %dma_start3A_229, %dma_start3A_230] : memref<4x16x7x21x128xi32, #tpu.memory_space<hbm>> -> memref<1x1x1x21x128xi32, #tpu.memory_space<hbm>>
          %dma_start3A_232 = tpu.memref_squeeze %dma_start3A_231 : memref<1x1x1x21x128xi32, #tpu.memory_space<hbm>> -> memref<21x128xi32, #tpu.memory_space<hbm>>
          %dma_start3A_233 = arith.constant 0 : i32
          %dma_start3A_234 = arith.constant 0 : i32
          %dma_start3A_235 = tpu.memref_slice %arg4[%run_scoped3A_69, %arg1, %scan3A_67, %dma_start3A_233, %dma_start3A_234] : memref<4x16x7x21x128xi32, #tpu.memory_space<hbm>> -> memref<1x1x1x21x128xi32, #tpu.memory_space<hbm>>
          %dma_start3A_236 = tpu.memref_squeeze %dma_start3A_235 : memref<1x1x1x21x128xi32, #tpu.memory_space<hbm>> -> memref<21x128xi32, #tpu.memory_space<hbm>>
          tpu.enqueue_dma source(%dma_start3A_236 : memref<21x128xi32, #tpu.memory_space<hbm>>) target(%arg10 : memref<21x128xi32, #tpu.memory_space<vmem>>) target_semaphore(%run_scoped3A_228 : memref<!tpu.dma_semaphore, #tpu.memory_space<semaphore_mem>>)
          %dma_wait3A_237 = arith.constant 0 : i32
          %dma_wait3A_238 = arith.constant 0 : i32
          %dma_wait3A_239 = tpu.memref_slice %arg4[%run_scoped3A_69, %arg1, %scan3A_67, %dma_wait3A_237, %dma_wait3A_238] : memref<4x16x7x21x128xi32, #tpu.memory_space<hbm>> -> memref<1x1x1x21x128xi32, #tpu.memory_space<hbm>>
          %dma_wait3A_240 = tpu.memref_squeeze %dma_wait3A_239 : memref<1x1x1x21x128xi32, #tpu.memory_space<hbm>> -> memref<21x128xi32, #tpu.memory_space<hbm>>
          %dma_wait3A_241 = arith.constant 0 : i32
          %dma_wait3A_242 = arith.constant 0 : i32
          %dma_wait3A_243 = tpu.memref_slice %arg4[%run_scoped3A_69, %arg1, %scan3A_67, %dma_wait3A_241, %dma_wait3A_242] : memref<4x16x7x21x128xi32, #tpu.memory_space<hbm>> -> memref<1x1x1x21x128xi32, #tpu.memory_space<hbm>>
          %dma_wait3A_244 = tpu.memref_squeeze %dma_wait3A_243 : memref<1x1x1x21x128xi32, #tpu.memory_space<hbm>> -> memref<21x128xi32, #tpu.memory_space<hbm>>
          tpu.wait_dma2 semaphore(%run_scoped3A_228 : memref<!tpu.dma_semaphore, #tpu.memory_space<semaphore_mem>>) src(%dma_wait3A_244 : memref<21x128xi32, #tpu.memory_space<hbm>>) dst(%arg10 : memref<21x128xi32, #tpu.memory_space<vmem>>)
          tpu.yield
        }) : () -> ()
        "tpu.region"() ({
          %run_scoped3A_228 = tpu.sem_alloc : memref<!tpu.dma_semaphore, #tpu.memory_space<semaphore_mem>>
          %dma_start3A_229 = arith.constant 0 : i32
          %dma_start3A_230 = arith.constant 0 : i32
          %dma_start3A_231 = tpu.memref_slice %arg5[%arg1, %scan3A_67, %dma_start3A_229, %dma_start3A_230] : memref<16x7x21x128xi32, #tpu.memory_space<hbm>> -> memref<1x1x21x128xi32, #tpu.memory_space<hbm>>
          %dma_start3A_232 = tpu.memref_squeeze %dma_start3A_231 : memref<1x1x21x128xi32, #tpu.memory_space<hbm>> -> memref<21x128xi32, #tpu.memory_space<hbm>>
          %dma_start3A_233 = arith.constant 0 : i32
          %dma_start3A_234 = arith.constant 0 : i32
          %dma_start3A_235 = tpu.memref_slice %arg5[%arg1, %scan3A_67, %dma_start3A_233, %dma_start3A_234] : memref<16x7x21x128xi32, #tpu.memory_space<hbm>> -> memref<1x1x21x128xi32, #tpu.memory_space<hbm>>
          %dma_start3A_236 = tpu.memref_squeeze %dma_start3A_235 : memref<1x1x21x128xi32, #tpu.memory_space<hbm>> -> memref<21x128xi32, #tpu.memory_space<hbm>>
          tpu.enqueue_dma source(%dma_start3A_236 : memref<21x128xi32, #tpu.memory_space<hbm>>) target(%arg11 : memref<21x128xi32, #tpu.memory_space<vmem>>) target_semaphore(%run_scoped3A_228 : memref<!tpu.dma_semaphore, #tpu.memory_space<semaphore_mem>>)
          %dma_wait3A_237 = arith.constant 0 : i32
          %dma_wait3A_238 = arith.constant 0 : i32
          %dma_wait3A_239 = tpu.memref_slice %arg5[%arg1, %scan3A_67, %dma_wait3A_237, %dma_wait3A_238] : memref<16x7x21x128xi32, #tpu.memory_space<hbm>> -> memref<1x1x21x128xi32, #tpu.memory_space<hbm>>
          %dma_wait3A_240 = tpu.memref_squeeze %dma_wait3A_239 : memref<1x1x21x128xi32, #tpu.memory_space<hbm>> -> memref<21x128xi32, #tpu.memory_space<hbm>>
          %dma_wait3A_241 = arith.constant 0 : i32
          %dma_wait3A_242 = arith.constant 0 : i32
          %dma_wait3A_243 = tpu.memref_slice %arg5[%arg1, %scan3A_67, %dma_wait3A_241, %dma_wait3A_242] : memref<16x7x21x128xi32, #tpu.memory_space<hbm>> -> memref<1x1x21x128xi32, #tpu.memory_space<hbm>>
          %dma_wait3A_244 = tpu.memref_squeeze %dma_wait3A_243 : memref<1x1x21x128xi32, #tpu.memory_space<hbm>> -> memref<21x128xi32, #tpu.memory_space<hbm>>
          tpu.wait_dma2 semaphore(%run_scoped3A_228 : memref<!tpu.dma_semaphore, #tpu.memory_space<semaphore_mem>>) src(%dma_wait3A_244 : memref<21x128xi32, #tpu.memory_space<hbm>>) dst(%arg11 : memref<21x128xi32, #tpu.memory_space<vmem>>)
          tpu.yield
        }) : () -> ()
        %dma_start3A_70 = arith.constant 0 : i32
        %dma_start3A_71 = arith.constant 0 : i32
        %dma_start3A_72 = arith.constant 0 : i32
        %dma_start3A_73 = arith.constant 0 : i32
        %dma_start3A_74 = arith.constant 0 : i32
        %dma_start3A_75 = tpu.memref_slice %arg12[%dma_start3A_71, %dma_start3A_73, %dma_start3A_74] : memref<6x128x32xf32, #tpu.memory_space<vmem>> -> memref<1x128x32xf32, #tpu.memory_space<vmem>>
        %dma_start3A_76 = tpu.memref_squeeze %dma_start3A_75 : memref<1x128x32xf32, #tpu.memory_space<vmem>> -> memref<128x32xf32, #tpu.memory_space<vmem>>
        %dma_start3A_77 = arith.constant 0 : i32
        %dma_start3A_78 = tpu.memref_slice %arg10[%dma_start3A_70, %dma_start3A_77] : memref<21x128xi32, #tpu.memory_space<vmem>> -> memref<1x128xi32, #tpu.memory_space<vmem>>
        %dma_start3A_79 = tpu.memref_squeeze %dma_start3A_78 : memref<1x128xi32, #tpu.memory_space<vmem>> -> memref<128xi32, #tpu.memory_space<vmem>>
        %dma_start3A_80 = arith.constant 0 : i32
        %dma_start3A_81 = arith.constant 0 : i32
        %dma_start3A_82 = tpu.memref_slice %arg2[%dma_start3A_80, %dma_start3A_81] : memref<200000x32xf32, #tpu.memory_space<hbm>> -> memref<200000x32xf32, #tpu.memory_space<hbm>>
        %dma_start3A_83 = tpu.memref_slice %arg14[%dma_start3A_72] : memref<6x!tpu.dma_semaphore, #tpu.memory_space<semaphore_mem>> -> memref<1x!tpu.dma_semaphore, #tpu.memory_space<semaphore_mem>>
        %dma_start3A_84 = tpu.memref_squeeze %dma_start3A_83 : memref<1x!tpu.dma_semaphore, #tpu.memory_space<semaphore_mem>> -> memref<!tpu.dma_semaphore, #tpu.memory_space<semaphore_mem>>
        tpu.enqueue_indirect_dma source(%dma_start3A_82 : memref<200000x32xf32, #tpu.memory_space<hbm>>) target(%dma_start3A_76 : memref<128x32xf32, #tpu.memory_space<vmem>>) offsets(%dma_start3A_79 : memref<128xi32, #tpu.memory_space<vmem>>) semaphore(%dma_start3A_84 : memref<!tpu.dma_semaphore, #tpu.memory_space<semaphore_mem>>)
        %dma_start3A_85 = arith.constant 1 : i32
        %dma_start3A_86 = arith.constant 1 : i32
        %dma_start3A_87 = arith.constant 1 : i32
        %dma_start3A_88 = arith.constant 0 : i32
        %dma_start3A_89 = arith.constant 0 : i32
        %dma_start3A_90 = tpu.memref_slice %arg12[%dma_start3A_86, %dma_start3A_88, %dma_start3A_89] : memref<6x128x32xf32, #tpu.memory_space<vmem>> -> memref<1x128x32xf32, #tpu.memory_space<vmem>>
        %dma_start3A_91 = tpu.memref_squeeze %dma_start3A_90 : memref<1x128x32xf32, #tpu.memory_space<vmem>> -> memref<128x32xf32, #tpu.memory_space<vmem>>
        %dma_start3A_92 = arith.constant 0 : i32
        %dma_start3A_93 = tpu.memref_slice %arg10[%dma_start3A_85, %dma_start3A_92] : memref<21x128xi32, #tpu.memory_space<vmem>> -> memref<1x128xi32, #tpu.memory_space<vmem>>
        %dma_start3A_94 = tpu.memref_squeeze %dma_start3A_93 : memref<1x128xi32, #tpu.memory_space<vmem>> -> memref<128xi32, #tpu.memory_space<vmem>>
        %dma_start3A_95 = arith.constant 0 : i32
        %dma_start3A_96 = arith.constant 0 : i32
        %dma_start3A_97 = tpu.memref_slice %arg2[%dma_start3A_95, %dma_start3A_96] : memref<200000x32xf32, #tpu.memory_space<hbm>> -> memref<200000x32xf32, #tpu.memory_space<hbm>>
        %dma_start3A_98 = tpu.memref_slice %arg14[%dma_start3A_87] : memref<6x!tpu.dma_semaphore, #tpu.memory_space<semaphore_mem>> -> memref<1x!tpu.dma_semaphore, #tpu.memory_space<semaphore_mem>>
        %dma_start3A_99 = tpu.memref_squeeze %dma_start3A_98 : memref<1x!tpu.dma_semaphore, #tpu.memory_space<semaphore_mem>> -> memref<!tpu.dma_semaphore, #tpu.memory_space<semaphore_mem>>
        tpu.enqueue_indirect_dma source(%dma_start3A_97 : memref<200000x32xf32, #tpu.memory_space<hbm>>) target(%dma_start3A_91 : memref<128x32xf32, #tpu.memory_space<vmem>>) offsets(%dma_start3A_94 : memref<128xi32, #tpu.memory_space<vmem>>) semaphore(%dma_start3A_99 : memref<!tpu.dma_semaphore, #tpu.memory_space<semaphore_mem>>)
        %dma_start3A_100 = arith.constant 2 : i32
        %dma_start3A_101 = arith.constant 2 : i32
        %dma_start3A_102 = arith.constant 2 : i32
        %dma_start3A_103 = arith.constant 0 : i32
        %dma_start3A_104 = arith.constant 0 : i32
        %dma_start3A_105 = tpu.memref_slice %arg12[%dma_start3A_101, %dma_start3A_103, %dma_start3A_104] : memref<6x128x32xf32, #tpu.memory_space<vmem>> -> memref<1x128x32xf32, #tpu.memory_space<vmem>>
        %dma_start3A_106 = tpu.memref_squeeze %dma_start3A_105 : memref<1x128x32xf32, #tpu.memory_space<vmem>> -> memref<128x32xf32, #tpu.memory_space<vmem>>
        %dma_start3A_107 = arith.constant 0 : i32
        %dma_start3A_108 = tpu.memref_slice %arg10[%dma_start3A_100, %dma_start3A_107] : memref<21x128xi32, #tpu.memory_space<vmem>> -> memref<1x128xi32, #tpu.memory_space<vmem>>
        %dma_start3A_109 = tpu.memref_squeeze %dma_start3A_108 : memref<1x128xi32, #tpu.memory_space<vmem>> -> memref<128xi32, #tpu.memory_space<vmem>>
        %dma_start3A_110 = arith.constant 0 : i32
        %dma_start3A_111 = arith.constant 0 : i32
        %dma_start3A_112 = tpu.memref_slice %arg2[%dma_start3A_110, %dma_start3A_111] : memref<200000x32xf32, #tpu.memory_space<hbm>> -> memref<200000x32xf32, #tpu.memory_space<hbm>>
        %dma_start3A_113 = tpu.memref_slice %arg14[%dma_start3A_102] : memref<6x!tpu.dma_semaphore, #tpu.memory_space<semaphore_mem>> -> memref<1x!tpu.dma_semaphore, #tpu.memory_space<semaphore_mem>>
        %dma_start3A_114 = tpu.memref_squeeze %dma_start3A_113 : memref<1x!tpu.dma_semaphore, #tpu.memory_space<semaphore_mem>> -> memref<!tpu.dma_semaphore, #tpu.memory_space<semaphore_mem>>
        tpu.enqueue_indirect_dma source(%dma_start3A_112 : memref<200000x32xf32, #tpu.memory_space<hbm>>) target(%dma_start3A_106 : memref<128x32xf32, #tpu.memory_space<vmem>>) offsets(%dma_start3A_109 : memref<128xi32, #tpu.memory_space<vmem>>) semaphore(%dma_start3A_114 : memref<!tpu.dma_semaphore, #tpu.memory_space<semaphore_mem>>)
        %dma_start3A_115 = arith.constant 3 : i32
        %dma_start3A_116 = arith.constant 3 : i32
        %dma_start3A_117 = arith.constant 3 : i32
        %dma_start3A_118 = arith.constant 0 : i32
        %dma_start3A_119 = arith.constant 0 : i32
        %dma_start3A_120 = tpu.memref_slice %arg12[%dma_start3A_116, %dma_start3A_118, %dma_start3A_119] : memref<6x128x32xf32, #tpu.memory_space<vmem>> -> memref<1x128x32xf32, #tpu.memory_space<vmem>>
        %dma_start3A_121 = tpu.memref_squeeze %dma_start3A_120 : memref<1x128x32xf32, #tpu.memory_space<vmem>> -> memref<128x32xf32, #tpu.memory_space<vmem>>
        %dma_start3A_122 = arith.constant 0 : i32
        %dma_start3A_123 = tpu.memref_slice %arg10[%dma_start3A_115, %dma_start3A_122] : memref<21x128xi32, #tpu.memory_space<vmem>> -> memref<1x128xi32, #tpu.memory_space<vmem>>
        %dma_start3A_124 = tpu.memref_squeeze %dma_start3A_123 : memref<1x128xi32, #tpu.memory_space<vmem>> -> memref<128xi32, #tpu.memory_space<vmem>>
        %dma_start3A_125 = arith.constant 0 : i32
        %dma_start3A_126 = arith.constant 0 : i32
        %dma_start3A_127 = tpu.memref_slice %arg2[%dma_start3A_125, %dma_start3A_126] : memref<200000x32xf32, #tpu.memory_space<hbm>> -> memref<200000x32xf32, #tpu.memory_space<hbm>>
        %dma_start3A_128 = tpu.memref_slice %arg14[%dma_start3A_117] : memref<6x!tpu.dma_semaphore, #tpu.memory_space<semaphore_mem>> -> memref<1x!tpu.dma_semaphore, #tpu.memory_space<semaphore_mem>>
        %dma_start3A_129 = tpu.memref_squeeze %dma_start3A_128 : memref<1x!tpu.dma_semaphore, #tpu.memory_space<semaphore_mem>> -> memref<!tpu.dma_semaphore, #tpu.memory_space<semaphore_mem>>
        tpu.enqueue_indirect_dma source(%dma_start3A_127 : memref<200000x32xf32, #tpu.memory_space<hbm>>) target(%dma_start3A_121 : memref<128x32xf32, #tpu.memory_space<vmem>>) offsets(%dma_start3A_124 : memref<128xi32, #tpu.memory_space<vmem>>) semaphore(%dma_start3A_129 : memref<!tpu.dma_semaphore, #tpu.memory_space<semaphore_mem>>)
        %scan3A_130 = arith.constant 0 : i32
        %scan3A_131 = arith.constant 0 : i32
        %scan3A_132 = arith.constant 21 : i32
        %scan3A_133 = arith.addi %scan3A_131, %scan3A_132 : i32
        %scan3A_134 = arith.constant 1 : i32
        %scan3A_135 = scf.for %scan3A_228 = %scan3A_131 to %scan3A_133 step %scan3A_134 iter_args(%scan3A_229 = %scan3A_130) -> (i32)  : i32 {
          %rem3A = arith.constant 6 : i32
          %rem3A_230 = arith.remsi %scan3A_228, %rem3A : i32
          %dma_wait3A_231 = arith.constant 0 : i32
          %dma_wait3A_232 = arith.constant 0 : i32
          %dma_wait3A_233 = tpu.memref_slice %arg12[%rem3A_230, %dma_wait3A_231, %dma_wait3A_232] : memref<6x128x32xf32, #tpu.memory_space<vmem>> -> memref<1x128x32xf32, #tpu.memory_space<vmem>>
          %dma_wait3A_234 = tpu.memref_squeeze %dma_wait3A_233 : memref<1x128x32xf32, #tpu.memory_space<vmem>> -> memref<128x32xf32, #tpu.memory_space<vmem>>
          %dma_wait3A_235 = arith.constant 0 : i32
          %dma_wait3A_236 = tpu.memref_slice %arg10[%scan3A_228, %dma_wait3A_235] : memref<21x128xi32, #tpu.memory_space<vmem>> -> memref<1x128xi32, #tpu.memory_space<vmem>>
          %dma_wait3A_237 = tpu.memref_squeeze %dma_wait3A_236 : memref<1x128xi32, #tpu.memory_space<vmem>> -> memref<128xi32, #tpu.memory_space<vmem>>
          %dma_wait3A_238 = arith.constant 0 : i32
          %dma_wait3A_239 = arith.constant 0 : i32
          %dma_wait3A_240 = tpu.memref_slice %arg2[%dma_wait3A_238, %dma_wait3A_239] : memref<200000x32xf32, #tpu.memory_space<hbm>> -> memref<200000x32xf32, #tpu.memory_space<hbm>>
          %dma_wait3A_241 = tpu.memref_slice %arg14[%rem3A_230] : memref<6x!tpu.dma_semaphore, #tpu.memory_space<semaphore_mem>> -> memref<1x!tpu.dma_semaphore, #tpu.memory_space<semaphore_mem>>
          %dma_wait3A_242 = tpu.memref_squeeze %dma_wait3A_241 : memref<1x!tpu.dma_semaphore, #tpu.memory_space<semaphore_mem>> -> memref<!tpu.dma_semaphore, #tpu.memory_space<semaphore_mem>>
          tpu.wait_indirect_dma semaphore(%dma_wait3A_242 : memref<!tpu.dma_semaphore, #tpu.memory_space<semaphore_mem>>) src(%dma_wait3A_240 : memref<200000x32xf32, #tpu.memory_space<hbm>>) dst(%dma_wait3A_234 : memref<128x32xf32, #tpu.memory_space<vmem>>)
          %dma_start3A_243 = arith.constant 0 : i32
          %dma_start3A_244 = arith.constant 0 : i32
          %dma_start3A_245 = tpu.memref_slice %arg12[%rem3A_230, %dma_start3A_243, %dma_start3A_244] : memref<6x128x32xf32, #tpu.memory_space<vmem>> -> memref<1x128x32xf32, #tpu.memory_space<vmem>>
          %dma_start3A_246 = tpu.memref_squeeze %dma_start3A_245 : memref<1x128x32xf32, #tpu.memory_space<vmem>> -> memref<128x32xf32, #tpu.memory_space<vmem>>
          %dma_start3A_247 = arith.constant 0 : i32
          %dma_start3A_248 = tpu.memref_slice %arg11[%scan3A_228, %dma_start3A_247] : memref<21x128xi32, #tpu.memory_space<vmem>> -> memref<1x128xi32, #tpu.memory_space<vmem>>
          %dma_start3A_249 = tpu.memref_squeeze %dma_start3A_248 : memref<1x128xi32, #tpu.memory_space<vmem>> -> memref<128xi32, #tpu.memory_space<vmem>>
          %dma_start3A_250 = arith.constant 0 : i32
          %dma_start3A_251 = arith.constant 0 : i32
          %dma_start3A_252 = tpu.memref_slice %arg13[%dma_start3A_250, %dma_start3A_251] : memref<50048x32xf32, #tpu.memory_space<vmem_shared>> -> memref<50048x32xf32, #tpu.memory_space<vmem_shared>>
          %dma_start3A_253 = tpu.memref_slice %arg15[%rem3A_230] : memref<6x!tpu.dma_semaphore, #tpu.memory_space<semaphore_mem>> -> memref<1x!tpu.dma_semaphore, #tpu.memory_space<semaphore_mem>>
          %dma_start3A_254 = tpu.memref_squeeze %dma_start3A_253 : memref<1x!tpu.dma_semaphore, #tpu.memory_space<semaphore_mem>> -> memref<!tpu.dma_semaphore, #tpu.memory_space<semaphore_mem>>
          tpu.enqueue_indirect_dma source(%dma_start3A_246 : memref<128x32xf32, #tpu.memory_space<vmem>>) target(%dma_start3A_252 : memref<50048x32xf32, #tpu.memory_space<vmem_shared>>) offsets(%dma_start3A_249 : memref<128xi32, #tpu.memory_space<vmem>>) semaphore(%dma_start3A_254 : memref<!tpu.dma_semaphore, #tpu.memory_space<semaphore_mem>>) {add = true}
          %add3A = arith.constant 4 : i32
          %add3A_255 = arith.addi %scan3A_228, %add3A : i32
          %lt3A = arith.constant 21 : i32
          %lt3A_256 = arith.cmpi slt, %add3A_255, %lt3A : i32
          %convert_element_type3A_257 = arith.extui %lt3A_256 : i1 to i32
          %cond3A_258 = arith.constant 0 : i32
          %cond3A_259 = arith.cmpi ne, %convert_element_type3A_257, %cond3A_258 : i32
          scf.if %cond3A_259 {
            %add3A_261 = arith.constant 4 : i32
            %add3A_262 = arith.addi %scan3A_228, %add3A_261 : i32
            %rem3A_263 = arith.constant 6 : i32
            %rem3A_264 = arith.remsi %add3A_262, %rem3A_263 : i32
            %ge3A = arith.constant 2 : i32
            %ge3A_265 = arith.cmpi sge, %scan3A_228, %ge3A : i32
            %convert_element_type3A_266 = arith.extui %ge3A_265 : i1 to i32
            %cond3A_267 = arith.constant 0 : i32
            %cond3A_268 = arith.cmpi ne, %convert_element_type3A_266, %cond3A_267 : i32
            scf.if %cond3A_268 {
              %dma_wait3A_283 = arith.constant 0 : i32
              %dma_wait3A_284 = arith.constant 0 : i32
              %dma_wait3A_285 = tpu.memref_slice %arg12[%rem3A_264, %dma_wait3A_283, %dma_wait3A_284] : memref<6x128x32xf32, #tpu.memory_space<vmem>> -> memref<1x128x32xf32, #tpu.memory_space<vmem>>
              %dma_wait3A_286 = tpu.memref_squeeze %dma_wait3A_285 : memref<1x128x32xf32, #tpu.memory_space<vmem>> -> memref<128x32xf32, #tpu.memory_space<vmem>>
              %dma_wait3A_287 = arith.constant 0 : i32
              %dma_wait3A_288 = tpu.memref_slice %arg11[%scan3A_228, %dma_wait3A_287] : memref<21x128xi32, #tpu.memory_space<vmem>> -> memref<1x128xi32, #tpu.memory_space<vmem>>
              %dma_wait3A_289 = tpu.memref_squeeze %dma_wait3A_288 : memref<1x128xi32, #tpu.memory_space<vmem>> -> memref<128xi32, #tpu.memory_space<vmem>>
              %dma_wait3A_290 = arith.constant 0 : i32
              %dma_wait3A_291 = arith.constant 0 : i32
              %dma_wait3A_292 = tpu.memref_slice %arg13[%dma_wait3A_290, %dma_wait3A_291] : memref<50048x32xf32, #tpu.memory_space<vmem_shared>> -> memref<50048x32xf32, #tpu.memory_space<vmem_shared>>
              %dma_wait3A_293 = tpu.memref_slice %arg15[%rem3A_264] : memref<6x!tpu.dma_semaphore, #tpu.memory_space<semaphore_mem>> -> memref<1x!tpu.dma_semaphore, #tpu.memory_space<semaphore_mem>>
              %dma_wait3A_294 = tpu.memref_squeeze %dma_wait3A_293 : memref<1x!tpu.dma_semaphore, #tpu.memory_space<semaphore_mem>> -> memref<!tpu.dma_semaphore, #tpu.memory_space<semaphore_mem>>
              tpu.wait_indirect_dma semaphore(%dma_wait3A_294 : memref<!tpu.dma_semaphore, #tpu.memory_space<semaphore_mem>>) src(%dma_wait3A_286 : memref<128x32xf32, #tpu.memory_space<vmem>>) dst(%dma_wait3A_292 : memref<50048x32xf32, #tpu.memory_space<vmem_shared>>)
            } else {
            }
            %add3A_269 = arith.constant 4 : i32
            %add3A_270 = arith.addi %scan3A_228, %add3A_269 : i32
            %dma_start3A_271 = arith.constant 0 : i32
            %dma_start3A_272 = arith.constant 0 : i32
            %dma_start3A_273 = tpu.memref_slice %arg12[%rem3A_264, %dma_start3A_271, %dma_start3A_272] : memref<6x128x32xf32, #tpu.memory_space<vmem>> -> memref<1x128x32xf32, #tpu.memory_space<vmem>>
            %dma_start3A_274 = tpu.memref_squeeze %dma_start3A_273 : memref<1x128x32xf32, #tpu.memory_space<vmem>> -> memref<128x32xf32, #tpu.memory_space<vmem>>
            %dma_start3A_275 = arith.constant 0 : i32
            %dma_start3A_276 = tpu.memref_slice %arg10[%add3A_270, %dma_start3A_275] : memref<21x128xi32, #tpu.memory_space<vmem>> -> memref<1x128xi32, #tpu.memory_space<vmem>>
            %dma_start3A_277 = tpu.memref_squeeze %dma_start3A_276 : memref<1x128xi32, #tpu.memory_space<vmem>> -> memref<128xi32, #tpu.memory_space<vmem>>
            %dma_start3A_278 = arith.constant 0 : i32
            %dma_start3A_279 = arith.constant 0 : i32
            %dma_start3A_280 = tpu.memref_slice %arg2[%dma_start3A_278, %dma_start3A_279] : memref<200000x32xf32, #tpu.memory_space<hbm>> -> memref<200000x32xf32, #tpu.memory_space<hbm>>
            %dma_start3A_281 = tpu.memref_slice %arg14[%rem3A_264] : memref<6x!tpu.dma_semaphore, #tpu.memory_space<semaphore_mem>> -> memref<1x!tpu.dma_semaphore, #tpu.memory_space<semaphore_mem>>
            %dma_start3A_282 = tpu.memref_squeeze %dma_start3A_281 : memref<1x!tpu.dma_semaphore, #tpu.memory_space<semaphore_mem>> -> memref<!tpu.dma_semaphore, #tpu.memory_space<semaphore_mem>>
            tpu.enqueue_indirect_dma source(%dma_start3A_280 : memref<200000x32xf32, #tpu.memory_space<hbm>>) target(%dma_start3A_274 : memref<128x32xf32, #tpu.memory_space<vmem>>) offsets(%dma_start3A_277 : memref<128xi32, #tpu.memory_space<vmem>>) semaphore(%dma_start3A_282 : memref<!tpu.dma_semaphore, #tpu.memory_space<semaphore_mem>>)
          } else {
          }
          %scan3A_260 = arith.constant 0 : i32
          scf.yield %scan3A_260 : i32
        }
        %scan3A_136 = arith.constant 21 : i32
        %dma_wait3A_137 = arith.constant 0 : i32
        %dma_wait3A_138 = arith.constant 0 : i32
        %dma_wait3A_139 = arith.constant 0 : i32
        %dma_wait3A_140 = arith.constant 0 : i32
        %dma_wait3A_141 = arith.constant 0 : i32
        %dma_wait3A_142 = tpu.memref_slice %arg12[%dma_wait3A_137, %dma_wait3A_140, %dma_wait3A_141] : memref<6x128x32xf32, #tpu.memory_space<vmem>> -> memref<1x128x32xf32, #tpu.memory_space<vmem>>
        %dma_wait3A_143 = tpu.memref_squeeze %dma_wait3A_142 : memref<1x128x32xf32, #tpu.memory_space<vmem>> -> memref<128x32xf32, #tpu.memory_space<vmem>>
        %dma_wait3A_144 = arith.constant 0 : i32
        %dma_wait3A_145 = tpu.memref_slice %arg11[%dma_wait3A_138, %dma_wait3A_144] : memref<21x128xi32, #tpu.memory_space<vmem>> -> memref<1x128xi32, #tpu.memory_space<vmem>>
        %dma_wait3A_146 = tpu.memref_squeeze %dma_wait3A_145 : memref<1x128xi32, #tpu.memory_space<vmem>> -> memref<128xi32, #tpu.memory_space<vmem>>
        %dma_wait3A_147 = arith.constant 0 : i32
        %dma_wait3A_148 = arith.constant 0 : i32
        %dma_wait3A_149 = tpu.memref_slice %arg13[%dma_wait3A_147, %dma_wait3A_148] : memref<50048x32xf32, #tpu.memory_space<vmem_shared>> -> memref<50048x32xf32, #tpu.memory_space<vmem_shared>>
        %dma_wait3A_150 = tpu.memref_slice %arg15[%dma_wait3A_139] : memref<6x!tpu.dma_semaphore, #tpu.memory_space<semaphore_mem>> -> memref<1x!tpu.dma_semaphore, #tpu.memory_space<semaphore_mem>>
        %dma_wait3A_151 = tpu.memref_squeeze %dma_wait3A_150 : memref<1x!tpu.dma_semaphore, #tpu.memory_space<semaphore_mem>> -> memref<!tpu.dma_semaphore, #tpu.memory_space<semaphore_mem>>
        tpu.wait_indirect_dma semaphore(%dma_wait3A_151 : memref<!tpu.dma_semaphore, #tpu.memory_space<semaphore_mem>>) src(%dma_wait3A_143 : memref<128x32xf32, #tpu.memory_space<vmem>>) dst(%dma_wait3A_149 : memref<50048x32xf32, #tpu.memory_space<vmem_shared>>)
        %dma_wait3A_152 = arith.constant 1 : i32
        %dma_wait3A_153 = arith.constant 0 : i32
        %dma_wait3A_154 = arith.constant 1 : i32
        %dma_wait3A_155 = arith.constant 0 : i32
        %dma_wait3A_156 = arith.constant 0 : i32
        %dma_wait3A_157 = tpu.memref_slice %arg12[%dma_wait3A_152, %dma_wait3A_155, %dma_wait3A_156] : memref<6x128x32xf32, #tpu.memory_space<vmem>> -> memref<1x128x32xf32, #tpu.memory_space<vmem>>
        %dma_wait3A_158 = tpu.memref_squeeze %dma_wait3A_157 : memref<1x128x32xf32, #tpu.memory_space<vmem>> -> memref<128x32xf32, #tpu.memory_space<vmem>>
        %dma_wait3A_159 = arith.constant 0 : i32
        %dma_wait3A_160 = tpu.memref_slice %arg11[%dma_wait3A_153, %dma_wait3A_159] : memref<21x128xi32, #tpu.memory_space<vmem>> -> memref<1x128xi32, #tpu.memory_space<vmem>>
        %dma_wait3A_161 = tpu.memref_squeeze %dma_wait3A_160 : memref<1x128xi32, #tpu.memory_space<vmem>> -> memref<128xi32, #tpu.memory_space<vmem>>
        %dma_wait3A_162 = arith.constant 0 : i32
        %dma_wait3A_163 = arith.constant 0 : i32
        %dma_wait3A_164 = tpu.memref_slice %arg13[%dma_wait3A_162, %dma_wait3A_163] : memref<50048x32xf32, #tpu.memory_space<vmem_shared>> -> memref<50048x32xf32, #tpu.memory_space<vmem_shared>>
        %dma_wait3A_165 = tpu.memref_slice %arg15[%dma_wait3A_154] : memref<6x!tpu.dma_semaphore, #tpu.memory_space<semaphore_mem>> -> memref<1x!tpu.dma_semaphore, #tpu.memory_space<semaphore_mem>>
        %dma_wait3A_166 = tpu.memref_squeeze %dma_wait3A_165 : memref<1x!tpu.dma_semaphore, #tpu.memory_space<semaphore_mem>> -> memref<!tpu.dma_semaphore, #tpu.memory_space<semaphore_mem>>
        tpu.wait_indirect_dma semaphore(%dma_wait3A_166 : memref<!tpu.dma_semaphore, #tpu.memory_space<semaphore_mem>>) src(%dma_wait3A_158 : memref<128x32xf32, #tpu.memory_space<vmem>>) dst(%dma_wait3A_164 : memref<50048x32xf32, #tpu.memory_space<vmem_shared>>)
        %dma_wait3A_167 = arith.constant 2 : i32
        %dma_wait3A_168 = arith.constant 0 : i32
        %dma_wait3A_169 = arith.constant 2 : i32
        %dma_wait3A_170 = arith.constant 0 : i32
        %dma_wait3A_171 = arith.constant 0 : i32
        %dma_wait3A_172 = tpu.memref_slice %arg12[%dma_wait3A_167, %dma_wait3A_170, %dma_wait3A_171] : memref<6x128x32xf32, #tpu.memory_space<vmem>> -> memref<1x128x32xf32, #tpu.memory_space<vmem>>
        %dma_wait3A_173 = tpu.memref_squeeze %dma_wait3A_172 : memref<1x128x32xf32, #tpu.memory_space<vmem>> -> memref<128x32xf32, #tpu.memory_space<vmem>>
        %dma_wait3A_174 = arith.constant 0 : i32
        %dma_wait3A_175 = tpu.memref_slice %arg11[%dma_wait3A_168, %dma_wait3A_174] : memref<21x128xi32, #tpu.memory_space<vmem>> -> memref<1x128xi32, #tpu.memory_space<vmem>>
        %dma_wait3A_176 = tpu.memref_squeeze %dma_wait3A_175 : memref<1x128xi32, #tpu.memory_space<vmem>> -> memref<128xi32, #tpu.memory_space<vmem>>
        %dma_wait3A_177 = arith.constant 0 : i32
        %dma_wait3A_178 = arith.constant 0 : i32
        %dma_wait3A_179 = tpu.memref_slice %arg13[%dma_wait3A_177, %dma_wait3A_178] : memref<50048x32xf32, #tpu.memory_space<vmem_shared>> -> memref<50048x32xf32, #tpu.memory_space<vmem_shared>>
        %dma_wait3A_180 = tpu.memref_slice %arg15[%dma_wait3A_169] : memref<6x!tpu.dma_semaphore, #tpu.memory_space<semaphore_mem>> -> memref<1x!tpu.dma_semaphore, #tpu.memory_space<semaphore_mem>>
        %dma_wait3A_181 = tpu.memref_squeeze %dma_wait3A_180 : memref<1x!tpu.dma_semaphore, #tpu.memory_space<semaphore_mem>> -> memref<!tpu.dma_semaphore, #tpu.memory_space<semaphore_mem>>
        tpu.wait_indirect_dma semaphore(%dma_wait3A_181 : memref<!tpu.dma_semaphore, #tpu.memory_space<semaphore_mem>>) src(%dma_wait3A_173 : memref<128x32xf32, #tpu.memory_space<vmem>>) dst(%dma_wait3A_179 : memref<50048x32xf32, #tpu.memory_space<vmem_shared>>)
        %dma_wait3A_182 = arith.constant 3 : i32
        %dma_wait3A_183 = arith.constant 0 : i32
        %dma_wait3A_184 = arith.constant 3 : i32
        %dma_wait3A_185 = arith.constant 0 : i32
        %dma_wait3A_186 = arith.constant 0 : i32
        %dma_wait3A_187 = tpu.memref_slice %arg12[%dma_wait3A_182, %dma_wait3A_185, %dma_wait3A_186] : memref<6x128x32xf32, #tpu.memory_space<vmem>> -> memref<1x128x32xf32, #tpu.memory_space<vmem>>
        %dma_wait3A_188 = tpu.memref_squeeze %dma_wait3A_187 : memref<1x128x32xf32, #tpu.memory_space<vmem>> -> memref<128x32xf32, #tpu.memory_space<vmem>>
        %dma_wait3A_189 = arith.constant 0 : i32
        %dma_wait3A_190 = tpu.memref_slice %arg11[%dma_wait3A_183, %dma_wait3A_189] : memref<21x128xi32, #tpu.memory_space<vmem>> -> memref<1x128xi32, #tpu.memory_space<vmem>>
        %dma_wait3A_191 = tpu.memref_squeeze %dma_wait3A_190 : memref<1x128xi32, #tpu.memory_space<vmem>> -> memref<128xi32, #tpu.memory_space<vmem>>
        %dma_wait3A_192 = arith.constant 0 : i32
        %dma_wait3A_193 = arith.constant 0 : i32
        %dma_wait3A_194 = tpu.memref_slice %arg13[%dma_wait3A_192, %dma_wait3A_193] : memref<50048x32xf32, #tpu.memory_space<vmem_shared>> -> memref<50048x32xf32, #tpu.memory_space<vmem_shared>>
        %dma_wait3A_195 = tpu.memref_slice %arg15[%dma_wait3A_184] : memref<6x!tpu.dma_semaphore, #tpu.memory_space<semaphore_mem>> -> memref<1x!tpu.dma_semaphore, #tpu.memory_space<semaphore_mem>>
        %dma_wait3A_196 = tpu.memref_squeeze %dma_wait3A_195 : memref<1x!tpu.dma_semaphore, #tpu.memory_space<semaphore_mem>> -> memref<!tpu.dma_semaphore, #tpu.memory_space<semaphore_mem>>
        tpu.wait_indirect_dma semaphore(%dma_wait3A_196 : memref<!tpu.dma_semaphore, #tpu.memory_space<semaphore_mem>>) src(%dma_wait3A_188 : memref<128x32xf32, #tpu.memory_space<vmem>>) dst(%dma_wait3A_194 : memref<50048x32xf32, #tpu.memory_space<vmem_shared>>)
        %dma_wait3A_197 = arith.constant 4 : i32
        %dma_wait3A_198 = arith.constant 0 : i32
        %dma_wait3A_199 = arith.constant 4 : i32
        %dma_wait3A_200 = arith.constant 0 : i32
        %dma_wait3A_201 = arith.constant 0 : i32
        %dma_wait3A_202 = tpu.memref_slice %arg12[%dma_wait3A_197, %dma_wait3A_200, %dma_wait3A_201] : memref<6x128x32xf32, #tpu.memory_space<vmem>> -> memref<1x128x32xf32, #tpu.memory_space<vmem>>
        %dma_wait3A_203 = tpu.memref_squeeze %dma_wait3A_202 : memref<1x128x32xf32, #tpu.memory_space<vmem>> -> memref<128x32xf32, #tpu.memory_space<vmem>>
        %dma_wait3A_204 = arith.constant 0 : i32
        %dma_wait3A_205 = tpu.memref_slice %arg11[%dma_wait3A_198, %dma_wait3A_204] : memref<21x128xi32, #tpu.memory_space<vmem>> -> memref<1x128xi32, #tpu.memory_space<vmem>>
        %dma_wait3A_206 = tpu.memref_squeeze %dma_wait3A_205 : memref<1x128xi32, #tpu.memory_space<vmem>> -> memref<128xi32, #tpu.memory_space<vmem>>
        %dma_wait3A_207 = arith.constant 0 : i32
        %dma_wait3A_208 = arith.constant 0 : i32
        %dma_wait3A_209 = tpu.memref_slice %arg13[%dma_wait3A_207, %dma_wait3A_208] : memref<50048x32xf32, #tpu.memory_space<vmem_shared>> -> memref<50048x32xf32, #tpu.memory_space<vmem_shared>>
        %dma_wait3A_210 = tpu.memref_slice %arg15[%dma_wait3A_199] : memref<6x!tpu.dma_semaphore, #tpu.memory_space<semaphore_mem>> -> memref<1x!tpu.dma_semaphore, #tpu.memory_space<semaphore_mem>>
        %dma_wait3A_211 = tpu.memref_squeeze %dma_wait3A_210 : memref<1x!tpu.dma_semaphore, #tpu.memory_space<semaphore_mem>> -> memref<!tpu.dma_semaphore, #tpu.memory_space<semaphore_mem>>
        tpu.wait_indirect_dma semaphore(%dma_wait3A_211 : memref<!tpu.dma_semaphore, #tpu.memory_space<semaphore_mem>>) src(%dma_wait3A_203 : memref<128x32xf32, #tpu.memory_space<vmem>>) dst(%dma_wait3A_209 : memref<50048x32xf32, #tpu.memory_space<vmem_shared>>)
        %dma_wait3A_212 = arith.constant 5 : i32
        %dma_wait3A_213 = arith.constant 0 : i32
        %dma_wait3A_214 = arith.constant 5 : i32
        %dma_wait3A_215 = arith.constant 0 : i32
        %dma_wait3A_216 = arith.constant 0 : i32
        %dma_wait3A_217 = tpu.memref_slice %arg12[%dma_wait3A_212, %dma_wait3A_215, %dma_wait3A_216] : memref<6x128x32xf32, #tpu.memory_space<vmem>> -> memref<1x128x32xf32, #tpu.memory_space<vmem>>
        %dma_wait3A_218 = tpu.memref_squeeze %dma_wait3A_217 : memref<1x128x32xf32, #tpu.memory_space<vmem>> -> memref<128x32xf32, #tpu.memory_space<vmem>>
        %dma_wait3A_219 = arith.constant 0 : i32
        %dma_wait3A_220 = tpu.memref_slice %arg11[%dma_wait3A_213, %dma_wait3A_219] : memref<21x128xi32, #tpu.memory_space<vmem>> -> memref<1x128xi32, #tpu.memory_space<vmem>>
        %dma_wait3A_221 = tpu.memref_squeeze %dma_wait3A_220 : memref<1x128xi32, #tpu.memory_space<vmem>> -> memref<128xi32, #tpu.memory_space<vmem>>
        %dma_wait3A_222 = arith.constant 0 : i32
        %dma_wait3A_223 = arith.constant 0 : i32
        %dma_wait3A_224 = tpu.memref_slice %arg13[%dma_wait3A_222, %dma_wait3A_223] : memref<50048x32xf32, #tpu.memory_space<vmem_shared>> -> memref<50048x32xf32, #tpu.memory_space<vmem_shared>>
        %dma_wait3A_225 = tpu.memref_slice %arg15[%dma_wait3A_214] : memref<6x!tpu.dma_semaphore, #tpu.memory_space<semaphore_mem>> -> memref<1x!tpu.dma_semaphore, #tpu.memory_space<semaphore_mem>>
        %dma_wait3A_226 = tpu.memref_squeeze %dma_wait3A_225 : memref<1x!tpu.dma_semaphore, #tpu.memory_space<semaphore_mem>> -> memref<!tpu.dma_semaphore, #tpu.memory_space<semaphore_mem>>
        tpu.wait_indirect_dma semaphore(%dma_wait3A_226 : memref<!tpu.dma_semaphore, #tpu.memory_space<semaphore_mem>>) src(%dma_wait3A_218 : memref<128x32xf32, #tpu.memory_space<vmem>>) dst(%dma_wait3A_224 : memref<50048x32xf32, #tpu.memory_space<vmem_shared>>)
        %scan3A_227 = arith.constant 0 : i32
        scf.yield %scan3A_227 : i32
      }
      %scan3A_62 = arith.constant 7 : i32
      %barrier3A_63 = arith.constant 0 : index
      tpu.barrier barrier_id(%barrier3A_63)
      %mul3A_64 = arith.constant 3128 : i32
      %mul3A_65 = arith.muli %arg1, %mul3A_64 : i32
      %run_scoped3A_66 = arith.constant 0 : i32
      "tpu.region"() ({
        %run_scoped3A_67 = tpu.sem_alloc : memref<!tpu.dma_semaphore, #tpu.memory_space<semaphore_mem>>
        %dma_start3A_68 = arith.constant 96 : i32
        %dma_start3A_69 = tpu.memref_slice %arg9[%run_scoped3A_66, %mul3A_65, %dma_start3A_68] : memref<2x50048x128xf32, #tpu.memory_space<hbm>> -> memref<1x3128x32xf32, #tpu.memory_space<hbm>>
        %dma_start3A_70 = tpu.memref_squeeze %dma_start3A_69 : memref<1x3128x32xf32, #tpu.memory_space<hbm>> -> memref<3128x32xf32, #tpu.memory_space<hbm>>
        %dma_start3A_71 = arith.constant 0 : i32
        %dma_start3A_72 = tpu.memref_slice %arg13[%mul3A_7, %dma_start3A_71] : memref<50048x32xf32, #tpu.memory_space<vmem_shared>> -> memref<3128x32xf32, #tpu.memory_space<vmem_shared>>
        tpu.enqueue_dma source(%dma_start3A_72 : memref<3128x32xf32, #tpu.memory_space<vmem_shared>>) target(%dma_start3A_70 : memref<3128x32xf32, #tpu.memory_space<hbm>>) target_semaphore(%run_scoped3A_67 : memref<!tpu.dma_semaphore, #tpu.memory_space<semaphore_mem>>)
        %dma_wait3A_73 = arith.constant 96 : i32
        %dma_wait3A_74 = tpu.memref_slice %arg9[%run_scoped3A_66, %mul3A_65, %dma_wait3A_73] : memref<2x50048x128xf32, #tpu.memory_space<hbm>> -> memref<1x3128x32xf32, #tpu.memory_space<hbm>>
        %dma_wait3A_75 = tpu.memref_squeeze %dma_wait3A_74 : memref<1x3128x32xf32, #tpu.memory_space<hbm>> -> memref<3128x32xf32, #tpu.memory_space<hbm>>
        %dma_wait3A_76 = arith.constant 0 : i32
        %dma_wait3A_77 = tpu.memref_slice %arg13[%mul3A_7, %dma_wait3A_76] : memref<50048x32xf32, #tpu.memory_space<vmem_shared>> -> memref<3128x32xf32, #tpu.memory_space<vmem_shared>>
        tpu.wait_dma2 semaphore(%run_scoped3A_67 : memref<!tpu.dma_semaphore, #tpu.memory_space<semaphore_mem>>) src(%dma_wait3A_77 : memref<3128x32xf32, #tpu.memory_space<vmem_shared>>) dst(%dma_wait3A_75 : memref<3128x32xf32, #tpu.memory_space<hbm>>)
        tpu.yield
      }) : () -> ()
    } else {
    }
    %eq3A_2 = arith.constant 1 : i32
    %eq3A_3 = arith.cmpi eq, %arg0, %eq3A_2 : i32
    %convert_element_type3A_4 = arith.extui %eq3A_3 : i1 to i32
    %cond3A_5 = arith.constant 0 : i32
    %cond3A_6 = arith.cmpi ne, %convert_element_type3A_4, %cond3A_5 : i32
    scf.if %cond3A_6 {
      %mul3A = arith.constant 3128 : i32
      %mul3A_7 = arith.muli %arg1, %mul3A : i32
      %dma_start3A = arith.constant 0 : i32
      %dma_start3A_8 = tpu.memref_slice %arg13[%mul3A_7, %dma_start3A] : memref<50048x32xf32, #tpu.memory_space<vmem_shared>> -> memref<3128x32xf32, #tpu.memory_space<vmem_shared>>
      tpu.enqueue_dma source(%arg8 : memref<3128x32xf32, #tpu.memory_space<hbm>>) target(%dma_start3A_8 : memref<3128x32xf32, #tpu.memory_space<vmem_shared>>) target_semaphore(%arg16 : memref<!tpu.dma_semaphore, #tpu.memory_space<semaphore_mem>>)
      %dma_wait3A = arith.constant 0 : i32
      %dma_wait3A_9 = tpu.memref_slice %arg13[%mul3A_7, %dma_wait3A] : memref<50048x32xf32, #tpu.memory_space<vmem_shared>> -> memref<3128x32xf32, #tpu.memory_space<vmem_shared>>
      tpu.wait_dma2 semaphore(%arg16 : memref<!tpu.dma_semaphore, #tpu.memory_space<semaphore_mem>>) src(%arg8 : memref<3128x32xf32, #tpu.memory_space<hbm>>) dst(%dma_wait3A_9 : memref<3128x32xf32, #tpu.memory_space<vmem_shared>>)
      %barrier3A = arith.constant 0 : index
      tpu.barrier barrier_id(%barrier3A)
      %scan3A = arith.constant 0 : i32
      %scan3A_10 = arith.constant 0 : i32
      %scan3A_11 = arith.constant 7 : i32
      %scan3A_12 = arith.addi %scan3A_10, %scan3A_11 : i32
      %scan3A_13 = arith.constant 1 : i32
      %scan3A_14 = scf.for %scan3A_67 = %scan3A_10 to %scan3A_12 step %scan3A_13 iter_args(%scan3A_68 = %scan3A) -> (i32)  : i32 {
        %run_scoped3A_69 = arith.constant 0 : i32
        "tpu.region"() ({
          %run_scoped3A_228 = tpu.sem_alloc : memref<!tpu.dma_semaphore, #tpu.memory_space<semaphore_mem>>
          %dma_start3A_229 = arith.constant 0 : i32
          %dma_start3A_230 = arith.constant 0 : i32
          %dma_start3A_231 = tpu.memref_slice %arg6[%run_scoped3A_69, %arg1, %scan3A_67, %dma_start3A_229, %dma_start3A_230] : memref<4x16x7x21x128xi32, #tpu.memory_space<hbm>> -> memref<1x1x1x21x128xi32, #tpu.memory_space<hbm>>
          %dma_start3A_232 = tpu.memref_squeeze %dma_start3A_231 : memref<1x1x1x21x128xi32, #tpu.memory_space<hbm>> -> memref<21x128xi32, #tpu.memory_space<hbm>>
          %dma_start3A_233 = arith.constant 0 : i32
          %dma_start3A_234 = arith.constant 0 : i32
          %dma_start3A_235 = tpu.memref_slice %arg6[%run_scoped3A_69, %arg1, %scan3A_67, %dma_start3A_233, %dma_start3A_234] : memref<4x16x7x21x128xi32, #tpu.memory_space<hbm>> -> memref<1x1x1x21x128xi32, #tpu.memory_space<hbm>>
          %dma_start3A_236 = tpu.memref_squeeze %dma_start3A_235 : memref<1x1x1x21x128xi32, #tpu.memory_space<hbm>> -> memref<21x128xi32, #tpu.memory_space<hbm>>
          tpu.enqueue_dma source(%dma_start3A_236 : memref<21x128xi32, #tpu.memory_space<hbm>>) target(%arg10 : memref<21x128xi32, #tpu.memory_space<vmem>>) target_semaphore(%run_scoped3A_228 : memref<!tpu.dma_semaphore, #tpu.memory_space<semaphore_mem>>)
          %dma_wait3A_237 = arith.constant 0 : i32
          %dma_wait3A_238 = arith.constant 0 : i32
          %dma_wait3A_239 = tpu.memref_slice %arg6[%run_scoped3A_69, %arg1, %scan3A_67, %dma_wait3A_237, %dma_wait3A_238] : memref<4x16x7x21x128xi32, #tpu.memory_space<hbm>> -> memref<1x1x1x21x128xi32, #tpu.memory_space<hbm>>
          %dma_wait3A_240 = tpu.memref_squeeze %dma_wait3A_239 : memref<1x1x1x21x128xi32, #tpu.memory_space<hbm>> -> memref<21x128xi32, #tpu.memory_space<hbm>>
          %dma_wait3A_241 = arith.constant 0 : i32
          %dma_wait3A_242 = arith.constant 0 : i32
          %dma_wait3A_243 = tpu.memref_slice %arg6[%run_scoped3A_69, %arg1, %scan3A_67, %dma_wait3A_241, %dma_wait3A_242] : memref<4x16x7x21x128xi32, #tpu.memory_space<hbm>> -> memref<1x1x1x21x128xi32, #tpu.memory_space<hbm>>
          %dma_wait3A_244 = tpu.memref_squeeze %dma_wait3A_243 : memref<1x1x1x21x128xi32, #tpu.memory_space<hbm>> -> memref<21x128xi32, #tpu.memory_space<hbm>>
          tpu.wait_dma2 semaphore(%run_scoped3A_228 : memref<!tpu.dma_semaphore, #tpu.memory_space<semaphore_mem>>) src(%dma_wait3A_244 : memref<21x128xi32, #tpu.memory_space<hbm>>) dst(%arg10 : memref<21x128xi32, #tpu.memory_space<vmem>>)
          tpu.yield
        }) : () -> ()
        "tpu.region"() ({
          %run_scoped3A_228 = tpu.sem_alloc : memref<!tpu.dma_semaphore, #tpu.memory_space<semaphore_mem>>
          %dma_start3A_229 = arith.constant 0 : i32
          %dma_start3A_230 = arith.constant 0 : i32
          %dma_start3A_231 = tpu.memref_slice %arg7[%arg1, %scan3A_67, %dma_start3A_229, %dma_start3A_230] : memref<16x7x21x128xi32, #tpu.memory_space<hbm>> -> memref<1x1x21x128xi32, #tpu.memory_space<hbm>>
          %dma_start3A_232 = tpu.memref_squeeze %dma_start3A_231 : memref<1x1x21x128xi32, #tpu.memory_space<hbm>> -> memref<21x128xi32, #tpu.memory_space<hbm>>
          %dma_start3A_233 = arith.constant 0 : i32
          %dma_start3A_234 = arith.constant 0 : i32
          %dma_start3A_235 = tpu.memref_slice %arg7[%arg1, %scan3A_67, %dma_start3A_233, %dma_start3A_234] : memref<16x7x21x128xi32, #tpu.memory_space<hbm>> -> memref<1x1x21x128xi32, #tpu.memory_space<hbm>>
          %dma_start3A_236 = tpu.memref_squeeze %dma_start3A_235 : memref<1x1x21x128xi32, #tpu.memory_space<hbm>> -> memref<21x128xi32, #tpu.memory_space<hbm>>
          tpu.enqueue_dma source(%dma_start3A_236 : memref<21x128xi32, #tpu.memory_space<hbm>>) target(%arg11 : memref<21x128xi32, #tpu.memory_space<vmem>>) target_semaphore(%run_scoped3A_228 : memref<!tpu.dma_semaphore, #tpu.memory_space<semaphore_mem>>)
          %dma_wait3A_237 = arith.constant 0 : i32
          %dma_wait3A_238 = arith.constant 0 : i32
          %dma_wait3A_239 = tpu.memref_slice %arg7[%arg1, %scan3A_67, %dma_wait3A_237, %dma_wait3A_238] : memref<16x7x21x128xi32, #tpu.memory_space<hbm>> -> memref<1x1x21x128xi32, #tpu.memory_space<hbm>>
          %dma_wait3A_240 = tpu.memref_squeeze %dma_wait3A_239 : memref<1x1x21x128xi32, #tpu.memory_space<hbm>> -> memref<21x128xi32, #tpu.memory_space<hbm>>
          %dma_wait3A_241 = arith.constant 0 : i32
          %dma_wait3A_242 = arith.constant 0 : i32
          %dma_wait3A_243 = tpu.memref_slice %arg7[%arg1, %scan3A_67, %dma_wait3A_241, %dma_wait3A_242] : memref<16x7x21x128xi32, #tpu.memory_space<hbm>> -> memref<1x1x21x128xi32, #tpu.memory_space<hbm>>
          %dma_wait3A_244 = tpu.memref_squeeze %dma_wait3A_243 : memref<1x1x21x128xi32, #tpu.memory_space<hbm>> -> memref<21x128xi32, #tpu.memory_space<hbm>>
          tpu.wait_dma2 semaphore(%run_scoped3A_228 : memref<!tpu.dma_semaphore, #tpu.memory_space<semaphore_mem>>) src(%dma_wait3A_244 : memref<21x128xi32, #tpu.memory_space<hbm>>) dst(%arg11 : memref<21x128xi32, #tpu.memory_space<vmem>>)
          tpu.yield
        }) : () -> ()
        %dma_start3A_70 = arith.constant 0 : i32
        %dma_start3A_71 = arith.constant 0 : i32
        %dma_start3A_72 = arith.constant 0 : i32
        %dma_start3A_73 = arith.constant 0 : i32
        %dma_start3A_74 = arith.constant 0 : i32
        %dma_start3A_75 = tpu.memref_slice %arg12[%dma_start3A_71, %dma_start3A_73, %dma_start3A_74] : memref<6x128x32xf32, #tpu.memory_space<vmem>> -> memref<1x128x32xf32, #tpu.memory_space<vmem>>
        %dma_start3A_76 = tpu.memref_squeeze %dma_start3A_75 : memref<1x128x32xf32, #tpu.memory_space<vmem>> -> memref<128x32xf32, #tpu.memory_space<vmem>>
        %dma_start3A_77 = arith.constant 0 : i32
        %dma_start3A_78 = tpu.memref_slice %arg10[%dma_start3A_70, %dma_start3A_77] : memref<21x128xi32, #tpu.memory_space<vmem>> -> memref<1x128xi32, #tpu.memory_space<vmem>>
        %dma_start3A_79 = tpu.memref_squeeze %dma_start3A_78 : memref<1x128xi32, #tpu.memory_space<vmem>> -> memref<128xi32, #tpu.memory_space<vmem>>
        %dma_start3A_80 = arith.constant 0 : i32
        %dma_start3A_81 = arith.constant 0 : i32
        %dma_start3A_82 = tpu.memref_slice %arg3[%dma_start3A_80, %dma_start3A_81] : memref<200000x32xf32, #tpu.memory_space<hbm>> -> memref<200000x32xf32, #tpu.memory_space<hbm>>
        %dma_start3A_83 = tpu.memref_slice %arg14[%dma_start3A_72] : memref<6x!tpu.dma_semaphore, #tpu.memory_space<semaphore_mem>> -> memref<1x!tpu.dma_semaphore, #tpu.memory_space<semaphore_mem>>
        %dma_start3A_84 = tpu.memref_squeeze %dma_start3A_83 : memref<1x!tpu.dma_semaphore, #tpu.memory_space<semaphore_mem>> -> memref<!tpu.dma_semaphore, #tpu.memory_space<semaphore_mem>>
        tpu.enqueue_indirect_dma source(%dma_start3A_82 : memref<200000x32xf32, #tpu.memory_space<hbm>>) target(%dma_start3A_76 : memref<128x32xf32, #tpu.memory_space<vmem>>) offsets(%dma_start3A_79 : memref<128xi32, #tpu.memory_space<vmem>>) semaphore(%dma_start3A_84 : memref<!tpu.dma_semaphore, #tpu.memory_space<semaphore_mem>>)
        %dma_start3A_85 = arith.constant 1 : i32
        %dma_start3A_86 = arith.constant 1 : i32
        %dma_start3A_87 = arith.constant 1 : i32
        %dma_start3A_88 = arith.constant 0 : i32
        %dma_start3A_89 = arith.constant 0 : i32
        %dma_start3A_90 = tpu.memref_slice %arg12[%dma_start3A_86, %dma_start3A_88, %dma_start3A_89] : memref<6x128x32xf32, #tpu.memory_space<vmem>> -> memref<1x128x32xf32, #tpu.memory_space<vmem>>
        %dma_start3A_91 = tpu.memref_squeeze %dma_start3A_90 : memref<1x128x32xf32, #tpu.memory_space<vmem>> -> memref<128x32xf32, #tpu.memory_space<vmem>>
        %dma_start3A_92 = arith.constant 0 : i32
        %dma_start3A_93 = tpu.memref_slice %arg10[%dma_start3A_85, %dma_start3A_92] : memref<21x128xi32, #tpu.memory_space<vmem>> -> memref<1x128xi32, #tpu.memory_space<vmem>>
        %dma_start3A_94 = tpu.memref_squeeze %dma_start3A_93 : memref<1x128xi32, #tpu.memory_space<vmem>> -> memref<128xi32, #tpu.memory_space<vmem>>
        %dma_start3A_95 = arith.constant 0 : i32
        %dma_start3A_96 = arith.constant 0 : i32
        %dma_start3A_97 = tpu.memref_slice %arg3[%dma_start3A_95, %dma_start3A_96] : memref<200000x32xf32, #tpu.memory_space<hbm>> -> memref<200000x32xf32, #tpu.memory_space<hbm>>
        %dma_start3A_98 = tpu.memref_slice %arg14[%dma_start3A_87] : memref<6x!tpu.dma_semaphore, #tpu.memory_space<semaphore_mem>> -> memref<1x!tpu.dma_semaphore, #tpu.memory_space<semaphore_mem>>
        %dma_start3A_99 = tpu.memref_squeeze %dma_start3A_98 : memref<1x!tpu.dma_semaphore, #tpu.memory_space<semaphore_mem>> -> memref<!tpu.dma_semaphore, #tpu.memory_space<semaphore_mem>>
        tpu.enqueue_indirect_dma source(%dma_start3A_97 : memref<200000x32xf32, #tpu.memory_space<hbm>>) target(%dma_start3A_91 : memref<128x32xf32, #tpu.memory_space<vmem>>) offsets(%dma_start3A_94 : memref<128xi32, #tpu.memory_space<vmem>>) semaphore(%dma_start3A_99 : memref<!tpu.dma_semaphore, #tpu.memory_space<semaphore_mem>>)
        %dma_start3A_100 = arith.constant 2 : i32
        %dma_start3A_101 = arith.constant 2 : i32
        %dma_start3A_102 = arith.constant 2 : i32
        %dma_start3A_103 = arith.constant 0 : i32
        %dma_start3A_104 = arith.constant 0 : i32
        %dma_start3A_105 = tpu.memref_slice %arg12[%dma_start3A_101, %dma_start3A_103, %dma_start3A_104] : memref<6x128x32xf32, #tpu.memory_space<vmem>> -> memref<1x128x32xf32, #tpu.memory_space<vmem>>
        %dma_start3A_106 = tpu.memref_squeeze %dma_start3A_105 : memref<1x128x32xf32, #tpu.memory_space<vmem>> -> memref<128x32xf32, #tpu.memory_space<vmem>>
        %dma_start3A_107 = arith.constant 0 : i32
        %dma_start3A_108 = tpu.memref_slice %arg10[%dma_start3A_100, %dma_start3A_107] : memref<21x128xi32, #tpu.memory_space<vmem>> -> memref<1x128xi32, #tpu.memory_space<vmem>>
        %dma_start3A_109 = tpu.memref_squeeze %dma_start3A_108 : memref<1x128xi32, #tpu.memory_space<vmem>> -> memref<128xi32, #tpu.memory_space<vmem>>
        %dma_start3A_110 = arith.constant 0 : i32
        %dma_start3A_111 = arith.constant 0 : i32
        %dma_start3A_112 = tpu.memref_slice %arg3[%dma_start3A_110, %dma_start3A_111] : memref<200000x32xf32, #tpu.memory_space<hbm>> -> memref<200000x32xf32, #tpu.memory_space<hbm>>
        %dma_start3A_113 = tpu.memref_slice %arg14[%dma_start3A_102] : memref<6x!tpu.dma_semaphore, #tpu.memory_space<semaphore_mem>> -> memref<1x!tpu.dma_semaphore, #tpu.memory_space<semaphore_mem>>
        %dma_start3A_114 = tpu.memref_squeeze %dma_start3A_113 : memref<1x!tpu.dma_semaphore, #tpu.memory_space<semaphore_mem>> -> memref<!tpu.dma_semaphore, #tpu.memory_space<semaphore_mem>>
        tpu.enqueue_indirect_dma source(%dma_start3A_112 : memref<200000x32xf32, #tpu.memory_space<hbm>>) target(%dma_start3A_106 : memref<128x32xf32, #tpu.memory_space<vmem>>) offsets(%dma_start3A_109 : memref<128xi32, #tpu.memory_space<vmem>>) semaphore(%dma_start3A_114 : memref<!tpu.dma_semaphore, #tpu.memory_space<semaphore_mem>>)
        %dma_start3A_115 = arith.constant 3 : i32
        %dma_start3A_116 = arith.constant 3 : i32
        %dma_start3A_117 = arith.constant 3 : i32
        %dma_start3A_118 = arith.constant 0 : i32
        %dma_start3A_119 = arith.constant 0 : i32
        %dma_start3A_120 = tpu.memref_slice %arg12[%dma_start3A_116, %dma_start3A_118, %dma_start3A_119] : memref<6x128x32xf32, #tpu.memory_space<vmem>> -> memref<1x128x32xf32, #tpu.memory_space<vmem>>
        %dma_start3A_121 = tpu.memref_squeeze %dma_start3A_120 : memref<1x128x32xf32, #tpu.memory_space<vmem>> -> memref<128x32xf32, #tpu.memory_space<vmem>>
        %dma_start3A_122 = arith.constant 0 : i32
        %dma_start3A_123 = tpu.memref_slice %arg10[%dma_start3A_115, %dma_start3A_122] : memref<21x128xi32, #tpu.memory_space<vmem>> -> memref<1x128xi32, #tpu.memory_space<vmem>>
        %dma_start3A_124 = tpu.memref_squeeze %dma_start3A_123 : memref<1x128xi32, #tpu.memory_space<vmem>> -> memref<128xi32, #tpu.memory_space<vmem>>
        %dma_start3A_125 = arith.constant 0 : i32
        %dma_start3A_126 = arith.constant 0 : i32
        %dma_start3A_127 = tpu.memref_slice %arg3[%dma_start3A_125, %dma_start3A_126] : memref<200000x32xf32, #tpu.memory_space<hbm>> -> memref<200000x32xf32, #tpu.memory_space<hbm>>
        %dma_start3A_128 = tpu.memref_slice %arg14[%dma_start3A_117] : memref<6x!tpu.dma_semaphore, #tpu.memory_space<semaphore_mem>> -> memref<1x!tpu.dma_semaphore, #tpu.memory_space<semaphore_mem>>
        %dma_start3A_129 = tpu.memref_squeeze %dma_start3A_128 : memref<1x!tpu.dma_semaphore, #tpu.memory_space<semaphore_mem>> -> memref<!tpu.dma_semaphore, #tpu.memory_space<semaphore_mem>>
        tpu.enqueue_indirect_dma source(%dma_start3A_127 : memref<200000x32xf32, #tpu.memory_space<hbm>>) target(%dma_start3A_121 : memref<128x32xf32, #tpu.memory_space<vmem>>) offsets(%dma_start3A_124 : memref<128xi32, #tpu.memory_space<vmem>>) semaphore(%dma_start3A_129 : memref<!tpu.dma_semaphore, #tpu.memory_space<semaphore_mem>>)
        %scan3A_130 = arith.constant 0 : i32
        %scan3A_131 = arith.constant 0 : i32
        %scan3A_132 = arith.constant 21 : i32
        %scan3A_133 = arith.addi %scan3A_131, %scan3A_132 : i32
        %scan3A_134 = arith.constant 1 : i32
        %scan3A_135 = scf.for %scan3A_228 = %scan3A_131 to %scan3A_133 step %scan3A_134 iter_args(%scan3A_229 = %scan3A_130) -> (i32)  : i32 {
          %rem3A = arith.constant 6 : i32
          %rem3A_230 = arith.remsi %scan3A_228, %rem3A : i32
          %dma_wait3A_231 = arith.constant 0 : i32
          %dma_wait3A_232 = arith.constant 0 : i32
          %dma_wait3A_233 = tpu.memref_slice %arg12[%rem3A_230, %dma_wait3A_231, %dma_wait3A_232] : memref<6x128x32xf32, #tpu.memory_space<vmem>> -> memref<1x128x32xf32, #tpu.memory_space<vmem>>
          %dma_wait3A_234 = tpu.memref_squeeze %dma_wait3A_233 : memref<1x128x32xf32, #tpu.memory_space<vmem>> -> memref<128x32xf32, #tpu.memory_space<vmem>>
          %dma_wait3A_235 = arith.constant 0 : i32
          %dma_wait3A_236 = tpu.memref_slice %arg10[%scan3A_228, %dma_wait3A_235] : memref<21x128xi32, #tpu.memory_space<vmem>> -> memref<1x128xi32, #tpu.memory_space<vmem>>
          %dma_wait3A_237 = tpu.memref_squeeze %dma_wait3A_236 : memref<1x128xi32, #tpu.memory_space<vmem>> -> memref<128xi32, #tpu.memory_space<vmem>>
          %dma_wait3A_238 = arith.constant 0 : i32
          %dma_wait3A_239 = arith.constant 0 : i32
          %dma_wait3A_240 = tpu.memref_slice %arg3[%dma_wait3A_238, %dma_wait3A_239] : memref<200000x32xf32, #tpu.memory_space<hbm>> -> memref<200000x32xf32, #tpu.memory_space<hbm>>
          %dma_wait3A_241 = tpu.memref_slice %arg14[%rem3A_230] : memref<6x!tpu.dma_semaphore, #tpu.memory_space<semaphore_mem>> -> memref<1x!tpu.dma_semaphore, #tpu.memory_space<semaphore_mem>>
          %dma_wait3A_242 = tpu.memref_squeeze %dma_wait3A_241 : memref<1x!tpu.dma_semaphore, #tpu.memory_space<semaphore_mem>> -> memref<!tpu.dma_semaphore, #tpu.memory_space<semaphore_mem>>
          tpu.wait_indirect_dma semaphore(%dma_wait3A_242 : memref<!tpu.dma_semaphore, #tpu.memory_space<semaphore_mem>>) src(%dma_wait3A_240 : memref<200000x32xf32, #tpu.memory_space<hbm>>) dst(%dma_wait3A_234 : memref<128x32xf32, #tpu.memory_space<vmem>>)
          %dma_start3A_243 = arith.constant 0 : i32
          %dma_start3A_244 = arith.constant 0 : i32
          %dma_start3A_245 = tpu.memref_slice %arg12[%rem3A_230, %dma_start3A_243, %dma_start3A_244] : memref<6x128x32xf32, #tpu.memory_space<vmem>> -> memref<1x128x32xf32, #tpu.memory_space<vmem>>
          %dma_start3A_246 = tpu.memref_squeeze %dma_start3A_245 : memref<1x128x32xf32, #tpu.memory_space<vmem>> -> memref<128x32xf32, #tpu.memory_space<vmem>>
          %dma_start3A_247 = arith.constant 0 : i32
          %dma_start3A_248 = tpu.memref_slice %arg11[%scan3A_228, %dma_start3A_247] : memref<21x128xi32, #tpu.memory_space<vmem>> -> memref<1x128xi32, #tpu.memory_space<vmem>>
          %dma_start3A_249 = tpu.memref_squeeze %dma_start3A_248 : memref<1x128xi32, #tpu.memory_space<vmem>> -> memref<128xi32, #tpu.memory_space<vmem>>
          %dma_start3A_250 = arith.constant 0 : i32
          %dma_start3A_251 = arith.constant 0 : i32
          %dma_start3A_252 = tpu.memref_slice %arg13[%dma_start3A_250, %dma_start3A_251] : memref<50048x32xf32, #tpu.memory_space<vmem_shared>> -> memref<50048x32xf32, #tpu.memory_space<vmem_shared>>
          %dma_start3A_253 = tpu.memref_slice %arg15[%rem3A_230] : memref<6x!tpu.dma_semaphore, #tpu.memory_space<semaphore_mem>> -> memref<1x!tpu.dma_semaphore, #tpu.memory_space<semaphore_mem>>
          %dma_start3A_254 = tpu.memref_squeeze %dma_start3A_253 : memref<1x!tpu.dma_semaphore, #tpu.memory_space<semaphore_mem>> -> memref<!tpu.dma_semaphore, #tpu.memory_space<semaphore_mem>>
          tpu.enqueue_indirect_dma source(%dma_start3A_246 : memref<128x32xf32, #tpu.memory_space<vmem>>) target(%dma_start3A_252 : memref<50048x32xf32, #tpu.memory_space<vmem_shared>>) offsets(%dma_start3A_249 : memref<128xi32, #tpu.memory_space<vmem>>) semaphore(%dma_start3A_254 : memref<!tpu.dma_semaphore, #tpu.memory_space<semaphore_mem>>) {add = true}
          %add3A = arith.constant 4 : i32
          %add3A_255 = arith.addi %scan3A_228, %add3A : i32
          %lt3A = arith.constant 21 : i32
          %lt3A_256 = arith.cmpi slt, %add3A_255, %lt3A : i32
          %convert_element_type3A_257 = arith.extui %lt3A_256 : i1 to i32
          %cond3A_258 = arith.constant 0 : i32
          %cond3A_259 = arith.cmpi ne, %convert_element_type3A_257, %cond3A_258 : i32
          scf.if %cond3A_259 {
            %add3A_261 = arith.constant 4 : i32
            %add3A_262 = arith.addi %scan3A_228, %add3A_261 : i32
            %rem3A_263 = arith.constant 6 : i32
            %rem3A_264 = arith.remsi %add3A_262, %rem3A_263 : i32
            %ge3A = arith.constant 2 : i32
            %ge3A_265 = arith.cmpi sge, %scan3A_228, %ge3A : i32
            %convert_element_type3A_266 = arith.extui %ge3A_265 : i1 to i32
            %cond3A_267 = arith.constant 0 : i32
            %cond3A_268 = arith.cmpi ne, %convert_element_type3A_266, %cond3A_267 : i32
            scf.if %cond3A_268 {
              %dma_wait3A_283 = arith.constant 0 : i32
              %dma_wait3A_284 = arith.constant 0 : i32
              %dma_wait3A_285 = tpu.memref_slice %arg12[%rem3A_264, %dma_wait3A_283, %dma_wait3A_284] : memref<6x128x32xf32, #tpu.memory_space<vmem>> -> memref<1x128x32xf32, #tpu.memory_space<vmem>>
              %dma_wait3A_286 = tpu.memref_squeeze %dma_wait3A_285 : memref<1x128x32xf32, #tpu.memory_space<vmem>> -> memref<128x32xf32, #tpu.memory_space<vmem>>
              %dma_wait3A_287 = arith.constant 0 : i32
              %dma_wait3A_288 = tpu.memref_slice %arg11[%scan3A_228, %dma_wait3A_287] : memref<21x128xi32, #tpu.memory_space<vmem>> -> memref<1x128xi32, #tpu.memory_space<vmem>>
              %dma_wait3A_289 = tpu.memref_squeeze %dma_wait3A_288 : memref<1x128xi32, #tpu.memory_space<vmem>> -> memref<128xi32, #tpu.memory_space<vmem>>
              %dma_wait3A_290 = arith.constant 0 : i32
              %dma_wait3A_291 = arith.constant 0 : i32
              %dma_wait3A_292 = tpu.memref_slice %arg13[%dma_wait3A_290, %dma_wait3A_291] : memref<50048x32xf32, #tpu.memory_space<vmem_shared>> -> memref<50048x32xf32, #tpu.memory_space<vmem_shared>>
              %dma_wait3A_293 = tpu.memref_slice %arg15[%rem3A_264] : memref<6x!tpu.dma_semaphore, #tpu.memory_space<semaphore_mem>> -> memref<1x!tpu.dma_semaphore, #tpu.memory_space<semaphore_mem>>
              %dma_wait3A_294 = tpu.memref_squeeze %dma_wait3A_293 : memref<1x!tpu.dma_semaphore, #tpu.memory_space<semaphore_mem>> -> memref<!tpu.dma_semaphore, #tpu.memory_space<semaphore_mem>>
              tpu.wait_indirect_dma semaphore(%dma_wait3A_294 : memref<!tpu.dma_semaphore, #tpu.memory_space<semaphore_mem>>) src(%dma_wait3A_286 : memref<128x32xf32, #tpu.memory_space<vmem>>) dst(%dma_wait3A_292 : memref<50048x32xf32, #tpu.memory_space<vmem_shared>>)
            } else {
            }
            %add3A_269 = arith.constant 4 : i32
            %add3A_270 = arith.addi %scan3A_228, %add3A_269 : i32
            %dma_start3A_271 = arith.constant 0 : i32
            %dma_start3A_272 = arith.constant 0 : i32
            %dma_start3A_273 = tpu.memref_slice %arg12[%rem3A_264, %dma_start3A_271, %dma_start3A_272] : memref<6x128x32xf32, #tpu.memory_space<vmem>> -> memref<1x128x32xf32, #tpu.memory_space<vmem>>
            %dma_start3A_274 = tpu.memref_squeeze %dma_start3A_273 : memref<1x128x32xf32, #tpu.memory_space<vmem>> -> memref<128x32xf32, #tpu.memory_space<vmem>>
            %dma_start3A_275 = arith.constant 0 : i32
            %dma_start3A_276 = tpu.memref_slice %arg10[%add3A_270, %dma_start3A_275] : memref<21x128xi32, #tpu.memory_space<vmem>> -> memref<1x128xi32, #tpu.memory_space<vmem>>
            %dma_start3A_277 = tpu.memref_squeeze %dma_start3A_276 : memref<1x128xi32, #tpu.memory_space<vmem>> -> memref<128xi32, #tpu.memory_space<vmem>>
            %dma_start3A_278 = arith.constant 0 : i32
            %dma_start3A_279 = arith.constant 0 : i32
            %dma_start3A_280 = tpu.memref_slice %arg3[%dma_start3A_278, %dma_start3A_279] : memref<200000x32xf32, #tpu.memory_space<hbm>> -> memref<200000x32xf32, #tpu.memory_space<hbm>>
            %dma_start3A_281 = tpu.memref_slice %arg14[%rem3A_264] : memref<6x!tpu.dma_semaphore, #tpu.memory_space<semaphore_mem>> -> memref<1x!tpu.dma_semaphore, #tpu.memory_space<semaphore_mem>>
            %dma_start3A_282 = tpu.memref_squeeze %dma_start3A_281 : memref<1x!tpu.dma_semaphore, #tpu.memory_space<semaphore_mem>> -> memref<!tpu.dma_semaphore, #tpu.memory_space<semaphore_mem>>
            tpu.enqueue_indirect_dma source(%dma_start3A_280 : memref<200000x32xf32, #tpu.memory_space<hbm>>) target(%dma_start3A_274 : memref<128x32xf32, #tpu.memory_space<vmem>>) offsets(%dma_start3A_277 : memref<128xi32, #tpu.memory_space<vmem>>) semaphore(%dma_start3A_282 : memref<!tpu.dma_semaphore, #tpu.memory_space<semaphore_mem>>)
          } else {
          }
          %scan3A_260 = arith.constant 0 : i32
          scf.yield %scan3A_260 : i32
        }
        %scan3A_136 = arith.constant 21 : i32
        %dma_wait3A_137 = arith.constant 0 : i32
        %dma_wait3A_138 = arith.constant 0 : i32
        %dma_wait3A_139 = arith.constant 0 : i32
        %dma_wait3A_140 = arith.constant 0 : i32
        %dma_wait3A_141 = arith.constant 0 : i32
        %dma_wait3A_142 = tpu.memref_slice %arg12[%dma_wait3A_137, %dma_wait3A_140, %dma_wait3A_141] : memref<6x128x32xf32, #tpu.memory_space<vmem>> -> memref<1x128x32xf32, #tpu.memory_space<vmem>>
        %dma_wait3A_143 = tpu.memref_squeeze %dma_wait3A_142 : memref<1x128x32xf32, #tpu.memory_space<vmem>> -> memref<128x32xf32, #tpu.memory_space<vmem>>
        %dma_wait3A_144 = arith.constant 0 : i32
        %dma_wait3A_145 = tpu.memref_slice %arg11[%dma_wait3A_138, %dma_wait3A_144] : memref<21x128xi32, #tpu.memory_space<vmem>> -> memref<1x128xi32, #tpu.memory_space<vmem>>
        %dma_wait3A_146 = tpu.memref_squeeze %dma_wait3A_145 : memref<1x128xi32, #tpu.memory_space<vmem>> -> memref<128xi32, #tpu.memory_space<vmem>>
        %dma_wait3A_147 = arith.constant 0 : i32
        %dma_wait3A_148 = arith.constant 0 : i32
        %dma_wait3A_149 = tpu.memref_slice %arg13[%dma_wait3A_147, %dma_wait3A_148] : memref<50048x32xf32, #tpu.memory_space<vmem_shared>> -> memref<50048x32xf32, #tpu.memory_space<vmem_shared>>
        %dma_wait3A_150 = tpu.memref_slice %arg15[%dma_wait3A_139] : memref<6x!tpu.dma_semaphore, #tpu.memory_space<semaphore_mem>> -> memref<1x!tpu.dma_semaphore, #tpu.memory_space<semaphore_mem>>
        %dma_wait3A_151 = tpu.memref_squeeze %dma_wait3A_150 : memref<1x!tpu.dma_semaphore, #tpu.memory_space<semaphore_mem>> -> memref<!tpu.dma_semaphore, #tpu.memory_space<semaphore_mem>>
        tpu.wait_indirect_dma semaphore(%dma_wait3A_151 : memref<!tpu.dma_semaphore, #tpu.memory_space<semaphore_mem>>) src(%dma_wait3A_143 : memref<128x32xf32, #tpu.memory_space<vmem>>) dst(%dma_wait3A_149 : memref<50048x32xf32, #tpu.memory_space<vmem_shared>>)
        %dma_wait3A_152 = arith.constant 1 : i32
        %dma_wait3A_153 = arith.constant 0 : i32
        %dma_wait3A_154 = arith.constant 1 : i32
        %dma_wait3A_155 = arith.constant 0 : i32
        %dma_wait3A_156 = arith.constant 0 : i32
        %dma_wait3A_157 = tpu.memref_slice %arg12[%dma_wait3A_152, %dma_wait3A_155, %dma_wait3A_156] : memref<6x128x32xf32, #tpu.memory_space<vmem>> -> memref<1x128x32xf32, #tpu.memory_space<vmem>>
        %dma_wait3A_158 = tpu.memref_squeeze %dma_wait3A_157 : memref<1x128x32xf32, #tpu.memory_space<vmem>> -> memref<128x32xf32, #tpu.memory_space<vmem>>
        %dma_wait3A_159 = arith.constant 0 : i32
        %dma_wait3A_160 = tpu.memref_slice %arg11[%dma_wait3A_153, %dma_wait3A_159] : memref<21x128xi32, #tpu.memory_space<vmem>> -> memref<1x128xi32, #tpu.memory_space<vmem>>
        %dma_wait3A_161 = tpu.memref_squeeze %dma_wait3A_160 : memref<1x128xi32, #tpu.memory_space<vmem>> -> memref<128xi32, #tpu.memory_space<vmem>>
        %dma_wait3A_162 = arith.constant 0 : i32
        %dma_wait3A_163 = arith.constant 0 : i32
        %dma_wait3A_164 = tpu.memref_slice %arg13[%dma_wait3A_162, %dma_wait3A_163] : memref<50048x32xf32, #tpu.memory_space<vmem_shared>> -> memref<50048x32xf32, #tpu.memory_space<vmem_shared>>
        %dma_wait3A_165 = tpu.memref_slice %arg15[%dma_wait3A_154] : memref<6x!tpu.dma_semaphore, #tpu.memory_space<semaphore_mem>> -> memref<1x!tpu.dma_semaphore, #tpu.memory_space<semaphore_mem>>
        %dma_wait3A_166 = tpu.memref_squeeze %dma_wait3A_165 : memref<1x!tpu.dma_semaphore, #tpu.memory_space<semaphore_mem>> -> memref<!tpu.dma_semaphore, #tpu.memory_space<semaphore_mem>>
        tpu.wait_indirect_dma semaphore(%dma_wait3A_166 : memref<!tpu.dma_semaphore, #tpu.memory_space<semaphore_mem>>) src(%dma_wait3A_158 : memref<128x32xf32, #tpu.memory_space<vmem>>) dst(%dma_wait3A_164 : memref<50048x32xf32, #tpu.memory_space<vmem_shared>>)
        %dma_wait3A_167 = arith.constant 2 : i32
        %dma_wait3A_168 = arith.constant 0 : i32
        %dma_wait3A_169 = arith.constant 2 : i32
        %dma_wait3A_170 = arith.constant 0 : i32
        %dma_wait3A_171 = arith.constant 0 : i32
        %dma_wait3A_172 = tpu.memref_slice %arg12[%dma_wait3A_167, %dma_wait3A_170, %dma_wait3A_171] : memref<6x128x32xf32, #tpu.memory_space<vmem>> -> memref<1x128x32xf32, #tpu.memory_space<vmem>>
        %dma_wait3A_173 = tpu.memref_squeeze %dma_wait3A_172 : memref<1x128x32xf32, #tpu.memory_space<vmem>> -> memref<128x32xf32, #tpu.memory_space<vmem>>
        %dma_wait3A_174 = arith.constant 0 : i32
        %dma_wait3A_175 = tpu.memref_slice %arg11[%dma_wait3A_168, %dma_wait3A_174] : memref<21x128xi32, #tpu.memory_space<vmem>> -> memref<1x128xi32, #tpu.memory_space<vmem>>
        %dma_wait3A_176 = tpu.memref_squeeze %dma_wait3A_175 : memref<1x128xi32, #tpu.memory_space<vmem>> -> memref<128xi32, #tpu.memory_space<vmem>>
        %dma_wait3A_177 = arith.constant 0 : i32
        %dma_wait3A_178 = arith.constant 0 : i32
        %dma_wait3A_179 = tpu.memref_slice %arg13[%dma_wait3A_177, %dma_wait3A_178] : memref<50048x32xf32, #tpu.memory_space<vmem_shared>> -> memref<50048x32xf32, #tpu.memory_space<vmem_shared>>
        %dma_wait3A_180 = tpu.memref_slice %arg15[%dma_wait3A_169] : memref<6x!tpu.dma_semaphore, #tpu.memory_space<semaphore_mem>> -> memref<1x!tpu.dma_semaphore, #tpu.memory_space<semaphore_mem>>
        %dma_wait3A_181 = tpu.memref_squeeze %dma_wait3A_180 : memref<1x!tpu.dma_semaphore, #tpu.memory_space<semaphore_mem>> -> memref<!tpu.dma_semaphore, #tpu.memory_space<semaphore_mem>>
        tpu.wait_indirect_dma semaphore(%dma_wait3A_181 : memref<!tpu.dma_semaphore, #tpu.memory_space<semaphore_mem>>) src(%dma_wait3A_173 : memref<128x32xf32, #tpu.memory_space<vmem>>) dst(%dma_wait3A_179 : memref<50048x32xf32, #tpu.memory_space<vmem_shared>>)
        %dma_wait3A_182 = arith.constant 3 : i32
        %dma_wait3A_183 = arith.constant 0 : i32
        %dma_wait3A_184 = arith.constant 3 : i32
        %dma_wait3A_185 = arith.constant 0 : i32
        %dma_wait3A_186 = arith.constant 0 : i32
        %dma_wait3A_187 = tpu.memref_slice %arg12[%dma_wait3A_182, %dma_wait3A_185, %dma_wait3A_186] : memref<6x128x32xf32, #tpu.memory_space<vmem>> -> memref<1x128x32xf32, #tpu.memory_space<vmem>>
        %dma_wait3A_188 = tpu.memref_squeeze %dma_wait3A_187 : memref<1x128x32xf32, #tpu.memory_space<vmem>> -> memref<128x32xf32, #tpu.memory_space<vmem>>
        %dma_wait3A_189 = arith.constant 0 : i32
        %dma_wait3A_190 = tpu.memref_slice %arg11[%dma_wait3A_183, %dma_wait3A_189] : memref<21x128xi32, #tpu.memory_space<vmem>> -> memref<1x128xi32, #tpu.memory_space<vmem>>
        %dma_wait3A_191 = tpu.memref_squeeze %dma_wait3A_190 : memref<1x128xi32, #tpu.memory_space<vmem>> -> memref<128xi32, #tpu.memory_space<vmem>>
        %dma_wait3A_192 = arith.constant 0 : i32
        %dma_wait3A_193 = arith.constant 0 : i32
        %dma_wait3A_194 = tpu.memref_slice %arg13[%dma_wait3A_192, %dma_wait3A_193] : memref<50048x32xf32, #tpu.memory_space<vmem_shared>> -> memref<50048x32xf32, #tpu.memory_space<vmem_shared>>
        %dma_wait3A_195 = tpu.memref_slice %arg15[%dma_wait3A_184] : memref<6x!tpu.dma_semaphore, #tpu.memory_space<semaphore_mem>> -> memref<1x!tpu.dma_semaphore, #tpu.memory_space<semaphore_mem>>
        %dma_wait3A_196 = tpu.memref_squeeze %dma_wait3A_195 : memref<1x!tpu.dma_semaphore, #tpu.memory_space<semaphore_mem>> -> memref<!tpu.dma_semaphore, #tpu.memory_space<semaphore_mem>>
        tpu.wait_indirect_dma semaphore(%dma_wait3A_196 : memref<!tpu.dma_semaphore, #tpu.memory_space<semaphore_mem>>) src(%dma_wait3A_188 : memref<128x32xf32, #tpu.memory_space<vmem>>) dst(%dma_wait3A_194 : memref<50048x32xf32, #tpu.memory_space<vmem_shared>>)
        %dma_wait3A_197 = arith.constant 4 : i32
        %dma_wait3A_198 = arith.constant 0 : i32
        %dma_wait3A_199 = arith.constant 4 : i32
        %dma_wait3A_200 = arith.constant 0 : i32
        %dma_wait3A_201 = arith.constant 0 : i32
        %dma_wait3A_202 = tpu.memref_slice %arg12[%dma_wait3A_197, %dma_wait3A_200, %dma_wait3A_201] : memref<6x128x32xf32, #tpu.memory_space<vmem>> -> memref<1x128x32xf32, #tpu.memory_space<vmem>>
        %dma_wait3A_203 = tpu.memref_squeeze %dma_wait3A_202 : memref<1x128x32xf32, #tpu.memory_space<vmem>> -> memref<128x32xf32, #tpu.memory_space<vmem>>
        %dma_wait3A_204 = arith.constant 0 : i32
        %dma_wait3A_205 = tpu.memref_slice %arg11[%dma_wait3A_198, %dma_wait3A_204] : memref<21x128xi32, #tpu.memory_space<vmem>> -> memref<1x128xi32, #tpu.memory_space<vmem>>
        %dma_wait3A_206 = tpu.memref_squeeze %dma_wait3A_205 : memref<1x128xi32, #tpu.memory_space<vmem>> -> memref<128xi32, #tpu.memory_space<vmem>>
        %dma_wait3A_207 = arith.constant 0 : i32
        %dma_wait3A_208 = arith.constant 0 : i32
        %dma_wait3A_209 = tpu.memref_slice %arg13[%dma_wait3A_207, %dma_wait3A_208] : memref<50048x32xf32, #tpu.memory_space<vmem_shared>> -> memref<50048x32xf32, #tpu.memory_space<vmem_shared>>
        %dma_wait3A_210 = tpu.memref_slice %arg15[%dma_wait3A_199] : memref<6x!tpu.dma_semaphore, #tpu.memory_space<semaphore_mem>> -> memref<1x!tpu.dma_semaphore, #tpu.memory_space<semaphore_mem>>
        %dma_wait3A_211 = tpu.memref_squeeze %dma_wait3A_210 : memref<1x!tpu.dma_semaphore, #tpu.memory_space<semaphore_mem>> -> memref<!tpu.dma_semaphore, #tpu.memory_space<semaphore_mem>>
        tpu.wait_indirect_dma semaphore(%dma_wait3A_211 : memref<!tpu.dma_semaphore, #tpu.memory_space<semaphore_mem>>) src(%dma_wait3A_203 : memref<128x32xf32, #tpu.memory_space<vmem>>) dst(%dma_wait3A_209 : memref<50048x32xf32, #tpu.memory_space<vmem_shared>>)
        %dma_wait3A_212 = arith.constant 5 : i32
        %dma_wait3A_213 = arith.constant 0 : i32
        %dma_wait3A_214 = arith.constant 5 : i32
        %dma_wait3A_215 = arith.constant 0 : i32
        %dma_wait3A_216 = arith.constant 0 : i32
        %dma_wait3A_217 = tpu.memref_slice %arg12[%dma_wait3A_212, %dma_wait3A_215, %dma_wait3A_216] : memref<6x128x32xf32, #tpu.memory_space<vmem>> -> memref<1x128x32xf32, #tpu.memory_space<vmem>>
        %dma_wait3A_218 = tpu.memref_squeeze %dma_wait3A_217 : memref<1x128x32xf32, #tpu.memory_space<vmem>> -> memref<128x32xf32, #tpu.memory_space<vmem>>
        %dma_wait3A_219 = arith.constant 0 : i32
        %dma_wait3A_220 = tpu.memref_slice %arg11[%dma_wait3A_213, %dma_wait3A_219] : memref<21x128xi32, #tpu.memory_space<vmem>> -> memref<1x128xi32, #tpu.memory_space<vmem>>
        %dma_wait3A_221 = tpu.memref_squeeze %dma_wait3A_220 : memref<1x128xi32, #tpu.memory_space<vmem>> -> memref<128xi32, #tpu.memory_space<vmem>>
        %dma_wait3A_222 = arith.constant 0 : i32
        %dma_wait3A_223 = arith.constant 0 : i32
        %dma_wait3A_224 = tpu.memref_slice %arg13[%dma_wait3A_222, %dma_wait3A_223] : memref<50048x32xf32, #tpu.memory_space<vmem_shared>> -> memref<50048x32xf32, #tpu.memory_space<vmem_shared>>
        %dma_wait3A_225 = tpu.memref_slice %arg15[%dma_wait3A_214] : memref<6x!tpu.dma_semaphore, #tpu.memory_space<semaphore_mem>> -> memref<1x!tpu.dma_semaphore, #tpu.memory_space<semaphore_mem>>
        %dma_wait3A_226 = tpu.memref_squeeze %dma_wait3A_225 : memref<1x!tpu.dma_semaphore, #tpu.memory_space<semaphore_mem>> -> memref<!tpu.dma_semaphore, #tpu.memory_space<semaphore_mem>>
        tpu.wait_indirect_dma semaphore(%dma_wait3A_226 : memref<!tpu.dma_semaphore, #tpu.memory_space<semaphore_mem>>) src(%dma_wait3A_218 : memref<128x32xf32, #tpu.memory_space<vmem>>) dst(%dma_wait3A_224 : memref<50048x32xf32, #tpu.memory_space<vmem_shared>>)
        %scan3A_227 = arith.constant 0 : i32
        scf.yield %scan3A_227 : i32
      }
      %scan3A_15 = arith.constant 7 : i32
      %barrier3A_16 = arith.constant 0 : index
      tpu.barrier barrier_id(%barrier3A_16)
      %mul3A_17 = arith.constant 3128 : i32
      %mul3A_18 = arith.muli %arg1, %mul3A_17 : i32
      %run_scoped3A = arith.constant 1 : i32
      "tpu.region"() ({
        %run_scoped3A_67 = tpu.sem_alloc : memref<!tpu.dma_semaphore, #tpu.memory_space<semaphore_mem>>
        %dma_start3A_68 = arith.constant 0 : i32
        %dma_start3A_69 = tpu.memref_slice %arg9[%run_scoped3A, %mul3A_18, %dma_start3A_68] : memref<2x50048x128xf32, #tpu.memory_space<hbm>> -> memref<1x3128x32xf32, #tpu.memory_space<hbm>>
        %dma_start3A_70 = tpu.memref_squeeze %dma_start3A_69 : memref<1x3128x32xf32, #tpu.memory_space<hbm>> -> memref<3128x32xf32, #tpu.memory_space<hbm>>
        %dma_start3A_71 = arith.constant 0 : i32
        %dma_start3A_72 = tpu.memref_slice %arg13[%mul3A_7, %dma_start3A_71] : memref<50048x32xf32, #tpu.memory_space<vmem_shared>> -> memref<3128x32xf32, #tpu.memory_space<vmem_shared>>
        tpu.enqueue_dma source(%dma_start3A_72 : memref<3128x32xf32, #tpu.memory_space<vmem_shared>>) target(%dma_start3A_70 : memref<3128x32xf32, #tpu.memory_space<hbm>>) target_semaphore(%run_scoped3A_67 : memref<!tpu.dma_semaphore, #tpu.memory_space<semaphore_mem>>)
        %dma_wait3A_73 = arith.constant 0 : i32
        %dma_wait3A_74 = tpu.memref_slice %arg9[%run_scoped3A, %mul3A_18, %dma_wait3A_73] : memref<2x50048x128xf32, #tpu.memory_space<hbm>> -> memref<1x3128x32xf32, #tpu.memory_space<hbm>>
        %dma_wait3A_75 = tpu.memref_squeeze %dma_wait3A_74 : memref<1x3128x32xf32, #tpu.memory_space<hbm>> -> memref<3128x32xf32, #tpu.memory_space<hbm>>
        %dma_wait3A_76 = arith.constant 0 : i32
        %dma_wait3A_77 = tpu.memref_slice %arg13[%mul3A_7, %dma_wait3A_76] : memref<50048x32xf32, #tpu.memory_space<vmem_shared>> -> memref<3128x32xf32, #tpu.memory_space<vmem_shared>>
        tpu.wait_dma2 semaphore(%run_scoped3A_67 : memref<!tpu.dma_semaphore, #tpu.memory_space<semaphore_mem>>) src(%dma_wait3A_77 : memref<3128x32xf32, #tpu.memory_space<vmem_shared>>) dst(%dma_wait3A_75 : memref<3128x32xf32, #tpu.memory_space<hbm>>)
        tpu.yield
      }) : () -> ()
      %dma_start3A_19 = arith.constant 0 : i32
      %dma_start3A_20 = tpu.memref_slice %arg13[%mul3A_7, %dma_start3A_19] : memref<50048x32xf32, #tpu.memory_space<vmem_shared>> -> memref<3128x32xf32, #tpu.memory_space<vmem_shared>>
      tpu.enqueue_dma source(%arg8 : memref<3128x32xf32, #tpu.memory_space<hbm>>) target(%dma_start3A_20 : memref<3128x32xf32, #tpu.memory_space<vmem_shared>>) target_semaphore(%arg16 : memref<!tpu.dma_semaphore, #tpu.memory_space<semaphore_mem>>)
      %dma_wait3A_21 = arith.constant 0 : i32
      %dma_wait3A_22 = tpu.memref_slice %arg13[%mul3A_7, %dma_wait3A_21] : memref<50048x32xf32, #tpu.memory_space<vmem_shared>> -> memref<3128x32xf32, #tpu.memory_space<vmem_shared>>
      tpu.wait_dma2 semaphore(%arg16 : memref<!tpu.dma_semaphore, #tpu.memory_space<semaphore_mem>>) src(%arg8 : memref<3128x32xf32, #tpu.memory_space<hbm>>) dst(%dma_wait3A_22 : memref<3128x32xf32, #tpu.memory_space<vmem_shared>>)
      %barrier3A_23 = arith.constant 0 : index
      tpu.barrier barrier_id(%barrier3A_23)
      %scan3A_24 = arith.constant 0 : i32
      %scan3A_25 = arith.constant 0 : i32
      %scan3A_26 = arith.constant 7 : i32
      %scan3A_27 = arith.addi %scan3A_25, %scan3A_26 : i32
      %scan3A_28 = arith.constant 1 : i32
      %scan3A_29 = scf.for %scan3A_67 = %scan3A_25 to %scan3A_27 step %scan3A_28 iter_args(%scan3A_68 = %scan3A_24) -> (i32)  : i32 {
        %run_scoped3A_69 = arith.constant 1 : i32
        "tpu.region"() ({
          %run_scoped3A_228 = tpu.sem_alloc : memref<!tpu.dma_semaphore, #tpu.memory_space<semaphore_mem>>
          %dma_start3A_229 = arith.constant 0 : i32
          %dma_start3A_230 = arith.constant 0 : i32
          %dma_start3A_231 = tpu.memref_slice %arg6[%run_scoped3A_69, %arg1, %scan3A_67, %dma_start3A_229, %dma_start3A_230] : memref<4x16x7x21x128xi32, #tpu.memory_space<hbm>> -> memref<1x1x1x21x128xi32, #tpu.memory_space<hbm>>
          %dma_start3A_232 = tpu.memref_squeeze %dma_start3A_231 : memref<1x1x1x21x128xi32, #tpu.memory_space<hbm>> -> memref<21x128xi32, #tpu.memory_space<hbm>>
          %dma_start3A_233 = arith.constant 0 : i32
          %dma_start3A_234 = arith.constant 0 : i32
          %dma_start3A_235 = tpu.memref_slice %arg6[%run_scoped3A_69, %arg1, %scan3A_67, %dma_start3A_233, %dma_start3A_234] : memref<4x16x7x21x128xi32, #tpu.memory_space<hbm>> -> memref<1x1x1x21x128xi32, #tpu.memory_space<hbm>>
          %dma_start3A_236 = tpu.memref_squeeze %dma_start3A_235 : memref<1x1x1x21x128xi32, #tpu.memory_space<hbm>> -> memref<21x128xi32, #tpu.memory_space<hbm>>
          tpu.enqueue_dma source(%dma_start3A_236 : memref<21x128xi32, #tpu.memory_space<hbm>>) target(%arg10 : memref<21x128xi32, #tpu.memory_space<vmem>>) target_semaphore(%run_scoped3A_228 : memref<!tpu.dma_semaphore, #tpu.memory_space<semaphore_mem>>)
          %dma_wait3A_237 = arith.constant 0 : i32
          %dma_wait3A_238 = arith.constant 0 : i32
          %dma_wait3A_239 = tpu.memref_slice %arg6[%run_scoped3A_69, %arg1, %scan3A_67, %dma_wait3A_237, %dma_wait3A_238] : memref<4x16x7x21x128xi32, #tpu.memory_space<hbm>> -> memref<1x1x1x21x128xi32, #tpu.memory_space<hbm>>
          %dma_wait3A_240 = tpu.memref_squeeze %dma_wait3A_239 : memref<1x1x1x21x128xi32, #tpu.memory_space<hbm>> -> memref<21x128xi32, #tpu.memory_space<hbm>>
          %dma_wait3A_241 = arith.constant 0 : i32
          %dma_wait3A_242 = arith.constant 0 : i32
          %dma_wait3A_243 = tpu.memref_slice %arg6[%run_scoped3A_69, %arg1, %scan3A_67, %dma_wait3A_241, %dma_wait3A_242] : memref<4x16x7x21x128xi32, #tpu.memory_space<hbm>> -> memref<1x1x1x21x128xi32, #tpu.memory_space<hbm>>
          %dma_wait3A_244 = tpu.memref_squeeze %dma_wait3A_243 : memref<1x1x1x21x128xi32, #tpu.memory_space<hbm>> -> memref<21x128xi32, #tpu.memory_space<hbm>>
          tpu.wait_dma2 semaphore(%run_scoped3A_228 : memref<!tpu.dma_semaphore, #tpu.memory_space<semaphore_mem>>) src(%dma_wait3A_244 : memref<21x128xi32, #tpu.memory_space<hbm>>) dst(%arg10 : memref<21x128xi32, #tpu.memory_space<vmem>>)
          tpu.yield
        }) : () -> ()
        "tpu.region"() ({
          %run_scoped3A_228 = tpu.sem_alloc : memref<!tpu.dma_semaphore, #tpu.memory_space<semaphore_mem>>
          %dma_start3A_229 = arith.constant 0 : i32
          %dma_start3A_230 = arith.constant 0 : i32
          %dma_start3A_231 = tpu.memref_slice %arg7[%arg1, %scan3A_67, %dma_start3A_229, %dma_start3A_230] : memref<16x7x21x128xi32, #tpu.memory_space<hbm>> -> memref<1x1x21x128xi32, #tpu.memory_space<hbm>>
          %dma_start3A_232 = tpu.memref_squeeze %dma_start3A_231 : memref<1x1x21x128xi32, #tpu.memory_space<hbm>> -> memref<21x128xi32, #tpu.memory_space<hbm>>
          %dma_start3A_233 = arith.constant 0 : i32
          %dma_start3A_234 = arith.constant 0 : i32
          %dma_start3A_235 = tpu.memref_slice %arg7[%arg1, %scan3A_67, %dma_start3A_233, %dma_start3A_234] : memref<16x7x21x128xi32, #tpu.memory_space<hbm>> -> memref<1x1x21x128xi32, #tpu.memory_space<hbm>>
          %dma_start3A_236 = tpu.memref_squeeze %dma_start3A_235 : memref<1x1x21x128xi32, #tpu.memory_space<hbm>> -> memref<21x128xi32, #tpu.memory_space<hbm>>
          tpu.enqueue_dma source(%dma_start3A_236 : memref<21x128xi32, #tpu.memory_space<hbm>>) target(%arg11 : memref<21x128xi32, #tpu.memory_space<vmem>>) target_semaphore(%run_scoped3A_228 : memref<!tpu.dma_semaphore, #tpu.memory_space<semaphore_mem>>)
          %dma_wait3A_237 = arith.constant 0 : i32
          %dma_wait3A_238 = arith.constant 0 : i32
          %dma_wait3A_239 = tpu.memref_slice %arg7[%arg1, %scan3A_67, %dma_wait3A_237, %dma_wait3A_238] : memref<16x7x21x128xi32, #tpu.memory_space<hbm>> -> memref<1x1x21x128xi32, #tpu.memory_space<hbm>>
          %dma_wait3A_240 = tpu.memref_squeeze %dma_wait3A_239 : memref<1x1x21x128xi32, #tpu.memory_space<hbm>> -> memref<21x128xi32, #tpu.memory_space<hbm>>
          %dma_wait3A_241 = arith.constant 0 : i32
          %dma_wait3A_242 = arith.constant 0 : i32
          %dma_wait3A_243 = tpu.memref_slice %arg7[%arg1, %scan3A_67, %dma_wait3A_241, %dma_wait3A_242] : memref<16x7x21x128xi32, #tpu.memory_space<hbm>> -> memref<1x1x21x128xi32, #tpu.memory_space<hbm>>
          %dma_wait3A_244 = tpu.memref_squeeze %dma_wait3A_243 : memref<1x1x21x128xi32, #tpu.memory_space<hbm>> -> memref<21x128xi32, #tpu.memory_space<hbm>>
          tpu.wait_dma2 semaphore(%run_scoped3A_228 : memref<!tpu.dma_semaphore, #tpu.memory_space<semaphore_mem>>) src(%dma_wait3A_244 : memref<21x128xi32, #tpu.memory_space<hbm>>) dst(%arg11 : memref<21x128xi32, #tpu.memory_space<vmem>>)
          tpu.yield
        }) : () -> ()
        %dma_start3A_70 = arith.constant 0 : i32
        %dma_start3A_71 = arith.constant 0 : i32
        %dma_start3A_72 = arith.constant 0 : i32
        %dma_start3A_73 = arith.constant 0 : i32
        %dma_start3A_74 = arith.constant 0 : i32
        %dma_start3A_75 = tpu.memref_slice %arg12[%dma_start3A_71, %dma_start3A_73, %dma_start3A_74] : memref<6x128x32xf32, #tpu.memory_space<vmem>> -> memref<1x128x32xf32, #tpu.memory_space<vmem>>
        %dma_start3A_76 = tpu.memref_squeeze %dma_start3A_75 : memref<1x128x32xf32, #tpu.memory_space<vmem>> -> memref<128x32xf32, #tpu.memory_space<vmem>>
        %dma_start3A_77 = arith.constant 0 : i32
        %dma_start3A_78 = tpu.memref_slice %arg10[%dma_start3A_70, %dma_start3A_77] : memref<21x128xi32, #tpu.memory_space<vmem>> -> memref<1x128xi32, #tpu.memory_space<vmem>>
        %dma_start3A_79 = tpu.memref_squeeze %dma_start3A_78 : memref<1x128xi32, #tpu.memory_space<vmem>> -> memref<128xi32, #tpu.memory_space<vmem>>
        %dma_start3A_80 = arith.constant 0 : i32
        %dma_start3A_81 = arith.constant 0 : i32
        %dma_start3A_82 = tpu.memref_slice %arg3[%dma_start3A_80, %dma_start3A_81] : memref<200000x32xf32, #tpu.memory_space<hbm>> -> memref<200000x32xf32, #tpu.memory_space<hbm>>
        %dma_start3A_83 = tpu.memref_slice %arg14[%dma_start3A_72] : memref<6x!tpu.dma_semaphore, #tpu.memory_space<semaphore_mem>> -> memref<1x!tpu.dma_semaphore, #tpu.memory_space<semaphore_mem>>
        %dma_start3A_84 = tpu.memref_squeeze %dma_start3A_83 : memref<1x!tpu.dma_semaphore, #tpu.memory_space<semaphore_mem>> -> memref<!tpu.dma_semaphore, #tpu.memory_space<semaphore_mem>>
        tpu.enqueue_indirect_dma source(%dma_start3A_82 : memref<200000x32xf32, #tpu.memory_space<hbm>>) target(%dma_start3A_76 : memref<128x32xf32, #tpu.memory_space<vmem>>) offsets(%dma_start3A_79 : memref<128xi32, #tpu.memory_space<vmem>>) semaphore(%dma_start3A_84 : memref<!tpu.dma_semaphore, #tpu.memory_space<semaphore_mem>>)
        %dma_start3A_85 = arith.constant 1 : i32
        %dma_start3A_86 = arith.constant 1 : i32
        %dma_start3A_87 = arith.constant 1 : i32
        %dma_start3A_88 = arith.constant 0 : i32
        %dma_start3A_89 = arith.constant 0 : i32
        %dma_start3A_90 = tpu.memref_slice %arg12[%dma_start3A_86, %dma_start3A_88, %dma_start3A_89] : memref<6x128x32xf32, #tpu.memory_space<vmem>> -> memref<1x128x32xf32, #tpu.memory_space<vmem>>
        %dma_start3A_91 = tpu.memref_squeeze %dma_start3A_90 : memref<1x128x32xf32, #tpu.memory_space<vmem>> -> memref<128x32xf32, #tpu.memory_space<vmem>>
        %dma_start3A_92 = arith.constant 0 : i32
        %dma_start3A_93 = tpu.memref_slice %arg10[%dma_start3A_85, %dma_start3A_92] : memref<21x128xi32, #tpu.memory_space<vmem>> -> memref<1x128xi32, #tpu.memory_space<vmem>>
        %dma_start3A_94 = tpu.memref_squeeze %dma_start3A_93 : memref<1x128xi32, #tpu.memory_space<vmem>> -> memref<128xi32, #tpu.memory_space<vmem>>
        %dma_start3A_95 = arith.constant 0 : i32
        %dma_start3A_96 = arith.constant 0 : i32
        %dma_start3A_97 = tpu.memref_slice %arg3[%dma_start3A_95, %dma_start3A_96] : memref<200000x32xf32, #tpu.memory_space<hbm>> -> memref<200000x32xf32, #tpu.memory_space<hbm>>
        %dma_start3A_98 = tpu.memref_slice %arg14[%dma_start3A_87] : memref<6x!tpu.dma_semaphore, #tpu.memory_space<semaphore_mem>> -> memref<1x!tpu.dma_semaphore, #tpu.memory_space<semaphore_mem>>
        %dma_start3A_99 = tpu.memref_squeeze %dma_start3A_98 : memref<1x!tpu.dma_semaphore, #tpu.memory_space<semaphore_mem>> -> memref<!tpu.dma_semaphore, #tpu.memory_space<semaphore_mem>>
        tpu.enqueue_indirect_dma source(%dma_start3A_97 : memref<200000x32xf32, #tpu.memory_space<hbm>>) target(%dma_start3A_91 : memref<128x32xf32, #tpu.memory_space<vmem>>) offsets(%dma_start3A_94 : memref<128xi32, #tpu.memory_space<vmem>>) semaphore(%dma_start3A_99 : memref<!tpu.dma_semaphore, #tpu.memory_space<semaphore_mem>>)
        %dma_start3A_100 = arith.constant 2 : i32
        %dma_start3A_101 = arith.constant 2 : i32
        %dma_start3A_102 = arith.constant 2 : i32
        %dma_start3A_103 = arith.constant 0 : i32
        %dma_start3A_104 = arith.constant 0 : i32
        %dma_start3A_105 = tpu.memref_slice %arg12[%dma_start3A_101, %dma_start3A_103, %dma_start3A_104] : memref<6x128x32xf32, #tpu.memory_space<vmem>> -> memref<1x128x32xf32, #tpu.memory_space<vmem>>
        %dma_start3A_106 = tpu.memref_squeeze %dma_start3A_105 : memref<1x128x32xf32, #tpu.memory_space<vmem>> -> memref<128x32xf32, #tpu.memory_space<vmem>>
        %dma_start3A_107 = arith.constant 0 : i32
        %dma_start3A_108 = tpu.memref_slice %arg10[%dma_start3A_100, %dma_start3A_107] : memref<21x128xi32, #tpu.memory_space<vmem>> -> memref<1x128xi32, #tpu.memory_space<vmem>>
        %dma_start3A_109 = tpu.memref_squeeze %dma_start3A_108 : memref<1x128xi32, #tpu.memory_space<vmem>> -> memref<128xi32, #tpu.memory_space<vmem>>
        %dma_start3A_110 = arith.constant 0 : i32
        %dma_start3A_111 = arith.constant 0 : i32
        %dma_start3A_112 = tpu.memref_slice %arg3[%dma_start3A_110, %dma_start3A_111] : memref<200000x32xf32, #tpu.memory_space<hbm>> -> memref<200000x32xf32, #tpu.memory_space<hbm>>
        %dma_start3A_113 = tpu.memref_slice %arg14[%dma_start3A_102] : memref<6x!tpu.dma_semaphore, #tpu.memory_space<semaphore_mem>> -> memref<1x!tpu.dma_semaphore, #tpu.memory_space<semaphore_mem>>
        %dma_start3A_114 = tpu.memref_squeeze %dma_start3A_113 : memref<1x!tpu.dma_semaphore, #tpu.memory_space<semaphore_mem>> -> memref<!tpu.dma_semaphore, #tpu.memory_space<semaphore_mem>>
        tpu.enqueue_indirect_dma source(%dma_start3A_112 : memref<200000x32xf32, #tpu.memory_space<hbm>>) target(%dma_start3A_106 : memref<128x32xf32, #tpu.memory_space<vmem>>) offsets(%dma_start3A_109 : memref<128xi32, #tpu.memory_space<vmem>>) semaphore(%dma_start3A_114 : memref<!tpu.dma_semaphore, #tpu.memory_space<semaphore_mem>>)
        %dma_start3A_115 = arith.constant 3 : i32
        %dma_start3A_116 = arith.constant 3 : i32
        %dma_start3A_117 = arith.constant 3 : i32
        %dma_start3A_118 = arith.constant 0 : i32
        %dma_start3A_119 = arith.constant 0 : i32
        %dma_start3A_120 = tpu.memref_slice %arg12[%dma_start3A_116, %dma_start3A_118, %dma_start3A_119] : memref<6x128x32xf32, #tpu.memory_space<vmem>> -> memref<1x128x32xf32, #tpu.memory_space<vmem>>
        %dma_start3A_121 = tpu.memref_squeeze %dma_start3A_120 : memref<1x128x32xf32, #tpu.memory_space<vmem>> -> memref<128x32xf32, #tpu.memory_space<vmem>>
        %dma_start3A_122 = arith.constant 0 : i32
        %dma_start3A_123 = tpu.memref_slice %arg10[%dma_start3A_115, %dma_start3A_122] : memref<21x128xi32, #tpu.memory_space<vmem>> -> memref<1x128xi32, #tpu.memory_space<vmem>>
        %dma_start3A_124 = tpu.memref_squeeze %dma_start3A_123 : memref<1x128xi32, #tpu.memory_space<vmem>> -> memref<128xi32, #tpu.memory_space<vmem>>
        %dma_start3A_125 = arith.constant 0 : i32
        %dma_start3A_126 = arith.constant 0 : i32
        %dma_start3A_127 = tpu.memref_slice %arg3[%dma_start3A_125, %dma_start3A_126] : memref<200000x32xf32, #tpu.memory_space<hbm>> -> memref<200000x32xf32, #tpu.memory_space<hbm>>
        %dma_start3A_128 = tpu.memref_slice %arg14[%dma_start3A_117] : memref<6x!tpu.dma_semaphore, #tpu.memory_space<semaphore_mem>> -> memref<1x!tpu.dma_semaphore, #tpu.memory_space<semaphore_mem>>
        %dma_start3A_129 = tpu.memref_squeeze %dma_start3A_128 : memref<1x!tpu.dma_semaphore, #tpu.memory_space<semaphore_mem>> -> memref<!tpu.dma_semaphore, #tpu.memory_space<semaphore_mem>>
        tpu.enqueue_indirect_dma source(%dma_start3A_127 : memref<200000x32xf32, #tpu.memory_space<hbm>>) target(%dma_start3A_121 : memref<128x32xf32, #tpu.memory_space<vmem>>) offsets(%dma_start3A_124 : memref<128xi32, #tpu.memory_space<vmem>>) semaphore(%dma_start3A_129 : memref<!tpu.dma_semaphore, #tpu.memory_space<semaphore_mem>>)
        %scan3A_130 = arith.constant 0 : i32
        %scan3A_131 = arith.constant 0 : i32
        %scan3A_132 = arith.constant 21 : i32
        %scan3A_133 = arith.addi %scan3A_131, %scan3A_132 : i32
        %scan3A_134 = arith.constant 1 : i32
        %scan3A_135 = scf.for %scan3A_228 = %scan3A_131 to %scan3A_133 step %scan3A_134 iter_args(%scan3A_229 = %scan3A_130) -> (i32)  : i32 {
          %rem3A = arith.constant 6 : i32
          %rem3A_230 = arith.remsi %scan3A_228, %rem3A : i32
          %dma_wait3A_231 = arith.constant 0 : i32
          %dma_wait3A_232 = arith.constant 0 : i32
          %dma_wait3A_233 = tpu.memref_slice %arg12[%rem3A_230, %dma_wait3A_231, %dma_wait3A_232] : memref<6x128x32xf32, #tpu.memory_space<vmem>> -> memref<1x128x32xf32, #tpu.memory_space<vmem>>
          %dma_wait3A_234 = tpu.memref_squeeze %dma_wait3A_233 : memref<1x128x32xf32, #tpu.memory_space<vmem>> -> memref<128x32xf32, #tpu.memory_space<vmem>>
          %dma_wait3A_235 = arith.constant 0 : i32
          %dma_wait3A_236 = tpu.memref_slice %arg10[%scan3A_228, %dma_wait3A_235] : memref<21x128xi32, #tpu.memory_space<vmem>> -> memref<1x128xi32, #tpu.memory_space<vmem>>
          %dma_wait3A_237 = tpu.memref_squeeze %dma_wait3A_236 : memref<1x128xi32, #tpu.memory_space<vmem>> -> memref<128xi32, #tpu.memory_space<vmem>>
          %dma_wait3A_238 = arith.constant 0 : i32
          %dma_wait3A_239 = arith.constant 0 : i32
          %dma_wait3A_240 = tpu.memref_slice %arg3[%dma_wait3A_238, %dma_wait3A_239] : memref<200000x32xf32, #tpu.memory_space<hbm>> -> memref<200000x32xf32, #tpu.memory_space<hbm>>
          %dma_wait3A_241 = tpu.memref_slice %arg14[%rem3A_230] : memref<6x!tpu.dma_semaphore, #tpu.memory_space<semaphore_mem>> -> memref<1x!tpu.dma_semaphore, #tpu.memory_space<semaphore_mem>>
          %dma_wait3A_242 = tpu.memref_squeeze %dma_wait3A_241 : memref<1x!tpu.dma_semaphore, #tpu.memory_space<semaphore_mem>> -> memref<!tpu.dma_semaphore, #tpu.memory_space<semaphore_mem>>
          tpu.wait_indirect_dma semaphore(%dma_wait3A_242 : memref<!tpu.dma_semaphore, #tpu.memory_space<semaphore_mem>>) src(%dma_wait3A_240 : memref<200000x32xf32, #tpu.memory_space<hbm>>) dst(%dma_wait3A_234 : memref<128x32xf32, #tpu.memory_space<vmem>>)
          %dma_start3A_243 = arith.constant 0 : i32
          %dma_start3A_244 = arith.constant 0 : i32
          %dma_start3A_245 = tpu.memref_slice %arg12[%rem3A_230, %dma_start3A_243, %dma_start3A_244] : memref<6x128x32xf32, #tpu.memory_space<vmem>> -> memref<1x128x32xf32, #tpu.memory_space<vmem>>
          %dma_start3A_246 = tpu.memref_squeeze %dma_start3A_245 : memref<1x128x32xf32, #tpu.memory_space<vmem>> -> memref<128x32xf32, #tpu.memory_space<vmem>>
          %dma_start3A_247 = arith.constant 0 : i32
          %dma_start3A_248 = tpu.memref_slice %arg11[%scan3A_228, %dma_start3A_247] : memref<21x128xi32, #tpu.memory_space<vmem>> -> memref<1x128xi32, #tpu.memory_space<vmem>>
          %dma_start3A_249 = tpu.memref_squeeze %dma_start3A_248 : memref<1x128xi32, #tpu.memory_space<vmem>> -> memref<128xi32, #tpu.memory_space<vmem>>
          %dma_start3A_250 = arith.constant 0 : i32
          %dma_start3A_251 = arith.constant 0 : i32
          %dma_start3A_252 = tpu.memref_slice %arg13[%dma_start3A_250, %dma_start3A_251] : memref<50048x32xf32, #tpu.memory_space<vmem_shared>> -> memref<50048x32xf32, #tpu.memory_space<vmem_shared>>
          %dma_start3A_253 = tpu.memref_slice %arg15[%rem3A_230] : memref<6x!tpu.dma_semaphore, #tpu.memory_space<semaphore_mem>> -> memref<1x!tpu.dma_semaphore, #tpu.memory_space<semaphore_mem>>
          %dma_start3A_254 = tpu.memref_squeeze %dma_start3A_253 : memref<1x!tpu.dma_semaphore, #tpu.memory_space<semaphore_mem>> -> memref<!tpu.dma_semaphore, #tpu.memory_space<semaphore_mem>>
          tpu.enqueue_indirect_dma source(%dma_start3A_246 : memref<128x32xf32, #tpu.memory_space<vmem>>) target(%dma_start3A_252 : memref<50048x32xf32, #tpu.memory_space<vmem_shared>>) offsets(%dma_start3A_249 : memref<128xi32, #tpu.memory_space<vmem>>) semaphore(%dma_start3A_254 : memref<!tpu.dma_semaphore, #tpu.memory_space<semaphore_mem>>) {add = true}
          %add3A = arith.constant 4 : i32
          %add3A_255 = arith.addi %scan3A_228, %add3A : i32
          %lt3A = arith.constant 21 : i32
          %lt3A_256 = arith.cmpi slt, %add3A_255, %lt3A : i32
          %convert_element_type3A_257 = arith.extui %lt3A_256 : i1 to i32
          %cond3A_258 = arith.constant 0 : i32
          %cond3A_259 = arith.cmpi ne, %convert_element_type3A_257, %cond3A_258 : i32
          scf.if %cond3A_259 {
            %add3A_261 = arith.constant 4 : i32
            %add3A_262 = arith.addi %scan3A_228, %add3A_261 : i32
            %rem3A_263 = arith.constant 6 : i32
            %rem3A_264 = arith.remsi %add3A_262, %rem3A_263 : i32
            %ge3A = arith.constant 2 : i32
            %ge3A_265 = arith.cmpi sge, %scan3A_228, %ge3A : i32
            %convert_element_type3A_266 = arith.extui %ge3A_265 : i1 to i32
            %cond3A_267 = arith.constant 0 : i32
            %cond3A_268 = arith.cmpi ne, %convert_element_type3A_266, %cond3A_267 : i32
            scf.if %cond3A_268 {
              %dma_wait3A_283 = arith.constant 0 : i32
              %dma_wait3A_284 = arith.constant 0 : i32
              %dma_wait3A_285 = tpu.memref_slice %arg12[%rem3A_264, %dma_wait3A_283, %dma_wait3A_284] : memref<6x128x32xf32, #tpu.memory_space<vmem>> -> memref<1x128x32xf32, #tpu.memory_space<vmem>>
              %dma_wait3A_286 = tpu.memref_squeeze %dma_wait3A_285 : memref<1x128x32xf32, #tpu.memory_space<vmem>> -> memref<128x32xf32, #tpu.memory_space<vmem>>
              %dma_wait3A_287 = arith.constant 0 : i32
              %dma_wait3A_288 = tpu.memref_slice %arg11[%scan3A_228, %dma_wait3A_287] : memref<21x128xi32, #tpu.memory_space<vmem>> -> memref<1x128xi32, #tpu.memory_space<vmem>>
              %dma_wait3A_289 = tpu.memref_squeeze %dma_wait3A_288 : memref<1x128xi32, #tpu.memory_space<vmem>> -> memref<128xi32, #tpu.memory_space<vmem>>
              %dma_wait3A_290 = arith.constant 0 : i32
              %dma_wait3A_291 = arith.constant 0 : i32
              %dma_wait3A_292 = tpu.memref_slice %arg13[%dma_wait3A_290, %dma_wait3A_291] : memref<50048x32xf32, #tpu.memory_space<vmem_shared>> -> memref<50048x32xf32, #tpu.memory_space<vmem_shared>>
              %dma_wait3A_293 = tpu.memref_slice %arg15[%rem3A_264] : memref<6x!tpu.dma_semaphore, #tpu.memory_space<semaphore_mem>> -> memref<1x!tpu.dma_semaphore, #tpu.memory_space<semaphore_mem>>
              %dma_wait3A_294 = tpu.memref_squeeze %dma_wait3A_293 : memref<1x!tpu.dma_semaphore, #tpu.memory_space<semaphore_mem>> -> memref<!tpu.dma_semaphore, #tpu.memory_space<semaphore_mem>>
              tpu.wait_indirect_dma semaphore(%dma_wait3A_294 : memref<!tpu.dma_semaphore, #tpu.memory_space<semaphore_mem>>) src(%dma_wait3A_286 : memref<128x32xf32, #tpu.memory_space<vmem>>) dst(%dma_wait3A_292 : memref<50048x32xf32, #tpu.memory_space<vmem_shared>>)
            } else {
            }
            %add3A_269 = arith.constant 4 : i32
            %add3A_270 = arith.addi %scan3A_228, %add3A_269 : i32
            %dma_start3A_271 = arith.constant 0 : i32
            %dma_start3A_272 = arith.constant 0 : i32
            %dma_start3A_273 = tpu.memref_slice %arg12[%rem3A_264, %dma_start3A_271, %dma_start3A_272] : memref<6x128x32xf32, #tpu.memory_space<vmem>> -> memref<1x128x32xf32, #tpu.memory_space<vmem>>
            %dma_start3A_274 = tpu.memref_squeeze %dma_start3A_273 : memref<1x128x32xf32, #tpu.memory_space<vmem>> -> memref<128x32xf32, #tpu.memory_space<vmem>>
            %dma_start3A_275 = arith.constant 0 : i32
            %dma_start3A_276 = tpu.memref_slice %arg10[%add3A_270, %dma_start3A_275] : memref<21x128xi32, #tpu.memory_space<vmem>> -> memref<1x128xi32, #tpu.memory_space<vmem>>
            %dma_start3A_277 = tpu.memref_squeeze %dma_start3A_276 : memref<1x128xi32, #tpu.memory_space<vmem>> -> memref<128xi32, #tpu.memory_space<vmem>>
            %dma_start3A_278 = arith.constant 0 : i32
            %dma_start3A_279 = arith.constant 0 : i32
            %dma_start3A_280 = tpu.memref_slice %arg3[%dma_start3A_278, %dma_start3A_279] : memref<200000x32xf32, #tpu.memory_space<hbm>> -> memref<200000x32xf32, #tpu.memory_space<hbm>>
            %dma_start3A_281 = tpu.memref_slice %arg14[%rem3A_264] : memref<6x!tpu.dma_semaphore, #tpu.memory_space<semaphore_mem>> -> memref<1x!tpu.dma_semaphore, #tpu.memory_space<semaphore_mem>>
            %dma_start3A_282 = tpu.memref_squeeze %dma_start3A_281 : memref<1x!tpu.dma_semaphore, #tpu.memory_space<semaphore_mem>> -> memref<!tpu.dma_semaphore, #tpu.memory_space<semaphore_mem>>
            tpu.enqueue_indirect_dma source(%dma_start3A_280 : memref<200000x32xf32, #tpu.memory_space<hbm>>) target(%dma_start3A_274 : memref<128x32xf32, #tpu.memory_space<vmem>>) offsets(%dma_start3A_277 : memref<128xi32, #tpu.memory_space<vmem>>) semaphore(%dma_start3A_282 : memref<!tpu.dma_semaphore, #tpu.memory_space<semaphore_mem>>)
          } else {
          }
          %scan3A_260 = arith.constant 0 : i32
          scf.yield %scan3A_260 : i32
        }
        %scan3A_136 = arith.constant 21 : i32
        %dma_wait3A_137 = arith.constant 0 : i32
        %dma_wait3A_138 = arith.constant 0 : i32
        %dma_wait3A_139 = arith.constant 0 : i32
        %dma_wait3A_140 = arith.constant 0 : i32
        %dma_wait3A_141 = arith.constant 0 : i32
        %dma_wait3A_142 = tpu.memref_slice %arg12[%dma_wait3A_137, %dma_wait3A_140, %dma_wait3A_141] : memref<6x128x32xf32, #tpu.memory_space<vmem>> -> memref<1x128x32xf32, #tpu.memory_space<vmem>>
        %dma_wait3A_143 = tpu.memref_squeeze %dma_wait3A_142 : memref<1x128x32xf32, #tpu.memory_space<vmem>> -> memref<128x32xf32, #tpu.memory_space<vmem>>
        %dma_wait3A_144 = arith.constant 0 : i32
        %dma_wait3A_145 = tpu.memref_slice %arg11[%dma_wait3A_138, %dma_wait3A_144] : memref<21x128xi32, #tpu.memory_space<vmem>> -> memref<1x128xi32, #tpu.memory_space<vmem>>
        %dma_wait3A_146 = tpu.memref_squeeze %dma_wait3A_145 : memref<1x128xi32, #tpu.memory_space<vmem>> -> memref<128xi32, #tpu.memory_space<vmem>>
        %dma_wait3A_147 = arith.constant 0 : i32
        %dma_wait3A_148 = arith.constant 0 : i32
        %dma_wait3A_149 = tpu.memref_slice %arg13[%dma_wait3A_147, %dma_wait3A_148] : memref<50048x32xf32, #tpu.memory_space<vmem_shared>> -> memref<50048x32xf32, #tpu.memory_space<vmem_shared>>
        %dma_wait3A_150 = tpu.memref_slice %arg15[%dma_wait3A_139] : memref<6x!tpu.dma_semaphore, #tpu.memory_space<semaphore_mem>> -> memref<1x!tpu.dma_semaphore, #tpu.memory_space<semaphore_mem>>
        %dma_wait3A_151 = tpu.memref_squeeze %dma_wait3A_150 : memref<1x!tpu.dma_semaphore, #tpu.memory_space<semaphore_mem>> -> memref<!tpu.dma_semaphore, #tpu.memory_space<semaphore_mem>>
        tpu.wait_indirect_dma semaphore(%dma_wait3A_151 : memref<!tpu.dma_semaphore, #tpu.memory_space<semaphore_mem>>) src(%dma_wait3A_143 : memref<128x32xf32, #tpu.memory_space<vmem>>) dst(%dma_wait3A_149 : memref<50048x32xf32, #tpu.memory_space<vmem_shared>>)
        %dma_wait3A_152 = arith.constant 1 : i32
        %dma_wait3A_153 = arith.constant 0 : i32
        %dma_wait3A_154 = arith.constant 1 : i32
        %dma_wait3A_155 = arith.constant 0 : i32
        %dma_wait3A_156 = arith.constant 0 : i32
        %dma_wait3A_157 = tpu.memref_slice %arg12[%dma_wait3A_152, %dma_wait3A_155, %dma_wait3A_156] : memref<6x128x32xf32, #tpu.memory_space<vmem>> -> memref<1x128x32xf32, #tpu.memory_space<vmem>>
        %dma_wait3A_158 = tpu.memref_squeeze %dma_wait3A_157 : memref<1x128x32xf32, #tpu.memory_space<vmem>> -> memref<128x32xf32, #tpu.memory_space<vmem>>
        %dma_wait3A_159 = arith.constant 0 : i32
        %dma_wait3A_160 = tpu.memref_slice %arg11[%dma_wait3A_153, %dma_wait3A_159] : memref<21x128xi32, #tpu.memory_space<vmem>> -> memref<1x128xi32, #tpu.memory_space<vmem>>
        %dma_wait3A_161 = tpu.memref_squeeze %dma_wait3A_160 : memref<1x128xi32, #tpu.memory_space<vmem>> -> memref<128xi32, #tpu.memory_space<vmem>>
        %dma_wait3A_162 = arith.constant 0 : i32
        %dma_wait3A_163 = arith.constant 0 : i32
        %dma_wait3A_164 = tpu.memref_slice %arg13[%dma_wait3A_162, %dma_wait3A_163] : memref<50048x32xf32, #tpu.memory_space<vmem_shared>> -> memref<50048x32xf32, #tpu.memory_space<vmem_shared>>
        %dma_wait3A_165 = tpu.memref_slice %arg15[%dma_wait3A_154] : memref<6x!tpu.dma_semaphore, #tpu.memory_space<semaphore_mem>> -> memref<1x!tpu.dma_semaphore, #tpu.memory_space<semaphore_mem>>
        %dma_wait3A_166 = tpu.memref_squeeze %dma_wait3A_165 : memref<1x!tpu.dma_semaphore, #tpu.memory_space<semaphore_mem>> -> memref<!tpu.dma_semaphore, #tpu.memory_space<semaphore_mem>>
        tpu.wait_indirect_dma semaphore(%dma_wait3A_166 : memref<!tpu.dma_semaphore, #tpu.memory_space<semaphore_mem>>) src(%dma_wait3A_158 : memref<128x32xf32, #tpu.memory_space<vmem>>) dst(%dma_wait3A_164 : memref<50048x32xf32, #tpu.memory_space<vmem_shared>>)
        %dma_wait3A_167 = arith.constant 2 : i32
        %dma_wait3A_168 = arith.constant 0 : i32
        %dma_wait3A_169 = arith.constant 2 : i32
        %dma_wait3A_170 = arith.constant 0 : i32
        %dma_wait3A_171 = arith.constant 0 : i32
        %dma_wait3A_172 = tpu.memref_slice %arg12[%dma_wait3A_167, %dma_wait3A_170, %dma_wait3A_171] : memref<6x128x32xf32, #tpu.memory_space<vmem>> -> memref<1x128x32xf32, #tpu.memory_space<vmem>>
        %dma_wait3A_173 = tpu.memref_squeeze %dma_wait3A_172 : memref<1x128x32xf32, #tpu.memory_space<vmem>> -> memref<128x32xf32, #tpu.memory_space<vmem>>
        %dma_wait3A_174 = arith.constant 0 : i32
        %dma_wait3A_175 = tpu.memref_slice %arg11[%dma_wait3A_168, %dma_wait3A_174] : memref<21x128xi32, #tpu.memory_space<vmem>> -> memref<1x128xi32, #tpu.memory_space<vmem>>
        %dma_wait3A_176 = tpu.memref_squeeze %dma_wait3A_175 : memref<1x128xi32, #tpu.memory_space<vmem>> -> memref<128xi32, #tpu.memory_space<vmem>>
        %dma_wait3A_177 = arith.constant 0 : i32
        %dma_wait3A_178 = arith.constant 0 : i32
        %dma_wait3A_179 = tpu.memref_slice %arg13[%dma_wait3A_177, %dma_wait3A_178] : memref<50048x32xf32, #tpu.memory_space<vmem_shared>> -> memref<50048x32xf32, #tpu.memory_space<vmem_shared>>
        %dma_wait3A_180 = tpu.memref_slice %arg15[%dma_wait3A_169] : memref<6x!tpu.dma_semaphore, #tpu.memory_space<semaphore_mem>> -> memref<1x!tpu.dma_semaphore, #tpu.memory_space<semaphore_mem>>
        %dma_wait3A_181 = tpu.memref_squeeze %dma_wait3A_180 : memref<1x!tpu.dma_semaphore, #tpu.memory_space<semaphore_mem>> -> memref<!tpu.dma_semaphore, #tpu.memory_space<semaphore_mem>>
        tpu.wait_indirect_dma semaphore(%dma_wait3A_181 : memref<!tpu.dma_semaphore, #tpu.memory_space<semaphore_mem>>) src(%dma_wait3A_173 : memref<128x32xf32, #tpu.memory_space<vmem>>) dst(%dma_wait3A_179 : memref<50048x32xf32, #tpu.memory_space<vmem_shared>>)
        %dma_wait3A_182 = arith.constant 3 : i32
        %dma_wait3A_183 = arith.constant 0 : i32
        %dma_wait3A_184 = arith.constant 3 : i32
        %dma_wait3A_185 = arith.constant 0 : i32
        %dma_wait3A_186 = arith.constant 0 : i32
        %dma_wait3A_187 = tpu.memref_slice %arg12[%dma_wait3A_182, %dma_wait3A_185, %dma_wait3A_186] : memref<6x128x32xf32, #tpu.memory_space<vmem>> -> memref<1x128x32xf32, #tpu.memory_space<vmem>>
        %dma_wait3A_188 = tpu.memref_squeeze %dma_wait3A_187 : memref<1x128x32xf32, #tpu.memory_space<vmem>> -> memref<128x32xf32, #tpu.memory_space<vmem>>
        %dma_wait3A_189 = arith.constant 0 : i32
        %dma_wait3A_190 = tpu.memref_slice %arg11[%dma_wait3A_183, %dma_wait3A_189] : memref<21x128xi32, #tpu.memory_space<vmem>> -> memref<1x128xi32, #tpu.memory_space<vmem>>
        %dma_wait3A_191 = tpu.memref_squeeze %dma_wait3A_190 : memref<1x128xi32, #tpu.memory_space<vmem>> -> memref<128xi32, #tpu.memory_space<vmem>>
        %dma_wait3A_192 = arith.constant 0 : i32
        %dma_wait3A_193 = arith.constant 0 : i32
        %dma_wait3A_194 = tpu.memref_slice %arg13[%dma_wait3A_192, %dma_wait3A_193] : memref<50048x32xf32, #tpu.memory_space<vmem_shared>> -> memref<50048x32xf32, #tpu.memory_space<vmem_shared>>
        %dma_wait3A_195 = tpu.memref_slice %arg15[%dma_wait3A_184] : memref<6x!tpu.dma_semaphore, #tpu.memory_space<semaphore_mem>> -> memref<1x!tpu.dma_semaphore, #tpu.memory_space<semaphore_mem>>
        %dma_wait3A_196 = tpu.memref_squeeze %dma_wait3A_195 : memref<1x!tpu.dma_semaphore, #tpu.memory_space<semaphore_mem>> -> memref<!tpu.dma_semaphore, #tpu.memory_space<semaphore_mem>>
        tpu.wait_indirect_dma semaphore(%dma_wait3A_196 : memref<!tpu.dma_semaphore, #tpu.memory_space<semaphore_mem>>) src(%dma_wait3A_188 : memref<128x32xf32, #tpu.memory_space<vmem>>) dst(%dma_wait3A_194 : memref<50048x32xf32, #tpu.memory_space<vmem_shared>>)
        %dma_wait3A_197 = arith.constant 4 : i32
        %dma_wait3A_198 = arith.constant 0 : i32
        %dma_wait3A_199 = arith.constant 4 : i32
        %dma_wait3A_200 = arith.constant 0 : i32
        %dma_wait3A_201 = arith.constant 0 : i32
        %dma_wait3A_202 = tpu.memref_slice %arg12[%dma_wait3A_197, %dma_wait3A_200, %dma_wait3A_201] : memref<6x128x32xf32, #tpu.memory_space<vmem>> -> memref<1x128x32xf32, #tpu.memory_space<vmem>>
        %dma_wait3A_203 = tpu.memref_squeeze %dma_wait3A_202 : memref<1x128x32xf32, #tpu.memory_space<vmem>> -> memref<128x32xf32, #tpu.memory_space<vmem>>
        %dma_wait3A_204 = arith.constant 0 : i32
        %dma_wait3A_205 = tpu.memref_slice %arg11[%dma_wait3A_198, %dma_wait3A_204] : memref<21x128xi32, #tpu.memory_space<vmem>> -> memref<1x128xi32, #tpu.memory_space<vmem>>
        %dma_wait3A_206 = tpu.memref_squeeze %dma_wait3A_205 : memref<1x128xi32, #tpu.memory_space<vmem>> -> memref<128xi32, #tpu.memory_space<vmem>>
        %dma_wait3A_207 = arith.constant 0 : i32
        %dma_wait3A_208 = arith.constant 0 : i32
        %dma_wait3A_209 = tpu.memref_slice %arg13[%dma_wait3A_207, %dma_wait3A_208] : memref<50048x32xf32, #tpu.memory_space<vmem_shared>> -> memref<50048x32xf32, #tpu.memory_space<vmem_shared>>
        %dma_wait3A_210 = tpu.memref_slice %arg15[%dma_wait3A_199] : memref<6x!tpu.dma_semaphore, #tpu.memory_space<semaphore_mem>> -> memref<1x!tpu.dma_semaphore, #tpu.memory_space<semaphore_mem>>
        %dma_wait3A_211 = tpu.memref_squeeze %dma_wait3A_210 : memref<1x!tpu.dma_semaphore, #tpu.memory_space<semaphore_mem>> -> memref<!tpu.dma_semaphore, #tpu.memory_space<semaphore_mem>>
        tpu.wait_indirect_dma semaphore(%dma_wait3A_211 : memref<!tpu.dma_semaphore, #tpu.memory_space<semaphore_mem>>) src(%dma_wait3A_203 : memref<128x32xf32, #tpu.memory_space<vmem>>) dst(%dma_wait3A_209 : memref<50048x32xf32, #tpu.memory_space<vmem_shared>>)
        %dma_wait3A_212 = arith.constant 5 : i32
        %dma_wait3A_213 = arith.constant 0 : i32
        %dma_wait3A_214 = arith.constant 5 : i32
        %dma_wait3A_215 = arith.constant 0 : i32
        %dma_wait3A_216 = arith.constant 0 : i32
        %dma_wait3A_217 = tpu.memref_slice %arg12[%dma_wait3A_212, %dma_wait3A_215, %dma_wait3A_216] : memref<6x128x32xf32, #tpu.memory_space<vmem>> -> memref<1x128x32xf32, #tpu.memory_space<vmem>>
        %dma_wait3A_218 = tpu.memref_squeeze %dma_wait3A_217 : memref<1x128x32xf32, #tpu.memory_space<vmem>> -> memref<128x32xf32, #tpu.memory_space<vmem>>
        %dma_wait3A_219 = arith.constant 0 : i32
        %dma_wait3A_220 = tpu.memref_slice %arg11[%dma_wait3A_213, %dma_wait3A_219] : memref<21x128xi32, #tpu.memory_space<vmem>> -> memref<1x128xi32, #tpu.memory_space<vmem>>
        %dma_wait3A_221 = tpu.memref_squeeze %dma_wait3A_220 : memref<1x128xi32, #tpu.memory_space<vmem>> -> memref<128xi32, #tpu.memory_space<vmem>>
        %dma_wait3A_222 = arith.constant 0 : i32
        %dma_wait3A_223 = arith.constant 0 : i32
        %dma_wait3A_224 = tpu.memref_slice %arg13[%dma_wait3A_222, %dma_wait3A_223] : memref<50048x32xf32, #tpu.memory_space<vmem_shared>> -> memref<50048x32xf32, #tpu.memory_space<vmem_shared>>
        %dma_wait3A_225 = tpu.memref_slice %arg15[%dma_wait3A_214] : memref<6x!tpu.dma_semaphore, #tpu.memory_space<semaphore_mem>> -> memref<1x!tpu.dma_semaphore, #tpu.memory_space<semaphore_mem>>
        %dma_wait3A_226 = tpu.memref_squeeze %dma_wait3A_225 : memref<1x!tpu.dma_semaphore, #tpu.memory_space<semaphore_mem>> -> memref<!tpu.dma_semaphore, #tpu.memory_space<semaphore_mem>>
        tpu.wait_indirect_dma semaphore(%dma_wait3A_226 : memref<!tpu.dma_semaphore, #tpu.memory_space<semaphore_mem>>) src(%dma_wait3A_218 : memref<128x32xf32, #tpu.memory_space<vmem>>) dst(%dma_wait3A_224 : memref<50048x32xf32, #tpu.memory_space<vmem_shared>>)
        %scan3A_227 = arith.constant 0 : i32
        scf.yield %scan3A_227 : i32
      }
      %scan3A_30 = arith.constant 7 : i32
      %barrier3A_31 = arith.constant 0 : index
      tpu.barrier barrier_id(%barrier3A_31)
      %mul3A_32 = arith.constant 3128 : i32
      %mul3A_33 = arith.muli %arg1, %mul3A_32 : i32
      %run_scoped3A_34 = arith.constant 1 : i32
      "tpu.region"() ({
        %run_scoped3A_67 = tpu.sem_alloc : memref<!tpu.dma_semaphore, #tpu.memory_space<semaphore_mem>>
        %dma_start3A_68 = arith.constant 32 : i32
        %dma_start3A_69 = tpu.memref_slice %arg9[%run_scoped3A_34, %mul3A_33, %dma_start3A_68] : memref<2x50048x128xf32, #tpu.memory_space<hbm>> -> memref<1x3128x32xf32, #tpu.memory_space<hbm>>
        %dma_start3A_70 = tpu.memref_squeeze %dma_start3A_69 : memref<1x3128x32xf32, #tpu.memory_space<hbm>> -> memref<3128x32xf32, #tpu.memory_space<hbm>>
        %dma_start3A_71 = arith.constant 0 : i32
        %dma_start3A_72 = tpu.memref_slice %arg13[%mul3A_7, %dma_start3A_71] : memref<50048x32xf32, #tpu.memory_space<vmem_shared>> -> memref<3128x32xf32, #tpu.memory_space<vmem_shared>>
        tpu.enqueue_dma source(%dma_start3A_72 : memref<3128x32xf32, #tpu.memory_space<vmem_shared>>) target(%dma_start3A_70 : memref<3128x32xf32, #tpu.memory_space<hbm>>) target_semaphore(%run_scoped3A_67 : memref<!tpu.dma_semaphore, #tpu.memory_space<semaphore_mem>>)
        %dma_wait3A_73 = arith.constant 32 : i32
        %dma_wait3A_74 = tpu.memref_slice %arg9[%run_scoped3A_34, %mul3A_33, %dma_wait3A_73] : memref<2x50048x128xf32, #tpu.memory_space<hbm>> -> memref<1x3128x32xf32, #tpu.memory_space<hbm>>
        %dma_wait3A_75 = tpu.memref_squeeze %dma_wait3A_74 : memref<1x3128x32xf32, #tpu.memory_space<hbm>> -> memref<3128x32xf32, #tpu.memory_space<hbm>>
        %dma_wait3A_76 = arith.constant 0 : i32
        %dma_wait3A_77 = tpu.memref_slice %arg13[%mul3A_7, %dma_wait3A_76] : memref<50048x32xf32, #tpu.memory_space<vmem_shared>> -> memref<3128x32xf32, #tpu.memory_space<vmem_shared>>
        tpu.wait_dma2 semaphore(%run_scoped3A_67 : memref<!tpu.dma_semaphore, #tpu.memory_space<semaphore_mem>>) src(%dma_wait3A_77 : memref<3128x32xf32, #tpu.memory_space<vmem_shared>>) dst(%dma_wait3A_75 : memref<3128x32xf32, #tpu.memory_space<hbm>>)
        tpu.yield
      }) : () -> ()
      %dma_start3A_35 = arith.constant 0 : i32
      %dma_start3A_36 = tpu.memref_slice %arg13[%mul3A_7, %dma_start3A_35] : memref<50048x32xf32, #tpu.memory_space<vmem_shared>> -> memref<3128x32xf32, #tpu.memory_space<vmem_shared>>
      tpu.enqueue_dma source(%arg8 : memref<3128x32xf32, #tpu.memory_space<hbm>>) target(%dma_start3A_36 : memref<3128x32xf32, #tpu.memory_space<vmem_shared>>) target_semaphore(%arg16 : memref<!tpu.dma_semaphore, #tpu.memory_space<semaphore_mem>>)
      %dma_wait3A_37 = arith.constant 0 : i32
      %dma_wait3A_38 = tpu.memref_slice %arg13[%mul3A_7, %dma_wait3A_37] : memref<50048x32xf32, #tpu.memory_space<vmem_shared>> -> memref<3128x32xf32, #tpu.memory_space<vmem_shared>>
      tpu.wait_dma2 semaphore(%arg16 : memref<!tpu.dma_semaphore, #tpu.memory_space<semaphore_mem>>) src(%arg8 : memref<3128x32xf32, #tpu.memory_space<hbm>>) dst(%dma_wait3A_38 : memref<3128x32xf32, #tpu.memory_space<vmem_shared>>)
      %barrier3A_39 = arith.constant 0 : index
      tpu.barrier barrier_id(%barrier3A_39)
      %scan3A_40 = arith.constant 0 : i32
      %scan3A_41 = arith.constant 0 : i32
      %scan3A_42 = arith.constant 7 : i32
      %scan3A_43 = arith.addi %scan3A_41, %scan3A_42 : i32
      %scan3A_44 = arith.constant 1 : i32
      %scan3A_45 = scf.for %scan3A_67 = %scan3A_41 to %scan3A_43 step %scan3A_44 iter_args(%scan3A_68 = %scan3A_40) -> (i32)  : i32 {
        %run_scoped3A_69 = arith.constant 2 : i32
        "tpu.region"() ({
          %run_scoped3A_228 = tpu.sem_alloc : memref<!tpu.dma_semaphore, #tpu.memory_space<semaphore_mem>>
          %dma_start3A_229 = arith.constant 0 : i32
          %dma_start3A_230 = arith.constant 0 : i32
          %dma_start3A_231 = tpu.memref_slice %arg6[%run_scoped3A_69, %arg1, %scan3A_67, %dma_start3A_229, %dma_start3A_230] : memref<4x16x7x21x128xi32, #tpu.memory_space<hbm>> -> memref<1x1x1x21x128xi32, #tpu.memory_space<hbm>>
          %dma_start3A_232 = tpu.memref_squeeze %dma_start3A_231 : memref<1x1x1x21x128xi32, #tpu.memory_space<hbm>> -> memref<21x128xi32, #tpu.memory_space<hbm>>
          %dma_start3A_233 = arith.constant 0 : i32
          %dma_start3A_234 = arith.constant 0 : i32
          %dma_start3A_235 = tpu.memref_slice %arg6[%run_scoped3A_69, %arg1, %scan3A_67, %dma_start3A_233, %dma_start3A_234] : memref<4x16x7x21x128xi32, #tpu.memory_space<hbm>> -> memref<1x1x1x21x128xi32, #tpu.memory_space<hbm>>
          %dma_start3A_236 = tpu.memref_squeeze %dma_start3A_235 : memref<1x1x1x21x128xi32, #tpu.memory_space<hbm>> -> memref<21x128xi32, #tpu.memory_space<hbm>>
          tpu.enqueue_dma source(%dma_start3A_236 : memref<21x128xi32, #tpu.memory_space<hbm>>) target(%arg10 : memref<21x128xi32, #tpu.memory_space<vmem>>) target_semaphore(%run_scoped3A_228 : memref<!tpu.dma_semaphore, #tpu.memory_space<semaphore_mem>>)
          %dma_wait3A_237 = arith.constant 0 : i32
          %dma_wait3A_238 = arith.constant 0 : i32
          %dma_wait3A_239 = tpu.memref_slice %arg6[%run_scoped3A_69, %arg1, %scan3A_67, %dma_wait3A_237, %dma_wait3A_238] : memref<4x16x7x21x128xi32, #tpu.memory_space<hbm>> -> memref<1x1x1x21x128xi32, #tpu.memory_space<hbm>>
          %dma_wait3A_240 = tpu.memref_squeeze %dma_wait3A_239 : memref<1x1x1x21x128xi32, #tpu.memory_space<hbm>> -> memref<21x128xi32, #tpu.memory_space<hbm>>
          %dma_wait3A_241 = arith.constant 0 : i32
          %dma_wait3A_242 = arith.constant 0 : i32
          %dma_wait3A_243 = tpu.memref_slice %arg6[%run_scoped3A_69, %arg1, %scan3A_67, %dma_wait3A_241, %dma_wait3A_242] : memref<4x16x7x21x128xi32, #tpu.memory_space<hbm>> -> memref<1x1x1x21x128xi32, #tpu.memory_space<hbm>>
          %dma_wait3A_244 = tpu.memref_squeeze %dma_wait3A_243 : memref<1x1x1x21x128xi32, #tpu.memory_space<hbm>> -> memref<21x128xi32, #tpu.memory_space<hbm>>
          tpu.wait_dma2 semaphore(%run_scoped3A_228 : memref<!tpu.dma_semaphore, #tpu.memory_space<semaphore_mem>>) src(%dma_wait3A_244 : memref<21x128xi32, #tpu.memory_space<hbm>>) dst(%arg10 : memref<21x128xi32, #tpu.memory_space<vmem>>)
          tpu.yield
        }) : () -> ()
        "tpu.region"() ({
          %run_scoped3A_228 = tpu.sem_alloc : memref<!tpu.dma_semaphore, #tpu.memory_space<semaphore_mem>>
          %dma_start3A_229 = arith.constant 0 : i32
          %dma_start3A_230 = arith.constant 0 : i32
          %dma_start3A_231 = tpu.memref_slice %arg7[%arg1, %scan3A_67, %dma_start3A_229, %dma_start3A_230] : memref<16x7x21x128xi32, #tpu.memory_space<hbm>> -> memref<1x1x21x128xi32, #tpu.memory_space<hbm>>
          %dma_start3A_232 = tpu.memref_squeeze %dma_start3A_231 : memref<1x1x21x128xi32, #tpu.memory_space<hbm>> -> memref<21x128xi32, #tpu.memory_space<hbm>>
          %dma_start3A_233 = arith.constant 0 : i32
          %dma_start3A_234 = arith.constant 0 : i32
          %dma_start3A_235 = tpu.memref_slice %arg7[%arg1, %scan3A_67, %dma_start3A_233, %dma_start3A_234] : memref<16x7x21x128xi32, #tpu.memory_space<hbm>> -> memref<1x1x21x128xi32, #tpu.memory_space<hbm>>
          %dma_start3A_236 = tpu.memref_squeeze %dma_start3A_235 : memref<1x1x21x128xi32, #tpu.memory_space<hbm>> -> memref<21x128xi32, #tpu.memory_space<hbm>>
          tpu.enqueue_dma source(%dma_start3A_236 : memref<21x128xi32, #tpu.memory_space<hbm>>) target(%arg11 : memref<21x128xi32, #tpu.memory_space<vmem>>) target_semaphore(%run_scoped3A_228 : memref<!tpu.dma_semaphore, #tpu.memory_space<semaphore_mem>>)
          %dma_wait3A_237 = arith.constant 0 : i32
          %dma_wait3A_238 = arith.constant 0 : i32
          %dma_wait3A_239 = tpu.memref_slice %arg7[%arg1, %scan3A_67, %dma_wait3A_237, %dma_wait3A_238] : memref<16x7x21x128xi32, #tpu.memory_space<hbm>> -> memref<1x1x21x128xi32, #tpu.memory_space<hbm>>
          %dma_wait3A_240 = tpu.memref_squeeze %dma_wait3A_239 : memref<1x1x21x128xi32, #tpu.memory_space<hbm>> -> memref<21x128xi32, #tpu.memory_space<hbm>>
          %dma_wait3A_241 = arith.constant 0 : i32
          %dma_wait3A_242 = arith.constant 0 : i32
          %dma_wait3A_243 = tpu.memref_slice %arg7[%arg1, %scan3A_67, %dma_wait3A_241, %dma_wait3A_242] : memref<16x7x21x128xi32, #tpu.memory_space<hbm>> -> memref<1x1x21x128xi32, #tpu.memory_space<hbm>>
          %dma_wait3A_244 = tpu.memref_squeeze %dma_wait3A_243 : memref<1x1x21x128xi32, #tpu.memory_space<hbm>> -> memref<21x128xi32, #tpu.memory_space<hbm>>
          tpu.wait_dma2 semaphore(%run_scoped3A_228 : memref<!tpu.dma_semaphore, #tpu.memory_space<semaphore_mem>>) src(%dma_wait3A_244 : memref<21x128xi32, #tpu.memory_space<hbm>>) dst(%arg11 : memref<21x128xi32, #tpu.memory_space<vmem>>)
          tpu.yield
        }) : () -> ()
        %dma_start3A_70 = arith.constant 0 : i32
        %dma_start3A_71 = arith.constant 0 : i32
        %dma_start3A_72 = arith.constant 0 : i32
        %dma_start3A_73 = arith.constant 0 : i32
        %dma_start3A_74 = arith.constant 0 : i32
        %dma_start3A_75 = tpu.memref_slice %arg12[%dma_start3A_71, %dma_start3A_73, %dma_start3A_74] : memref<6x128x32xf32, #tpu.memory_space<vmem>> -> memref<1x128x32xf32, #tpu.memory_space<vmem>>
        %dma_start3A_76 = tpu.memref_squeeze %dma_start3A_75 : memref<1x128x32xf32, #tpu.memory_space<vmem>> -> memref<128x32xf32, #tpu.memory_space<vmem>>
        %dma_start3A_77 = arith.constant 0 : i32
        %dma_start3A_78 = tpu.memref_slice %arg10[%dma_start3A_70, %dma_start3A_77] : memref<21x128xi32, #tpu.memory_space<vmem>> -> memref<1x128xi32, #tpu.memory_space<vmem>>
        %dma_start3A_79 = tpu.memref_squeeze %dma_start3A_78 : memref<1x128xi32, #tpu.memory_space<vmem>> -> memref<128xi32, #tpu.memory_space<vmem>>
        %dma_start3A_80 = arith.constant 0 : i32
        %dma_start3A_81 = arith.constant 0 : i32
        %dma_start3A_82 = tpu.memref_slice %arg3[%dma_start3A_80, %dma_start3A_81] : memref<200000x32xf32, #tpu.memory_space<hbm>> -> memref<200000x32xf32, #tpu.memory_space<hbm>>
        %dma_start3A_83 = tpu.memref_slice %arg14[%dma_start3A_72] : memref<6x!tpu.dma_semaphore, #tpu.memory_space<semaphore_mem>> -> memref<1x!tpu.dma_semaphore, #tpu.memory_space<semaphore_mem>>
        %dma_start3A_84 = tpu.memref_squeeze %dma_start3A_83 : memref<1x!tpu.dma_semaphore, #tpu.memory_space<semaphore_mem>> -> memref<!tpu.dma_semaphore, #tpu.memory_space<semaphore_mem>>
        tpu.enqueue_indirect_dma source(%dma_start3A_82 : memref<200000x32xf32, #tpu.memory_space<hbm>>) target(%dma_start3A_76 : memref<128x32xf32, #tpu.memory_space<vmem>>) offsets(%dma_start3A_79 : memref<128xi32, #tpu.memory_space<vmem>>) semaphore(%dma_start3A_84 : memref<!tpu.dma_semaphore, #tpu.memory_space<semaphore_mem>>)
        %dma_start3A_85 = arith.constant 1 : i32
        %dma_start3A_86 = arith.constant 1 : i32
        %dma_start3A_87 = arith.constant 1 : i32
        %dma_start3A_88 = arith.constant 0 : i32
        %dma_start3A_89 = arith.constant 0 : i32
        %dma_start3A_90 = tpu.memref_slice %arg12[%dma_start3A_86, %dma_start3A_88, %dma_start3A_89] : memref<6x128x32xf32, #tpu.memory_space<vmem>> -> memref<1x128x32xf32, #tpu.memory_space<vmem>>
        %dma_start3A_91 = tpu.memref_squeeze %dma_start3A_90 : memref<1x128x32xf32, #tpu.memory_space<vmem>> -> memref<128x32xf32, #tpu.memory_space<vmem>>
        %dma_start3A_92 = arith.constant 0 : i32
        %dma_start3A_93 = tpu.memref_slice %arg10[%dma_start3A_85, %dma_start3A_92] : memref<21x128xi32, #tpu.memory_space<vmem>> -> memref<1x128xi32, #tpu.memory_space<vmem>>
        %dma_start3A_94 = tpu.memref_squeeze %dma_start3A_93 : memref<1x128xi32, #tpu.memory_space<vmem>> -> memref<128xi32, #tpu.memory_space<vmem>>
        %dma_start3A_95 = arith.constant 0 : i32
        %dma_start3A_96 = arith.constant 0 : i32
        %dma_start3A_97 = tpu.memref_slice %arg3[%dma_start3A_95, %dma_start3A_96] : memref<200000x32xf32, #tpu.memory_space<hbm>> -> memref<200000x32xf32, #tpu.memory_space<hbm>>
        %dma_start3A_98 = tpu.memref_slice %arg14[%dma_start3A_87] : memref<6x!tpu.dma_semaphore, #tpu.memory_space<semaphore_mem>> -> memref<1x!tpu.dma_semaphore, #tpu.memory_space<semaphore_mem>>
        %dma_start3A_99 = tpu.memref_squeeze %dma_start3A_98 : memref<1x!tpu.dma_semaphore, #tpu.memory_space<semaphore_mem>> -> memref<!tpu.dma_semaphore, #tpu.memory_space<semaphore_mem>>
        tpu.enqueue_indirect_dma source(%dma_start3A_97 : memref<200000x32xf32, #tpu.memory_space<hbm>>) target(%dma_start3A_91 : memref<128x32xf32, #tpu.memory_space<vmem>>) offsets(%dma_start3A_94 : memref<128xi32, #tpu.memory_space<vmem>>) semaphore(%dma_start3A_99 : memref<!tpu.dma_semaphore, #tpu.memory_space<semaphore_mem>>)
        %dma_start3A_100 = arith.constant 2 : i32
        %dma_start3A_101 = arith.constant 2 : i32
        %dma_start3A_102 = arith.constant 2 : i32
        %dma_start3A_103 = arith.constant 0 : i32
        %dma_start3A_104 = arith.constant 0 : i32
        %dma_start3A_105 = tpu.memref_slice %arg12[%dma_start3A_101, %dma_start3A_103, %dma_start3A_104] : memref<6x128x32xf32, #tpu.memory_space<vmem>> -> memref<1x128x32xf32, #tpu.memory_space<vmem>>
        %dma_start3A_106 = tpu.memref_squeeze %dma_start3A_105 : memref<1x128x32xf32, #tpu.memory_space<vmem>> -> memref<128x32xf32, #tpu.memory_space<vmem>>
        %dma_start3A_107 = arith.constant 0 : i32
        %dma_start3A_108 = tpu.memref_slice %arg10[%dma_start3A_100, %dma_start3A_107] : memref<21x128xi32, #tpu.memory_space<vmem>> -> memref<1x128xi32, #tpu.memory_space<vmem>>
        %dma_start3A_109 = tpu.memref_squeeze %dma_start3A_108 : memref<1x128xi32, #tpu.memory_space<vmem>> -> memref<128xi32, #tpu.memory_space<vmem>>
        %dma_start3A_110 = arith.constant 0 : i32
        %dma_start3A_111 = arith.constant 0 : i32
        %dma_start3A_112 = tpu.memref_slice %arg3[%dma_start3A_110, %dma_start3A_111] : memref<200000x32xf32, #tpu.memory_space<hbm>> -> memref<200000x32xf32, #tpu.memory_space<hbm>>
        %dma_start3A_113 = tpu.memref_slice %arg14[%dma_start3A_102] : memref<6x!tpu.dma_semaphore, #tpu.memory_space<semaphore_mem>> -> memref<1x!tpu.dma_semaphore, #tpu.memory_space<semaphore_mem>>
        %dma_start3A_114 = tpu.memref_squeeze %dma_start3A_113 : memref<1x!tpu.dma_semaphore, #tpu.memory_space<semaphore_mem>> -> memref<!tpu.dma_semaphore, #tpu.memory_space<semaphore_mem>>
        tpu.enqueue_indirect_dma source(%dma_start3A_112 : memref<200000x32xf32, #tpu.memory_space<hbm>>) target(%dma_start3A_106 : memref<128x32xf32, #tpu.memory_space<vmem>>) offsets(%dma_start3A_109 : memref<128xi32, #tpu.memory_space<vmem>>) semaphore(%dma_start3A_114 : memref<!tpu.dma_semaphore, #tpu.memory_space<semaphore_mem>>)
        %dma_start3A_115 = arith.constant 3 : i32
        %dma_start3A_116 = arith.constant 3 : i32
        %dma_start3A_117 = arith.constant 3 : i32
        %dma_start3A_118 = arith.constant 0 : i32
        %dma_start3A_119 = arith.constant 0 : i32
        %dma_start3A_120 = tpu.memref_slice %arg12[%dma_start3A_116, %dma_start3A_118, %dma_start3A_119] : memref<6x128x32xf32, #tpu.memory_space<vmem>> -> memref<1x128x32xf32, #tpu.memory_space<vmem>>
        %dma_start3A_121 = tpu.memref_squeeze %dma_start3A_120 : memref<1x128x32xf32, #tpu.memory_space<vmem>> -> memref<128x32xf32, #tpu.memory_space<vmem>>
        %dma_start3A_122 = arith.constant 0 : i32
        %dma_start3A_123 = tpu.memref_slice %arg10[%dma_start3A_115, %dma_start3A_122] : memref<21x128xi32, #tpu.memory_space<vmem>> -> memref<1x128xi32, #tpu.memory_space<vmem>>
        %dma_start3A_124 = tpu.memref_squeeze %dma_start3A_123 : memref<1x128xi32, #tpu.memory_space<vmem>> -> memref<128xi32, #tpu.memory_space<vmem>>
        %dma_start3A_125 = arith.constant 0 : i32
        %dma_start3A_126 = arith.constant 0 : i32
        %dma_start3A_127 = tpu.memref_slice %arg3[%dma_start3A_125, %dma_start3A_126] : memref<200000x32xf32, #tpu.memory_space<hbm>> -> memref<200000x32xf32, #tpu.memory_space<hbm>>
        %dma_start3A_128 = tpu.memref_slice %arg14[%dma_start3A_117] : memref<6x!tpu.dma_semaphore, #tpu.memory_space<semaphore_mem>> -> memref<1x!tpu.dma_semaphore, #tpu.memory_space<semaphore_mem>>
        %dma_start3A_129 = tpu.memref_squeeze %dma_start3A_128 : memref<1x!tpu.dma_semaphore, #tpu.memory_space<semaphore_mem>> -> memref<!tpu.dma_semaphore, #tpu.memory_space<semaphore_mem>>
        tpu.enqueue_indirect_dma source(%dma_start3A_127 : memref<200000x32xf32, #tpu.memory_space<hbm>>) target(%dma_start3A_121 : memref<128x32xf32, #tpu.memory_space<vmem>>) offsets(%dma_start3A_124 : memref<128xi32, #tpu.memory_space<vmem>>) semaphore(%dma_start3A_129 : memref<!tpu.dma_semaphore, #tpu.memory_space<semaphore_mem>>)
        %scan3A_130 = arith.constant 0 : i32
        %scan3A_131 = arith.constant 0 : i32
        %scan3A_132 = arith.constant 21 : i32
        %scan3A_133 = arith.addi %scan3A_131, %scan3A_132 : i32
        %scan3A_134 = arith.constant 1 : i32
        %scan3A_135 = scf.for %scan3A_228 = %scan3A_131 to %scan3A_133 step %scan3A_134 iter_args(%scan3A_229 = %scan3A_130) -> (i32)  : i32 {
          %rem3A = arith.constant 6 : i32
          %rem3A_230 = arith.remsi %scan3A_228, %rem3A : i32
          %dma_wait3A_231 = arith.constant 0 : i32
          %dma_wait3A_232 = arith.constant 0 : i32
          %dma_wait3A_233 = tpu.memref_slice %arg12[%rem3A_230, %dma_wait3A_231, %dma_wait3A_232] : memref<6x128x32xf32, #tpu.memory_space<vmem>> -> memref<1x128x32xf32, #tpu.memory_space<vmem>>
          %dma_wait3A_234 = tpu.memref_squeeze %dma_wait3A_233 : memref<1x128x32xf32, #tpu.memory_space<vmem>> -> memref<128x32xf32, #tpu.memory_space<vmem>>
          %dma_wait3A_235 = arith.constant 0 : i32
          %dma_wait3A_236 = tpu.memref_slice %arg10[%scan3A_228, %dma_wait3A_235] : memref<21x128xi32, #tpu.memory_space<vmem>> -> memref<1x128xi32, #tpu.memory_space<vmem>>
          %dma_wait3A_237 = tpu.memref_squeeze %dma_wait3A_236 : memref<1x128xi32, #tpu.memory_space<vmem>> -> memref<128xi32, #tpu.memory_space<vmem>>
          %dma_wait3A_238 = arith.constant 0 : i32
          %dma_wait3A_239 = arith.constant 0 : i32
          %dma_wait3A_240 = tpu.memref_slice %arg3[%dma_wait3A_238, %dma_wait3A_239] : memref<200000x32xf32, #tpu.memory_space<hbm>> -> memref<200000x32xf32, #tpu.memory_space<hbm>>
          %dma_wait3A_241 = tpu.memref_slice %arg14[%rem3A_230] : memref<6x!tpu.dma_semaphore, #tpu.memory_space<semaphore_mem>> -> memref<1x!tpu.dma_semaphore, #tpu.memory_space<semaphore_mem>>
          %dma_wait3A_242 = tpu.memref_squeeze %dma_wait3A_241 : memref<1x!tpu.dma_semaphore, #tpu.memory_space<semaphore_mem>> -> memref<!tpu.dma_semaphore, #tpu.memory_space<semaphore_mem>>
          tpu.wait_indirect_dma semaphore(%dma_wait3A_242 : memref<!tpu.dma_semaphore, #tpu.memory_space<semaphore_mem>>) src(%dma_wait3A_240 : memref<200000x32xf32, #tpu.memory_space<hbm>>) dst(%dma_wait3A_234 : memref<128x32xf32, #tpu.memory_space<vmem>>)
          %dma_start3A_243 = arith.constant 0 : i32
          %dma_start3A_244 = arith.constant 0 : i32
          %dma_start3A_245 = tpu.memref_slice %arg12[%rem3A_230, %dma_start3A_243, %dma_start3A_244] : memref<6x128x32xf32, #tpu.memory_space<vmem>> -> memref<1x128x32xf32, #tpu.memory_space<vmem>>
          %dma_start3A_246 = tpu.memref_squeeze %dma_start3A_245 : memref<1x128x32xf32, #tpu.memory_space<vmem>> -> memref<128x32xf32, #tpu.memory_space<vmem>>
          %dma_start3A_247 = arith.constant 0 : i32
          %dma_start3A_248 = tpu.memref_slice %arg11[%scan3A_228, %dma_start3A_247] : memref<21x128xi32, #tpu.memory_space<vmem>> -> memref<1x128xi32, #tpu.memory_space<vmem>>
          %dma_start3A_249 = tpu.memref_squeeze %dma_start3A_248 : memref<1x128xi32, #tpu.memory_space<vmem>> -> memref<128xi32, #tpu.memory_space<vmem>>
          %dma_start3A_250 = arith.constant 0 : i32
          %dma_start3A_251 = arith.constant 0 : i32
          %dma_start3A_252 = tpu.memref_slice %arg13[%dma_start3A_250, %dma_start3A_251] : memref<50048x32xf32, #tpu.memory_space<vmem_shared>> -> memref<50048x32xf32, #tpu.memory_space<vmem_shared>>
          %dma_start3A_253 = tpu.memref_slice %arg15[%rem3A_230] : memref<6x!tpu.dma_semaphore, #tpu.memory_space<semaphore_mem>> -> memref<1x!tpu.dma_semaphore, #tpu.memory_space<semaphore_mem>>
          %dma_start3A_254 = tpu.memref_squeeze %dma_start3A_253 : memref<1x!tpu.dma_semaphore, #tpu.memory_space<semaphore_mem>> -> memref<!tpu.dma_semaphore, #tpu.memory_space<semaphore_mem>>
          tpu.enqueue_indirect_dma source(%dma_start3A_246 : memref<128x32xf32, #tpu.memory_space<vmem>>) target(%dma_start3A_252 : memref<50048x32xf32, #tpu.memory_space<vmem_shared>>) offsets(%dma_start3A_249 : memref<128xi32, #tpu.memory_space<vmem>>) semaphore(%dma_start3A_254 : memref<!tpu.dma_semaphore, #tpu.memory_space<semaphore_mem>>) {add = true}
          %add3A = arith.constant 4 : i32
          %add3A_255 = arith.addi %scan3A_228, %add3A : i32
          %lt3A = arith.constant 21 : i32
          %lt3A_256 = arith.cmpi slt, %add3A_255, %lt3A : i32
          %convert_element_type3A_257 = arith.extui %lt3A_256 : i1 to i32
          %cond3A_258 = arith.constant 0 : i32
          %cond3A_259 = arith.cmpi ne, %convert_element_type3A_257, %cond3A_258 : i32
          scf.if %cond3A_259 {
            %add3A_261 = arith.constant 4 : i32
            %add3A_262 = arith.addi %scan3A_228, %add3A_261 : i32
            %rem3A_263 = arith.constant 6 : i32
            %rem3A_264 = arith.remsi %add3A_262, %rem3A_263 : i32
            %ge3A = arith.constant 2 : i32
            %ge3A_265 = arith.cmpi sge, %scan3A_228, %ge3A : i32
            %convert_element_type3A_266 = arith.extui %ge3A_265 : i1 to i32
            %cond3A_267 = arith.constant 0 : i32
            %cond3A_268 = arith.cmpi ne, %convert_element_type3A_266, %cond3A_267 : i32
            scf.if %cond3A_268 {
              %dma_wait3A_283 = arith.constant 0 : i32
              %dma_wait3A_284 = arith.constant 0 : i32
              %dma_wait3A_285 = tpu.memref_slice %arg12[%rem3A_264, %dma_wait3A_283, %dma_wait3A_284] : memref<6x128x32xf32, #tpu.memory_space<vmem>> -> memref<1x128x32xf32, #tpu.memory_space<vmem>>
              %dma_wait3A_286 = tpu.memref_squeeze %dma_wait3A_285 : memref<1x128x32xf32, #tpu.memory_space<vmem>> -> memref<128x32xf32, #tpu.memory_space<vmem>>
              %dma_wait3A_287 = arith.constant 0 : i32
              %dma_wait3A_288 = tpu.memref_slice %arg11[%scan3A_228, %dma_wait3A_287] : memref<21x128xi32, #tpu.memory_space<vmem>> -> memref<1x128xi32, #tpu.memory_space<vmem>>
              %dma_wait3A_289 = tpu.memref_squeeze %dma_wait3A_288 : memref<1x128xi32, #tpu.memory_space<vmem>> -> memref<128xi32, #tpu.memory_space<vmem>>
              %dma_wait3A_290 = arith.constant 0 : i32
              %dma_wait3A_291 = arith.constant 0 : i32
              %dma_wait3A_292 = tpu.memref_slice %arg13[%dma_wait3A_290, %dma_wait3A_291] : memref<50048x32xf32, #tpu.memory_space<vmem_shared>> -> memref<50048x32xf32, #tpu.memory_space<vmem_shared>>
              %dma_wait3A_293 = tpu.memref_slice %arg15[%rem3A_264] : memref<6x!tpu.dma_semaphore, #tpu.memory_space<semaphore_mem>> -> memref<1x!tpu.dma_semaphore, #tpu.memory_space<semaphore_mem>>
              %dma_wait3A_294 = tpu.memref_squeeze %dma_wait3A_293 : memref<1x!tpu.dma_semaphore, #tpu.memory_space<semaphore_mem>> -> memref<!tpu.dma_semaphore, #tpu.memory_space<semaphore_mem>>
              tpu.wait_indirect_dma semaphore(%dma_wait3A_294 : memref<!tpu.dma_semaphore, #tpu.memory_space<semaphore_mem>>) src(%dma_wait3A_286 : memref<128x32xf32, #tpu.memory_space<vmem>>) dst(%dma_wait3A_292 : memref<50048x32xf32, #tpu.memory_space<vmem_shared>>)
            } else {
            }
            %add3A_269 = arith.constant 4 : i32
            %add3A_270 = arith.addi %scan3A_228, %add3A_269 : i32
            %dma_start3A_271 = arith.constant 0 : i32
            %dma_start3A_272 = arith.constant 0 : i32
            %dma_start3A_273 = tpu.memref_slice %arg12[%rem3A_264, %dma_start3A_271, %dma_start3A_272] : memref<6x128x32xf32, #tpu.memory_space<vmem>> -> memref<1x128x32xf32, #tpu.memory_space<vmem>>
            %dma_start3A_274 = tpu.memref_squeeze %dma_start3A_273 : memref<1x128x32xf32, #tpu.memory_space<vmem>> -> memref<128x32xf32, #tpu.memory_space<vmem>>
            %dma_start3A_275 = arith.constant 0 : i32
            %dma_start3A_276 = tpu.memref_slice %arg10[%add3A_270, %dma_start3A_275] : memref<21x128xi32, #tpu.memory_space<vmem>> -> memref<1x128xi32, #tpu.memory_space<vmem>>
            %dma_start3A_277 = tpu.memref_squeeze %dma_start3A_276 : memref<1x128xi32, #tpu.memory_space<vmem>> -> memref<128xi32, #tpu.memory_space<vmem>>
            %dma_start3A_278 = arith.constant 0 : i32
            %dma_start3A_279 = arith.constant 0 : i32
            %dma_start3A_280 = tpu.memref_slice %arg3[%dma_start3A_278, %dma_start3A_279] : memref<200000x32xf32, #tpu.memory_space<hbm>> -> memref<200000x32xf32, #tpu.memory_space<hbm>>
            %dma_start3A_281 = tpu.memref_slice %arg14[%rem3A_264] : memref<6x!tpu.dma_semaphore, #tpu.memory_space<semaphore_mem>> -> memref<1x!tpu.dma_semaphore, #tpu.memory_space<semaphore_mem>>
            %dma_start3A_282 = tpu.memref_squeeze %dma_start3A_281 : memref<1x!tpu.dma_semaphore, #tpu.memory_space<semaphore_mem>> -> memref<!tpu.dma_semaphore, #tpu.memory_space<semaphore_mem>>
            tpu.enqueue_indirect_dma source(%dma_start3A_280 : memref<200000x32xf32, #tpu.memory_space<hbm>>) target(%dma_start3A_274 : memref<128x32xf32, #tpu.memory_space<vmem>>) offsets(%dma_start3A_277 : memref<128xi32, #tpu.memory_space<vmem>>) semaphore(%dma_start3A_282 : memref<!tpu.dma_semaphore, #tpu.memory_space<semaphore_mem>>)
          } else {
          }
          %scan3A_260 = arith.constant 0 : i32
          scf.yield %scan3A_260 : i32
        }
        %scan3A_136 = arith.constant 21 : i32
        %dma_wait3A_137 = arith.constant 0 : i32
        %dma_wait3A_138 = arith.constant 0 : i32
        %dma_wait3A_139 = arith.constant 0 : i32
        %dma_wait3A_140 = arith.constant 0 : i32
        %dma_wait3A_141 = arith.constant 0 : i32
        %dma_wait3A_142 = tpu.memref_slice %arg12[%dma_wait3A_137, %dma_wait3A_140, %dma_wait3A_141] : memref<6x128x32xf32, #tpu.memory_space<vmem>> -> memref<1x128x32xf32, #tpu.memory_space<vmem>>
        %dma_wait3A_143 = tpu.memref_squeeze %dma_wait3A_142 : memref<1x128x32xf32, #tpu.memory_space<vmem>> -> memref<128x32xf32, #tpu.memory_space<vmem>>
        %dma_wait3A_144 = arith.constant 0 : i32
        %dma_wait3A_145 = tpu.memref_slice %arg11[%dma_wait3A_138, %dma_wait3A_144] : memref<21x128xi32, #tpu.memory_space<vmem>> -> memref<1x128xi32, #tpu.memory_space<vmem>>
        %dma_wait3A_146 = tpu.memref_squeeze %dma_wait3A_145 : memref<1x128xi32, #tpu.memory_space<vmem>> -> memref<128xi32, #tpu.memory_space<vmem>>
        %dma_wait3A_147 = arith.constant 0 : i32
        %dma_wait3A_148 = arith.constant 0 : i32
        %dma_wait3A_149 = tpu.memref_slice %arg13[%dma_wait3A_147, %dma_wait3A_148] : memref<50048x32xf32, #tpu.memory_space<vmem_shared>> -> memref<50048x32xf32, #tpu.memory_space<vmem_shared>>
        %dma_wait3A_150 = tpu.memref_slice %arg15[%dma_wait3A_139] : memref<6x!tpu.dma_semaphore, #tpu.memory_space<semaphore_mem>> -> memref<1x!tpu.dma_semaphore, #tpu.memory_space<semaphore_mem>>
        %dma_wait3A_151 = tpu.memref_squeeze %dma_wait3A_150 : memref<1x!tpu.dma_semaphore, #tpu.memory_space<semaphore_mem>> -> memref<!tpu.dma_semaphore, #tpu.memory_space<semaphore_mem>>
        tpu.wait_indirect_dma semaphore(%dma_wait3A_151 : memref<!tpu.dma_semaphore, #tpu.memory_space<semaphore_mem>>) src(%dma_wait3A_143 : memref<128x32xf32, #tpu.memory_space<vmem>>) dst(%dma_wait3A_149 : memref<50048x32xf32, #tpu.memory_space<vmem_shared>>)
        %dma_wait3A_152 = arith.constant 1 : i32
        %dma_wait3A_153 = arith.constant 0 : i32
        %dma_wait3A_154 = arith.constant 1 : i32
        %dma_wait3A_155 = arith.constant 0 : i32
        %dma_wait3A_156 = arith.constant 0 : i32
        %dma_wait3A_157 = tpu.memref_slice %arg12[%dma_wait3A_152, %dma_wait3A_155, %dma_wait3A_156] : memref<6x128x32xf32, #tpu.memory_space<vmem>> -> memref<1x128x32xf32, #tpu.memory_space<vmem>>
        %dma_wait3A_158 = tpu.memref_squeeze %dma_wait3A_157 : memref<1x128x32xf32, #tpu.memory_space<vmem>> -> memref<128x32xf32, #tpu.memory_space<vmem>>
        %dma_wait3A_159 = arith.constant 0 : i32
        %dma_wait3A_160 = tpu.memref_slice %arg11[%dma_wait3A_153, %dma_wait3A_159] : memref<21x128xi32, #tpu.memory_space<vmem>> -> memref<1x128xi32, #tpu.memory_space<vmem>>
        %dma_wait3A_161 = tpu.memref_squeeze %dma_wait3A_160 : memref<1x128xi32, #tpu.memory_space<vmem>> -> memref<128xi32, #tpu.memory_space<vmem>>
        %dma_wait3A_162 = arith.constant 0 : i32
        %dma_wait3A_163 = arith.constant 0 : i32
        %dma_wait3A_164 = tpu.memref_slice %arg13[%dma_wait3A_162, %dma_wait3A_163] : memref<50048x32xf32, #tpu.memory_space<vmem_shared>> -> memref<50048x32xf32, #tpu.memory_space<vmem_shared>>
        %dma_wait3A_165 = tpu.memref_slice %arg15[%dma_wait3A_154] : memref<6x!tpu.dma_semaphore, #tpu.memory_space<semaphore_mem>> -> memref<1x!tpu.dma_semaphore, #tpu.memory_space<semaphore_mem>>
        %dma_wait3A_166 = tpu.memref_squeeze %dma_wait3A_165 : memref<1x!tpu.dma_semaphore, #tpu.memory_space<semaphore_mem>> -> memref<!tpu.dma_semaphore, #tpu.memory_space<semaphore_mem>>
        tpu.wait_indirect_dma semaphore(%dma_wait3A_166 : memref<!tpu.dma_semaphore, #tpu.memory_space<semaphore_mem>>) src(%dma_wait3A_158 : memref<128x32xf32, #tpu.memory_space<vmem>>) dst(%dma_wait3A_164 : memref<50048x32xf32, #tpu.memory_space<vmem_shared>>)
        %dma_wait3A_167 = arith.constant 2 : i32
        %dma_wait3A_168 = arith.constant 0 : i32
        %dma_wait3A_169 = arith.constant 2 : i32
        %dma_wait3A_170 = arith.constant 0 : i32
        %dma_wait3A_171 = arith.constant 0 : i32
        %dma_wait3A_172 = tpu.memref_slice %arg12[%dma_wait3A_167, %dma_wait3A_170, %dma_wait3A_171] : memref<6x128x32xf32, #tpu.memory_space<vmem>> -> memref<1x128x32xf32, #tpu.memory_space<vmem>>
        %dma_wait3A_173 = tpu.memref_squeeze %dma_wait3A_172 : memref<1x128x32xf32, #tpu.memory_space<vmem>> -> memref<128x32xf32, #tpu.memory_space<vmem>>
        %dma_wait3A_174 = arith.constant 0 : i32
        %dma_wait3A_175 = tpu.memref_slice %arg11[%dma_wait3A_168, %dma_wait3A_174] : memref<21x128xi32, #tpu.memory_space<vmem>> -> memref<1x128xi32, #tpu.memory_space<vmem>>
        %dma_wait3A_176 = tpu.memref_squeeze %dma_wait3A_175 : memref<1x128xi32, #tpu.memory_space<vmem>> -> memref<128xi32, #tpu.memory_space<vmem>>
        %dma_wait3A_177 = arith.constant 0 : i32
        %dma_wait3A_178 = arith.constant 0 : i32
        %dma_wait3A_179 = tpu.memref_slice %arg13[%dma_wait3A_177, %dma_wait3A_178] : memref<50048x32xf32, #tpu.memory_space<vmem_shared>> -> memref<50048x32xf32, #tpu.memory_space<vmem_shared>>
        %dma_wait3A_180 = tpu.memref_slice %arg15[%dma_wait3A_169] : memref<6x!tpu.dma_semaphore, #tpu.memory_space<semaphore_mem>> -> memref<1x!tpu.dma_semaphore, #tpu.memory_space<semaphore_mem>>
        %dma_wait3A_181 = tpu.memref_squeeze %dma_wait3A_180 : memref<1x!tpu.dma_semaphore, #tpu.memory_space<semaphore_mem>> -> memref<!tpu.dma_semaphore, #tpu.memory_space<semaphore_mem>>
        tpu.wait_indirect_dma semaphore(%dma_wait3A_181 : memref<!tpu.dma_semaphore, #tpu.memory_space<semaphore_mem>>) src(%dma_wait3A_173 : memref<128x32xf32, #tpu.memory_space<vmem>>) dst(%dma_wait3A_179 : memref<50048x32xf32, #tpu.memory_space<vmem_shared>>)
        %dma_wait3A_182 = arith.constant 3 : i32
        %dma_wait3A_183 = arith.constant 0 : i32
        %dma_wait3A_184 = arith.constant 3 : i32
        %dma_wait3A_185 = arith.constant 0 : i32
        %dma_wait3A_186 = arith.constant 0 : i32
        %dma_wait3A_187 = tpu.memref_slice %arg12[%dma_wait3A_182, %dma_wait3A_185, %dma_wait3A_186] : memref<6x128x32xf32, #tpu.memory_space<vmem>> -> memref<1x128x32xf32, #tpu.memory_space<vmem>>
        %dma_wait3A_188 = tpu.memref_squeeze %dma_wait3A_187 : memref<1x128x32xf32, #tpu.memory_space<vmem>> -> memref<128x32xf32, #tpu.memory_space<vmem>>
        %dma_wait3A_189 = arith.constant 0 : i32
        %dma_wait3A_190 = tpu.memref_slice %arg11[%dma_wait3A_183, %dma_wait3A_189] : memref<21x128xi32, #tpu.memory_space<vmem>> -> memref<1x128xi32, #tpu.memory_space<vmem>>
        %dma_wait3A_191 = tpu.memref_squeeze %dma_wait3A_190 : memref<1x128xi32, #tpu.memory_space<vmem>> -> memref<128xi32, #tpu.memory_space<vmem>>
        %dma_wait3A_192 = arith.constant 0 : i32
        %dma_wait3A_193 = arith.constant 0 : i32
        %dma_wait3A_194 = tpu.memref_slice %arg13[%dma_wait3A_192, %dma_wait3A_193] : memref<50048x32xf32, #tpu.memory_space<vmem_shared>> -> memref<50048x32xf32, #tpu.memory_space<vmem_shared>>
        %dma_wait3A_195 = tpu.memref_slice %arg15[%dma_wait3A_184] : memref<6x!tpu.dma_semaphore, #tpu.memory_space<semaphore_mem>> -> memref<1x!tpu.dma_semaphore, #tpu.memory_space<semaphore_mem>>
        %dma_wait3A_196 = tpu.memref_squeeze %dma_wait3A_195 : memref<1x!tpu.dma_semaphore, #tpu.memory_space<semaphore_mem>> -> memref<!tpu.dma_semaphore, #tpu.memory_space<semaphore_mem>>
        tpu.wait_indirect_dma semaphore(%dma_wait3A_196 : memref<!tpu.dma_semaphore, #tpu.memory_space<semaphore_mem>>) src(%dma_wait3A_188 : memref<128x32xf32, #tpu.memory_space<vmem>>) dst(%dma_wait3A_194 : memref<50048x32xf32, #tpu.memory_space<vmem_shared>>)
        %dma_wait3A_197 = arith.constant 4 : i32
        %dma_wait3A_198 = arith.constant 0 : i32
        %dma_wait3A_199 = arith.constant 4 : i32
        %dma_wait3A_200 = arith.constant 0 : i32
        %dma_wait3A_201 = arith.constant 0 : i32
        %dma_wait3A_202 = tpu.memref_slice %arg12[%dma_wait3A_197, %dma_wait3A_200, %dma_wait3A_201] : memref<6x128x32xf32, #tpu.memory_space<vmem>> -> memref<1x128x32xf32, #tpu.memory_space<vmem>>
        %dma_wait3A_203 = tpu.memref_squeeze %dma_wait3A_202 : memref<1x128x32xf32, #tpu.memory_space<vmem>> -> memref<128x32xf32, #tpu.memory_space<vmem>>
        %dma_wait3A_204 = arith.constant 0 : i32
        %dma_wait3A_205 = tpu.memref_slice %arg11[%dma_wait3A_198, %dma_wait3A_204] : memref<21x128xi32, #tpu.memory_space<vmem>> -> memref<1x128xi32, #tpu.memory_space<vmem>>
        %dma_wait3A_206 = tpu.memref_squeeze %dma_wait3A_205 : memref<1x128xi32, #tpu.memory_space<vmem>> -> memref<128xi32, #tpu.memory_space<vmem>>
        %dma_wait3A_207 = arith.constant 0 : i32
        %dma_wait3A_208 = arith.constant 0 : i32
        %dma_wait3A_209 = tpu.memref_slice %arg13[%dma_wait3A_207, %dma_wait3A_208] : memref<50048x32xf32, #tpu.memory_space<vmem_shared>> -> memref<50048x32xf32, #tpu.memory_space<vmem_shared>>
        %dma_wait3A_210 = tpu.memref_slice %arg15[%dma_wait3A_199] : memref<6x!tpu.dma_semaphore, #tpu.memory_space<semaphore_mem>> -> memref<1x!tpu.dma_semaphore, #tpu.memory_space<semaphore_mem>>
        %dma_wait3A_211 = tpu.memref_squeeze %dma_wait3A_210 : memref<1x!tpu.dma_semaphore, #tpu.memory_space<semaphore_mem>> -> memref<!tpu.dma_semaphore, #tpu.memory_space<semaphore_mem>>
        tpu.wait_indirect_dma semaphore(%dma_wait3A_211 : memref<!tpu.dma_semaphore, #tpu.memory_space<semaphore_mem>>) src(%dma_wait3A_203 : memref<128x32xf32, #tpu.memory_space<vmem>>) dst(%dma_wait3A_209 : memref<50048x32xf32, #tpu.memory_space<vmem_shared>>)
        %dma_wait3A_212 = arith.constant 5 : i32
        %dma_wait3A_213 = arith.constant 0 : i32
        %dma_wait3A_214 = arith.constant 5 : i32
        %dma_wait3A_215 = arith.constant 0 : i32
        %dma_wait3A_216 = arith.constant 0 : i32
        %dma_wait3A_217 = tpu.memref_slice %arg12[%dma_wait3A_212, %dma_wait3A_215, %dma_wait3A_216] : memref<6x128x32xf32, #tpu.memory_space<vmem>> -> memref<1x128x32xf32, #tpu.memory_space<vmem>>
        %dma_wait3A_218 = tpu.memref_squeeze %dma_wait3A_217 : memref<1x128x32xf32, #tpu.memory_space<vmem>> -> memref<128x32xf32, #tpu.memory_space<vmem>>
        %dma_wait3A_219 = arith.constant 0 : i32
        %dma_wait3A_220 = tpu.memref_slice %arg11[%dma_wait3A_213, %dma_wait3A_219] : memref<21x128xi32, #tpu.memory_space<vmem>> -> memref<1x128xi32, #tpu.memory_space<vmem>>
        %dma_wait3A_221 = tpu.memref_squeeze %dma_wait3A_220 : memref<1x128xi32, #tpu.memory_space<vmem>> -> memref<128xi32, #tpu.memory_space<vmem>>
        %dma_wait3A_222 = arith.constant 0 : i32
        %dma_wait3A_223 = arith.constant 0 : i32
        %dma_wait3A_224 = tpu.memref_slice %arg13[%dma_wait3A_222, %dma_wait3A_223] : memref<50048x32xf32, #tpu.memory_space<vmem_shared>> -> memref<50048x32xf32, #tpu.memory_space<vmem_shared>>
        %dma_wait3A_225 = tpu.memref_slice %arg15[%dma_wait3A_214] : memref<6x!tpu.dma_semaphore, #tpu.memory_space<semaphore_mem>> -> memref<1x!tpu.dma_semaphore, #tpu.memory_space<semaphore_mem>>
        %dma_wait3A_226 = tpu.memref_squeeze %dma_wait3A_225 : memref<1x!tpu.dma_semaphore, #tpu.memory_space<semaphore_mem>> -> memref<!tpu.dma_semaphore, #tpu.memory_space<semaphore_mem>>
        tpu.wait_indirect_dma semaphore(%dma_wait3A_226 : memref<!tpu.dma_semaphore, #tpu.memory_space<semaphore_mem>>) src(%dma_wait3A_218 : memref<128x32xf32, #tpu.memory_space<vmem>>) dst(%dma_wait3A_224 : memref<50048x32xf32, #tpu.memory_space<vmem_shared>>)
        %scan3A_227 = arith.constant 0 : i32
        scf.yield %scan3A_227 : i32
      }
      %scan3A_46 = arith.constant 7 : i32
      %barrier3A_47 = arith.constant 0 : index
      tpu.barrier barrier_id(%barrier3A_47)
      %mul3A_48 = arith.constant 3128 : i32
      %mul3A_49 = arith.muli %arg1, %mul3A_48 : i32
      %run_scoped3A_50 = arith.constant 1 : i32
      "tpu.region"() ({
        %run_scoped3A_67 = tpu.sem_alloc : memref<!tpu.dma_semaphore, #tpu.memory_space<semaphore_mem>>
        %dma_start3A_68 = arith.constant 64 : i32
        %dma_start3A_69 = tpu.memref_slice %arg9[%run_scoped3A_50, %mul3A_49, %dma_start3A_68] : memref<2x50048x128xf32, #tpu.memory_space<hbm>> -> memref<1x3128x32xf32, #tpu.memory_space<hbm>>
        %dma_start3A_70 = tpu.memref_squeeze %dma_start3A_69 : memref<1x3128x32xf32, #tpu.memory_space<hbm>> -> memref<3128x32xf32, #tpu.memory_space<hbm>>
        %dma_start3A_71 = arith.constant 0 : i32
        %dma_start3A_72 = tpu.memref_slice %arg13[%mul3A_7, %dma_start3A_71] : memref<50048x32xf32, #tpu.memory_space<vmem_shared>> -> memref<3128x32xf32, #tpu.memory_space<vmem_shared>>
        tpu.enqueue_dma source(%dma_start3A_72 : memref<3128x32xf32, #tpu.memory_space<vmem_shared>>) target(%dma_start3A_70 : memref<3128x32xf32, #tpu.memory_space<hbm>>) target_semaphore(%run_scoped3A_67 : memref<!tpu.dma_semaphore, #tpu.memory_space<semaphore_mem>>)
        %dma_wait3A_73 = arith.constant 64 : i32
        %dma_wait3A_74 = tpu.memref_slice %arg9[%run_scoped3A_50, %mul3A_49, %dma_wait3A_73] : memref<2x50048x128xf32, #tpu.memory_space<hbm>> -> memref<1x3128x32xf32, #tpu.memory_space<hbm>>
        %dma_wait3A_75 = tpu.memref_squeeze %dma_wait3A_74 : memref<1x3128x32xf32, #tpu.memory_space<hbm>> -> memref<3128x32xf32, #tpu.memory_space<hbm>>
        %dma_wait3A_76 = arith.constant 0 : i32
        %dma_wait3A_77 = tpu.memref_slice %arg13[%mul3A_7, %dma_wait3A_76] : memref<50048x32xf32, #tpu.memory_space<vmem_shared>> -> memref<3128x32xf32, #tpu.memory_space<vmem_shared>>
        tpu.wait_dma2 semaphore(%run_scoped3A_67 : memref<!tpu.dma_semaphore, #tpu.memory_space<semaphore_mem>>) src(%dma_wait3A_77 : memref<3128x32xf32, #tpu.memory_space<vmem_shared>>) dst(%dma_wait3A_75 : memref<3128x32xf32, #tpu.memory_space<hbm>>)
        tpu.yield
      }) : () -> ()
      %dma_start3A_51 = arith.constant 0 : i32
      %dma_start3A_52 = tpu.memref_slice %arg13[%mul3A_7, %dma_start3A_51] : memref<50048x32xf32, #tpu.memory_space<vmem_shared>> -> memref<3128x32xf32, #tpu.memory_space<vmem_shared>>
      tpu.enqueue_dma source(%arg8 : memref<3128x32xf32, #tpu.memory_space<hbm>>) target(%dma_start3A_52 : memref<3128x32xf32, #tpu.memory_space<vmem_shared>>) target_semaphore(%arg16 : memref<!tpu.dma_semaphore, #tpu.memory_space<semaphore_mem>>)
      %dma_wait3A_53 = arith.constant 0 : i32
      %dma_wait3A_54 = tpu.memref_slice %arg13[%mul3A_7, %dma_wait3A_53] : memref<50048x32xf32, #tpu.memory_space<vmem_shared>> -> memref<3128x32xf32, #tpu.memory_space<vmem_shared>>
      tpu.wait_dma2 semaphore(%arg16 : memref<!tpu.dma_semaphore, #tpu.memory_space<semaphore_mem>>) src(%arg8 : memref<3128x32xf32, #tpu.memory_space<hbm>>) dst(%dma_wait3A_54 : memref<3128x32xf32, #tpu.memory_space<vmem_shared>>)
      %barrier3A_55 = arith.constant 0 : index
      tpu.barrier barrier_id(%barrier3A_55)
      %scan3A_56 = arith.constant 0 : i32
      %scan3A_57 = arith.constant 0 : i32
      %scan3A_58 = arith.constant 7 : i32
      %scan3A_59 = arith.addi %scan3A_57, %scan3A_58 : i32
      %scan3A_60 = arith.constant 1 : i32
      %scan3A_61 = scf.for %scan3A_67 = %scan3A_57 to %scan3A_59 step %scan3A_60 iter_args(%scan3A_68 = %scan3A_56) -> (i32)  : i32 {
        %run_scoped3A_69 = arith.constant 3 : i32
        "tpu.region"() ({
          %run_scoped3A_228 = tpu.sem_alloc : memref<!tpu.dma_semaphore, #tpu.memory_space<semaphore_mem>>
          %dma_start3A_229 = arith.constant 0 : i32
          %dma_start3A_230 = arith.constant 0 : i32
          %dma_start3A_231 = tpu.memref_slice %arg6[%run_scoped3A_69, %arg1, %scan3A_67, %dma_start3A_229, %dma_start3A_230] : memref<4x16x7x21x128xi32, #tpu.memory_space<hbm>> -> memref<1x1x1x21x128xi32, #tpu.memory_space<hbm>>
          %dma_start3A_232 = tpu.memref_squeeze %dma_start3A_231 : memref<1x1x1x21x128xi32, #tpu.memory_space<hbm>> -> memref<21x128xi32, #tpu.memory_space<hbm>>
          %dma_start3A_233 = arith.constant 0 : i32
          %dma_start3A_234 = arith.constant 0 : i32
          %dma_start3A_235 = tpu.memref_slice %arg6[%run_scoped3A_69, %arg1, %scan3A_67, %dma_start3A_233, %dma_start3A_234] : memref<4x16x7x21x128xi32, #tpu.memory_space<hbm>> -> memref<1x1x1x21x128xi32, #tpu.memory_space<hbm>>
          %dma_start3A_236 = tpu.memref_squeeze %dma_start3A_235 : memref<1x1x1x21x128xi32, #tpu.memory_space<hbm>> -> memref<21x128xi32, #tpu.memory_space<hbm>>
          tpu.enqueue_dma source(%dma_start3A_236 : memref<21x128xi32, #tpu.memory_space<hbm>>) target(%arg10 : memref<21x128xi32, #tpu.memory_space<vmem>>) target_semaphore(%run_scoped3A_228 : memref<!tpu.dma_semaphore, #tpu.memory_space<semaphore_mem>>)
          %dma_wait3A_237 = arith.constant 0 : i32
          %dma_wait3A_238 = arith.constant 0 : i32
          %dma_wait3A_239 = tpu.memref_slice %arg6[%run_scoped3A_69, %arg1, %scan3A_67, %dma_wait3A_237, %dma_wait3A_238] : memref<4x16x7x21x128xi32, #tpu.memory_space<hbm>> -> memref<1x1x1x21x128xi32, #tpu.memory_space<hbm>>
          %dma_wait3A_240 = tpu.memref_squeeze %dma_wait3A_239 : memref<1x1x1x21x128xi32, #tpu.memory_space<hbm>> -> memref<21x128xi32, #tpu.memory_space<hbm>>
          %dma_wait3A_241 = arith.constant 0 : i32
          %dma_wait3A_242 = arith.constant 0 : i32
          %dma_wait3A_243 = tpu.memref_slice %arg6[%run_scoped3A_69, %arg1, %scan3A_67, %dma_wait3A_241, %dma_wait3A_242] : memref<4x16x7x21x128xi32, #tpu.memory_space<hbm>> -> memref<1x1x1x21x128xi32, #tpu.memory_space<hbm>>
          %dma_wait3A_244 = tpu.memref_squeeze %dma_wait3A_243 : memref<1x1x1x21x128xi32, #tpu.memory_space<hbm>> -> memref<21x128xi32, #tpu.memory_space<hbm>>
          tpu.wait_dma2 semaphore(%run_scoped3A_228 : memref<!tpu.dma_semaphore, #tpu.memory_space<semaphore_mem>>) src(%dma_wait3A_244 : memref<21x128xi32, #tpu.memory_space<hbm>>) dst(%arg10 : memref<21x128xi32, #tpu.memory_space<vmem>>)
          tpu.yield
        }) : () -> ()
        "tpu.region"() ({
          %run_scoped3A_228 = tpu.sem_alloc : memref<!tpu.dma_semaphore, #tpu.memory_space<semaphore_mem>>
          %dma_start3A_229 = arith.constant 0 : i32
          %dma_start3A_230 = arith.constant 0 : i32
          %dma_start3A_231 = tpu.memref_slice %arg7[%arg1, %scan3A_67, %dma_start3A_229, %dma_start3A_230] : memref<16x7x21x128xi32, #tpu.memory_space<hbm>> -> memref<1x1x21x128xi32, #tpu.memory_space<hbm>>
          %dma_start3A_232 = tpu.memref_squeeze %dma_start3A_231 : memref<1x1x21x128xi32, #tpu.memory_space<hbm>> -> memref<21x128xi32, #tpu.memory_space<hbm>>
          %dma_start3A_233 = arith.constant 0 : i32
          %dma_start3A_234 = arith.constant 0 : i32
          %dma_start3A_235 = tpu.memref_slice %arg7[%arg1, %scan3A_67, %dma_start3A_233, %dma_start3A_234] : memref<16x7x21x128xi32, #tpu.memory_space<hbm>> -> memref<1x1x21x128xi32, #tpu.memory_space<hbm>>
          %dma_start3A_236 = tpu.memref_squeeze %dma_start3A_235 : memref<1x1x21x128xi32, #tpu.memory_space<hbm>> -> memref<21x128xi32, #tpu.memory_space<hbm>>
          tpu.enqueue_dma source(%dma_start3A_236 : memref<21x128xi32, #tpu.memory_space<hbm>>) target(%arg11 : memref<21x128xi32, #tpu.memory_space<vmem>>) target_semaphore(%run_scoped3A_228 : memref<!tpu.dma_semaphore, #tpu.memory_space<semaphore_mem>>)
          %dma_wait3A_237 = arith.constant 0 : i32
          %dma_wait3A_238 = arith.constant 0 : i32
          %dma_wait3A_239 = tpu.memref_slice %arg7[%arg1, %scan3A_67, %dma_wait3A_237, %dma_wait3A_238] : memref<16x7x21x128xi32, #tpu.memory_space<hbm>> -> memref<1x1x21x128xi32, #tpu.memory_space<hbm>>
          %dma_wait3A_240 = tpu.memref_squeeze %dma_wait3A_239 : memref<1x1x21x128xi32, #tpu.memory_space<hbm>> -> memref<21x128xi32, #tpu.memory_space<hbm>>
          %dma_wait3A_241 = arith.constant 0 : i32
          %dma_wait3A_242 = arith.constant 0 : i32
          %dma_wait3A_243 = tpu.memref_slice %arg7[%arg1, %scan3A_67, %dma_wait3A_241, %dma_wait3A_242] : memref<16x7x21x128xi32, #tpu.memory_space<hbm>> -> memref<1x1x21x128xi32, #tpu.memory_space<hbm>>
          %dma_wait3A_244 = tpu.memref_squeeze %dma_wait3A_243 : memref<1x1x21x128xi32, #tpu.memory_space<hbm>> -> memref<21x128xi32, #tpu.memory_space<hbm>>
          tpu.wait_dma2 semaphore(%run_scoped3A_228 : memref<!tpu.dma_semaphore, #tpu.memory_space<semaphore_mem>>) src(%dma_wait3A_244 : memref<21x128xi32, #tpu.memory_space<hbm>>) dst(%arg11 : memref<21x128xi32, #tpu.memory_space<vmem>>)
          tpu.yield
        }) : () -> ()
        %dma_start3A_70 = arith.constant 0 : i32
        %dma_start3A_71 = arith.constant 0 : i32
        %dma_start3A_72 = arith.constant 0 : i32
        %dma_start3A_73 = arith.constant 0 : i32
        %dma_start3A_74 = arith.constant 0 : i32
        %dma_start3A_75 = tpu.memref_slice %arg12[%dma_start3A_71, %dma_start3A_73, %dma_start3A_74] : memref<6x128x32xf32, #tpu.memory_space<vmem>> -> memref<1x128x32xf32, #tpu.memory_space<vmem>>
        %dma_start3A_76 = tpu.memref_squeeze %dma_start3A_75 : memref<1x128x32xf32, #tpu.memory_space<vmem>> -> memref<128x32xf32, #tpu.memory_space<vmem>>
        %dma_start3A_77 = arith.constant 0 : i32
        %dma_start3A_78 = tpu.memref_slice %arg10[%dma_start3A_70, %dma_start3A_77] : memref<21x128xi32, #tpu.memory_space<vmem>> -> memref<1x128xi32, #tpu.memory_space<vmem>>
        %dma_start3A_79 = tpu.memref_squeeze %dma_start3A_78 : memref<1x128xi32, #tpu.memory_space<vmem>> -> memref<128xi32, #tpu.memory_space<vmem>>
        %dma_start3A_80 = arith.constant 0 : i32
        %dma_start3A_81 = arith.constant 0 : i32
        %dma_start3A_82 = tpu.memref_slice %arg3[%dma_start3A_80, %dma_start3A_81] : memref<200000x32xf32, #tpu.memory_space<hbm>> -> memref<200000x32xf32, #tpu.memory_space<hbm>>
        %dma_start3A_83 = tpu.memref_slice %arg14[%dma_start3A_72] : memref<6x!tpu.dma_semaphore, #tpu.memory_space<semaphore_mem>> -> memref<1x!tpu.dma_semaphore, #tpu.memory_space<semaphore_mem>>
        %dma_start3A_84 = tpu.memref_squeeze %dma_start3A_83 : memref<1x!tpu.dma_semaphore, #tpu.memory_space<semaphore_mem>> -> memref<!tpu.dma_semaphore, #tpu.memory_space<semaphore_mem>>
        tpu.enqueue_indirect_dma source(%dma_start3A_82 : memref<200000x32xf32, #tpu.memory_space<hbm>>) target(%dma_start3A_76 : memref<128x32xf32, #tpu.memory_space<vmem>>) offsets(%dma_start3A_79 : memref<128xi32, #tpu.memory_space<vmem>>) semaphore(%dma_start3A_84 : memref<!tpu.dma_semaphore, #tpu.memory_space<semaphore_mem>>)
        %dma_start3A_85 = arith.constant 1 : i32
        %dma_start3A_86 = arith.constant 1 : i32
        %dma_start3A_87 = arith.constant 1 : i32
        %dma_start3A_88 = arith.constant 0 : i32
        %dma_start3A_89 = arith.constant 0 : i32
        %dma_start3A_90 = tpu.memref_slice %arg12[%dma_start3A_86, %dma_start3A_88, %dma_start3A_89] : memref<6x128x32xf32, #tpu.memory_space<vmem>> -> memref<1x128x32xf32, #tpu.memory_space<vmem>>
        %dma_start3A_91 = tpu.memref_squeeze %dma_start3A_90 : memref<1x128x32xf32, #tpu.memory_space<vmem>> -> memref<128x32xf32, #tpu.memory_space<vmem>>
        %dma_start3A_92 = arith.constant 0 : i32
        %dma_start3A_93 = tpu.memref_slice %arg10[%dma_start3A_85, %dma_start3A_92] : memref<21x128xi32, #tpu.memory_space<vmem>> -> memref<1x128xi32, #tpu.memory_space<vmem>>
        %dma_start3A_94 = tpu.memref_squeeze %dma_start3A_93 : memref<1x128xi32, #tpu.memory_space<vmem>> -> memref<128xi32, #tpu.memory_space<vmem>>
        %dma_start3A_95 = arith.constant 0 : i32
        %dma_start3A_96 = arith.constant 0 : i32
        %dma_start3A_97 = tpu.memref_slice %arg3[%dma_start3A_95, %dma_start3A_96] : memref<200000x32xf32, #tpu.memory_space<hbm>> -> memref<200000x32xf32, #tpu.memory_space<hbm>>
        %dma_start3A_98 = tpu.memref_slice %arg14[%dma_start3A_87] : memref<6x!tpu.dma_semaphore, #tpu.memory_space<semaphore_mem>> -> memref<1x!tpu.dma_semaphore, #tpu.memory_space<semaphore_mem>>
        %dma_start3A_99 = tpu.memref_squeeze %dma_start3A_98 : memref<1x!tpu.dma_semaphore, #tpu.memory_space<semaphore_mem>> -> memref<!tpu.dma_semaphore, #tpu.memory_space<semaphore_mem>>
        tpu.enqueue_indirect_dma source(%dma_start3A_97 : memref<200000x32xf32, #tpu.memory_space<hbm>>) target(%dma_start3A_91 : memref<128x32xf32, #tpu.memory_space<vmem>>) offsets(%dma_start3A_94 : memref<128xi32, #tpu.memory_space<vmem>>) semaphore(%dma_start3A_99 : memref<!tpu.dma_semaphore, #tpu.memory_space<semaphore_mem>>)
        %dma_start3A_100 = arith.constant 2 : i32
        %dma_start3A_101 = arith.constant 2 : i32
        %dma_start3A_102 = arith.constant 2 : i32
        %dma_start3A_103 = arith.constant 0 : i32
        %dma_start3A_104 = arith.constant 0 : i32
        %dma_start3A_105 = tpu.memref_slice %arg12[%dma_start3A_101, %dma_start3A_103, %dma_start3A_104] : memref<6x128x32xf32, #tpu.memory_space<vmem>> -> memref<1x128x32xf32, #tpu.memory_space<vmem>>
        %dma_start3A_106 = tpu.memref_squeeze %dma_start3A_105 : memref<1x128x32xf32, #tpu.memory_space<vmem>> -> memref<128x32xf32, #tpu.memory_space<vmem>>
        %dma_start3A_107 = arith.constant 0 : i32
        %dma_start3A_108 = tpu.memref_slice %arg10[%dma_start3A_100, %dma_start3A_107] : memref<21x128xi32, #tpu.memory_space<vmem>> -> memref<1x128xi32, #tpu.memory_space<vmem>>
        %dma_start3A_109 = tpu.memref_squeeze %dma_start3A_108 : memref<1x128xi32, #tpu.memory_space<vmem>> -> memref<128xi32, #tpu.memory_space<vmem>>
        %dma_start3A_110 = arith.constant 0 : i32
        %dma_start3A_111 = arith.constant 0 : i32
        %dma_start3A_112 = tpu.memref_slice %arg3[%dma_start3A_110, %dma_start3A_111] : memref<200000x32xf32, #tpu.memory_space<hbm>> -> memref<200000x32xf32, #tpu.memory_space<hbm>>
        %dma_start3A_113 = tpu.memref_slice %arg14[%dma_start3A_102] : memref<6x!tpu.dma_semaphore, #tpu.memory_space<semaphore_mem>> -> memref<1x!tpu.dma_semaphore, #tpu.memory_space<semaphore_mem>>
        %dma_start3A_114 = tpu.memref_squeeze %dma_start3A_113 : memref<1x!tpu.dma_semaphore, #tpu.memory_space<semaphore_mem>> -> memref<!tpu.dma_semaphore, #tpu.memory_space<semaphore_mem>>
        tpu.enqueue_indirect_dma source(%dma_start3A_112 : memref<200000x32xf32, #tpu.memory_space<hbm>>) target(%dma_start3A_106 : memref<128x32xf32, #tpu.memory_space<vmem>>) offsets(%dma_start3A_109 : memref<128xi32, #tpu.memory_space<vmem>>) semaphore(%dma_start3A_114 : memref<!tpu.dma_semaphore, #tpu.memory_space<semaphore_mem>>)
        %dma_start3A_115 = arith.constant 3 : i32
        %dma_start3A_116 = arith.constant 3 : i32
        %dma_start3A_117 = arith.constant 3 : i32
        %dma_start3A_118 = arith.constant 0 : i32
        %dma_start3A_119 = arith.constant 0 : i32
        %dma_start3A_120 = tpu.memref_slice %arg12[%dma_start3A_116, %dma_start3A_118, %dma_start3A_119] : memref<6x128x32xf32, #tpu.memory_space<vmem>> -> memref<1x128x32xf32, #tpu.memory_space<vmem>>
        %dma_start3A_121 = tpu.memref_squeeze %dma_start3A_120 : memref<1x128x32xf32, #tpu.memory_space<vmem>> -> memref<128x32xf32, #tpu.memory_space<vmem>>
        %dma_start3A_122 = arith.constant 0 : i32
        %dma_start3A_123 = tpu.memref_slice %arg10[%dma_start3A_115, %dma_start3A_122] : memref<21x128xi32, #tpu.memory_space<vmem>> -> memref<1x128xi32, #tpu.memory_space<vmem>>
        %dma_start3A_124 = tpu.memref_squeeze %dma_start3A_123 : memref<1x128xi32, #tpu.memory_space<vmem>> -> memref<128xi32, #tpu.memory_space<vmem>>
        %dma_start3A_125 = arith.constant 0 : i32
        %dma_start3A_126 = arith.constant 0 : i32
        %dma_start3A_127 = tpu.memref_slice %arg3[%dma_start3A_125, %dma_start3A_126] : memref<200000x32xf32, #tpu.memory_space<hbm>> -> memref<200000x32xf32, #tpu.memory_space<hbm>>
        %dma_start3A_128 = tpu.memref_slice %arg14[%dma_start3A_117] : memref<6x!tpu.dma_semaphore, #tpu.memory_space<semaphore_mem>> -> memref<1x!tpu.dma_semaphore, #tpu.memory_space<semaphore_mem>>
        %dma_start3A_129 = tpu.memref_squeeze %dma_start3A_128 : memref<1x!tpu.dma_semaphore, #tpu.memory_space<semaphore_mem>> -> memref<!tpu.dma_semaphore, #tpu.memory_space<semaphore_mem>>
        tpu.enqueue_indirect_dma source(%dma_start3A_127 : memref<200000x32xf32, #tpu.memory_space<hbm>>) target(%dma_start3A_121 : memref<128x32xf32, #tpu.memory_space<vmem>>) offsets(%dma_start3A_124 : memref<128xi32, #tpu.memory_space<vmem>>) semaphore(%dma_start3A_129 : memref<!tpu.dma_semaphore, #tpu.memory_space<semaphore_mem>>)
        %scan3A_130 = arith.constant 0 : i32
        %scan3A_131 = arith.constant 0 : i32
        %scan3A_132 = arith.constant 21 : i32
        %scan3A_133 = arith.addi %scan3A_131, %scan3A_132 : i32
        %scan3A_134 = arith.constant 1 : i32
        %scan3A_135 = scf.for %scan3A_228 = %scan3A_131 to %scan3A_133 step %scan3A_134 iter_args(%scan3A_229 = %scan3A_130) -> (i32)  : i32 {
          %rem3A = arith.constant 6 : i32
          %rem3A_230 = arith.remsi %scan3A_228, %rem3A : i32
          %dma_wait3A_231 = arith.constant 0 : i32
          %dma_wait3A_232 = arith.constant 0 : i32
          %dma_wait3A_233 = tpu.memref_slice %arg12[%rem3A_230, %dma_wait3A_231, %dma_wait3A_232] : memref<6x128x32xf32, #tpu.memory_space<vmem>> -> memref<1x128x32xf32, #tpu.memory_space<vmem>>
          %dma_wait3A_234 = tpu.memref_squeeze %dma_wait3A_233 : memref<1x128x32xf32, #tpu.memory_space<vmem>> -> memref<128x32xf32, #tpu.memory_space<vmem>>
          %dma_wait3A_235 = arith.constant 0 : i32
          %dma_wait3A_236 = tpu.memref_slice %arg10[%scan3A_228, %dma_wait3A_235] : memref<21x128xi32, #tpu.memory_space<vmem>> -> memref<1x128xi32, #tpu.memory_space<vmem>>
          %dma_wait3A_237 = tpu.memref_squeeze %dma_wait3A_236 : memref<1x128xi32, #tpu.memory_space<vmem>> -> memref<128xi32, #tpu.memory_space<vmem>>
          %dma_wait3A_238 = arith.constant 0 : i32
          %dma_wait3A_239 = arith.constant 0 : i32
          %dma_wait3A_240 = tpu.memref_slice %arg3[%dma_wait3A_238, %dma_wait3A_239] : memref<200000x32xf32, #tpu.memory_space<hbm>> -> memref<200000x32xf32, #tpu.memory_space<hbm>>
          %dma_wait3A_241 = tpu.memref_slice %arg14[%rem3A_230] : memref<6x!tpu.dma_semaphore, #tpu.memory_space<semaphore_mem>> -> memref<1x!tpu.dma_semaphore, #tpu.memory_space<semaphore_mem>>
          %dma_wait3A_242 = tpu.memref_squeeze %dma_wait3A_241 : memref<1x!tpu.dma_semaphore, #tpu.memory_space<semaphore_mem>> -> memref<!tpu.dma_semaphore, #tpu.memory_space<semaphore_mem>>
          tpu.wait_indirect_dma semaphore(%dma_wait3A_242 : memref<!tpu.dma_semaphore, #tpu.memory_space<semaphore_mem>>) src(%dma_wait3A_240 : memref<200000x32xf32, #tpu.memory_space<hbm>>) dst(%dma_wait3A_234 : memref<128x32xf32, #tpu.memory_space<vmem>>)
          %dma_start3A_243 = arith.constant 0 : i32
          %dma_start3A_244 = arith.constant 0 : i32
          %dma_start3A_245 = tpu.memref_slice %arg12[%rem3A_230, %dma_start3A_243, %dma_start3A_244] : memref<6x128x32xf32, #tpu.memory_space<vmem>> -> memref<1x128x32xf32, #tpu.memory_space<vmem>>
          %dma_start3A_246 = tpu.memref_squeeze %dma_start3A_245 : memref<1x128x32xf32, #tpu.memory_space<vmem>> -> memref<128x32xf32, #tpu.memory_space<vmem>>
          %dma_start3A_247 = arith.constant 0 : i32
          %dma_start3A_248 = tpu.memref_slice %arg11[%scan3A_228, %dma_start3A_247] : memref<21x128xi32, #tpu.memory_space<vmem>> -> memref<1x128xi32, #tpu.memory_space<vmem>>
          %dma_start3A_249 = tpu.memref_squeeze %dma_start3A_248 : memref<1x128xi32, #tpu.memory_space<vmem>> -> memref<128xi32, #tpu.memory_space<vmem>>
          %dma_start3A_250 = arith.constant 0 : i32
          %dma_start3A_251 = arith.constant 0 : i32
          %dma_start3A_252 = tpu.memref_slice %arg13[%dma_start3A_250, %dma_start3A_251] : memref<50048x32xf32, #tpu.memory_space<vmem_shared>> -> memref<50048x32xf32, #tpu.memory_space<vmem_shared>>
          %dma_start3A_253 = tpu.memref_slice %arg15[%rem3A_230] : memref<6x!tpu.dma_semaphore, #tpu.memory_space<semaphore_mem>> -> memref<1x!tpu.dma_semaphore, #tpu.memory_space<semaphore_mem>>
          %dma_start3A_254 = tpu.memref_squeeze %dma_start3A_253 : memref<1x!tpu.dma_semaphore, #tpu.memory_space<semaphore_mem>> -> memref<!tpu.dma_semaphore, #tpu.memory_space<semaphore_mem>>
          tpu.enqueue_indirect_dma source(%dma_start3A_246 : memref<128x32xf32, #tpu.memory_space<vmem>>) target(%dma_start3A_252 : memref<50048x32xf32, #tpu.memory_space<vmem_shared>>) offsets(%dma_start3A_249 : memref<128xi32, #tpu.memory_space<vmem>>) semaphore(%dma_start3A_254 : memref<!tpu.dma_semaphore, #tpu.memory_space<semaphore_mem>>) {add = true}
          %add3A = arith.constant 4 : i32
          %add3A_255 = arith.addi %scan3A_228, %add3A : i32
          %lt3A = arith.constant 21 : i32
          %lt3A_256 = arith.cmpi slt, %add3A_255, %lt3A : i32
          %convert_element_type3A_257 = arith.extui %lt3A_256 : i1 to i32
          %cond3A_258 = arith.constant 0 : i32
          %cond3A_259 = arith.cmpi ne, %convert_element_type3A_257, %cond3A_258 : i32
          scf.if %cond3A_259 {
            %add3A_261 = arith.constant 4 : i32
            %add3A_262 = arith.addi %scan3A_228, %add3A_261 : i32
            %rem3A_263 = arith.constant 6 : i32
            %rem3A_264 = arith.remsi %add3A_262, %rem3A_263 : i32
            %ge3A = arith.constant 2 : i32
            %ge3A_265 = arith.cmpi sge, %scan3A_228, %ge3A : i32
            %convert_element_type3A_266 = arith.extui %ge3A_265 : i1 to i32
            %cond3A_267 = arith.constant 0 : i32
            %cond3A_268 = arith.cmpi ne, %convert_element_type3A_266, %cond3A_267 : i32
            scf.if %cond3A_268 {
              %dma_wait3A_283 = arith.constant 0 : i32
              %dma_wait3A_284 = arith.constant 0 : i32
              %dma_wait3A_285 = tpu.memref_slice %arg12[%rem3A_264, %dma_wait3A_283, %dma_wait3A_284] : memref<6x128x32xf32, #tpu.memory_space<vmem>> -> memref<1x128x32xf32, #tpu.memory_space<vmem>>
              %dma_wait3A_286 = tpu.memref_squeeze %dma_wait3A_285 : memref<1x128x32xf32, #tpu.memory_space<vmem>> -> memref<128x32xf32, #tpu.memory_space<vmem>>
              %dma_wait3A_287 = arith.constant 0 : i32
              %dma_wait3A_288 = tpu.memref_slice %arg11[%scan3A_228, %dma_wait3A_287] : memref<21x128xi32, #tpu.memory_space<vmem>> -> memref<1x128xi32, #tpu.memory_space<vmem>>
              %dma_wait3A_289 = tpu.memref_squeeze %dma_wait3A_288 : memref<1x128xi32, #tpu.memory_space<vmem>> -> memref<128xi32, #tpu.memory_space<vmem>>
              %dma_wait3A_290 = arith.constant 0 : i32
              %dma_wait3A_291 = arith.constant 0 : i32
              %dma_wait3A_292 = tpu.memref_slice %arg13[%dma_wait3A_290, %dma_wait3A_291] : memref<50048x32xf32, #tpu.memory_space<vmem_shared>> -> memref<50048x32xf32, #tpu.memory_space<vmem_shared>>
              %dma_wait3A_293 = tpu.memref_slice %arg15[%rem3A_264] : memref<6x!tpu.dma_semaphore, #tpu.memory_space<semaphore_mem>> -> memref<1x!tpu.dma_semaphore, #tpu.memory_space<semaphore_mem>>
              %dma_wait3A_294 = tpu.memref_squeeze %dma_wait3A_293 : memref<1x!tpu.dma_semaphore, #tpu.memory_space<semaphore_mem>> -> memref<!tpu.dma_semaphore, #tpu.memory_space<semaphore_mem>>
              tpu.wait_indirect_dma semaphore(%dma_wait3A_294 : memref<!tpu.dma_semaphore, #tpu.memory_space<semaphore_mem>>) src(%dma_wait3A_286 : memref<128x32xf32, #tpu.memory_space<vmem>>) dst(%dma_wait3A_292 : memref<50048x32xf32, #tpu.memory_space<vmem_shared>>)
            } else {
            }
            %add3A_269 = arith.constant 4 : i32
            %add3A_270 = arith.addi %scan3A_228, %add3A_269 : i32
            %dma_start3A_271 = arith.constant 0 : i32
            %dma_start3A_272 = arith.constant 0 : i32
            %dma_start3A_273 = tpu.memref_slice %arg12[%rem3A_264, %dma_start3A_271, %dma_start3A_272] : memref<6x128x32xf32, #tpu.memory_space<vmem>> -> memref<1x128x32xf32, #tpu.memory_space<vmem>>
            %dma_start3A_274 = tpu.memref_squeeze %dma_start3A_273 : memref<1x128x32xf32, #tpu.memory_space<vmem>> -> memref<128x32xf32, #tpu.memory_space<vmem>>
            %dma_start3A_275 = arith.constant 0 : i32
            %dma_start3A_276 = tpu.memref_slice %arg10[%add3A_270, %dma_start3A_275] : memref<21x128xi32, #tpu.memory_space<vmem>> -> memref<1x128xi32, #tpu.memory_space<vmem>>
            %dma_start3A_277 = tpu.memref_squeeze %dma_start3A_276 : memref<1x128xi32, #tpu.memory_space<vmem>> -> memref<128xi32, #tpu.memory_space<vmem>>
            %dma_start3A_278 = arith.constant 0 : i32
            %dma_start3A_279 = arith.constant 0 : i32
            %dma_start3A_280 = tpu.memref_slice %arg3[%dma_start3A_278, %dma_start3A_279] : memref<200000x32xf32, #tpu.memory_space<hbm>> -> memref<200000x32xf32, #tpu.memory_space<hbm>>
            %dma_start3A_281 = tpu.memref_slice %arg14[%rem3A_264] : memref<6x!tpu.dma_semaphore, #tpu.memory_space<semaphore_mem>> -> memref<1x!tpu.dma_semaphore, #tpu.memory_space<semaphore_mem>>
            %dma_start3A_282 = tpu.memref_squeeze %dma_start3A_281 : memref<1x!tpu.dma_semaphore, #tpu.memory_space<semaphore_mem>> -> memref<!tpu.dma_semaphore, #tpu.memory_space<semaphore_mem>>
            tpu.enqueue_indirect_dma source(%dma_start3A_280 : memref<200000x32xf32, #tpu.memory_space<hbm>>) target(%dma_start3A_274 : memref<128x32xf32, #tpu.memory_space<vmem>>) offsets(%dma_start3A_277 : memref<128xi32, #tpu.memory_space<vmem>>) semaphore(%dma_start3A_282 : memref<!tpu.dma_semaphore, #tpu.memory_space<semaphore_mem>>)
          } else {
          }
          %scan3A_260 = arith.constant 0 : i32
          scf.yield %scan3A_260 : i32
        }
        %scan3A_136 = arith.constant 21 : i32
        %dma_wait3A_137 = arith.constant 0 : i32
        %dma_wait3A_138 = arith.constant 0 : i32
        %dma_wait3A_139 = arith.constant 0 : i32
        %dma_wait3A_140 = arith.constant 0 : i32
        %dma_wait3A_141 = arith.constant 0 : i32
        %dma_wait3A_142 = tpu.memref_slice %arg12[%dma_wait3A_137, %dma_wait3A_140, %dma_wait3A_141] : memref<6x128x32xf32, #tpu.memory_space<vmem>> -> memref<1x128x32xf32, #tpu.memory_space<vmem>>
        %dma_wait3A_143 = tpu.memref_squeeze %dma_wait3A_142 : memref<1x128x32xf32, #tpu.memory_space<vmem>> -> memref<128x32xf32, #tpu.memory_space<vmem>>
        %dma_wait3A_144 = arith.constant 0 : i32
        %dma_wait3A_145 = tpu.memref_slice %arg11[%dma_wait3A_138, %dma_wait3A_144] : memref<21x128xi32, #tpu.memory_space<vmem>> -> memref<1x128xi32, #tpu.memory_space<vmem>>
        %dma_wait3A_146 = tpu.memref_squeeze %dma_wait3A_145 : memref<1x128xi32, #tpu.memory_space<vmem>> -> memref<128xi32, #tpu.memory_space<vmem>>
        %dma_wait3A_147 = arith.constant 0 : i32
        %dma_wait3A_148 = arith.constant 0 : i32
        %dma_wait3A_149 = tpu.memref_slice %arg13[%dma_wait3A_147, %dma_wait3A_148] : memref<50048x32xf32, #tpu.memory_space<vmem_shared>> -> memref<50048x32xf32, #tpu.memory_space<vmem_shared>>
        %dma_wait3A_150 = tpu.memref_slice %arg15[%dma_wait3A_139] : memref<6x!tpu.dma_semaphore, #tpu.memory_space<semaphore_mem>> -> memref<1x!tpu.dma_semaphore, #tpu.memory_space<semaphore_mem>>
        %dma_wait3A_151 = tpu.memref_squeeze %dma_wait3A_150 : memref<1x!tpu.dma_semaphore, #tpu.memory_space<semaphore_mem>> -> memref<!tpu.dma_semaphore, #tpu.memory_space<semaphore_mem>>
        tpu.wait_indirect_dma semaphore(%dma_wait3A_151 : memref<!tpu.dma_semaphore, #tpu.memory_space<semaphore_mem>>) src(%dma_wait3A_143 : memref<128x32xf32, #tpu.memory_space<vmem>>) dst(%dma_wait3A_149 : memref<50048x32xf32, #tpu.memory_space<vmem_shared>>)
        %dma_wait3A_152 = arith.constant 1 : i32
        %dma_wait3A_153 = arith.constant 0 : i32
        %dma_wait3A_154 = arith.constant 1 : i32
        %dma_wait3A_155 = arith.constant 0 : i32
        %dma_wait3A_156 = arith.constant 0 : i32
        %dma_wait3A_157 = tpu.memref_slice %arg12[%dma_wait3A_152, %dma_wait3A_155, %dma_wait3A_156] : memref<6x128x32xf32, #tpu.memory_space<vmem>> -> memref<1x128x32xf32, #tpu.memory_space<vmem>>
        %dma_wait3A_158 = tpu.memref_squeeze %dma_wait3A_157 : memref<1x128x32xf32, #tpu.memory_space<vmem>> -> memref<128x32xf32, #tpu.memory_space<vmem>>
        %dma_wait3A_159 = arith.constant 0 : i32
        %dma_wait3A_160 = tpu.memref_slice %arg11[%dma_wait3A_153, %dma_wait3A_159] : memref<21x128xi32, #tpu.memory_space<vmem>> -> memref<1x128xi32, #tpu.memory_space<vmem>>
        %dma_wait3A_161 = tpu.memref_squeeze %dma_wait3A_160 : memref<1x128xi32, #tpu.memory_space<vmem>> -> memref<128xi32, #tpu.memory_space<vmem>>
        %dma_wait3A_162 = arith.constant 0 : i32
        %dma_wait3A_163 = arith.constant 0 : i32
        %dma_wait3A_164 = tpu.memref_slice %arg13[%dma_wait3A_162, %dma_wait3A_163] : memref<50048x32xf32, #tpu.memory_space<vmem_shared>> -> memref<50048x32xf32, #tpu.memory_space<vmem_shared>>
        %dma_wait3A_165 = tpu.memref_slice %arg15[%dma_wait3A_154] : memref<6x!tpu.dma_semaphore, #tpu.memory_space<semaphore_mem>> -> memref<1x!tpu.dma_semaphore, #tpu.memory_space<semaphore_mem>>
        %dma_wait3A_166 = tpu.memref_squeeze %dma_wait3A_165 : memref<1x!tpu.dma_semaphore, #tpu.memory_space<semaphore_mem>> -> memref<!tpu.dma_semaphore, #tpu.memory_space<semaphore_mem>>
        tpu.wait_indirect_dma semaphore(%dma_wait3A_166 : memref<!tpu.dma_semaphore, #tpu.memory_space<semaphore_mem>>) src(%dma_wait3A_158 : memref<128x32xf32, #tpu.memory_space<vmem>>) dst(%dma_wait3A_164 : memref<50048x32xf32, #tpu.memory_space<vmem_shared>>)
        %dma_wait3A_167 = arith.constant 2 : i32
        %dma_wait3A_168 = arith.constant 0 : i32
        %dma_wait3A_169 = arith.constant 2 : i32
        %dma_wait3A_170 = arith.constant 0 : i32
        %dma_wait3A_171 = arith.constant 0 : i32
        %dma_wait3A_172 = tpu.memref_slice %arg12[%dma_wait3A_167, %dma_wait3A_170, %dma_wait3A_171] : memref<6x128x32xf32, #tpu.memory_space<vmem>> -> memref<1x128x32xf32, #tpu.memory_space<vmem>>
        %dma_wait3A_173 = tpu.memref_squeeze %dma_wait3A_172 : memref<1x128x32xf32, #tpu.memory_space<vmem>> -> memref<128x32xf32, #tpu.memory_space<vmem>>
        %dma_wait3A_174 = arith.constant 0 : i32
        %dma_wait3A_175 = tpu.memref_slice %arg11[%dma_wait3A_168, %dma_wait3A_174] : memref<21x128xi32, #tpu.memory_space<vmem>> -> memref<1x128xi32, #tpu.memory_space<vmem>>
        %dma_wait3A_176 = tpu.memref_squeeze %dma_wait3A_175 : memref<1x128xi32, #tpu.memory_space<vmem>> -> memref<128xi32, #tpu.memory_space<vmem>>
        %dma_wait3A_177 = arith.constant 0 : i32
        %dma_wait3A_178 = arith.constant 0 : i32
        %dma_wait3A_179 = tpu.memref_slice %arg13[%dma_wait3A_177, %dma_wait3A_178] : memref<50048x32xf32, #tpu.memory_space<vmem_shared>> -> memref<50048x32xf32, #tpu.memory_space<vmem_shared>>
        %dma_wait3A_180 = tpu.memref_slice %arg15[%dma_wait3A_169] : memref<6x!tpu.dma_semaphore, #tpu.memory_space<semaphore_mem>> -> memref<1x!tpu.dma_semaphore, #tpu.memory_space<semaphore_mem>>
        %dma_wait3A_181 = tpu.memref_squeeze %dma_wait3A_180 : memref<1x!tpu.dma_semaphore, #tpu.memory_space<semaphore_mem>> -> memref<!tpu.dma_semaphore, #tpu.memory_space<semaphore_mem>>
        tpu.wait_indirect_dma semaphore(%dma_wait3A_181 : memref<!tpu.dma_semaphore, #tpu.memory_space<semaphore_mem>>) src(%dma_wait3A_173 : memref<128x32xf32, #tpu.memory_space<vmem>>) dst(%dma_wait3A_179 : memref<50048x32xf32, #tpu.memory_space<vmem_shared>>)
        %dma_wait3A_182 = arith.constant 3 : i32
        %dma_wait3A_183 = arith.constant 0 : i32
        %dma_wait3A_184 = arith.constant 3 : i32
        %dma_wait3A_185 = arith.constant 0 : i32
        %dma_wait3A_186 = arith.constant 0 : i32
        %dma_wait3A_187 = tpu.memref_slice %arg12[%dma_wait3A_182, %dma_wait3A_185, %dma_wait3A_186] : memref<6x128x32xf32, #tpu.memory_space<vmem>> -> memref<1x128x32xf32, #tpu.memory_space<vmem>>
        %dma_wait3A_188 = tpu.memref_squeeze %dma_wait3A_187 : memref<1x128x32xf32, #tpu.memory_space<vmem>> -> memref<128x32xf32, #tpu.memory_space<vmem>>
        %dma_wait3A_189 = arith.constant 0 : i32
        %dma_wait3A_190 = tpu.memref_slice %arg11[%dma_wait3A_183, %dma_wait3A_189] : memref<21x128xi32, #tpu.memory_space<vmem>> -> memref<1x128xi32, #tpu.memory_space<vmem>>
        %dma_wait3A_191 = tpu.memref_squeeze %dma_wait3A_190 : memref<1x128xi32, #tpu.memory_space<vmem>> -> memref<128xi32, #tpu.memory_space<vmem>>
        %dma_wait3A_192 = arith.constant 0 : i32
        %dma_wait3A_193 = arith.constant 0 : i32
        %dma_wait3A_194 = tpu.memref_slice %arg13[%dma_wait3A_192, %dma_wait3A_193] : memref<50048x32xf32, #tpu.memory_space<vmem_shared>> -> memref<50048x32xf32, #tpu.memory_space<vmem_shared>>
        %dma_wait3A_195 = tpu.memref_slice %arg15[%dma_wait3A_184] : memref<6x!tpu.dma_semaphore, #tpu.memory_space<semaphore_mem>> -> memref<1x!tpu.dma_semaphore, #tpu.memory_space<semaphore_mem>>
        %dma_wait3A_196 = tpu.memref_squeeze %dma_wait3A_195 : memref<1x!tpu.dma_semaphore, #tpu.memory_space<semaphore_mem>> -> memref<!tpu.dma_semaphore, #tpu.memory_space<semaphore_mem>>
        tpu.wait_indirect_dma semaphore(%dma_wait3A_196 : memref<!tpu.dma_semaphore, #tpu.memory_space<semaphore_mem>>) src(%dma_wait3A_188 : memref<128x32xf32, #tpu.memory_space<vmem>>) dst(%dma_wait3A_194 : memref<50048x32xf32, #tpu.memory_space<vmem_shared>>)
        %dma_wait3A_197 = arith.constant 4 : i32
        %dma_wait3A_198 = arith.constant 0 : i32
        %dma_wait3A_199 = arith.constant 4 : i32
        %dma_wait3A_200 = arith.constant 0 : i32
        %dma_wait3A_201 = arith.constant 0 : i32
        %dma_wait3A_202 = tpu.memref_slice %arg12[%dma_wait3A_197, %dma_wait3A_200, %dma_wait3A_201] : memref<6x128x32xf32, #tpu.memory_space<vmem>> -> memref<1x128x32xf32, #tpu.memory_space<vmem>>
        %dma_wait3A_203 = tpu.memref_squeeze %dma_wait3A_202 : memref<1x128x32xf32, #tpu.memory_space<vmem>> -> memref<128x32xf32, #tpu.memory_space<vmem>>
        %dma_wait3A_204 = arith.constant 0 : i32
        %dma_wait3A_205 = tpu.memref_slice %arg11[%dma_wait3A_198, %dma_wait3A_204] : memref<21x128xi32, #tpu.memory_space<vmem>> -> memref<1x128xi32, #tpu.memory_space<vmem>>
        %dma_wait3A_206 = tpu.memref_squeeze %dma_wait3A_205 : memref<1x128xi32, #tpu.memory_space<vmem>> -> memref<128xi32, #tpu.memory_space<vmem>>
        %dma_wait3A_207 = arith.constant 0 : i32
        %dma_wait3A_208 = arith.constant 0 : i32
        %dma_wait3A_209 = tpu.memref_slice %arg13[%dma_wait3A_207, %dma_wait3A_208] : memref<50048x32xf32, #tpu.memory_space<vmem_shared>> -> memref<50048x32xf32, #tpu.memory_space<vmem_shared>>
        %dma_wait3A_210 = tpu.memref_slice %arg15[%dma_wait3A_199] : memref<6x!tpu.dma_semaphore, #tpu.memory_space<semaphore_mem>> -> memref<1x!tpu.dma_semaphore, #tpu.memory_space<semaphore_mem>>
        %dma_wait3A_211 = tpu.memref_squeeze %dma_wait3A_210 : memref<1x!tpu.dma_semaphore, #tpu.memory_space<semaphore_mem>> -> memref<!tpu.dma_semaphore, #tpu.memory_space<semaphore_mem>>
        tpu.wait_indirect_dma semaphore(%dma_wait3A_211 : memref<!tpu.dma_semaphore, #tpu.memory_space<semaphore_mem>>) src(%dma_wait3A_203 : memref<128x32xf32, #tpu.memory_space<vmem>>) dst(%dma_wait3A_209 : memref<50048x32xf32, #tpu.memory_space<vmem_shared>>)
        %dma_wait3A_212 = arith.constant 5 : i32
        %dma_wait3A_213 = arith.constant 0 : i32
        %dma_wait3A_214 = arith.constant 5 : i32
        %dma_wait3A_215 = arith.constant 0 : i32
        %dma_wait3A_216 = arith.constant 0 : i32
        %dma_wait3A_217 = tpu.memref_slice %arg12[%dma_wait3A_212, %dma_wait3A_215, %dma_wait3A_216] : memref<6x128x32xf32, #tpu.memory_space<vmem>> -> memref<1x128x32xf32, #tpu.memory_space<vmem>>
        %dma_wait3A_218 = tpu.memref_squeeze %dma_wait3A_217 : memref<1x128x32xf32, #tpu.memory_space<vmem>> -> memref<128x32xf32, #tpu.memory_space<vmem>>
        %dma_wait3A_219 = arith.constant 0 : i32
        %dma_wait3A_220 = tpu.memref_slice %arg11[%dma_wait3A_213, %dma_wait3A_219] : memref<21x128xi32, #tpu.memory_space<vmem>> -> memref<1x128xi32, #tpu.memory_space<vmem>>
        %dma_wait3A_221 = tpu.memref_squeeze %dma_wait3A_220 : memref<1x128xi32, #tpu.memory_space<vmem>> -> memref<128xi32, #tpu.memory_space<vmem>>
        %dma_wait3A_222 = arith.constant 0 : i32
        %dma_wait3A_223 = arith.constant 0 : i32
        %dma_wait3A_224 = tpu.memref_slice %arg13[%dma_wait3A_222, %dma_wait3A_223] : memref<50048x32xf32, #tpu.memory_space<vmem_shared>> -> memref<50048x32xf32, #tpu.memory_space<vmem_shared>>
        %dma_wait3A_225 = tpu.memref_slice %arg15[%dma_wait3A_214] : memref<6x!tpu.dma_semaphore, #tpu.memory_space<semaphore_mem>> -> memref<1x!tpu.dma_semaphore, #tpu.memory_space<semaphore_mem>>
        %dma_wait3A_226 = tpu.memref_squeeze %dma_wait3A_225 : memref<1x!tpu.dma_semaphore, #tpu.memory_space<semaphore_mem>> -> memref<!tpu.dma_semaphore, #tpu.memory_space<semaphore_mem>>
        tpu.wait_indirect_dma semaphore(%dma_wait3A_226 : memref<!tpu.dma_semaphore, #tpu.memory_space<semaphore_mem>>) src(%dma_wait3A_218 : memref<128x32xf32, #tpu.memory_space<vmem>>) dst(%dma_wait3A_224 : memref<50048x32xf32, #tpu.memory_space<vmem_shared>>)
        %scan3A_227 = arith.constant 0 : i32
        scf.yield %scan3A_227 : i32
      }
      %scan3A_62 = arith.constant 7 : i32
      %barrier3A_63 = arith.constant 0 : index
      tpu.barrier barrier_id(%barrier3A_63)
      %mul3A_64 = arith.constant 3128 : i32
      %mul3A_65 = arith.muli %arg1, %mul3A_64 : i32
      %run_scoped3A_66 = arith.constant 1 : i32
      "tpu.region"() ({
        %run_scoped3A_67 = tpu.sem_alloc : memref<!tpu.dma_semaphore, #tpu.memory_space<semaphore_mem>>
        %dma_start3A_68 = arith.constant 96 : i32
        %dma_start3A_69 = tpu.memref_slice %arg9[%run_scoped3A_66, %mul3A_65, %dma_start3A_68] : memref<2x50048x128xf32, #tpu.memory_space<hbm>> -> memref<1x3128x32xf32, #tpu.memory_space<hbm>>
        %dma_start3A_70 = tpu.memref_squeeze %dma_start3A_69 : memref<1x3128x32xf32, #tpu.memory_space<hbm>> -> memref<3128x32xf32, #tpu.memory_space<hbm>>
        %dma_start3A_71 = arith.constant 0 : i32
        %dma_start3A_72 = tpu.memref_slice %arg13[%mul3A_7, %dma_start3A_71] : memref<50048x32xf32, #tpu.memory_space<vmem_shared>> -> memref<3128x32xf32, #tpu.memory_space<vmem_shared>>
        tpu.enqueue_dma source(%dma_start3A_72 : memref<3128x32xf32, #tpu.memory_space<vmem_shared>>) target(%dma_start3A_70 : memref<3128x32xf32, #tpu.memory_space<hbm>>) target_semaphore(%run_scoped3A_67 : memref<!tpu.dma_semaphore, #tpu.memory_space<semaphore_mem>>)
        %dma_wait3A_73 = arith.constant 96 : i32
        %dma_wait3A_74 = tpu.memref_slice %arg9[%run_scoped3A_66, %mul3A_65, %dma_wait3A_73] : memref<2x50048x128xf32, #tpu.memory_space<hbm>> -> memref<1x3128x32xf32, #tpu.memory_space<hbm>>
        %dma_wait3A_75 = tpu.memref_squeeze %dma_wait3A_74 : memref<1x3128x32xf32, #tpu.memory_space<hbm>> -> memref<3128x32xf32, #tpu.memory_space<hbm>>
        %dma_wait3A_76 = arith.constant 0 : i32
        %dma_wait3A_77 = tpu.memref_slice %arg13[%mul3A_7, %dma_wait3A_76] : memref<50048x32xf32, #tpu.memory_space<vmem_shared>> -> memref<3128x32xf32, #tpu.memory_space<vmem_shared>>
        tpu.wait_dma2 semaphore(%run_scoped3A_67 : memref<!tpu.dma_semaphore, #tpu.memory_space<semaphore_mem>>) src(%dma_wait3A_77 : memref<3128x32xf32, #tpu.memory_space<vmem_shared>>) dst(%dma_wait3A_75 : memref<3128x32xf32, #tpu.memory_space<hbm>>)
        tpu.yield
      }) : () -> ()
    } else {
    }
    return
  }
}

module attributes {stable_mosaic.version = 14 : i64} {
  func.func @_tc_body(%arg0: i32, %arg1: memref<2000x128xf32, #tpu.memory_space<vmem>>, %arg2: memref<2000x128xf32, #tpu.memory_space<vmem>>, %arg3: memref<1x2000x128xf32, #tpu.memory_space<vmem>>, %arg4: memref<1x2000x128xf32, #tpu.memory_space<vmem>>, %arg5: memref<128x128xf32, #tpu.memory_space<vmem>>, %arg6: memref<128x128xf32, #tpu.memory_space<vmem>>, %arg7: memref<128x128xf32, #tpu.memory_space<vmem>>, %arg8: memref<128x128xf32, #tpu.memory_space<vmem>>, %arg9: memref<1x128xf32, #tpu.memory_space<vmem>>, %arg10: memref<1x128xf32, #tpu.memory_space<vmem>>, %arg11: memref<2000x128xf32, #tpu.memory_space<vmem>>, %arg12: memref<2000x128xf32, #tpu.memory_space<vmem>>) attributes {dimension_semantics = [#tpu.dimension_semantics<arbitrary>], iteration_bounds = array<i64: 25>, scalar_prefetch = 0 : i64, scratch_operands = 0 : i64, tpu.core_type = #tpu.core_type<tc>, window_params = [{transform_indices = @transform_0, window_bounds = array<i64: 2000, 128>}, {transform_indices = @transform_1, window_bounds = array<i64: 2000, 128>}, {transform_indices = @transform_2, window_bounds = array<i64: 1, 2000, 128>}, {transform_indices = @transform_3, window_bounds = array<i64: 1, 2000, 128>}, {pipeline_mode = #tpu.pipeline_mode<synchronous>, transform_indices = @transform_4, window_bounds = array<i64: 128, 128>}, {pipeline_mode = #tpu.pipeline_mode<synchronous>, transform_indices = @transform_5, window_bounds = array<i64: 128, 128>}, {pipeline_mode = #tpu.pipeline_mode<synchronous>, transform_indices = @transform_6, window_bounds = array<i64: 128, 128>}, {pipeline_mode = #tpu.pipeline_mode<synchronous>, transform_indices = @transform_7, window_bounds = array<i64: 128, 128>}, {pipeline_mode = #tpu.pipeline_mode<synchronous>, transform_indices = @transform_8, window_bounds = array<i64: 1, 128>}, {pipeline_mode = #tpu.pipeline_mode<synchronous>, transform_indices = @transform_9, window_bounds = array<i64: 1, 128>}, {transform_indices = @transform_10, window_bounds = array<i64: 2000, 128>}, {transform_indices = @transform_11, window_bounds = array<i64: 2000, 128>}]} {
    %get3A = arith.constant 0 : index
    %get3A_0 = arith.constant 0 : index
    %get3A_1 = vector.load %arg1[%get3A, %get3A_0] : memref<2000x128xf32, #tpu.memory_space<vmem>>, vector<2000x128xf32>
    %get3A_2 = arith.constant 0 : index
    %get3A_3 = arith.constant 0 : index
    %get3A_4 = vector.load %arg5[%get3A_2, %get3A_3] : memref<128x128xf32, #tpu.memory_space<vmem>>, vector<128x128xf32>
    %dot_general3A = arith.constant dense<0.000000e+00> : vector<2000x128xf32>
    %dot_general3A_5 = tpu.matmul %get3A_1, %get3A_4, %dot_general3A {dimension_numbers = #tpu.dot_dimension_numbers<[1], [0], [0], [1], [0, 0, 1, 1], [], []>, transpose_lhs_hint = false} : vector<2000x128xf32>, vector<128x128xf32>, vector<2000x128xf32> -> vector<2000x128xf32>
    %get3A_6 = arith.constant 0 : index
    %get3A_7 = arith.constant 0 : index
    %get3A_8 = vector.load %arg2[%get3A_6, %get3A_7] : memref<2000x128xf32, #tpu.memory_space<vmem>>, vector<2000x128xf32>
    %get3A_9 = arith.constant 0 : index
    %get3A_10 = arith.constant 0 : index
    %get3A_11 = vector.load %arg6[%get3A_9, %get3A_10] : memref<128x128xf32, #tpu.memory_space<vmem>>, vector<128x128xf32>
    %dot_general3A_12 = arith.constant dense<0.000000e+00> : vector<2000x128xf32>
    %dot_general3A_13 = tpu.matmul %get3A_8, %get3A_11, %dot_general3A_12 {dimension_numbers = #tpu.dot_dimension_numbers<[1], [0], [0], [1], [0, 0, 1, 1], [], []>, transpose_lhs_hint = false} : vector<2000x128xf32>, vector<128x128xf32>, vector<2000x128xf32> -> vector<2000x128xf32>
    %get3A_14 = arith.constant 0 : index
    %get3A_15 = arith.constant 0 : index
    %get3A_16 = arith.constant 0 : index
    %get3A_17 = vector.load %arg3[%get3A_14, %get3A_15, %get3A_16] : memref<1x2000x128xf32, #tpu.memory_space<vmem>>, vector<1x2000x128xf32>
    %get3A_18 = vector.shape_cast %get3A_17 : vector<1x2000x128xf32> to vector<2000x128xf32>
    %get3A_19 = arith.constant 0 : index
    %get3A_20 = arith.constant 0 : index
    %get3A_21 = vector.load %arg7[%get3A_19, %get3A_20] : memref<128x128xf32, #tpu.memory_space<vmem>>, vector<128x128xf32>
    %dot_general3A_22 = arith.constant dense<0.000000e+00> : vector<2000x128xf32>
    %dot_general3A_23 = tpu.matmul %get3A_18, %get3A_21, %dot_general3A_22 {dimension_numbers = #tpu.dot_dimension_numbers<[1], [0], [0], [1], [0, 0, 1, 1], [], []>, transpose_lhs_hint = false} : vector<2000x128xf32>, vector<128x128xf32>, vector<2000x128xf32> -> vector<2000x128xf32>
    %add3A = arith.addf %dot_general3A_5, %dot_general3A_23 : vector<2000x128xf32>
    %get3A_24 = arith.constant 0 : index
    %get3A_25 = arith.constant 0 : index
    %get3A_26 = arith.constant 0 : index
    %get3A_27 = vector.load %arg4[%get3A_24, %get3A_25, %get3A_26] : memref<1x2000x128xf32, #tpu.memory_space<vmem>>, vector<1x2000x128xf32>
    %get3A_28 = vector.shape_cast %get3A_27 : vector<1x2000x128xf32> to vector<2000x128xf32>
    %get3A_29 = arith.constant 0 : index
    %get3A_30 = arith.constant 0 : index
    %get3A_31 = vector.load %arg8[%get3A_29, %get3A_30] : memref<128x128xf32, #tpu.memory_space<vmem>>, vector<128x128xf32>
    %dot_general3A_32 = arith.constant dense<0.000000e+00> : vector<2000x128xf32>
    %dot_general3A_33 = tpu.matmul %get3A_28, %get3A_31, %dot_general3A_32 {dimension_numbers = #tpu.dot_dimension_numbers<[1], [0], [0], [1], [0, 0, 1, 1], [], []>, transpose_lhs_hint = false} : vector<2000x128xf32>, vector<128x128xf32>, vector<2000x128xf32> -> vector<2000x128xf32>
    %add3A_34 = arith.addf %dot_general3A_13, %dot_general3A_33 : vector<2000x128xf32>
    %get3A_35 = arith.constant 0 : index
    %get3A_36 = arith.constant 0 : index
    %get3A_37 = vector.load %arg9[%get3A_35, %get3A_36] : memref<1x128xf32, #tpu.memory_space<vmem>>, vector<1x128xf32>
    %add3A_38 = vector.broadcast %get3A_37 : vector<1x128xf32> to vector<2000x128xf32>
    %add3A_39 = arith.addf %add3A, %add3A_38 : vector<2000x128xf32>
    %max3A = arith.constant 0.000000e+00 : f32
    %max3A_40 = vector.broadcast %max3A : f32 to vector<2000x128xf32>
    %max3A_41 = arith.maximumf %add3A_39, %max3A_40 : vector<2000x128xf32>
    %swap3A = arith.constant 0 : index
    %swap3A_42 = arith.constant 0 : index
    %swap3A_43 = vector.load %arg11[%swap3A, %swap3A_42] : memref<2000x128xf32, #tpu.memory_space<vmem>>, vector<2000x128xf32>
    tpu.vector_store %arg11[%swap3A, %swap3A_42], %max3A_41 {strides = array<i32>} : memref<2000x128xf32, #tpu.memory_space<vmem>>, vector<2000x128xf32>,
    %get3A_44 = arith.constant 0 : index
    %get3A_45 = arith.constant 0 : index
    %get3A_46 = vector.load %arg10[%get3A_44, %get3A_45] : memref<1x128xf32, #tpu.memory_space<vmem>>, vector<1x128xf32>
    %add3A_47 = vector.broadcast %get3A_46 : vector<1x128xf32> to vector<2000x128xf32>
    %add3A_48 = arith.addf %add3A_34, %add3A_47 : vector<2000x128xf32>
    %max3A_49 = arith.constant 0.000000e+00 : f32
    %max3A_50 = vector.broadcast %max3A_49 : f32 to vector<2000x128xf32>
    %max3A_51 = arith.maximumf %add3A_48, %max3A_50 : vector<2000x128xf32>
    %swap3A_52 = arith.constant 0 : index
    %swap3A_53 = arith.constant 0 : index
    %swap3A_54 = vector.load %arg12[%swap3A_52, %swap3A_53] : memref<2000x128xf32, #tpu.memory_space<vmem>>, vector<2000x128xf32>
    tpu.vector_store %arg12[%swap3A_52, %swap3A_53], %max3A_51 {strides = array<i32>} : memref<2000x128xf32, #tpu.memory_space<vmem>>, vector<2000x128xf32>,
    return
  }
  func.func @transform_0(%arg0: i32) -> (i32, i32) {
    %c0_i32 = arith.constant 0 : i32
    %c0_i32_0 = arith.constant 0 : i32
    return %arg0, %c0_i32 : i32, i32
  }
  func.func @transform_1(%arg0: i32) -> (i32, i32) {
    %c0_i32 = arith.constant 0 : i32
    %c0_i32_0 = arith.constant 0 : i32
    return %arg0, %c0_i32 : i32, i32
  }
  func.func @transform_2(%arg0: i32) -> (i32, i32, i32) {
    %c1_i32 = arith.constant 1 : i32
    %c0_i32 = arith.constant 0 : i32
    %c0_i32_0 = arith.constant 0 : i32
    return %c1_i32, %arg0, %c0_i32 : i32, i32, i32
  }
  func.func @transform_3(%arg0: i32) -> (i32, i32, i32) {
    %c0_i32 = arith.constant 0 : i32
    %c0_i32_0 = arith.constant 0 : i32
    %c0_i32_1 = arith.constant 0 : i32
    return %c0_i32, %arg0, %c0_i32_0 : i32, i32, i32
  }
  func.func @transform_4(%arg0: i32) -> (i32, i32) {
    %c0_i32 = arith.constant 0 : i32
    %c0_i32_0 = arith.constant 0 : i32
    %c0_i32_1 = arith.constant 0 : i32
    return %c0_i32, %c0_i32_0 : i32, i32
  }
  func.func @transform_5(%arg0: i32) -> (i32, i32) {
    %c0_i32 = arith.constant 0 : i32
    %c0_i32_0 = arith.constant 0 : i32
    %c0_i32_1 = arith.constant 0 : i32
    return %c0_i32, %c0_i32_0 : i32, i32
  }
  func.func @transform_6(%arg0: i32) -> (i32, i32) {
    %c0_i32 = arith.constant 0 : i32
    %c0_i32_0 = arith.constant 0 : i32
    %c0_i32_1 = arith.constant 0 : i32
    return %c0_i32, %c0_i32_0 : i32, i32
  }
  func.func @transform_7(%arg0: i32) -> (i32, i32) {
    %c0_i32 = arith.constant 0 : i32
    %c0_i32_0 = arith.constant 0 : i32
    %c0_i32_1 = arith.constant 0 : i32
    return %c0_i32, %c0_i32_0 : i32, i32
  }
  func.func @transform_8(%arg0: i32) -> (i32, i32) {
    %c0_i32 = arith.constant 0 : i32
    %c0_i32_0 = arith.constant 0 : i32
    %c0_i32_1 = arith.constant 0 : i32
    return %c0_i32, %c0_i32_0 : i32, i32
  }
  func.func @transform_9(%arg0: i32) -> (i32, i32) {
    %c0_i32 = arith.constant 0 : i32
    %c0_i32_0 = arith.constant 0 : i32
    %c0_i32_1 = arith.constant 0 : i32
    return %c0_i32, %c0_i32_0 : i32, i32
  }
  func.func @transform_10(%arg0: i32) -> (i32, i32) {
    %c0_i32 = arith.constant 0 : i32
    %c0_i32_0 = arith.constant 0 : i32
    return %arg0, %c0_i32 : i32, i32
  }
  func.func @transform_11(%arg0: i32) -> (i32, i32) {
    %c0_i32 = arith.constant 0 : i32
    %c0_i32_0 = arith.constant 0 : i32
    return %arg0, %c0_i32 : i32, i32
  }
}

</mosaic_0001>

<sc_bundles>
// kernel: kernel.4.cloned.1.call-start
scs
__scs_entry_jumppad:
0x0: {  	(pc) =	sbr.rel $0x88, $3  }
0x1: {  	(tag) =	ssettag $0x0;
	lr =	simm.s32 $0x1  }
0x2: {  	[smem:$0x3F97] =	sst lr;
	_ =	strace $0xD0000000  }
0x3: {  	_ = 	snop  }
0x4: {  	_ = 	snop  }
0x5: {  	_ = 	snop  }
0x6: {  	_ = 	snop  }
0x7: {  	_ = 	snop  }
__scs_overlays_trampoline_lowered:
0x8: {  	[smem:$0x3FA6] =	sst s0  }
0x9: {  	[smem:$0x3FA7] =	sst s1  }
0xa: {  	[smem:$0x3FA8] =	sst s2  }
0xb: {  	[smem:$0x3FA9] =	sst s3  }
0xc: {  	[smem:$0x3FAA] =	sst s4  }
0xd: {  	[smem:$0x3FAB] =	sst s5  }
0xe: {  	[smem:$0x3FAC] =	sst s6  }
0xf: {  	[smem:$0x3FAD] =	sst s7  }
0x10: {  	[smem:$0x3FAE] =	sst s8  }
0x11: {  	[smem:$0x3FAF] =	sst s9;
	s0 =	simm.s32 @!p0 $0x0  }
0x12: {  	s1 =	sld [smem:$0x3F95];
	s0 =	simm.s32 @p0 $0x1  }
0x13: {  	[smem:$0x3FB0] =	sst s0;
	s0 =	simm.s32 @!p1 $0x0  }
0x14: {  	s2 =	sld [smem:$0x3F94];
	s0 =	simm.s32 @p1 $0x1  }
0x15: {  	[smem:$0x3FB1] =	sst s0;
	s0 =	simm.s32 @!p2 $0x0  }
0x16: {  	s3 =	sld [smem:$0x3FDB];
	s0 =	simm.s32 @p2 $0x1  }
0x17: {  	s4 =	simm.s32 $0x1BF5;
	[smem:$0x3FB3] =	sst s0  }
0x18: {  	s0 =	sld [smem:$0x3F96];
	_ =	swait.ge [sflag:s4], $0x0  }
0x19: {  	s7 =	sld [smem:$0x3F97]  }
0x1a: {  	s8 =	sadd.s32 $0xFFFFE003, lr  }
0x1b: {  	s9 =	sadd.s32 $0xFFFFFEF7, lr;
	s5 =	simm.s32 $0xFFFFFFFF;
	p2 =	slt.u32 s8, $0xFFFFF086  }
0x1c: {  	p1 =	slt.u32 s9, $0xF7A;
	s5 =	simm.s32 @!p2 $0x0  }
0x1d: {  	s5 =	simm.s32 @p1 $0x1;
	p0 =	seq.s32 s7, s2  }
0x1e: {  	s7 =	smul.u32 @!p0 $0xF7A, s2;
	p2 =	seq.s32 @!p0 s5, $0x0  }
0x1f: {  	s9 =	smul.u32 $0xF7A, s1;
	s8 =	simm.s32 @!p0 $0x1BF5;
	p2 =	por !p2, p0  }
0x20: {  	[sflag:s8] =	ssyncset.s32 @!p0 $0xFFFFF086;
	s6 =	sadd.s32 @!p0 s3, s7;
	s7 =	simm.s32 @!p0 $0x108  }
0x21: {  	s3 =	sadd.s32 s3, s9;
	s6 =	sadd.s32 @!p0 $0x88, s6;
	s7 =	simm.s32 @p2 $0x1082  }
0x22: {  	[simem:s7], [sflag:s8] =	dma.local @!p0 [hbm:s6], $0xF7A  }
0x23: {  	s9 =	sor.u32 $0xD0000000, s2;
	s6 =	simm.s32 $0x108;
	_ =	swait.ge @!p0 [sflag:s8], $0x0  }
0x24: {  	s3 =	sadd.s32 $0x88, s3;
	s6 =	simm.s32 @!p1 $0x1082;
	[sflag:s4] =	ssyncset.s32 $0xFFFFF086  }
0x25: {  	[simem:s6], [sflag:s4] =	dma.local [hbm:s3], $0xF7A  }
0x26: {  	[smem:$0x3F97] =	sst s1;
	(tag) =	ssettag s2;
	_ =	strace s9  }
0x27: {  	s1 =	sld [smem:$0x3FA7]  }
0x28: {  	s2 =	sld [smem:$0x3FA8]  }
0x29: {  	s4 =	sld [smem:$0x3FAA]  }
0x2a: {  	p0 =	seq.s32 s5, $0x0;
	s5 =	sld [smem:$0x3FAB]  }
0x2b: {  	s6 =	sld [smem:$0x3FAC]  }
0x2c: {  	s7 =	sld [smem:$0x3FAD]  }
0x2d: {  	s3 =	simm.s32 $0x108;
	s8 =	sld [smem:$0x3FAE]  }
0x2e: {  	s3 =	simm.s32 @!p0 $0x1082;
	s9 =	sld [smem:$0x3FAF]  }
0x2f: {  	lr =	sadd.s32 s0, s3;
	s0 =	sld [smem:$0x3FA6]  }
0x30: {  	s3 =	sld [smem:$0x3FA9]  }
0x31: {  	[smem:$0x3FB2] =	sst s10  }
0x32: {  	s10 =	sld [smem:$0x3FB0];
	_ =	sdelay $0x3  }
0x33: {  	p0 =	seq.s32 s10, $0x1;
	s10 =	sld [smem:$0x3FB2];
	_ =	sdelay $0x3  }
0x34: {  	[smem:$0x3FB2] =	sst s10  }
0x35: {  	s10 =	sld [smem:$0x3FB1];
	_ =	sdelay $0x3  }
0x36: {  	p1 =	seq.s32 s10, $0x1;
	s10 =	sld [smem:$0x3FB2];
	_ =	sdelay $0x3  }
0x37: {  	[smem:$0x3FB2] =	sst s10  }
0x38: {  	s10 =	sld [smem:$0x3FB3]  }
0x39: {  	_ = 	snop;
	(pc) =	sbr.ind lr, $3  }
0x3a: {  	_ = 	snop  }
0x3b: {  	_ = 	snop  }
0x3c: {  	p2 =	seq.s32 s10, $0x1;
	s10 =	sld [smem:$0x3FB2]  }
0x3d: {  	_ =	shalt  }
0x3e: {  	_ =	shalt  }
0x3f: {  	_ =	shalt  }
0x40: {  	_ =	shalt  }
0x41: {  	_ =	shalt  }
0x42: {  	_ =	shalt  }
0x43: {  	_ =	shalt  }
0x44: {  	_ =	shalt  }
0x45: {  	_ =	shalt  }
0x46: {  	_ =	shalt  }
0x47: {  	_ =	shalt  }
0x48: {  	_ =	shalt  }
0x49: {  	_ =	shalt  }
0x4a: {  	_ =	shalt  }
0x4b: {  	_ =	shalt  }
0x4c: {  	_ =	shalt  }
0x4d: {  	_ =	shalt  }
0x4e: {  	_ =	shalt  }
0x4f: {  	_ =	shalt  }
0x50: {  	_ =	shalt  }
0x51: {  	_ =	shalt  }
0x52: {  	_ =	shalt  }
0x53: {  	_ =	shalt  }
0x54: {  	_ =	shalt  }
0x55: {  	_ =	shalt  }
0x56: {  	_ =	shalt  }
0x57: {  	_ =	shalt  }
0x58: {  	_ =	shalt  }
0x59: {  	_ =	shalt  }
0x5a: {  	_ =	shalt  }
0x5b: {  	_ =	shalt  }
0x5c: {  	_ =	shalt  }
0x5d: {  	_ =	shalt  }
0x5e: {  	_ =	shalt  }
0x5f: {  	_ =	shalt  }
0x60: {  	_ =	shalt  }
0x61: {  	_ =	shalt  }
0x62: {  	_ =	shalt  }
0x63: {  	_ =	shalt  }
0x64: {  	_ =	shalt  }
0x65: {  	_ =	shalt  }
0x66: {  	_ =	shalt  }
0x67: {  	_ =	shalt  }
0x68: {  	_ =	shalt  }
0x69: {  	_ =	shalt  }
0x6a: {  	_ =	shalt  }
0x6b: {  	_ =	shalt  }
0x6c: {  	_ =	shalt  }
0x6d: {  	_ =	shalt  }
0x6e: {  	_ =	shalt  }
0x6f: {  	_ =	shalt  }
0x70: {  	_ =	shalt  }
0x71: {  	_ =	shalt  }
0x72: {  	_ =	shalt  }
0x73: {  	_ =	shalt  }
0x74: {  	_ =	shalt  }
0x75: {  	_ =	shalt  }
0x76: {  	_ =	shalt  }
0x77: {  	_ =	shalt  }
0x78: {  	_ =	shalt  }
0x79: {  	_ =	shalt  }
0x7a: {  	_ =	shalt  }
0x7b: {  	_ =	shalt  }
0x7c: {  	_ =	shalt  }
0x7d: {  	_ =	shalt  }
0x7e: {  	_ =	shalt  }
0x7f: {  	_ =	shalt  }
0x80: {  	_ =	shalt  }
0x81: {  	_ =	shalt  }
0x82: {  	_ =	shalt  }
0x83: {  	_ =	shalt  }
0x84: {  	_ =	shalt  }
0x85: {  	_ =	shalt  }
0x86: {  	_ =	shalt  }
0x87: {  	_ =	shalt  }
.Lfunc_end0:
.L_simem_size_0:
called_computation_lowered:
.L_overlay_start_0:
0x88: {  	s2 =	sld [smem:$0x3FD9]  }
0x89: {  	s3 =	sld [smem:$0x3FFE];
	_ =	sdelay $0x1  }
0x8a: {  	s1 =	srdreg.scid  }
0x8b: {  	s0 =	sand.u32 $0x1, s1  }
0x8c: {  	s14 =	sshll.u32 s0, $0xA;
	s2 =	sadd.s32 s3, s2  }
0x8d: {  	s2 =	sadd.s32 s2, s14  }
0x8e: {  	[smem:$0x3FBE] =	sst s2  }
0x8f: {  	_ = 	snop  }
0x90: {  	s2 =	sld [smem:$0x3FD0];
	_ =	sdelay $0x1  }
0x91: {  	s15 =	sld [smem:$0x3FC9]  }
0x92: {  	s5 =	simm.s32 $0xA;
	s6 =	simm.s32 $0x10;
	s4 =	sld [smem:$0x3FC8]  }
0x93: {  	[smem:s6], [sflag:s5] =	dma.local [hbm:s2], $0x1  }
0x94: {  	_ =	swait.eq [sflag:s5], $0x1  }
0x95: {  	[sflag:s5] =	ssyncset.done $0x0  }
0x96: {  	s16 =	sld [smem:$0x10];
	[sflag:s5] =	ssyncadd.s32 $0xFFFFFFFF  }
0x97: {  	s17 =	sld [smem:$0x11];
	(tm) =	ssettm $0x1  }
0x98: {  	s18 =	sld [smem:$0x3FFB];
	_ =	sdelay $0x3  }
0x99: {  	_ =	strace s18  }
0x9a: {  	s6 =	sld [smem:$0x3FFC];
	_ =	sdelay $0x3  }
0x9b: {  	_ =	strace s6  }
0x9c: {  	s6 =	sld [smem:$0x3FFD];
	_ =	sdelay $0x3  }
0x9d: {  	_ =	strace s6  }
0x9e: {  	_ =	strace $0x8FFFFFFF  }
0x9f: {  	s19 =	sld [smem:$0x3FDB];
	_ =	sdelay $0x1  }
0xa0: {  	s7 =	simm.s32 $_scs_section_size  }
0xa1: {  	s8 =	simm.s32 $_size__tile_overlayer_lowered;
	s9 =	simm.s32 $_tile_overlayer_lowered  }
0xa2: {  	s22 =	simm.s32 $0x1BFF;
	s21 =	sshll.u32 s9, $0x1;
	s6 =	sadd.s32 s7, s19  }
0xa3: {  	s10 =	simm.s32 $0x0;
	s20 =	sshll.u32 s8, $0x1;
	s8 =	sadd.s32 s21, s6  }
0xa4: {  	[timem:s10], [sflag:s22] =	dma.local [hbm:s8], s20  }
0xa5: {  	_ =	swait.ge [sflag:s22], s20  }
0xa6: {  	s7 =	ssub.s32 $0x0, s20;
	[sflag:s22] =	ssyncset.done $0x0  }
0xa7: {  	[sflag:s22] =	ssyncadd.s32 s7;
	_ =	sdelay $0x1  }
0xa8: {  	s23 =	simm.s32 $0x1B8B  }
0xa9: {  	_ =	swait.ge [sflag:s23], $0x1  }
0xaa: {  	[sflag:s23] =	ssyncset.done $0x0  }
0xab: {  	s25 =	simm.s32 $0x1B8E;
	s24 =	sld [smem:$0x3FFE];
	[sflag:s23] =	ssyncadd.s32 $0xFFFFFFFF  }
0xac: {  	s26 =	simm.s32 $execute0_lowered;
	[smem:$0x3FD2] =	sst s25  }
0xad: {  	s8 =	sshll.u32 s26, $0x1;
	_ =	strace $0x80000046;
	[dreg:$0x1] =	wrdreg $0xFFFFFFFF  }
0xae: {  	s28 =	simm.s32 $_size_execute0_lowered;
	s6 =	sadd.s32 s6, s8;
	[dreg:$0x0] =	wrdreg $0x0  }
0xaf: {  	s8 =	sshll.u32 s28, $0x1;
	[dreg:$0x2] =	wrdreg s6  }
0xb0: {  	[dreg:$0x3] =	wrdreg s8  }
0xb1: {  	[dreg:$0x4] =	wrdreg $0xC0  }
0xb2: {  	_ =	task [dreg:s10], $0x5FFFF  }
0xb3: {  	[dreg:$0x1] =	wrdreg $0xFFFFFFFF  }
0xb4: {  	[dreg:$0x0] =	wrdreg $0x60  }
0xb5: {  	[dreg:$0x2] =	wrdreg s15  }
0xb6: {  	[dreg:$0x3] =	wrdreg s4  }
0xb7: {  	[dreg:$0x4] =	wrdreg s17  }
0xb8: {  	[dreg:$0x5] =	wrdreg s24  }
0xb9: {  	[dreg:$0x6] =	wrdreg s16  }
0xba: {  	[dreg:$0x7] =	wrdreg $0x75000  }
0xbb: {  	[dreg:$0x8] =	wrdreg $0x9  }
0xbc: {  	_ =	task.clear_ibuf [dreg:s10], $0x9FFFF;
	_ =	strace $0x90000046  }
0xbd: {  	s29 =	simm.s32 $0x9;
	_ =	strace $0x80000048  }
0xbe: {  	_ =	swait.ge [sflag:s29], $0x1  }
0xbf: {  	[sflag:s29] =	ssyncadd.s32 $0xFFFFFFFF  }
0xc0: {  	_ =	strace $0x90000048  }
0xc1: {  	_ =	sfence  }
0xc2: {  	s30 =	sld [smem:$0x0];
	_ =	sdelay $0x2  }
0xc3: {  	s31 =	sshll.u32 s1, $0xD;
	s1 =	sshrl.u32 s1, $0x2  }
0xc4: {  	s3 =	sand.u32 $0x4000, s31;
	s1 =	sadd.s32 s1, s30  }
0xc5: {  	s0 =	sor.u32 s3, s0;
	s1 =	sshll.u32 s1, $0x11  }
0xc6: {  	s0 =	sor.u32 s1, s0  }
0xc7: {  	s0 =	sadd.s32 $0x8F2B, s0  }
0xc8: {  	[sflag:s0] =	ssyncadd.remote.s32 $0x1  }
0xc9: {  	_ =	sfence.sel $0xFFFF  }
0xca: {  	[dreg:$0x0] =	wrdreg $0xFFFFFFFF;
	(pc) =	sbr.abs _section_cstart, $3  }
0xcb: {  	[dreg:$0x1] =	wrdreg $0xFFFFFFFF  }
0xcc: {  	_ =	task.clear_ibuf [dreg:s10], $0x2FFFF;
	_ =	strace $0x9FFFFFFF  }
0xcd: {  	(tm) =	ssettm $0x7FFFFFFF  }
tec
execute0_lowered:
.L_overlay_start_1:
0x0: {  	(tag) =	ssettag $0x1  }
0x1: {  	s1 =	rddreg [dreg:$0x0]  }
0x2: {  	s2 =	rddreg [dreg:$0x1]  }
0x3: {  	s0 =	rddreg [dreg:$0x3]  }
0x4: {  	s6 =	rddreg [dreg:$0x5];
	s10 =	simm.s32 $0x0;
	s9 =	stileid.u32  }
0x5: {  	s3 =	srdreg.scid;
	s30 =	simm.s32 $0x100;
	s31 =	simm.s32 $0x3500  }
0x6: {  	s12 =	simm.s32 $0x7;
	s13 =	simm.s32 $0x8;
	s14 =	simm.s32 $0x9  }
0x7: {  	[smem:$0x7FF] =	sst s10;
	s4 =	smul.u32 $0x61C00, s9;
	s3 =	sand.u32 $0x1, s3  }
0x8: {  	s5 =	sadd.s32 $0x1C00, s0;
	s15 =	sadd.s32 $0xB000, s0;
	s7 =	sadd.s32 $0x14400, s0  }
0x9: {  	s11 =	smul.u32 $0x4980, s9;
	_ =	strace $0x80000047;
	[dreg:$0x8] =	wrdreg s5  }
0xa: {  	s26 =	sshll.u32 s9, $0x6;
	[dreg:$0x9] =	wrdreg s15;
	s17 =	sshrl.u32 s4, $0x3  }
0xb: {  	s16 =	ssub.s32 $0x2, s3;
	[dreg:$0xa] =	wrdreg s7;
	s0 =	sadd.s32 s17, s0  }
0xc: {  	p0 =	seq.s32 s3, $0x1;
	[dreg:$0x13] =	wrdreg s26;
	s19 =	sadd.s32 $0x17600, s0  }
0xd: {  	s8 =	sshrl.u32 s16, $0x1;
	s20 =	sadd.s32 $0x17604, s0;
	[dreg:$0xb] =	wrdreg s19  }
0xe: {  	s4 =	sshrl.u32 s4, $0x2;
	s21 =	sadd.s32 $0x17608, s0;
	[dreg:$0xc] =	wrdreg s20  }
0xf: {  	s5 =	ssub.s32 s16, s8;
	s22 =	sadd.s32 $0x1760C, s0;
	[dreg:$0xd] =	wrdreg s21  }
0x10: {  	s18 =	sadd.s32 s4, s6;
	s23 =	sadd.s32 $0xDAE00, s0;
	[dreg:$0xe] =	wrdreg s22  }
0x11: {  	s16 =	simm.s32 $0xA;
	s24 =	sadd.s32 $0xDAE04, s0;
	[dreg:$0xf] =	wrdreg s23  }
0x12: {  	s17 =	simm.s32 $0xB;
	s25 =	sadd.s32 $0xDAE08, s0;
	[dreg:$0x10] =	wrdreg s24  }
.Ltmp0:
0x13: {  	s0 =	sadd.s32 $0xDAE0C, s0;
	[dreg:$0x11] =	wrdreg s25;
	(pc) =	sbr.rel .LBB2_1-.Ltmp0, $4  }
0x14: {  	s28 =	smax.u32 s5, $0x1;
	s29 =	sshrl.u32 s18, $0x3;
	[dreg:$0x12] =	wrdreg s0  }
0x15: {  	s5 =	simm.s32 $0x4500;
	s18 =	simm.s32 $0xC;
	[dreg:$0x14] =	wrdreg s28  }
0x16: {  	s0 =	sor.u32 $0x1C0D, s26;
	s25 =	simm.s32 $0xE;
	[dreg:$0x16] =	wrdreg s29  }
0x17: {  	s26 =	simm.s32 $0x80;
	[dreg:$0x15] =	wrdreg s0;
	s0 =	simm.s32 $0x180  }
.LBB2_34:
0x18: {  	[bflag:$0x0] =	sbarrier.arrive $0xFFFF  }
0x19: {  	s4 =	simm.s32 $0x1;
	s29 =	rddreg [dreg:$0x16]  }
0x1a: {  	s7 =	simm.s32 $0x10;
	s8 =	simm.s32 $0x4;
	s9 =	rddreg [dreg:$0x17]  }
0x1b: {  	[hbm:s3@s7], [sflag:s9] =	dma.strided [spmem:s29@s8], $0x30E0, s4, $0x4   }
0x1c: {  	_ =	swait.ge [sflag:s25], $0x30E0  }
0x1d: {  	s10 =	sadd.s32 $0x1, s10;
	s28 =	rddreg [dreg:$0x14]  }
0x1e: {  	p1 =	sne.s32 s10, s28  }
.Ltmp1:
0x1f: {  	_ = 	snop;
	(pc) =	sbr.rel @!p1 .LBB2_35-.Ltmp1, $3  }
0x20: {  	_ =	sdelay $0x1  }
0x21: {  	[sflag:s25] =	ssyncset.done $0x0  }
0x22: {  	[sflag:s25] =	ssyncadd.s32 $0xFFFFCF20  }
.LBB2_1:
0x23: {  	[dreg:$0x7] =	wrdreg s10  }
0x24: {  	s3 =	rddreg [dreg:$0xa]  }
0x25: {  	s4 =	rddreg [dreg:$0x15];
	s28 =	simm.s32 $0xD  }
0x26: {  	[spmem:s29], [sflag:s4] =	dma.local [hbm:s3], $0x30E0  }
.Ltmp2:
0x27: {  	_ =	swait.ge [sflag:s28], $0x30E0;
	(pc) =	sbr.rel @!p0 .LBB2_2-.Ltmp2, $4  }
0x28: {  	[sflag:s28] =	ssyncset.done $0x0  }
0x29: {  	[sflag:s28] =	ssyncadd.s32 $0xFFFFCF20  }
0x2a: {  	[bflag:$0x0] =	sbarrier.arrive $0xFFFF  }
0x2b: {  	s20 =	simm.s32 $0x0;
	s15 =	simm.s32 $0x0  }
.LBB2_18:
0x2c: {  	s3 =	smul.u32 $0xA80, s15;
	_ =	sdelay $0x1  }
0x2d: {  	s3 =	sadd.s32 s11, s3  }
0x2e: {  	s4 =	rddreg [dreg:$0x4];
	s3 =	sshrl.u32 s3, $0x3  }
0x2f: {  	s7 =	simm.s32 $0x0;
	s4 =	sadd.s32 s4, s3  }
0x30: {  	[tilespmem:s7], [sflag:$0xE] =	stream.linear.gather [hbm4b:s4+s7], $0xA80, $0x38;
	[tilespmem:$0x1FC00] =	vst v63  }
0x31: {  	s22 =	simm.s32 $0x1500;
	_ =	swait.ge [sflag:s25], $0xA80  }
0x32: {  	s24 =	smul.u32 $0xAB, s7;
	[sflag:s25] =	ssyncset.done $0x0;
	s21 =	rddreg [dreg:$0x9]  }
0x33: {  	s4 =	simm.s32 $0xA80;
	[sflag:s25] =	ssyncadd.s32 $0xFFFFF580;
	s3 =	sadd.s32 s21, s3  }
0x34: {  	[tilespmem:s4], [sflag:$0xE] =	stream.linear.gather [hbm4b:s3+s7], $0xA80, $0x38;
	[tilespmem:$0x1FC00] =	vst v63  }
0x35: {  	s23 =	simm.s32 $0x2500;
	p2 =	por $0x0, $0x0;
	_ =	swait.ge [sflag:s25], $0xA80  }
0x36: {  	s20 =	simm.s32 $0x1;
	s3 =	sshrl.u32 s24, $0xA;
	[sflag:s25] =	ssyncset.done $0x0  }
0x37: {  	s10 =	simm.s32 $0xB00;
	s3 =	sand.u32 $0x3F, s3;
	[sflag:s25] =	ssyncadd.s32 $0xFFFFF580  }
0x38: {  	[tilespmem:s22], [sflag:$0x1] =	stream.indirect.gather [hbm4b:s2+s26], $0x20, s7, s26, $0xb8;
	[tilespmem:$0x1FC00] =	vst v63  }
0x39: {  	s19 =	simm.s32 $0x280;
	s3 =	smul.u32 $0x6, s3;
	s7 =	simm.s32 $0x4  }
0x3a: {  	p1 =	por p2, p2;
	s21 =	simm.s32 $0x200;
	s7 =	smul.u32 @!p2 $0xAB, s7  }
0x3b: {  	[tilespmem:s23], [sflag:$0x2] =	stream.indirect.gather [hbm4b:s2+s26], $0x20, s26, s26, $0xb8;
	[tilespmem:$0x1FC00] =	vst v63  }
0x3c: {  	s3 =	ssub.s32 $0x0, s3;
	s22 =	simm.s32 $0x2;
	s7 =	sshrl.u32 @!p1 s7, $0xA  }
0x3d: {  	[tilespmem:s31], [sflag:$0x3] =	stream.indirect.gather [hbm4b:s2+s26], $0x20, s30, s26, $0xb8;
	[tilespmem:$0x1FC00] =	vst v63  }
0x3e: {  	s3 =	sand.u32 $0xFF, s3;
	p2 =	por @!p2 $0x1, $0x1;
	s7 =	sand.u32 @!p1 $0x3F, s7  }
0x3f: {  	s8 =	sadd.s32 $0x1, s3;
	s9 =	sshll.u32 s3, $0xC;
	s7 =	smul.u32 @!p1 $0x6, s7  }
0x40: {  	[tilespmem:s5], [sflag:$0x4] =	stream.indirect.gather [hbm4b:s2+s26], $0x20, s0, s26, $0xb8;
	[tilespmem:$0x1FC00] =	vst v63  }
0x41: {  	s3 =	sadd.s32 $0x7, s3;
	p2 =	por p2, p1;
	_ =	swait.ge [sflag:s8], $0x1000  }
0x42: {  	s28 =	sadd.s32 $0x1500, s9;
	s23 =	ssub.s32 @!p1 $0x4, s7;
	[sflag:s8] =	ssyncset.done $0x0  }
0x43: {  	s7 =	simm.s32 @!p1 $0x80;
	s23 =	sand.u32 @!p1 $0xFF, s23;
	[sflag:s8] =	ssyncadd.s32 $0xFFFFF000  }
0x44: {  	[spmem:s6] =	stream.indirect.scatter.add.f32 [tilespmem:s28], [sflag:s3], $0x20, s4, s26, $0xb8;
	[tilespmem:$0x1FC00] =	vst v63  }
0x45: {  	s8 =	sshll.u32 @!p1 s23, $0xC;
	s3 =	smul.u32 $0xAB, s20;
	s4 =	sadd.s32 @!p2 $0x7, s23  }
.LBB2_19:
0x46: {  	s9 =	sadd.s32 $0x4, s20;
	p4 =	sgt.u32 s20, $0x10  }
0x47: {  	_ =	swait.ge @!p2 [sflag:s4], $0x1000;
	s24 =	smov.u32 s22;
	s28 =	smov.u32 s10  }
0x48: {  	s3 =	sshrl.u32 s3, $0xA;
	s8 =	sadd.s32 @!p1 $0x1500, s8;
	[sflag:s4] =	ssyncset.done @!p2 $0x0  }
0x49: {  	s3 =	sand.u32 $0x3F, s3;
	[sflag:s4] =	ssyncadd.s32 @!p2 $0xFFFFF000;
	s4 =	sadd.s32 @!p1 $0x1, s23  }
0x4a: {  	[tilespmem:s8], [sflag:s4] =	stream.indirect.gather @!p1 [hbm4b:s2+s7], $0x20, s21, s7, $0xb8;
	[tilespmem:$0x1FC00] =	vst v63  }
0x4b: {  	s22 =	sadd.s32 $0x1, s22;
	s3 =	smul.u32 $0x6, s3;
	p2 =	slt.u32 @!p4 s20, $0x2  }
0x4c: {  	p3 =	sne.s32 s22, $0x15;
	s4 =	smul.u32 @!p4 $0xAB, s9;
	s21 =	smov.u32 s19  }
0x4d: {  	p1 =	por p4, p4;
	s3 =	ssub.s32 s20, s3;
	s20 =	smov.u32 s24  }
0x4e: {  	s10 =	sadd.s32 $0x80, s10;
	s8 =	sand.u32 $0xFF, s3;
	s3 =	sshrl.u32 @!p1 s4, $0xA  }
0x4f: {  	s19 =	sadd.s32 $0x80, s19;
	s4 =	sshll.u32 s8, $0xC;
	s3 =	sand.u32 @!p1 $0x3F, s3  }
0x50: {  	p2 =	por p2, p1;
	s23 =	sadd.s32 $0x1, s8;
	s24 =	smul.u32 @!p1 $0x6, s3  }
.Ltmp3:
0x51: {  	s7 =	simm.s32 @!p1 $0x80;
	_ =	swait.ge [sflag:s23], $0x1000;
	(pc) =	sbr.rel @p3 .LBB2_19-.Ltmp3, $4  }
0x52: {  	s3 =	smul.u32 $0xAB, s20;
	s9 =	ssub.s32 @!p1 s9, s24;
	[sflag:s23] =	ssyncset.done $0x0  }
0x53: {  	s24 =	sadd.s32 $0x7, s8;
	[sflag:s23] =	ssyncadd.s32 $0xFFFFF000;
	s23 =	sand.u32 @!p1 $0xFF, s9  }
0x54: {  	s9 =	sadd.s32 $0x1500, s4;
	s4 =	sadd.s32 @!p2 $0x7, s23;
	s8 =	sshll.u32 @!p1 s23, $0xC  }
0x55: {  	[spmem:s6] =	stream.indirect.scatter.add.f32 [tilespmem:s9], [sflag:s24], $0x20, s28, s26, $0xb8;
	[tilespmem:$0x1FC00] =	vst v63  }
0x56: {  	_ =	swait.ge @!p2 [sflag:s4], $0x1000  }
0x57: {  	s3 =	sshrl.u32 s3, $0xA;
	s8 =	sadd.s32 @!p1 $0x1500, s8;
	[sflag:s4] =	ssyncset.done @!p2 $0x0  }
0x58: {  	s3 =	sand.u32 $0x3F, s3;
	[sflag:s4] =	ssyncadd.s32 @!p2 $0xFFFFF000;
	s4 =	sadd.s32 @!p1 $0x1, s23  }
0x59: {  	[tilespmem:s8], [sflag:s4] =	stream.indirect.gather @!p1 [hbm4b:s2+s7], $0x20, s21, s7, $0xb8;
	[tilespmem:$0x1FC00] =	vst v63  }
0x5a: {  	p2 =	sgt.u32 s20, $0x10;
	s3 =	smul.u32 $0x6, s3;
	s4 =	sadd.s32 $0x4, s20  }
0x5b: {  	s7 =	smul.u32 @!p2 $0xAB, s4  }
0x5c: {  	p1 =	por p2, p2;
	s3 =	ssub.s32 s20, s3  }
0x5d: {  	s3 =	sand.u32 $0xFF, s3;
	s7 =	sshrl.u32 @!p1 s7, $0xA  }
0x5e: {  	s24 =	sadd.s32 $0x1, s3;
	s7 =	sand.u32 @!p1 $0x3F, s7  }
0x5f: {  	p2 =	slt.u32 @!p2 s20, $0x2;
	_ =	swait.ge [sflag:s24], $0x1000;
	s7 =	smul.u32 @!p1 $0x6, s7  }
0x60: {  	s9 =	sshll.u32 s3, $0xC;
	s3 =	sadd.s32 $0x7, s3;
	[sflag:s24] =	ssyncset.done $0x0  }
0x61: {  	s28 =	sadd.s32 $0x1500, s9;
	[sflag:s24] =	ssyncadd.s32 $0xFFFFF000;
	s4 =	ssub.s32 @!p1 s4, s7  }
0x62: {  	[spmem:s6] =	stream.indirect.scatter.add.f32 [tilespmem:s28], [sflag:s3], $0x20, s10, s26, $0xb8;
	[tilespmem:$0x1FC00] =	vst v63  }
0x63: {  	p2 =	por p2, p1;
	s4 =	sand.u32 @!p1 $0xFF, s4  }
0x64: {  	s8 =	sadd.s32 @!p2 $0x7, s4  }
0x65: {  	_ =	swait.ge @!p2 [sflag:s8], $0x1000  }
0x66: {  	s3 =	simm.s32 @!p1 $0x80;
	s7 =	sshll.u32 @!p1 s4, $0xC;
	[sflag:s8] =	ssyncset.done @!p2 $0x0  }
0x67: {  	s4 =	sadd.s32 @!p1 $0x1, s4;
	s7 =	sadd.s32 @!p1 $0x1500, s7;
	[sflag:s8] =	ssyncadd.s32 @!p2 $0xFFFFF000  }
0x68: {  	[tilespmem:s7], [sflag:s4] =	stream.indirect.gather @!p1 [hbm4b:s2+s3], $0x20, s19, s3, $0xb8;
	[tilespmem:$0x1FC00] =	vst v63  }
0x69: {  	_ =	swait.ge [sflag:s12], $0x1000  }
0x6a: {  	[sflag:s12] =	ssyncset.done $0x0  }
0x6b: {  	[sflag:s12] =	ssyncadd.s32 $0xFFFFF000  }
0x6c: {  	_ =	swait.ge [sflag:s13], $0x1000  }
0x6d: {  	[sflag:s13] =	ssyncset.done $0x0  }
0x6e: {  	[sflag:s13] =	ssyncadd.s32 $0xFFFFF000  }
0x6f: {  	_ =	swait.ge [sflag:s14], $0x1000  }
0x70: {  	[sflag:s14] =	ssyncset.done $0x0  }
0x71: {  	[sflag:s14] =	ssyncadd.s32 $0xFFFFF000  }
0x72: {  	_ =	swait.ge [sflag:s16], $0x1000  }
0x73: {  	[sflag:s16] =	ssyncset.done $0x0  }
0x74: {  	s15 =	sadd.s32 $0x1, s15;
	[sflag:s16] =	ssyncadd.s32 $0xFFFFF000  }
0x75: {  	p1 =	sne.s32 s15, $0x7;
	_ =	swait.ge [sflag:s17], $0x1000  }
.Ltmp4:
0x76: {  	[sflag:s17] =	ssyncset.done $0x0;
	(pc) =	sbr.rel @p1 .LBB2_18-.Ltmp4, $4  }
0x77: {  	[sflag:s17] =	ssyncadd.s32 $0xFFFFF000  }
0x78: {  	_ =	swait.ge [sflag:s18], $0x1000  }
0x79: {  	[sflag:s18] =	ssyncset.done $0x0  }
0x7a: {  	[sflag:s18] =	ssyncadd.s32 $0xFFFFF000  }
0x7b: {  	[bflag:$0x0] =	sbarrier.arrive $0xFFFF  }
0x7c: {  	s3 =	rddreg [dreg:$0x13]  }
0x7d: {  	s4 =	simm.s32 $0x1;
	s23 =	rddreg [dreg:$0xf];
	s9 =	sor.u32 $0x1C0E, s3  }
0x7e: {  	s7 =	simm.s32 $0x10;
	s8 =	simm.s32 $0x4;
	[dreg:$0x17] =	wrdreg s9  }
0x7f: {  	[hbm:s23@s7], [sflag:s9] =	dma.strided [spmem:s29@s8], $0x30E0, s4, $0x4   }
0x80: {  	_ =	swait.ge [sflag:s25], $0x30E0  }
0x81: {  	[sflag:s25] =	ssyncset.done $0x0;
	s24 =	rddreg [dreg:$0xa]  }
0x82: {  	s28 =	rddreg [dreg:$0x15];
	[sflag:s25] =	ssyncadd.s32 $0xFFFFCF20  }
0x83: {  	[spmem:s29], [sflag:s28] =	dma.local [hbm:s24], $0x30E0  }
0x84: {  	s29 =	simm.s32 $0xD  }
0x85: {  	_ =	swait.ge [sflag:s29], $0x30E0  }
0x86: {  	[sflag:s29] =	ssyncset.done $0x0  }
0x87: {  	[sflag:s29] =	ssyncadd.s32 $0xFFFFCF20  }
0x88: {  	s15 =	simm.s32 $0x0;
	s19 =	simm.s32 $0x0;
	[bflag:$0x0] =	sbarrier.arrive $0xFFFF  }
.LBB2_22:
0x89: {  	s3 =	smul.u32 $0xA80, s19;
	_ =	sdelay $0x1  }
0x8a: {  	s3 =	sadd.s32 s11, s3  }
0x8b: {  	s4 =	rddreg [dreg:$0x4];
	s23 =	simm.s32 $0x1500;
	s3 =	sshrl.u32 s3, $0x3  }
0x8c: {  	s24 =	simm.s32 $0x2500;
	s28 =	smul.u32 $0xAB, s15;
	s4 =	sadd.s32 s4, s3  }
0x8d: {  	s7 =	simm.s32 $0x4;
	p2 =	por $0x0, $0x0;
	s4 =	sadd.s32 $0x9300, s4  }
0x8e: {  	[tilespmem:s15], [sflag:$0xE] =	stream.linear.gather [hbm4b:s4+s15], $0xA80, $0x38;
	[tilespmem:$0x1FC00] =	vst v63  }
0x8f: {  	s20 =	simm.s32 $0x2;
	s10 =	simm.s32 $0xB00;
	_ =	swait.ge [sflag:s25], $0xA80  }
0x90: {  	s21 =	simm.s32 $0x280;
	[sflag:s25] =	ssyncset.done $0x0;
	s22 =	rddreg [dreg:$0x9]  }
0x91: {  	s4 =	simm.s32 $0xA80;
	[sflag:s25] =	ssyncadd.s32 $0xFFFFF580;
	s3 =	sadd.s32 s22, s3  }
0x92: {  	[tilespmem:s4], [sflag:$0xE] =	stream.linear.gather [hbm4b:s3+s15], $0xA80, $0x38;
	[tilespmem:$0x1FC00] =	vst v63  }
0x93: {  	s7 =	smul.u32 @!p2 $0xAB, s7;
	s3 =	sshrl.u32 s28, $0xA;
	_ =	swait.ge [sflag:s25], $0xA80  }
0x94: {  	p1 =	por p2, p2;
	s3 =	sand.u32 $0x3F, s3;
	[sflag:s25] =	ssyncset.done $0x0  }
0x95: {  	s7 =	sshrl.u32 @!p1 s7, $0xA;
	s3 =	smul.u32 $0x6, s3;
	[sflag:s25] =	ssyncadd.s32 $0xFFFFF580  }
0x96: {  	[tilespmem:s23], [sflag:$0x1] =	stream.indirect.gather [hbm4b:s2+s26], $0x20, s15, s26, $0xb8;
	[tilespmem:$0x1FC00] =	vst v63  }
0x97: {  	p2 =	por @!p2 $0x1, $0x1;
	s7 =	sand.u32 @!p1 $0x3F, s7;
	s3 =	ssub.s32 $0x0, s3  }
0x98: {  	[tilespmem:s24], [sflag:$0x2] =	stream.indirect.gather [hbm4b:s2+s26], $0x20, s26, s26, $0xb8;
	[tilespmem:$0x1FC00] =	vst v63  }
0x99: {  	p2 =	por p2, p1;
	s7 =	smul.u32 @!p1 $0x6, s7;
	s3 =	sand.u32 $0xFF, s3  }
0x9a: {  	[tilespmem:s31], [sflag:$0x3] =	stream.indirect.gather [hbm4b:s2+s26], $0x20, s30, s26, $0xb8;
	[tilespmem:$0x1FC00] =	vst v63  }
0x9b: {  	s22 =	simm.s32 $0x1;
	s23 =	ssub.s32 @!p1 $0x4, s7;
	s8 =	sadd.s32 $0x1, s3  }
0x9c: {  	[tilespmem:s5], [sflag:$0x4] =	stream.indirect.gather [hbm4b:s2+s26], $0x20, s0, s26, $0xb8;
	[tilespmem:$0x1FC00] =	vst v63  }
0x9d: {  	s7 =	simm.s32 @!p1 $0x80;
	s23 =	sand.u32 @!p1 $0xFF, s23;
	_ =	swait.ge [sflag:s8], $0x1000  }
0x9e: {  	s24 =	simm.s32 $0x200;
	s9 =	sshll.u32 s3, $0xC;
	[sflag:s8] =	ssyncset.done $0x0  }
0x9f: {  	s3 =	sadd.s32 $0x7, s3;
	s29 =	sadd.s32 $0x1500, s9;
	[sflag:s8] =	ssyncadd.s32 $0xFFFFF000  }
0xa0: {  	[spmem:s6] =	stream.indirect.scatter.add.f32 [tilespmem:s29], [sflag:s3], $0x20, s4, s26, $0xb8;
	[tilespmem:$0x1FC00] =	vst v63  }
0xa1: {  	s8 =	sshll.u32 @!p1 s23, $0xC;
	s3 =	smul.u32 $0xAB, s22;
	s4 =	sadd.s32 @!p2 $0x7, s23  }
.LBB2_23:
0xa2: {  	s9 =	sadd.s32 $0x4, s22;
	p4 =	sgt.u32 s22, $0x10  }
0xa3: {  	_ =	swait.ge @!p2 [sflag:s4], $0x1000;
	s28 =	smov.u32 s20;
	s29 =	smov.u32 s10  }
0xa4: {  	s3 =	sshrl.u32 s3, $0xA;
	s8 =	sadd.s32 @!p1 $0x1500, s8;
	[sflag:s4] =	ssyncset.done @!p2 $0x0  }
0xa5: {  	s3 =	sand.u32 $0x3F, s3;
	[sflag:s4] =	ssyncadd.s32 @!p2 $0xFFFFF000;
	s4 =	sadd.s32 @!p1 $0x1, s23  }
0xa6: {  	[tilespmem:s8], [sflag:s4] =	stream.indirect.gather @!p1 [hbm4b:s2+s7], $0x20, s24, s7, $0xb8;
	[tilespmem:$0x1FC00] =	vst v63  }
0xa7: {  	s20 =	sadd.s32 $0x1, s20;
	s3 =	smul.u32 $0x6, s3;
	p2 =	slt.u32 @!p4 s22, $0x2  }
0xa8: {  	p3 =	sne.s32 s20, $0x15;
	s4 =	smul.u32 @!p4 $0xAB, s9;
	s24 =	smov.u32 s21  }
0xa9: {  	p1 =	por p4, p4;
	s3 =	ssub.s32 s22, s3;
	s22 =	smov.u32 s28  }
0xaa: {  	s10 =	sadd.s32 $0x80, s10;
	s8 =	sand.u32 $0xFF, s3;
	s3 =	sshrl.u32 @!p1 s4, $0xA  }
0xab: {  	s21 =	sadd.s32 $0x80, s21;
	s4 =	sshll.u32 s8, $0xC;
	s3 =	sand.u32 @!p1 $0x3F, s3  }
0xac: {  	p2 =	por p2, p1;
	s23 =	sadd.s32 $0x1, s8;
	s28 =	smul.u32 @!p1 $0x6, s3  }
.Ltmp5:
0xad: {  	s7 =	simm.s32 @!p1 $0x80;
	_ =	swait.ge [sflag:s23], $0x1000;
	(pc) =	sbr.rel @p3 .LBB2_23-.Ltmp5, $4  }
0xae: {  	s3 =	smul.u32 $0xAB, s22;
	s9 =	ssub.s32 @!p1 s9, s28;
	[sflag:s23] =	ssyncset.done $0x0  }
0xaf: {  	s28 =	sadd.s32 $0x7, s8;
	[sflag:s23] =	ssyncadd.s32 $0xFFFFF000;
	s23 =	sand.u32 @!p1 $0xFF, s9  }
0xb0: {  	s9 =	sadd.s32 $0x1500, s4;
	s4 =	sadd.s32 @!p2 $0x7, s23;
	s8 =	sshll.u32 @!p1 s23, $0xC  }
0xb1: {  	[spmem:s6] =	stream.indirect.scatter.add.f32 [tilespmem:s9], [sflag:s28], $0x20, s29, s26, $0xb8;
	[tilespmem:$0x1FC00] =	vst v63  }
0xb2: {  	_ =	swait.ge @!p2 [sflag:s4], $0x1000  }
0xb3: {  	s3 =	sshrl.u32 s3, $0xA;
	s8 =	sadd.s32 @!p1 $0x1500, s8;
	[sflag:s4] =	ssyncset.done @!p2 $0x0  }
0xb4: {  	s3 =	sand.u32 $0x3F, s3;
	[sflag:s4] =	ssyncadd.s32 @!p2 $0xFFFFF000;
	s4 =	sadd.s32 @!p1 $0x1, s23  }
0xb5: {  	[tilespmem:s8], [sflag:s4] =	stream.indirect.gather @!p1 [hbm4b:s2+s7], $0x20, s24, s7, $0xb8;
	[tilespmem:$0x1FC00] =	vst v63  }
0xb6: {  	p2 =	sgt.u32 s22, $0x10;
	s3 =	smul.u32 $0x6, s3;
	s4 =	sadd.s32 $0x4, s22  }
0xb7: {  	s7 =	smul.u32 @!p2 $0xAB, s4  }
0xb8: {  	p1 =	por p2, p2;
	s3 =	ssub.s32 s22, s3  }
0xb9: {  	s3 =	sand.u32 $0xFF, s3;
	s7 =	sshrl.u32 @!p1 s7, $0xA  }
0xba: {  	s28 =	sadd.s32 $0x1, s3;
	s7 =	sand.u32 @!p1 $0x3F, s7  }
0xbb: {  	p2 =	slt.u32 @!p2 s22, $0x2;
	_ =	swait.ge [sflag:s28], $0x1000;
	s7 =	smul.u32 @!p1 $0x6, s7  }
0xbc: {  	s9 =	sshll.u32 s3, $0xC;
	s3 =	sadd.s32 $0x7, s3;
	[sflag:s28] =	ssyncset.done $0x0  }
0xbd: {  	s29 =	sadd.s32 $0x1500, s9;
	[sflag:s28] =	ssyncadd.s32 $0xFFFFF000;
	s4 =	ssub.s32 @!p1 s4, s7  }
0xbe: {  	[spmem:s6] =	stream.indirect.scatter.add.f32 [tilespmem:s29], [sflag:s3], $0x20, s10, s26, $0xb8;
	[tilespmem:$0x1FC00] =	vst v63  }
0xbf: {  	p2 =	por p2, p1;
	s4 =	sand.u32 @!p1 $0xFF, s4  }
0xc0: {  	s8 =	sadd.s32 @!p2 $0x7, s4  }
0xc1: {  	_ =	swait.ge @!p2 [sflag:s8], $0x1000  }
0xc2: {  	s3 =	simm.s32 @!p1 $0x80;
	s7 =	sshll.u32 @!p1 s4, $0xC;
	[sflag:s8] =	ssyncset.done @!p2 $0x0  }
0xc3: {  	s4 =	sadd.s32 @!p1 $0x1, s4;
	s7 =	sadd.s32 @!p1 $0x1500, s7;
	[sflag:s8] =	ssyncadd.s32 @!p2 $0xFFFFF000  }
0xc4: {  	[tilespmem:s7], [sflag:s4] =	stream.indirect.gather @!p1 [hbm4b:s2+s3], $0x20, s21, s3, $0xb8;
	[tilespmem:$0x1FC00] =	vst v63  }
0xc5: {  	_ =	swait.ge [sflag:s12], $0x1000  }
0xc6: {  	[sflag:s12] =	ssyncset.done $0x0  }
0xc7: {  	[sflag:s12] =	ssyncadd.s32 $0xFFFFF000  }
0xc8: {  	_ =	swait.ge [sflag:s13], $0x1000  }
0xc9: {  	[sflag:s13] =	ssyncset.done $0x0  }
0xca: {  	[sflag:s13] =	ssyncadd.s32 $0xFFFFF000  }
0xcb: {  	_ =	swait.ge [sflag:s14], $0x1000  }
0xcc: {  	[sflag:s14] =	ssyncset.done $0x0  }
0xcd: {  	[sflag:s14] =	ssyncadd.s32 $0xFFFFF000  }
0xce: {  	_ =	swait.ge [sflag:s16], $0x1000  }
0xcf: {  	[sflag:s16] =	ssyncset.done $0x0  }
0xd0: {  	s19 =	sadd.s32 $0x1, s19;
	[sflag:s16] =	ssyncadd.s32 $0xFFFFF000  }
0xd1: {  	p1 =	sne.s32 s19, $0x7;
	_ =	swait.ge [sflag:s17], $0x1000  }
.Ltmp6:
0xd2: {  	[sflag:s17] =	ssyncset.done $0x0;
	(pc) =	sbr.rel @p1 .LBB2_22-.Ltmp6, $4  }
0xd3: {  	[sflag:s17] =	ssyncadd.s32 $0xFFFFF000  }
0xd4: {  	_ =	swait.ge [sflag:s18], $0x1000  }
0xd5: {  	[sflag:s18] =	ssyncset.done $0x0  }
0xd6: {  	[sflag:s18] =	ssyncadd.s32 $0xFFFFF000  }
0xd7: {  	[bflag:$0x0] =	sbarrier.arrive $0xFFFF  }
0xd8: {  	s3 =	rddreg [dreg:$0x10]  }
0xd9: {  	s4 =	simm.s32 $0x1;
	s7 =	rddreg [dreg:$0x16]  }
0xda: {  	s8 =	simm.s32 $0x10;
	s9 =	simm.s32 $0x4;
	s10 =	rddreg [dreg:$0x17]  }
0xdb: {  	[hbm:s3@s8], [sflag:s10] =	dma.strided [spmem:s7@s9], $0x30E0, s4, $0x4   }
0xdc: {  	_ =	swait.ge [sflag:s25], $0x30E0  }
0xdd: {  	[sflag:s25] =	ssyncset.done $0x0;
	s24 =	rddreg [dreg:$0xa]  }
0xde: {  	s29 =	simm.s32 $0xD;
	s28 =	rddreg [dreg:$0x15];
	[sflag:s25] =	ssyncadd.s32 $0xFFFFCF20  }
0xdf: {  	[spmem:s7], [sflag:s28] =	dma.local [hbm:s24], $0x30E0  }
0xe0: {  	_ =	swait.ge [sflag:s29], $0x30E0  }
0xe1: {  	[sflag:s29] =	ssyncset.done $0x0  }
0xe2: {  	[sflag:s29] =	ssyncadd.s32 $0xFFFFCF20  }
0xe3: {  	s15 =	simm.s32 $0x0;
	s19 =	simm.s32 $0x0;
	[bflag:$0x0] =	sbarrier.arrive $0xFFFF  }
.LBB2_26:
0xe4: {  	s3 =	smul.u32 $0xA80, s19;
	_ =	sdelay $0x1  }
0xe5: {  	s3 =	sadd.s32 s11, s3  }
0xe6: {  	s4 =	rddreg [dreg:$0x4];
	s23 =	simm.s32 $0x1500;
	s3 =	sshrl.u32 s3, $0x3  }
0xe7: {  	s24 =	simm.s32 $0x2500;
	s28 =	smul.u32 $0xAB, s15;
	s4 =	sadd.s32 s4, s3  }
0xe8: {  	s7 =	simm.s32 $0x4;
	p2 =	por $0x0, $0x0;
	s4 =	sadd.s32 $0x12600, s4  }
0xe9: {  	[tilespmem:s15], [sflag:$0xE] =	stream.linear.gather [hbm4b:s4+s15], $0xA80, $0x38;
	[tilespmem:$0x1FC00] =	vst v63  }
0xea: {  	s20 =	simm.s32 $0x2;
	s10 =	simm.s32 $0xB00;
	_ =	swait.ge [sflag:s25], $0xA80  }
0xeb: {  	s21 =	simm.s32 $0x280;
	[sflag:s25] =	ssyncset.done $0x0;
	s22 =	rddreg [dreg:$0x9]  }
0xec: {  	s4 =	simm.s32 $0xA80;
	[sflag:s25] =	ssyncadd.s32 $0xFFFFF580;
	s3 =	sadd.s32 s22, s3  }
0xed: {  	[tilespmem:s4], [sflag:$0xE] =	stream.linear.gather [hbm4b:s3+s15], $0xA80, $0x38;
	[tilespmem:$0x1FC00] =	vst v63  }
0xee: {  	s7 =	smul.u32 @!p2 $0xAB, s7;
	s3 =	sshrl.u32 s28, $0xA;
	_ =	swait.ge [sflag:s25], $0xA80  }
0xef: {  	p1 =	por p2, p2;
	s3 =	sand.u32 $0x3F, s3;
	[sflag:s25] =	ssyncset.done $0x0  }
0xf0: {  	s7 =	sshrl.u32 @!p1 s7, $0xA;
	s3 =	smul.u32 $0x6, s3;
	[sflag:s25] =	ssyncadd.s32 $0xFFFFF580  }
0xf1: {  	[tilespmem:s23], [sflag:$0x1] =	stream.indirect.gather [hbm4b:s2+s26], $0x20, s15, s26, $0xb8;
	[tilespmem:$0x1FC00] =	vst v63  }
0xf2: {  	p2 =	por @!p2 $0x1, $0x1;
	s7 =	sand.u32 @!p1 $0x3F, s7;
	s3 =	ssub.s32 $0x0, s3  }
0xf3: {  	[tilespmem:s24], [sflag:$0x2] =	stream.indirect.gather [hbm4b:s2+s26], $0x20, s26, s26, $0xb8;
	[tilespmem:$0x1FC00] =	vst v63  }
0xf4: {  	p2 =	por p2, p1;
	s7 =	smul.u32 @!p1 $0x6, s7;
	s3 =	sand.u32 $0xFF, s3  }
0xf5: {  	[tilespmem:s31], [sflag:$0x3] =	stream.indirect.gather [hbm4b:s2+s26], $0x20, s30, s26, $0xb8;
	[tilespmem:$0x1FC00] =	vst v63  }
0xf6: {  	s22 =	simm.s32 $0x1;
	s23 =	ssub.s32 @!p1 $0x4, s7;
	s8 =	sadd.s32 $0x1, s3  }
0xf7: {  	[tilespmem:s5], [sflag:$0x4] =	stream.indirect.gather [hbm4b:s2+s26], $0x20, s0, s26, $0xb8;
	[tilespmem:$0x1FC00] =	vst v63  }
0xf8: {  	s7 =	simm.s32 @!p1 $0x80;
	s23 =	sand.u32 @!p1 $0xFF, s23;
	_ =	swait.ge [sflag:s8], $0x1000  }
0xf9: {  	s24 =	simm.s32 $0x200;
	s9 =	sshll.u32 s3, $0xC;
	[sflag:s8] =	ssyncset.done $0x0  }
0xfa: {  	s3 =	sadd.s32 $0x7, s3;
	s29 =	sadd.s32 $0x1500, s9;
	[sflag:s8] =	ssyncadd.s32 $0xFFFFF000  }
0xfb: {  	[spmem:s6] =	stream.indirect.scatter.add.f32 [tilespmem:s29], [sflag:s3], $0x20, s4, s26, $0xb8;
	[tilespmem:$0x1FC00] =	vst v63  }
0xfc: {  	s8 =	sshll.u32 @!p1 s23, $0xC;
	s3 =	smul.u32 $0xAB, s22;
	s4 =	sadd.s32 @!p2 $0x7, s23  }
.LBB2_27:
0xfd: {  	s9 =	sadd.s32 $0x4, s22;
	p4 =	sgt.u32 s22, $0x10  }
0xfe: {  	_ =	swait.ge @!p2 [sflag:s4], $0x1000;
	s28 =	smov.u32 s20;
	s29 =	smov.u32 s10  }
0xff: {  	s3 =	sshrl.u32 s3, $0xA;
	s8 =	sadd.s32 @!p1 $0x1500, s8;
	[sflag:s4] =	ssyncset.done @!p2 $0x0  }
0x100: {  	s3 =	sand.u32 $0x3F, s3;
	[sflag:s4] =	ssyncadd.s32 @!p2 $0xFFFFF000;
	s4 =	sadd.s32 @!p1 $0x1, s23  }
0x101: {  	[tilespmem:s8], [sflag:s4] =	stream.indirect.gather @!p1 [hbm4b:s2+s7], $0x20, s24, s7, $0xb8;
	[tilespmem:$0x1FC00] =	vst v63  }
0x102: {  	s20 =	sadd.s32 $0x1, s20;
	s3 =	smul.u32 $0x6, s3;
	p2 =	slt.u32 @!p4 s22, $0x2  }
0x103: {  	p3 =	sne.s32 s20, $0x15;
	s4 =	smul.u32 @!p4 $0xAB, s9;
	s24 =	smov.u32 s21  }
0x104: {  	p1 =	por p4, p4;
	s3 =	ssub.s32 s22, s3;
	s22 =	smov.u32 s28  }
0x105: {  	s10 =	sadd.s32 $0x80, s10;
	s8 =	sand.u32 $0xFF, s3;
	s3 =	sshrl.u32 @!p1 s4, $0xA  }
0x106: {  	s21 =	sadd.s32 $0x80, s21;
	s4 =	sshll.u32 s8, $0xC;
	s3 =	sand.u32 @!p1 $0x3F, s3  }
0x107: {  	p2 =	por p2, p1;
	s23 =	sadd.s32 $0x1, s8;
	s28 =	smul.u32 @!p1 $0x6, s3  }
.Ltmp7:
0x108: {  	s7 =	simm.s32 @!p1 $0x80;
	_ =	swait.ge [sflag:s23], $0x1000;
	(pc) =	sbr.rel @p3 .LBB2_27-.Ltmp7, $4  }
0x109: {  	s3 =	smul.u32 $0xAB, s22;
	s9 =	ssub.s32 @!p1 s9, s28;
	[sflag:s23] =	ssyncset.done $0x0  }
0x10a: {  	s28 =	sadd.s32 $0x7, s8;
	[sflag:s23] =	ssyncadd.s32 $0xFFFFF000;
	s23 =	sand.u32 @!p1 $0xFF, s9  }
0x10b: {  	s9 =	sadd.s32 $0x1500, s4;
	s4 =	sadd.s32 @!p2 $0x7, s23;
	s8 =	sshll.u32 @!p1 s23, $0xC  }
0x10c: {  	[spmem:s6] =	stream.indirect.scatter.add.f32 [tilespmem:s9], [sflag:s28], $0x20, s29, s26, $0xb8;
	[tilespmem:$0x1FC00] =	vst v63  }
0x10d: {  	_ =	swait.ge @!p2 [sflag:s4], $0x1000  }
0x10e: {  	s3 =	sshrl.u32 s3, $0xA;
	s8 =	sadd.s32 @!p1 $0x1500, s8;
	[sflag:s4] =	ssyncset.done @!p2 $0x0  }
0x10f: {  	s3 =	sand.u32 $0x3F, s3;
	[sflag:s4] =	ssyncadd.s32 @!p2 $0xFFFFF000;
	s4 =	sadd.s32 @!p1 $0x1, s23  }
0x110: {  	[tilespmem:s8], [sflag:s4] =	stream.indirect.gather @!p1 [hbm4b:s2+s7], $0x20, s24, s7, $0xb8;
	[tilespmem:$0x1FC00] =	vst v63  }
0x111: {  	p2 =	sgt.u32 s22, $0x10;
	s3 =	smul.u32 $0x6, s3;
	s4 =	sadd.s32 $0x4, s22  }
0x112: {  	s7 =	smul.u32 @!p2 $0xAB, s4  }
0x113: {  	p1 =	por p2, p2;
	s3 =	ssub.s32 s22, s3  }
0x114: {  	s3 =	sand.u32 $0xFF, s3;
	s7 =	sshrl.u32 @!p1 s7, $0xA  }
0x115: {  	s28 =	sadd.s32 $0x1, s3;
	s7 =	sand.u32 @!p1 $0x3F, s7  }
0x116: {  	p2 =	slt.u32 @!p2 s22, $0x2;
	_ =	swait.ge [sflag:s28], $0x1000;
	s7 =	smul.u32 @!p1 $0x6, s7  }
0x117: {  	s9 =	sshll.u32 s3, $0xC;
	s3 =	sadd.s32 $0x7, s3;
	[sflag:s28] =	ssyncset.done $0x0  }
0x118: {  	s29 =	sadd.s32 $0x1500, s9;
	[sflag:s28] =	ssyncadd.s32 $0xFFFFF000;
	s4 =	ssub.s32 @!p1 s4, s7  }
0x119: {  	[spmem:s6] =	stream.indirect.scatter.add.f32 [tilespmem:s29], [sflag:s3], $0x20, s10, s26, $0xb8;
	[tilespmem:$0x1FC00] =	vst v63  }
0x11a: {  	p2 =	por p2, p1;
	s4 =	sand.u32 @!p1 $0xFF, s4  }
0x11b: {  	s8 =	sadd.s32 @!p2 $0x7, s4  }
0x11c: {  	_ =	swait.ge @!p2 [sflag:s8], $0x1000  }
0x11d: {  	s3 =	simm.s32 @!p1 $0x80;
	s7 =	sshll.u32 @!p1 s4, $0xC;
	[sflag:s8] =	ssyncset.done @!p2 $0x0  }
0x11e: {  	s4 =	sadd.s32 @!p1 $0x1, s4;
	s7 =	sadd.s32 @!p1 $0x1500, s7;
	[sflag:s8] =	ssyncadd.s32 @!p2 $0xFFFFF000  }
0x11f: {  	[tilespmem:s7], [sflag:s4] =	stream.indirect.gather @!p1 [hbm4b:s2+s3], $0x20, s21, s3, $0xb8;
	[tilespmem:$0x1FC00] =	vst v63  }
0x120: {  	_ =	swait.ge [sflag:s12], $0x1000  }
0x121: {  	[sflag:s12] =	ssyncset.done $0x0  }
0x122: {  	[sflag:s12] =	ssyncadd.s32 $0xFFFFF000  }
0x123: {  	_ =	swait.ge [sflag:s13], $0x1000  }
0x124: {  	[sflag:s13] =	ssyncset.done $0x0  }
0x125: {  	[sflag:s13] =	ssyncadd.s32 $0xFFFFF000  }
0x126: {  	_ =	swait.ge [sflag:s14], $0x1000  }
0x127: {  	[sflag:s14] =	ssyncset.done $0x0  }
0x128: {  	[sflag:s14] =	ssyncadd.s32 $0xFFFFF000  }
0x129: {  	_ =	swait.ge [sflag:s16], $0x1000  }
0x12a: {  	[sflag:s16] =	ssyncset.done $0x0  }
0x12b: {  	s19 =	sadd.s32 $0x1, s19;
	[sflag:s16] =	ssyncadd.s32 $0xFFFFF000  }
0x12c: {  	p1 =	sne.s32 s19, $0x7;
	_ =	swait.ge [sflag:s17], $0x1000  }
.Ltmp8:
0x12d: {  	[sflag:s17] =	ssyncset.done $0x0;
	(pc) =	sbr.rel @p1 .LBB2_26-.Ltmp8, $4  }
0x12e: {  	[sflag:s17] =	ssyncadd.s32 $0xFFFFF000  }
0x12f: {  	_ =	swait.ge [sflag:s18], $0x1000  }
0x130: {  	[sflag:s18] =	ssyncset.done $0x0  }
0x131: {  	[sflag:s18] =	ssyncadd.s32 $0xFFFFF000  }
0x132: {  	[bflag:$0x0] =	sbarrier.arrive $0xFFFF  }
0x133: {  	s3 =	rddreg [dreg:$0x11]  }
0x134: {  	s4 =	simm.s32 $0x1;
	s7 =	rddreg [dreg:$0x16]  }
0x135: {  	s8 =	simm.s32 $0x10;
	s9 =	simm.s32 $0x4;
	s10 =	rddreg [dreg:$0x17]  }
0x136: {  	[hbm:s3@s8], [sflag:s10] =	dma.strided [spmem:s7@s9], $0x30E0, s4, $0x4   }
0x137: {  	_ =	swait.ge [sflag:s25], $0x30E0  }
0x138: {  	[sflag:s25] =	ssyncset.done $0x0;
	s24 =	rddreg [dreg:$0xa]  }
0x139: {  	s29 =	simm.s32 $0xD;
	s28 =	rddreg [dreg:$0x15];
	[sflag:s25] =	ssyncadd.s32 $0xFFFFCF20  }
0x13a: {  	[spmem:s7], [sflag:s28] =	dma.local [hbm:s24], $0x30E0  }
0x13b: {  	_ =	swait.ge [sflag:s29], $0x30E0  }
0x13c: {  	[sflag:s29] =	ssyncset.done $0x0  }
0x13d: {  	[sflag:s29] =	ssyncadd.s32 $0xFFFFCF20  }
0x13e: {  	s15 =	simm.s32 $0x0;
	s19 =	simm.s32 $0x0;
	[bflag:$0x0] =	sbarrier.arrive $0xFFFF  }
.LBB2_30:
0x13f: {  	s3 =	smul.u32 $0xA80, s19;
	_ =	sdelay $0x1  }
0x140: {  	s3 =	sadd.s32 s11, s3  }
0x141: {  	s4 =	rddreg [dreg:$0x4];
	s23 =	simm.s32 $0x1500;
	s3 =	sshrl.u32 s3, $0x3  }
0x142: {  	s24 =	simm.s32 $0x2500;
	s28 =	smul.u32 $0xAB, s15;
	s4 =	sadd.s32 s4, s3  }
0x143: {  	s7 =	simm.s32 $0x4;
	p2 =	por $0x0, $0x0;
	s4 =	sadd.s32 $0x1B900, s4  }
0x144: {  	[tilespmem:s15], [sflag:$0xE] =	stream.linear.gather [hbm4b:s4+s15], $0xA80, $0x38;
	[tilespmem:$0x1FC00] =	vst v63  }
0x145: {  	s20 =	simm.s32 $0x2;
	s10 =	simm.s32 $0xB00;
	_ =	swait.ge [sflag:s25], $0xA80  }
0x146: {  	s21 =	simm.s32 $0x280;
	[sflag:s25] =	ssyncset.done $0x0;
	s22 =	rddreg [dreg:$0x9]  }
0x147: {  	s4 =	simm.s32 $0xA80;
	[sflag:s25] =	ssyncadd.s32 $0xFFFFF580;
	s3 =	sadd.s32 s22, s3  }
0x148: {  	[tilespmem:s4], [sflag:$0xE] =	stream.linear.gather [hbm4b:s3+s15], $0xA80, $0x38;
	[tilespmem:$0x1FC00] =	vst v63  }
0x149: {  	s7 =	smul.u32 @!p2 $0xAB, s7;
	s3 =	sshrl.u32 s28, $0xA;
	_ =	swait.ge [sflag:s25], $0xA80  }
0x14a: {  	p1 =	por p2, p2;
	s3 =	sand.u32 $0x3F, s3;
	[sflag:s25] =	ssyncset.done $0x0  }
0x14b: {  	s7 =	sshrl.u32 @!p1 s7, $0xA;
	s3 =	smul.u32 $0x6, s3;
	[sflag:s25] =	ssyncadd.s32 $0xFFFFF580  }
0x14c: {  	[tilespmem:s23], [sflag:$0x1] =	stream.indirect.gather [hbm4b:s2+s26], $0x20, s15, s26, $0xb8;
	[tilespmem:$0x1FC00] =	vst v63  }
0x14d: {  	p2 =	por @!p2 $0x1, $0x1;
	s7 =	sand.u32 @!p1 $0x3F, s7;
	s3 =	ssub.s32 $0x0, s3  }
0x14e: {  	[tilespmem:s24], [sflag:$0x2] =	stream.indirect.gather [hbm4b:s2+s26], $0x20, s26, s26, $0xb8;
	[tilespmem:$0x1FC00] =	vst v63  }
0x14f: {  	p2 =	por p2, p1;
	s7 =	smul.u32 @!p1 $0x6, s7;
	s3 =	sand.u32 $0xFF, s3  }
0x150: {  	[tilespmem:s31], [sflag:$0x3] =	stream.indirect.gather [hbm4b:s2+s26], $0x20, s30, s26, $0xb8;
	[tilespmem:$0x1FC00] =	vst v63  }
0x151: {  	s22 =	simm.s32 $0x1;
	s23 =	ssub.s32 @!p1 $0x4, s7;
	s8 =	sadd.s32 $0x1, s3  }
0x152: {  	[tilespmem:s5], [sflag:$0x4] =	stream.indirect.gather [hbm4b:s2+s26], $0x20, s0, s26, $0xb8;
	[tilespmem:$0x1FC00] =	vst v63  }
0x153: {  	s7 =	simm.s32 @!p1 $0x80;
	s23 =	sand.u32 @!p1 $0xFF, s23;
	_ =	swait.ge [sflag:s8], $0x1000  }
0x154: {  	s24 =	simm.s32 $0x200;
	s9 =	sshll.u32 s3, $0xC;
	[sflag:s8] =	ssyncset.done $0x0  }
0x155: {  	s3 =	sadd.s32 $0x7, s3;
	s29 =	sadd.s32 $0x1500, s9;
	[sflag:s8] =	ssyncadd.s32 $0xFFFFF000  }
0x156: {  	[spmem:s6] =	stream.indirect.scatter.add.f32 [tilespmem:s29], [sflag:s3], $0x20, s4, s26, $0xb8;
	[tilespmem:$0x1FC00] =	vst v63  }
0x157: {  	s8 =	sshll.u32 @!p1 s23, $0xC;
	s3 =	smul.u32 $0xAB, s22;
	s4 =	sadd.s32 @!p2 $0x7, s23  }
.LBB2_31:
0x158: {  	s9 =	sadd.s32 $0x4, s22;
	p4 =	sgt.u32 s22, $0x10  }
0x159: {  	_ =	swait.ge @!p2 [sflag:s4], $0x1000;
	s28 =	smov.u32 s20;
	s29 =	smov.u32 s10  }
0x15a: {  	s3 =	sshrl.u32 s3, $0xA;
	s8 =	sadd.s32 @!p1 $0x1500, s8;
	[sflag:s4] =	ssyncset.done @!p2 $0x0  }
0x15b: {  	s3 =	sand.u32 $0x3F, s3;
	[sflag:s4] =	ssyncadd.s32 @!p2 $0xFFFFF000;
	s4 =	sadd.s32 @!p1 $0x1, s23  }
0x15c: {  	[tilespmem:s8], [sflag:s4] =	stream.indirect.gather @!p1 [hbm4b:s2+s7], $0x20, s24, s7, $0xb8;
	[tilespmem:$0x1FC00] =	vst v63  }
0x15d: {  	s20 =	sadd.s32 $0x1, s20;
	s3 =	smul.u32 $0x6, s3;
	p2 =	slt.u32 @!p4 s22, $0x2  }
0x15e: {  	p3 =	sne.s32 s20, $0x15;
	s4 =	smul.u32 @!p4 $0xAB, s9;
	s24 =	smov.u32 s21  }
0x15f: {  	p1 =	por p4, p4;
	s3 =	ssub.s32 s22, s3;
	s22 =	smov.u32 s28  }
0x160: {  	s10 =	sadd.s32 $0x80, s10;
	s8 =	sand.u32 $0xFF, s3;
	s3 =	sshrl.u32 @!p1 s4, $0xA  }
0x161: {  	s21 =	sadd.s32 $0x80, s21;
	s4 =	sshll.u32 s8, $0xC;
	s3 =	sand.u32 @!p1 $0x3F, s3  }
0x162: {  	p2 =	por p2, p1;
	s23 =	sadd.s32 $0x1, s8;
	s28 =	smul.u32 @!p1 $0x6, s3  }
.Ltmp9:
0x163: {  	s7 =	simm.s32 @!p1 $0x80;
	_ =	swait.ge [sflag:s23], $0x1000;
	(pc) =	sbr.rel @p3 .LBB2_31-.Ltmp9, $4  }
0x164: {  	s3 =	smul.u32 $0xAB, s22;
	s9 =	ssub.s32 @!p1 s9, s28;
	[sflag:s23] =	ssyncset.done $0x0  }
0x165: {  	s28 =	sadd.s32 $0x7, s8;
	[sflag:s23] =	ssyncadd.s32 $0xFFFFF000;
	s23 =	sand.u32 @!p1 $0xFF, s9  }
0x166: {  	s9 =	sadd.s32 $0x1500, s4;
	s4 =	sadd.s32 @!p2 $0x7, s23;
	s8 =	sshll.u32 @!p1 s23, $0xC  }
0x167: {  	[spmem:s6] =	stream.indirect.scatter.add.f32 [tilespmem:s9], [sflag:s28], $0x20, s29, s26, $0xb8;
	[tilespmem:$0x1FC00] =	vst v63  }
0x168: {  	_ =	swait.ge @!p2 [sflag:s4], $0x1000  }
0x169: {  	s3 =	sshrl.u32 s3, $0xA;
	s8 =	sadd.s32 @!p1 $0x1500, s8;
	[sflag:s4] =	ssyncset.done @!p2 $0x0  }
0x16a: {  	s3 =	sand.u32 $0x3F, s3;
	[sflag:s4] =	ssyncadd.s32 @!p2 $0xFFFFF000;
	s4 =	sadd.s32 @!p1 $0x1, s23  }
0x16b: {  	[tilespmem:s8], [sflag:s4] =	stream.indirect.gather @!p1 [hbm4b:s2+s7], $0x20, s24, s7, $0xb8;
	[tilespmem:$0x1FC00] =	vst v63  }
0x16c: {  	p2 =	sgt.u32 s22, $0x10;
	s3 =	smul.u32 $0x6, s3;
	s4 =	sadd.s32 $0x4, s22  }
0x16d: {  	s7 =	smul.u32 @!p2 $0xAB, s4  }
0x16e: {  	p1 =	por p2, p2;
	s3 =	ssub.s32 s22, s3  }
0x16f: {  	s3 =	sand.u32 $0xFF, s3;
	s7 =	sshrl.u32 @!p1 s7, $0xA  }
0x170: {  	s28 =	sadd.s32 $0x1, s3;
	s7 =	sand.u32 @!p1 $0x3F, s7  }
0x171: {  	p2 =	slt.u32 @!p2 s22, $0x2;
	_ =	swait.ge [sflag:s28], $0x1000;
	s7 =	smul.u32 @!p1 $0x6, s7  }
0x172: {  	s9 =	sshll.u32 s3, $0xC;
	s3 =	sadd.s32 $0x7, s3;
	[sflag:s28] =	ssyncset.done $0x0  }
0x173: {  	s29 =	sadd.s32 $0x1500, s9;
	[sflag:s28] =	ssyncadd.s32 $0xFFFFF000;
	s4 =	ssub.s32 @!p1 s4, s7  }
0x174: {  	[spmem:s6] =	stream.indirect.scatter.add.f32 [tilespmem:s29], [sflag:s3], $0x20, s10, s26, $0xb8;
	[tilespmem:$0x1FC00] =	vst v63  }
0x175: {  	p2 =	por p2, p1;
	s4 =	sand.u32 @!p1 $0xFF, s4  }
0x176: {  	s8 =	sadd.s32 @!p2 $0x7, s4  }
0x177: {  	_ =	swait.ge @!p2 [sflag:s8], $0x1000  }
0x178: {  	s3 =	simm.s32 @!p1 $0x80;
	s7 =	sshll.u32 @!p1 s4, $0xC;
	[sflag:s8] =	ssyncset.done @!p2 $0x0  }
0x179: {  	s4 =	sadd.s32 @!p1 $0x1, s4;
	s7 =	sadd.s32 @!p1 $0x1500, s7;
	[sflag:s8] =	ssyncadd.s32 @!p2 $0xFFFFF000  }
0x17a: {  	[tilespmem:s7], [sflag:s4] =	stream.indirect.gather @!p1 [hbm4b:s2+s3], $0x20, s21, s3, $0xb8;
	[tilespmem:$0x1FC00] =	vst v63  }
0x17b: {  	_ =	swait.ge [sflag:s12], $0x1000  }
0x17c: {  	[sflag:s12] =	ssyncset.done $0x0  }
0x17d: {  	[sflag:s12] =	ssyncadd.s32 $0xFFFFF000  }
0x17e: {  	_ =	swait.ge [sflag:s13], $0x1000  }
0x17f: {  	[sflag:s13] =	ssyncset.done $0x0  }
0x180: {  	[sflag:s13] =	ssyncadd.s32 $0xFFFFF000  }
0x181: {  	_ =	swait.ge [sflag:s14], $0x1000  }
0x182: {  	[sflag:s14] =	ssyncset.done $0x0  }
0x183: {  	[sflag:s14] =	ssyncadd.s32 $0xFFFFF000  }
0x184: {  	_ =	swait.ge [sflag:s16], $0x1000  }
0x185: {  	[sflag:s16] =	ssyncset.done $0x0  }
0x186: {  	s19 =	sadd.s32 $0x1, s19;
	[sflag:s16] =	ssyncadd.s32 $0xFFFFF000  }
0x187: {  	p1 =	sne.s32 s19, $0x7;
	_ =	swait.ge [sflag:s17], $0x1000  }
.Ltmp10:
0x188: {  	[sflag:s17] =	ssyncset.done $0x0;
	(pc) =	sbr.rel @p1 .LBB2_30-.Ltmp10, $4  }
0x189: {  	[sflag:s17] =	ssyncadd.s32 $0xFFFFF000  }
0x18a: {  	_ =	swait.ge [sflag:s18], $0x1000  }
0x18b: {  	[sflag:s18] =	ssyncset.done $0x0  }
0x18c: {  	[sflag:s18] =	ssyncadd.s32 $0xFFFFF000  }
.Ltmp11:
0x18d: {  	(pc) =	sbr.rel .LBB2_34-.Ltmp11, $3  }
0x18e: {  	_ =	sdelay $0x1  }
0x18f: {  	s3 =	rddreg [dreg:$0x12]  }
0x190: {  	s10 =	rddreg [dreg:$0x7]  }
.LBB2_2:
0x191: {  	s3 =	smul.u32 $0xA80, s20;
	_ =	sdelay $0x1  }
0x192: {  	s3 =	sadd.s32 s11, s3  }
0x193: {  	s4 =	rddreg [dreg:$0x2];
	s3 =	sshrl.u32 s3, $0x3  }
0x194: {  	s7 =	simm.s32 $0x0;
	s4 =	sadd.s32 s4, s3  }
0x195: {  	[tilespmem:s7], [sflag:$0xE] =	stream.linear.gather [hbm4b:s4+s7], $0xA80, $0x38;
	[tilespmem:$0x1FC00] =	vst v63  }
0x196: {  	s9 =	simm.s32 $0xA80;
	_ =	swait.ge [sflag:s25], $0xA80  }
0x197: {  	s22 =	simm.s32 $0x1500;
	[sflag:s25] =	ssyncset.done $0x0;
	s8 =	rddreg [dreg:$0x8]  }
0x198: {  	s24 =	smul.u32 $0xAB, s7;
	[sflag:s25] =	ssyncadd.s32 $0xFFFFF580;
	s3 =	sadd.s32 s8, s3  }
0x199: {  	[tilespmem:s9], [sflag:$0xE] =	stream.linear.gather [hbm4b:s3+s7], $0xA80, $0x38;
	[tilespmem:$0x1FC00] =	vst v63  }
0x19a: {  	s23 =	simm.s32 $0x2500;
	p2 =	por $0x0, $0x0;
	_ =	swait.ge [sflag:s25], $0xA80  }
0x19b: {  	s21 =	simm.s32 $0x200;
	s3 =	sshrl.u32 s24, $0xA;
	[sflag:s25] =	ssyncset.done $0x0  }
0x19c: {  	s10 =	simm.s32 $0x1;
	s3 =	sand.u32 $0x3F, s3;
	[sflag:s25] =	ssyncadd.s32 $0xFFFFF580  }
0x19d: {  	[tilespmem:s22], [sflag:$0x1] =	stream.indirect.gather [hbm4b:s1+s26], $0x20, s7, s26, $0xb8;
	[tilespmem:$0x1FC00] =	vst v63  }
0x19e: {  	s19 =	simm.s32 $0xB00;
	s3 =	smul.u32 $0x6, s3;
	s7 =	simm.s32 $0x4  }
0x19f: {  	s15 =	simm.s32 $0x280;
	p1 =	por p2, p2;
	s7 =	smul.u32 @!p2 $0xAB, s7  }
0x1a0: {  	[tilespmem:s23], [sflag:$0x2] =	stream.indirect.gather [hbm4b:s1+s26], $0x20, s26, s26, $0xb8;
	[tilespmem:$0x1FC00] =	vst v63  }
0x1a1: {  	s24 =	simm.s32 @!p1 $0x80;
	s3 =	ssub.s32 $0x0, s3;
	s7 =	sshrl.u32 @!p1 s7, $0xA  }
0x1a2: {  	[tilespmem:s31], [sflag:$0x3] =	stream.indirect.gather [hbm4b:s1+s26], $0x20, s30, s26, $0xb8;
	[tilespmem:$0x1FC00] =	vst v63  }
0x1a3: {  	s22 =	simm.s32 $0x2;
	s3 =	sand.u32 $0xFF, s3;
	s7 =	sand.u32 @!p1 $0x3F, s7  }
0x1a4: {  	p2 =	por @!p2 $0x1, $0x1;
	s8 =	sadd.s32 $0x1, s3;
	s7 =	smul.u32 @!p1 $0x6, s7  }
0x1a5: {  	[tilespmem:s5], [sflag:$0x4] =	stream.indirect.gather [hbm4b:s1+s26], $0x20, s0, s26, $0xb8;
	[tilespmem:$0x1FC00] =	vst v63  }
0x1a6: {  	s23 =	sshll.u32 s3, $0xC;
	s3 =	sadd.s32 $0x7, s3;
	_ =	swait.ge [sflag:s8], $0x1000  }
0x1a7: {  	p2 =	por p2, p1;
	s7 =	ssub.s32 @!p1 $0x4, s7;
	[sflag:s8] =	ssyncset.done $0x0  }
0x1a8: {  	s28 =	sadd.s32 $0x1500, s23;
	s7 =	sand.u32 @!p1 $0xFF, s7;
	[sflag:s8] =	ssyncadd.s32 $0xFFFFF000  }
0x1a9: {  	[spmem:s6] =	stream.indirect.scatter.add.f32 [tilespmem:s28], [sflag:s3], $0x20, s9, s26, $0xb8;
	[tilespmem:$0x1FC00] =	vst v63  }
0x1aa: {  	s23 =	smul.u32 $0xAB, s10;
	s4 =	sshll.u32 @!p1 s7, $0xC;
	s3 =	sadd.s32 @!p2 $0x7, s7  }
.LBB2_3:
0x1ab: {  	s8 =	sadd.s32 $0x4, s10;
	p4 =	sgt.u32 s10, $0x10  }
0x1ac: {  	_ =	swait.ge @!p2 [sflag:s3], $0x1000;
	s9 =	smov.u32 s22;
	s28 =	smov.u32 s19  }
0x1ad: {  	s23 =	sshrl.u32 s23, $0xA;
	s4 =	sadd.s32 @!p1 $0x1500, s4;
	[sflag:s3] =	ssyncset.done @!p2 $0x0  }
0x1ae: {  	s23 =	sand.u32 $0x3F, s23;
	[sflag:s3] =	ssyncadd.s32 @!p2 $0xFFFFF000;
	s3 =	sadd.s32 @!p1 $0x1, s7  }
0x1af: {  	[tilespmem:s4], [sflag:s3] =	stream.indirect.gather @!p1 [hbm4b:s1+s24], $0x20, s21, s24, $0xb8;
	[tilespmem:$0x1FC00] =	vst v63  }
0x1b0: {  	s22 =	sadd.s32 $0x1, s22;
	p2 =	slt.u32 @!p4 s10, $0x2;
	s3 =	smul.u32 $0x6, s23  }
0x1b1: {  	p3 =	sne.s32 s22, $0x15;
	s4 =	smul.u32 @!p4 $0xAB, s8;
	s21 =	smov.u32 s15  }
0x1b2: {  	p1 =	por p4, p4;
	s3 =	ssub.s32 s10, s3;
	s10 =	smov.u32 s9  }
0x1b3: {  	s19 =	sadd.s32 $0x80, s19;
	s4 =	sshrl.u32 @!p1 s4, $0xA;
	s3 =	sand.u32 $0xFF, s3  }
0x1b4: {  	s15 =	sadd.s32 $0x80, s15;
	s4 =	sand.u32 @!p1 $0x3F, s4;
	s9 =	sshll.u32 s3, $0xC  }
0x1b5: {  	p2 =	por p2, p1;
	s7 =	sadd.s32 $0x1, s3;
	s4 =	smul.u32 @!p1 $0x6, s4  }
.Ltmp12:
0x1b6: {  	s24 =	simm.s32 @!p1 $0x80;
	_ =	swait.ge [sflag:s7], $0x1000;
	(pc) =	sbr.rel @p3 .LBB2_3-.Ltmp12, $4  }
0x1b7: {  	s23 =	smul.u32 $0xAB, s10;
	s4 =	ssub.s32 @!p1 s8, s4;
	[sflag:s7] =	ssyncset.done $0x0  }
0x1b8: {  	s8 =	sadd.s32 $0x7, s3;
	[sflag:s7] =	ssyncadd.s32 $0xFFFFF000;
	s7 =	sand.u32 @!p1 $0xFF, s4  }
0x1b9: {  	s9 =	sadd.s32 $0x1500, s9;
	s3 =	sadd.s32 @!p2 $0x7, s7;
	s4 =	sshll.u32 @!p1 s7, $0xC  }
0x1ba: {  	[spmem:s6] =	stream.indirect.scatter.add.f32 [tilespmem:s9], [sflag:s8], $0x20, s28, s26, $0xb8;
	[tilespmem:$0x1FC00] =	vst v63  }
0x1bb: {  	_ =	swait.ge @!p2 [sflag:s3], $0x1000  }
0x1bc: {  	s8 =	sshrl.u32 s23, $0xA;
	s4 =	sadd.s32 @!p1 $0x1500, s4;
	[sflag:s3] =	ssyncset.done @!p2 $0x0  }
0x1bd: {  	s8 =	sand.u32 $0x3F, s8;
	[sflag:s3] =	ssyncadd.s32 @!p2 $0xFFFFF000;
	s3 =	sadd.s32 @!p1 $0x1, s7  }
0x1be: {  	[tilespmem:s4], [sflag:s3] =	stream.indirect.gather @!p1 [hbm4b:s1+s24], $0x20, s21, s24, $0xb8;
	[tilespmem:$0x1FC00] =	vst v63  }
0x1bf: {  	p2 =	sgt.u32 s10, $0x10;
	s23 =	smul.u32 $0x6, s8;
	s3 =	sadd.s32 $0x4, s10  }
0x1c0: {  	s7 =	smul.u32 @!p2 $0xAB, s3  }
0x1c1: {  	p1 =	por p2, p2;
	s4 =	ssub.s32 s10, s23  }
0x1c2: {  	s4 =	sand.u32 $0xFF, s4;
	s7 =	sshrl.u32 @!p1 s7, $0xA  }
0x1c3: {  	s24 =	sadd.s32 $0x1, s4;
	s7 =	sand.u32 @!p1 $0x3F, s7  }
0x1c4: {  	p2 =	slt.u32 @!p2 s10, $0x2;
	_ =	swait.ge [sflag:s24], $0x1000;
	s7 =	smul.u32 @!p1 $0x6, s7  }
0x1c5: {  	s9 =	sshll.u32 s4, $0xC;
	s4 =	sadd.s32 $0x7, s4;
	[sflag:s24] =	ssyncset.done $0x0  }
0x1c6: {  	s28 =	sadd.s32 $0x1500, s9;
	[sflag:s24] =	ssyncadd.s32 $0xFFFFF000;
	s3 =	ssub.s32 @!p1 s3, s7  }
0x1c7: {  	[spmem:s6] =	stream.indirect.scatter.add.f32 [tilespmem:s28], [sflag:s4], $0x20, s19, s26, $0xb8;
	[tilespmem:$0x1FC00] =	vst v63  }
0x1c8: {  	p2 =	por p2, p1;
	s3 =	sand.u32 @!p1 $0xFF, s3  }
0x1c9: {  	s8 =	sadd.s32 @!p2 $0x7, s3  }
0x1ca: {  	_ =	swait.ge @!p2 [sflag:s8], $0x1000  }
0x1cb: {  	s4 =	simm.s32 @!p1 $0x80;
	s7 =	sshll.u32 @!p1 s3, $0xC;
	[sflag:s8] =	ssyncset.done @!p2 $0x0  }
0x1cc: {  	s3 =	sadd.s32 @!p1 $0x1, s3;
	s7 =	sadd.s32 @!p1 $0x1500, s7;
	[sflag:s8] =	ssyncadd.s32 @!p2 $0xFFFFF000  }
0x1cd: {  	[tilespmem:s7], [sflag:s3] =	stream.indirect.gather @!p1 [hbm4b:s1+s4], $0x20, s15, s4, $0xb8;
	[tilespmem:$0x1FC00] =	vst v63  }
0x1ce: {  	_ =	swait.ge [sflag:s12], $0x1000  }
0x1cf: {  	[sflag:s12] =	ssyncset.done $0x0  }
0x1d0: {  	[sflag:s12] =	ssyncadd.s32 $0xFFFFF000  }
0x1d1: {  	_ =	swait.ge [sflag:s13], $0x1000  }
0x1d2: {  	[sflag:s13] =	ssyncset.done $0x0  }
0x1d3: {  	[sflag:s13] =	ssyncadd.s32 $0xFFFFF000  }
0x1d4: {  	_ =	swait.ge [sflag:s14], $0x1000  }
0x1d5: {  	[sflag:s14] =	ssyncset.done $0x0  }
0x1d6: {  	[sflag:s14] =	ssyncadd.s32 $0xFFFFF000  }
0x1d7: {  	_ =	swait.ge [sflag:s16], $0x1000  }
0x1d8: {  	[sflag:s16] =	ssyncset.done $0x0  }
0x1d9: {  	s20 =	sadd.s32 $0x1, s20;
	[sflag:s16] =	ssyncadd.s32 $0xFFFFF000  }
0x1da: {  	p1 =	sne.s32 s20, $0x7;
	_ =	swait.ge [sflag:s17], $0x1000  }
.Ltmp13:
0x1db: {  	[sflag:s17] =	ssyncset.done $0x0;
	(pc) =	sbr.rel @p1 .LBB2_2-.Ltmp13, $4  }
0x1dc: {  	[sflag:s17] =	ssyncadd.s32 $0xFFFFF000  }
0x1dd: {  	_ =	swait.ge [sflag:s18], $0x1000  }
0x1de: {  	[sflag:s18] =	ssyncset.done $0x0  }
0x1df: {  	[sflag:s18] =	ssyncadd.s32 $0xFFFFF000  }
0x1e0: {  	[bflag:$0x0] =	sbarrier.arrive $0xFFFF  }
0x1e1: {  	s3 =	rddreg [dreg:$0x13]  }
0x1e2: {  	s4 =	simm.s32 $0x1;
	s23 =	rddreg [dreg:$0xb];
	s9 =	sor.u32 $0x1C0E, s3  }
0x1e3: {  	s7 =	simm.s32 $0x10;
	s8 =	simm.s32 $0x4;
	[dreg:$0x17] =	wrdreg s9  }
0x1e4: {  	[hbm:s23@s7], [sflag:s9] =	dma.strided [spmem:s29@s8], $0x30E0, s4, $0x4   }
0x1e5: {  	_ =	swait.ge [sflag:s25], $0x30E0  }
0x1e6: {  	[sflag:s25] =	ssyncset.done $0x0;
	s24 =	rddreg [dreg:$0xa]  }
0x1e7: {  	s28 =	rddreg [dreg:$0x15];
	[sflag:s25] =	ssyncadd.s32 $0xFFFFCF20  }
0x1e8: {  	[spmem:s29], [sflag:s28] =	dma.local [hbm:s24], $0x30E0  }
0x1e9: {  	s29 =	simm.s32 $0xD  }
0x1ea: {  	_ =	swait.ge [sflag:s29], $0x30E0  }
0x1eb: {  	[sflag:s29] =	ssyncset.done $0x0  }
0x1ec: {  	[sflag:s29] =	ssyncadd.s32 $0xFFFFCF20  }
0x1ed: {  	s15 =	simm.s32 $0x0;
	s19 =	simm.s32 $0x0;
	[bflag:$0x0] =	sbarrier.arrive $0xFFFF  }
.LBB2_6:
0x1ee: {  	s3 =	smul.u32 $0xA80, s19;
	_ =	sdelay $0x1  }
0x1ef: {  	s3 =	sadd.s32 s11, s3  }
0x1f0: {  	s4 =	rddreg [dreg:$0x2];
	s23 =	simm.s32 $0x1500;
	s3 =	sshrl.u32 s3, $0x3  }
0x1f1: {  	s24 =	simm.s32 $0x2500;
	s28 =	smul.u32 $0xAB, s15;
	s4 =	sadd.s32 s4, s3  }
0x1f2: {  	s7 =	simm.s32 $0x4;
	p2 =	por $0x0, $0x0;
	s4 =	sadd.s32 $0x9300, s4  }
0x1f3: {  	[tilespmem:s15], [sflag:$0xE] =	stream.linear.gather [hbm4b:s4+s15], $0xA80, $0x38;
	[tilespmem:$0x1FC00] =	vst v63  }
0x1f4: {  	s20 =	simm.s32 $0x2;
	s10 =	simm.s32 $0xB00;
	_ =	swait.ge [sflag:s25], $0xA80  }
0x1f5: {  	s21 =	simm.s32 $0x280;
	[sflag:s25] =	ssyncset.done $0x0;
	s22 =	rddreg [dreg:$0x8]  }
0x1f6: {  	s4 =	simm.s32 $0xA80;
	[sflag:s25] =	ssyncadd.s32 $0xFFFFF580;
	s3 =	sadd.s32 s22, s3  }
0x1f7: {  	[tilespmem:s4], [sflag:$0xE] =	stream.linear.gather [hbm4b:s3+s15], $0xA80, $0x38;
	[tilespmem:$0x1FC00] =	vst v63  }
0x1f8: {  	s7 =	smul.u32 @!p2 $0xAB, s7;
	s3 =	sshrl.u32 s28, $0xA;
	_ =	swait.ge [sflag:s25], $0xA80  }
0x1f9: {  	p1 =	por p2, p2;
	s3 =	sand.u32 $0x3F, s3;
	[sflag:s25] =	ssyncset.done $0x0  }
0x1fa: {  	s7 =	sshrl.u32 @!p1 s7, $0xA;
	s3 =	smul.u32 $0x6, s3;
	[sflag:s25] =	ssyncadd.s32 $0xFFFFF580  }
0x1fb: {  	[tilespmem:s23], [sflag:$0x1] =	stream.indirect.gather [hbm4b:s1+s26], $0x20, s15, s26, $0xb8;
	[tilespmem:$0x1FC00] =	vst v63  }
0x1fc: {  	p2 =	por @!p2 $0x1, $0x1;
	s7 =	sand.u32 @!p1 $0x3F, s7;
	s3 =	ssub.s32 $0x0, s3  }
0x1fd: {  	[tilespmem:s24], [sflag:$0x2] =	stream.indirect.gather [hbm4b:s1+s26], $0x20, s26, s26, $0xb8;
	[tilespmem:$0x1FC00] =	vst v63  }
0x1fe: {  	p2 =	por p2, p1;
	s7 =	smul.u32 @!p1 $0x6, s7;
	s3 =	sand.u32 $0xFF, s3  }
0x1ff: {  	[tilespmem:s31], [sflag:$0x3] =	stream.indirect.gather [hbm4b:s1+s26], $0x20, s30, s26, $0xb8;
	[tilespmem:$0x1FC00] =	vst v63  }
0x200: {  	s22 =	simm.s32 $0x1;
	s23 =	ssub.s32 @!p1 $0x4, s7;
	s8 =	sadd.s32 $0x1, s3  }
0x201: {  	[tilespmem:s5], [sflag:$0x4] =	stream.indirect.gather [hbm4b:s1+s26], $0x20, s0, s26, $0xb8;
	[tilespmem:$0x1FC00] =	vst v63  }
0x202: {  	s7 =	simm.s32 @!p1 $0x80;
	s23 =	sand.u32 @!p1 $0xFF, s23;
	_ =	swait.ge [sflag:s8], $0x1000  }
0x203: {  	s24 =	simm.s32 $0x200;
	s9 =	sshll.u32 s3, $0xC;
	[sflag:s8] =	ssyncset.done $0x0  }
0x204: {  	s3 =	sadd.s32 $0x7, s3;
	s29 =	sadd.s32 $0x1500, s9;
	[sflag:s8] =	ssyncadd.s32 $0xFFFFF000  }
0x205: {  	[spmem:s6] =	stream.indirect.scatter.add.f32 [tilespmem:s29], [sflag:s3], $0x20, s4, s26, $0xb8;
	[tilespmem:$0x1FC00] =	vst v63  }
0x206: {  	s8 =	sshll.u32 @!p1 s23, $0xC;
	s3 =	smul.u32 $0xAB, s22;
	s4 =	sadd.s32 @!p2 $0x7, s23  }
.LBB2_7:
0x207: {  	s9 =	sadd.s32 $0x4, s22;
	p4 =	sgt.u32 s22, $0x10  }
0x208: {  	_ =	swait.ge @!p2 [sflag:s4], $0x1000;
	s28 =	smov.u32 s20;
	s29 =	smov.u32 s10  }
0x209: {  	s3 =	sshrl.u32 s3, $0xA;
	s8 =	sadd.s32 @!p1 $0x1500, s8;
	[sflag:s4] =	ssyncset.done @!p2 $0x0  }
0x20a: {  	s3 =	sand.u32 $0x3F, s3;
	[sflag:s4] =	ssyncadd.s32 @!p2 $0xFFFFF000;
	s4 =	sadd.s32 @!p1 $0x1, s23  }
0x20b: {  	[tilespmem:s8], [sflag:s4] =	stream.indirect.gather @!p1 [hbm4b:s1+s7], $0x20, s24, s7, $0xb8;
	[tilespmem:$0x1FC00] =	vst v63  }
0x20c: {  	s20 =	sadd.s32 $0x1, s20;
	s3 =	smul.u32 $0x6, s3;
	p2 =	slt.u32 @!p4 s22, $0x2  }
0x20d: {  	p3 =	sne.s32 s20, $0x15;
	s4 =	smul.u32 @!p4 $0xAB, s9;
	s24 =	smov.u32 s21  }
0x20e: {  	p1 =	por p4, p4;
	s3 =	ssub.s32 s22, s3;
	s22 =	smov.u32 s28  }
0x20f: {  	s10 =	sadd.s32 $0x80, s10;
	s8 =	sand.u32 $0xFF, s3;
	s3 =	sshrl.u32 @!p1 s4, $0xA  }
0x210: {  	s21 =	sadd.s32 $0x80, s21;
	s4 =	sshll.u32 s8, $0xC;
	s3 =	sand.u32 @!p1 $0x3F, s3  }
0x211: {  	p2 =	por p2, p1;
	s23 =	sadd.s32 $0x1, s8;
	s28 =	smul.u32 @!p1 $0x6, s3  }
.Ltmp14:
0x212: {  	s7 =	simm.s32 @!p1 $0x80;
	_ =	swait.ge [sflag:s23], $0x1000;
	(pc) =	sbr.rel @p3 .LBB2_7-.Ltmp14, $4  }
0x213: {  	s3 =	smul.u32 $0xAB, s22;
	s9 =	ssub.s32 @!p1 s9, s28;
	[sflag:s23] =	ssyncset.done $0x0  }
0x214: {  	s28 =	sadd.s32 $0x7, s8;
	[sflag:s23] =	ssyncadd.s32 $0xFFFFF000;
	s23 =	sand.u32 @!p1 $0xFF, s9  }
0x215: {  	s9 =	sadd.s32 $0x1500, s4;
	s4 =	sadd.s32 @!p2 $0x7, s23;
	s8 =	sshll.u32 @!p1 s23, $0xC  }
0x216: {  	[spmem:s6] =	stream.indirect.scatter.add.f32 [tilespmem:s9], [sflag:s28], $0x20, s29, s26, $0xb8;
	[tilespmem:$0x1FC00] =	vst v63  }
0x217: {  	_ =	swait.ge @!p2 [sflag:s4], $0x1000  }
0x218: {  	s3 =	sshrl.u32 s3, $0xA;
	s8 =	sadd.s32 @!p1 $0x1500, s8;
	[sflag:s4] =	ssyncset.done @!p2 $0x0  }
0x219: {  	s3 =	sand.u32 $0x3F, s3;
	[sflag:s4] =	ssyncadd.s32 @!p2 $0xFFFFF000;
	s4 =	sadd.s32 @!p1 $0x1, s23  }
0x21a: {  	[tilespmem:s8], [sflag:s4] =	stream.indirect.gather @!p1 [hbm4b:s1+s7], $0x20, s24, s7, $0xb8;
	[tilespmem:$0x1FC00] =	vst v63  }
0x21b: {  	p2 =	sgt.u32 s22, $0x10;
	s3 =	smul.u32 $0x6, s3;
	s4 =	sadd.s32 $0x4, s22  }
0x21c: {  	s7 =	smul.u32 @!p2 $0xAB, s4  }
0x21d: {  	p1 =	por p2, p2;
	s3 =	ssub.s32 s22, s3  }
0x21e: {  	s3 =	sand.u32 $0xFF, s3;
	s7 =	sshrl.u32 @!p1 s7, $0xA  }
0x21f: {  	s28 =	sadd.s32 $0x1, s3;
	s7 =	sand.u32 @!p1 $0x3F, s7  }
0x220: {  	p2 =	slt.u32 @!p2 s22, $0x2;
	_ =	swait.ge [sflag:s28], $0x1000;
	s7 =	smul.u32 @!p1 $0x6, s7  }
0x221: {  	s9 =	sshll.u32 s3, $0xC;
	s3 =	sadd.s32 $0x7, s3;
	[sflag:s28] =	ssyncset.done $0x0  }
0x222: {  	s29 =	sadd.s32 $0x1500, s9;
	[sflag:s28] =	ssyncadd.s32 $0xFFFFF000;
	s4 =	ssub.s32 @!p1 s4, s7  }
0x223: {  	[spmem:s6] =	stream.indirect.scatter.add.f32 [tilespmem:s29], [sflag:s3], $0x20, s10, s26, $0xb8;
	[tilespmem:$0x1FC00] =	vst v63  }
0x224: {  	p2 =	por p2, p1;
	s4 =	sand.u32 @!p1 $0xFF, s4  }
0x225: {  	s8 =	sadd.s32 @!p2 $0x7, s4  }
0x226: {  	_ =	swait.ge @!p2 [sflag:s8], $0x1000  }
0x227: {  	s3 =	simm.s32 @!p1 $0x80;
	s7 =	sshll.u32 @!p1 s4, $0xC;
	[sflag:s8] =	ssyncset.done @!p2 $0x0  }
0x228: {  	s4 =	sadd.s32 @!p1 $0x1, s4;
	s7 =	sadd.s32 @!p1 $0x1500, s7;
	[sflag:s8] =	ssyncadd.s32 @!p2 $0xFFFFF000  }
0x229: {  	[tilespmem:s7], [sflag:s4] =	stream.indirect.gather @!p1 [hbm4b:s1+s3], $0x20, s21, s3, $0xb8;
	[tilespmem:$0x1FC00] =	vst v63  }
0x22a: {  	_ =	swait.ge [sflag:s12], $0x1000  }
0x22b: {  	[sflag:s12] =	ssyncset.done $0x0  }
0x22c: {  	[sflag:s12] =	ssyncadd.s32 $0xFFFFF000  }
0x22d: {  	_ =	swait.ge [sflag:s13], $0x1000  }
0x22e: {  	[sflag:s13] =	ssyncset.done $0x0  }
0x22f: {  	[sflag:s13] =	ssyncadd.s32 $0xFFFFF000  }
0x230: {  	_ =	swait.ge [sflag:s14], $0x1000  }
0x231: {  	[sflag:s14] =	ssyncset.done $0x0  }
0x232: {  	[sflag:s14] =	ssyncadd.s32 $0xFFFFF000  }
0x233: {  	_ =	swait.ge [sflag:s16], $0x1000  }
0x234: {  	[sflag:s16] =	ssyncset.done $0x0  }
0x235: {  	s19 =	sadd.s32 $0x1, s19;
	[sflag:s16] =	ssyncadd.s32 $0xFFFFF000  }
0x236: {  	p1 =	sne.s32 s19, $0x7;
	_ =	swait.ge [sflag:s17], $0x1000  }
.Ltmp15:
0x237: {  	[sflag:s17] =	ssyncset.done $0x0;
	(pc) =	sbr.rel @p1 .LBB2_6-.Ltmp15, $4  }
0x238: {  	[sflag:s17] =	ssyncadd.s32 $0xFFFFF000  }
0x239: {  	_ =	swait.ge [sflag:s18], $0x1000  }
0x23a: {  	[sflag:s18] =	ssyncset.done $0x0  }
0x23b: {  	[sflag:s18] =	ssyncadd.s32 $0xFFFFF000  }
0x23c: {  	[bflag:$0x0] =	sbarrier.arrive $0xFFFF  }
0x23d: {  	s3 =	rddreg [dreg:$0xc]  }
0x23e: {  	s4 =	simm.s32 $0x1;
	s7 =	rddreg [dreg:$0x16]  }
0x23f: {  	s8 =	simm.s32 $0x10;
	s9 =	simm.s32 $0x4;
	s10 =	rddreg [dreg:$0x17]  }
0x240: {  	[hbm:s3@s8], [sflag:s10] =	dma.strided [spmem:s7@s9], $0x30E0, s4, $0x4   }
0x241: {  	_ =	swait.ge [sflag:s25], $0x30E0  }
0x242: {  	[sflag:s25] =	ssyncset.done $0x0;
	s24 =	rddreg [dreg:$0xa]  }
0x243: {  	s29 =	simm.s32 $0xD;
	s28 =	rddreg [dreg:$0x15];
	[sflag:s25] =	ssyncadd.s32 $0xFFFFCF20  }
0x244: {  	[spmem:s7], [sflag:s28] =	dma.local [hbm:s24], $0x30E0  }
0x245: {  	_ =	swait.ge [sflag:s29], $0x30E0  }
0x246: {  	[sflag:s29] =	ssyncset.done $0x0  }
0x247: {  	[sflag:s29] =	ssyncadd.s32 $0xFFFFCF20  }
0x248: {  	s15 =	simm.s32 $0x0;
	s19 =	simm.s32 $0x0;
	[bflag:$0x0] =	sbarrier.arrive $0xFFFF  }
.LBB2_10:
0x249: {  	s3 =	smul.u32 $0xA80, s19;
	_ =	sdelay $0x1  }
0x24a: {  	s3 =	sadd.s32 s11, s3  }
0x24b: {  	s4 =	rddreg [dreg:$0x2];
	s23 =	simm.s32 $0x1500;
	s3 =	sshrl.u32 s3, $0x3  }
0x24c: {  	s24 =	simm.s32 $0x2500;
	s28 =	smul.u32 $0xAB, s15;
	s4 =	sadd.s32 s4, s3  }
0x24d: {  	s7 =	simm.s32 $0x4;
	p2 =	por $0x0, $0x0;
	s4 =	sadd.s32 $0x12600, s4  }
0x24e: {  	[tilespmem:s15], [sflag:$0xE] =	stream.linear.gather [hbm4b:s4+s15], $0xA80, $0x38;
	[tilespmem:$0x1FC00] =	vst v63  }
0x24f: {  	s20 =	simm.s32 $0x2;
	s10 =	simm.s32 $0xB00;
	_ =	swait.ge [sflag:s25], $0xA80  }
0x250: {  	s21 =	simm.s32 $0x280;
	[sflag:s25] =	ssyncset.done $0x0;
	s22 =	rddreg [dreg:$0x8]  }
0x251: {  	s4 =	simm.s32 $0xA80;
	[sflag:s25] =	ssyncadd.s32 $0xFFFFF580;
	s3 =	sadd.s32 s22, s3  }
0x252: {  	[tilespmem:s4], [sflag:$0xE] =	stream.linear.gather [hbm4b:s3+s15], $0xA80, $0x38;
	[tilespmem:$0x1FC00] =	vst v63  }
0x253: {  	s7 =	smul.u32 @!p2 $0xAB, s7;
	s3 =	sshrl.u32 s28, $0xA;
	_ =	swait.ge [sflag:s25], $0xA80  }
0x254: {  	p1 =	por p2, p2;
	s3 =	sand.u32 $0x3F, s3;
	[sflag:s25] =	ssyncset.done $0x0  }
0x255: {  	s7 =	sshrl.u32 @!p1 s7, $0xA;
	s3 =	smul.u32 $0x6, s3;
	[sflag:s25] =	ssyncadd.s32 $0xFFFFF580  }
0x256: {  	[tilespmem:s23], [sflag:$0x1] =	stream.indirect.gather [hbm4b:s1+s26], $0x20, s15, s26, $0xb8;
	[tilespmem:$0x1FC00] =	vst v63  }
0x257: {  	p2 =	por @!p2 $0x1, $0x1;
	s7 =	sand.u32 @!p1 $0x3F, s7;
	s3 =	ssub.s32 $0x0, s3  }
0x258: {  	[tilespmem:s24], [sflag:$0x2] =	stream.indirect.gather [hbm4b:s1+s26], $0x20, s26, s26, $0xb8;
	[tilespmem:$0x1FC00] =	vst v63  }
0x259: {  	p2 =	por p2, p1;
	s7 =	smul.u32 @!p1 $0x6, s7;
	s3 =	sand.u32 $0xFF, s3  }
0x25a: {  	[tilespmem:s31], [sflag:$0x3] =	stream.indirect.gather [hbm4b:s1+s26], $0x20, s30, s26, $0xb8;
	[tilespmem:$0x1FC00] =	vst v63  }
0x25b: {  	s22 =	simm.s32 $0x1;
	s23 =	ssub.s32 @!p1 $0x4, s7;
	s8 =	sadd.s32 $0x1, s3  }
0x25c: {  	[tilespmem:s5], [sflag:$0x4] =	stream.indirect.gather [hbm4b:s1+s26], $0x20, s0, s26, $0xb8;
	[tilespmem:$0x1FC00] =	vst v63  }
0x25d: {  	s7 =	simm.s32 @!p1 $0x80;
	s23 =	sand.u32 @!p1 $0xFF, s23;
	_ =	swait.ge [sflag:s8], $0x1000  }
0x25e: {  	s24 =	simm.s32 $0x200;
	s9 =	sshll.u32 s3, $0xC;
	[sflag:s8] =	ssyncset.done $0x0  }
0x25f: {  	s3 =	sadd.s32 $0x7, s3;
	s29 =	sadd.s32 $0x1500, s9;
	[sflag:s8] =	ssyncadd.s32 $0xFFFFF000  }
0x260: {  	[spmem:s6] =	stream.indirect.scatter.add.f32 [tilespmem:s29], [sflag:s3], $0x20, s4, s26, $0xb8;
	[tilespmem:$0x1FC00] =	vst v63  }
0x261: {  	s8 =	sshll.u32 @!p1 s23, $0xC;
	s3 =	smul.u32 $0xAB, s22;
	s4 =	sadd.s32 @!p2 $0x7, s23  }
.LBB2_11:
0x262: {  	s9 =	sadd.s32 $0x4, s22;
	p4 =	sgt.u32 s22, $0x10  }
0x263: {  	_ =	swait.ge @!p2 [sflag:s4], $0x1000;
	s28 =	smov.u32 s20;
	s29 =	smov.u32 s10  }
0x264: {  	s3 =	sshrl.u32 s3, $0xA;
	s8 =	sadd.s32 @!p1 $0x1500, s8;
	[sflag:s4] =	ssyncset.done @!p2 $0x0  }
0x265: {  	s3 =	sand.u32 $0x3F, s3;
	[sflag:s4] =	ssyncadd.s32 @!p2 $0xFFFFF000;
	s4 =	sadd.s32 @!p1 $0x1, s23  }
0x266: {  	[tilespmem:s8], [sflag:s4] =	stream.indirect.gather @!p1 [hbm4b:s1+s7], $0x20, s24, s7, $0xb8;
	[tilespmem:$0x1FC00] =	vst v63  }
0x267: {  	s20 =	sadd.s32 $0x1, s20;
	s3 =	smul.u32 $0x6, s3;
	p2 =	slt.u32 @!p4 s22, $0x2  }
0x268: {  	p3 =	sne.s32 s20, $0x15;
	s4 =	smul.u32 @!p4 $0xAB, s9;
	s24 =	smov.u32 s21  }
0x269: {  	p1 =	por p4, p4;
	s3 =	ssub.s32 s22, s3;
	s22 =	smov.u32 s28  }
0x26a: {  	s10 =	sadd.s32 $0x80, s10;
	s8 =	sand.u32 $0xFF, s3;
	s3 =	sshrl.u32 @!p1 s4, $0xA  }
0x26b: {  	s21 =	sadd.s32 $0x80, s21;
	s4 =	sshll.u32 s8, $0xC;
	s3 =	sand.u32 @!p1 $0x3F, s3  }
0x26c: {  	p2 =	por p2, p1;
	s23 =	sadd.s32 $0x1, s8;
	s28 =	smul.u32 @!p1 $0x6, s3  }
.Ltmp16:
0x26d: {  	s7 =	simm.s32 @!p1 $0x80;
	_ =	swait.ge [sflag:s23], $0x1000;
	(pc) =	sbr.rel @p3 .LBB2_11-.Ltmp16, $4  }
0x26e: {  	s3 =	smul.u32 $0xAB, s22;
	s9 =	ssub.s32 @!p1 s9, s28;
	[sflag:s23] =	ssyncset.done $0x0  }
0x26f: {  	s28 =	sadd.s32 $0x7, s8;
	[sflag:s23] =	ssyncadd.s32 $0xFFFFF000;
	s23 =	sand.u32 @!p1 $0xFF, s9  }
0x270: {  	s9 =	sadd.s32 $0x1500, s4;
	s4 =	sadd.s32 @!p2 $0x7, s23;
	s8 =	sshll.u32 @!p1 s23, $0xC  }
0x271: {  	[spmem:s6] =	stream.indirect.scatter.add.f32 [tilespmem:s9], [sflag:s28], $0x20, s29, s26, $0xb8;
	[tilespmem:$0x1FC00] =	vst v63  }
0x272: {  	_ =	swait.ge @!p2 [sflag:s4], $0x1000  }
0x273: {  	s3 =	sshrl.u32 s3, $0xA;
	s8 =	sadd.s32 @!p1 $0x1500, s8;
	[sflag:s4] =	ssyncset.done @!p2 $0x0  }
0x274: {  	s3 =	sand.u32 $0x3F, s3;
	[sflag:s4] =	ssyncadd.s32 @!p2 $0xFFFFF000;
	s4 =	sadd.s32 @!p1 $0x1, s23  }
0x275: {  	[tilespmem:s8], [sflag:s4] =	stream.indirect.gather @!p1 [hbm4b:s1+s7], $0x20, s24, s7, $0xb8;
	[tilespmem:$0x1FC00] =	vst v63  }
0x276: {  	p2 =	sgt.u32 s22, $0x10;
	s3 =	smul.u32 $0x6, s3;
	s4 =	sadd.s32 $0x4, s22  }
0x277: {  	s7 =	smul.u32 @!p2 $0xAB, s4  }
0x278: {  	p1 =	por p2, p2;
	s3 =	ssub.s32 s22, s3  }
0x279: {  	s3 =	sand.u32 $0xFF, s3;
	s7 =	sshrl.u32 @!p1 s7, $0xA  }
0x27a: {  	s28 =	sadd.s32 $0x1, s3;
	s7 =	sand.u32 @!p1 $0x3F, s7  }
0x27b: {  	p2 =	slt.u32 @!p2 s22, $0x2;
	_ =	swait.ge [sflag:s28], $0x1000;
	s7 =	smul.u32 @!p1 $0x6, s7  }
0x27c: {  	s9 =	sshll.u32 s3, $0xC;
	s3 =	sadd.s32 $0x7, s3;
	[sflag:s28] =	ssyncset.done $0x0  }
0x27d: {  	s29 =	sadd.s32 $0x1500, s9;
	[sflag:s28] =	ssyncadd.s32 $0xFFFFF000;
	s4 =	ssub.s32 @!p1 s4, s7  }
0x27e: {  	[spmem:s6] =	stream.indirect.scatter.add.f32 [tilespmem:s29], [sflag:s3], $0x20, s10, s26, $0xb8;
	[tilespmem:$0x1FC00] =	vst v63  }
0x27f: {  	p2 =	por p2, p1;
	s4 =	sand.u32 @!p1 $0xFF, s4  }
0x280: {  	s8 =	sadd.s32 @!p2 $0x7, s4  }
0x281: {  	_ =	swait.ge @!p2 [sflag:s8], $0x1000  }
0x282: {  	s3 =	simm.s32 @!p1 $0x80;
	s7 =	sshll.u32 @!p1 s4, $0xC;
	[sflag:s8] =	ssyncset.done @!p2 $0x0  }
0x283: {  	s4 =	sadd.s32 @!p1 $0x1, s4;
	s7 =	sadd.s32 @!p1 $0x1500, s7;
	[sflag:s8] =	ssyncadd.s32 @!p2 $0xFFFFF000  }
0x284: {  	[tilespmem:s7], [sflag:s4] =	stream.indirect.gather @!p1 [hbm4b:s1+s3], $0x20, s21, s3, $0xb8;
	[tilespmem:$0x1FC00] =	vst v63  }
0x285: {  	_ =	swait.ge [sflag:s12], $0x1000  }
0x286: {  	[sflag:s12] =	ssyncset.done $0x0  }
0x287: {  	[sflag:s12] =	ssyncadd.s32 $0xFFFFF000  }
0x288: {  	_ =	swait.ge [sflag:s13], $0x1000  }
0x289: {  	[sflag:s13] =	ssyncset.done $0x0  }
0x28a: {  	[sflag:s13] =	ssyncadd.s32 $0xFFFFF000  }
0x28b: {  	_ =	swait.ge [sflag:s14], $0x1000  }
0x28c: {  	[sflag:s14] =	ssyncset.done $0x0  }
0x28d: {  	[sflag:s14] =	ssyncadd.s32 $0xFFFFF000  }
0x28e: {  	_ =	swait.ge [sflag:s16], $0x1000  }
0x28f: {  	[sflag:s16] =	ssyncset.done $0x0  }
0x290: {  	s19 =	sadd.s32 $0x1, s19;
	[sflag:s16] =	ssyncadd.s32 $0xFFFFF000  }
0x291: {  	p1 =	sne.s32 s19, $0x7;
	_ =	swait.ge [sflag:s17], $0x1000  }
.Ltmp17:
0x292: {  	[sflag:s17] =	ssyncset.done $0x0;
	(pc) =	sbr.rel @p1 .LBB2_10-.Ltmp17, $4  }
0x293: {  	[sflag:s17] =	ssyncadd.s32 $0xFFFFF000  }
0x294: {  	_ =	swait.ge [sflag:s18], $0x1000  }
0x295: {  	[sflag:s18] =	ssyncset.done $0x0  }
0x296: {  	[sflag:s18] =	ssyncadd.s32 $0xFFFFF000  }
0x297: {  	[bflag:$0x0] =	sbarrier.arrive $0xFFFF  }
0x298: {  	s3 =	rddreg [dreg:$0xd]  }
0x299: {  	s4 =	simm.s32 $0x1;
	s7 =	rddreg [dreg:$0x16]  }
0x29a: {  	s8 =	simm.s32 $0x10;
	s9 =	simm.s32 $0x4;
	s10 =	rddreg [dreg:$0x17]  }
0x29b: {  	[hbm:s3@s8], [sflag:s10] =	dma.strided [spmem:s7@s9], $0x30E0, s4, $0x4   }
0x29c: {  	_ =	swait.ge [sflag:s25], $0x30E0  }
0x29d: {  	[sflag:s25] =	ssyncset.done $0x0;
	s24 =	rddreg [dreg:$0xa]  }
0x29e: {  	s29 =	simm.s32 $0xD;
	s28 =	rddreg [dreg:$0x15];
	[sflag:s25] =	ssyncadd.s32 $0xFFFFCF20  }
0x29f: {  	[spmem:s7], [sflag:s28] =	dma.local [hbm:s24], $0x30E0  }
0x2a0: {  	_ =	swait.ge [sflag:s29], $0x30E0  }
0x2a1: {  	[sflag:s29] =	ssyncset.done $0x0  }
0x2a2: {  	[sflag:s29] =	ssyncadd.s32 $0xFFFFCF20  }
0x2a3: {  	s15 =	simm.s32 $0x0;
	s19 =	simm.s32 $0x0;
	[bflag:$0x0] =	sbarrier.arrive $0xFFFF  }
.LBB2_14:
0x2a4: {  	s3 =	smul.u32 $0xA80, s19;
	_ =	sdelay $0x1  }
0x2a5: {  	s3 =	sadd.s32 s11, s3  }
0x2a6: {  	s4 =	rddreg [dreg:$0x2];
	s23 =	simm.s32 $0x1500;
	s3 =	sshrl.u32 s3, $0x3  }
0x2a7: {  	s24 =	simm.s32 $0x2500;
	s28 =	smul.u32 $0xAB, s15;
	s4 =	sadd.s32 s4, s3  }
0x2a8: {  	s7 =	simm.s32 $0x4;
	p2 =	por $0x0, $0x0;
	s4 =	sadd.s32 $0x1B900, s4  }
0x2a9: {  	[tilespmem:s15], [sflag:$0xE] =	stream.linear.gather [hbm4b:s4+s15], $0xA80, $0x38;
	[tilespmem:$0x1FC00] =	vst v63  }
0x2aa: {  	s20 =	simm.s32 $0x2;
	s10 =	simm.s32 $0xB00;
	_ =	swait.ge [sflag:s25], $0xA80  }
0x2ab: {  	s21 =	simm.s32 $0x280;
	[sflag:s25] =	ssyncset.done $0x0;
	s22 =	rddreg [dreg:$0x8]  }
0x2ac: {  	s4 =	simm.s32 $0xA80;
	[sflag:s25] =	ssyncadd.s32 $0xFFFFF580;
	s3 =	sadd.s32 s22, s3  }
0x2ad: {  	[tilespmem:s4], [sflag:$0xE] =	stream.linear.gather [hbm4b:s3+s15], $0xA80, $0x38;
	[tilespmem:$0x1FC00] =	vst v63  }
0x2ae: {  	s7 =	smul.u32 @!p2 $0xAB, s7;
	s3 =	sshrl.u32 s28, $0xA;
	_ =	swait.ge [sflag:s25], $0xA80  }
0x2af: {  	p1 =	por p2, p2;
	s3 =	sand.u32 $0x3F, s3;
	[sflag:s25] =	ssyncset.done $0x0  }
0x2b0: {  	s7 =	sshrl.u32 @!p1 s7, $0xA;
	s3 =	smul.u32 $0x6, s3;
	[sflag:s25] =	ssyncadd.s32 $0xFFFFF580  }
0x2b1: {  	[tilespmem:s23], [sflag:$0x1] =	stream.indirect.gather [hbm4b:s1+s26], $0x20, s15, s26, $0xb8;
	[tilespmem:$0x1FC00] =	vst v63  }
0x2b2: {  	p2 =	por @!p2 $0x1, $0x1;
	s7 =	sand.u32 @!p1 $0x3F, s7;
	s3 =	ssub.s32 $0x0, s3  }
0x2b3: {  	[tilespmem:s24], [sflag:$0x2] =	stream.indirect.gather [hbm4b:s1+s26], $0x20, s26, s26, $0xb8;
	[tilespmem:$0x1FC00] =	vst v63  }
0x2b4: {  	p2 =	por p2, p1;
	s7 =	smul.u32 @!p1 $0x6, s7;
	s3 =	sand.u32 $0xFF, s3  }
0x2b5: {  	[tilespmem:s31], [sflag:$0x3] =	stream.indirect.gather [hbm4b:s1+s26], $0x20, s30, s26, $0xb8;
	[tilespmem:$0x1FC00] =	vst v63  }
0x2b6: {  	s22 =	simm.s32 $0x1;
	s23 =	ssub.s32 @!p1 $0x4, s7;
	s8 =	sadd.s32 $0x1, s3  }
0x2b7: {  	[tilespmem:s5], [sflag:$0x4] =	stream.indirect.gather [hbm4b:s1+s26], $0x20, s0, s26, $0xb8;
	[tilespmem:$0x1FC00] =	vst v63  }
0x2b8: {  	s7 =	simm.s32 @!p1 $0x80;
	s23 =	sand.u32 @!p1 $0xFF, s23;
	_ =	swait.ge [sflag:s8], $0x1000  }
0x2b9: {  	s24 =	simm.s32 $0x200;
	s9 =	sshll.u32 s3, $0xC;
	[sflag:s8] =	ssyncset.done $0x0  }
0x2ba: {  	s3 =	sadd.s32 $0x7, s3;
	s29 =	sadd.s32 $0x1500, s9;
	[sflag:s8] =	ssyncadd.s32 $0xFFFFF000  }
0x2bb: {  	[spmem:s6] =	stream.indirect.scatter.add.f32 [tilespmem:s29], [sflag:s3], $0x20, s4, s26, $0xb8;
	[tilespmem:$0x1FC00] =	vst v63  }
0x2bc: {  	s8 =	sshll.u32 @!p1 s23, $0xC;
	s3 =	smul.u32 $0xAB, s22;
	s4 =	sadd.s32 @!p2 $0x7, s23  }
.LBB2_15:
0x2bd: {  	s9 =	sadd.s32 $0x4, s22;
	p4 =	sgt.u32 s22, $0x10  }
0x2be: {  	_ =	swait.ge @!p2 [sflag:s4], $0x1000;
	s28 =	smov.u32 s20;
	s29 =	smov.u32 s10  }
0x2bf: {  	s3 =	sshrl.u32 s3, $0xA;
	s8 =	sadd.s32 @!p1 $0x1500, s8;
	[sflag:s4] =	ssyncset.done @!p2 $0x0  }
0x2c0: {  	s3 =	sand.u32 $0x3F, s3;
	[sflag:s4] =	ssyncadd.s32 @!p2 $0xFFFFF000;
	s4 =	sadd.s32 @!p1 $0x1, s23  }
0x2c1: {  	[tilespmem:s8], [sflag:s4] =	stream.indirect.gather @!p1 [hbm4b:s1+s7], $0x20, s24, s7, $0xb8;
	[tilespmem:$0x1FC00] =	vst v63  }
0x2c2: {  	s20 =	sadd.s32 $0x1, s20;
	s3 =	smul.u32 $0x6, s3;
	p2 =	slt.u32 @!p4 s22, $0x2  }
0x2c3: {  	p3 =	sne.s32 s20, $0x15;
	s4 =	smul.u32 @!p4 $0xAB, s9;
	s24 =	smov.u32 s21  }
0x2c4: {  	p1 =	por p4, p4;
	s3 =	ssub.s32 s22, s3;
	s22 =	smov.u32 s28  }
0x2c5: {  	s10 =	sadd.s32 $0x80, s10;
	s8 =	sand.u32 $0xFF, s3;
	s3 =	sshrl.u32 @!p1 s4, $0xA  }
0x2c6: {  	s21 =	sadd.s32 $0x80, s21;
	s4 =	sshll.u32 s8, $0xC;
	s3 =	sand.u32 @!p1 $0x3F, s3  }
0x2c7: {  	p2 =	por p2, p1;
	s23 =	sadd.s32 $0x1, s8;
	s28 =	smul.u32 @!p1 $0x6, s3  }
.Ltmp18:
0x2c8: {  	s7 =	simm.s32 @!p1 $0x80;
	_ =	swait.ge [sflag:s23], $0x1000;
	(pc) =	sbr.rel @p3 .LBB2_15-.Ltmp18, $4  }
0x2c9: {  	s3 =	smul.u32 $0xAB, s22;
	s9 =	ssub.s32 @!p1 s9, s28;
	[sflag:s23] =	ssyncset.done $0x0  }
0x2ca: {  	s28 =	sadd.s32 $0x7, s8;
	[sflag:s23] =	ssyncadd.s32 $0xFFFFF000;
	s23 =	sand.u32 @!p1 $0xFF, s9  }
0x2cb: {  	s9 =	sadd.s32 $0x1500, s4;
	s4 =	sadd.s32 @!p2 $0x7, s23;
	s8 =	sshll.u32 @!p1 s23, $0xC  }
0x2cc: {  	[spmem:s6] =	stream.indirect.scatter.add.f32 [tilespmem:s9], [sflag:s28], $0x20, s29, s26, $0xb8;
	[tilespmem:$0x1FC00] =	vst v63  }
0x2cd: {  	_ =	swait.ge @!p2 [sflag:s4], $0x1000  }
0x2ce: {  	s3 =	sshrl.u32 s3, $0xA;
	s8 =	sadd.s32 @!p1 $0x1500, s8;
	[sflag:s4] =	ssyncset.done @!p2 $0x0  }
0x2cf: {  	s3 =	sand.u32 $0x3F, s3;
	[sflag:s4] =	ssyncadd.s32 @!p2 $0xFFFFF000;
	s4 =	sadd.s32 @!p1 $0x1, s23  }
0x2d0: {  	[tilespmem:s8], [sflag:s4] =	stream.indirect.gather @!p1 [hbm4b:s1+s7], $0x20, s24, s7, $0xb8;
	[tilespmem:$0x1FC00] =	vst v63  }
0x2d1: {  	p2 =	sgt.u32 s22, $0x10;
	s3 =	smul.u32 $0x6, s3;
	s4 =	sadd.s32 $0x4, s22  }
0x2d2: {  	s7 =	smul.u32 @!p2 $0xAB, s4  }
0x2d3: {  	p1 =	por p2, p2;
	s3 =	ssub.s32 s22, s3  }
0x2d4: {  	s3 =	sand.u32 $0xFF, s3;
	s7 =	sshrl.u32 @!p1 s7, $0xA  }
0x2d5: {  	s28 =	sadd.s32 $0x1, s3;
	s7 =	sand.u32 @!p1 $0x3F, s7  }
0x2d6: {  	p2 =	slt.u32 @!p2 s22, $0x2;
	_ =	swait.ge [sflag:s28], $0x1000;
	s7 =	smul.u32 @!p1 $0x6, s7  }
0x2d7: {  	s9 =	sshll.u32 s3, $0xC;
	s3 =	sadd.s32 $0x7, s3;
	[sflag:s28] =	ssyncset.done $0x0  }
0x2d8: {  	s29 =	sadd.s32 $0x1500, s9;
	[sflag:s28] =	ssyncadd.s32 $0xFFFFF000;
	s4 =	ssub.s32 @!p1 s4, s7  }
0x2d9: {  	[spmem:s6] =	stream.indirect.scatter.add.f32 [tilespmem:s29], [sflag:s3], $0x20, s10, s26, $0xb8;
	[tilespmem:$0x1FC00] =	vst v63  }
0x2da: {  	p2 =	por p2, p1;
	s4 =	sand.u32 @!p1 $0xFF, s4  }
0x2db: {  	s8 =	sadd.s32 @!p2 $0x7, s4  }
0x2dc: {  	_ =	swait.ge @!p2 [sflag:s8], $0x1000  }
0x2dd: {  	s3 =	simm.s32 @!p1 $0x80;
	s7 =	sshll.u32 @!p1 s4, $0xC;
	[sflag:s8] =	ssyncset.done @!p2 $0x0  }
0x2de: {  	s4 =	sadd.s32 @!p1 $0x1, s4;
	s7 =	sadd.s32 @!p1 $0x1500, s7;
	[sflag:s8] =	ssyncadd.s32 @!p2 $0xFFFFF000  }
0x2df: {  	[tilespmem:s7], [sflag:s4] =	stream.indirect.gather @!p1 [hbm4b:s1+s3], $0x20, s21, s3, $0xb8;
	[tilespmem:$0x1FC00] =	vst v63  }
0x2e0: {  	_ =	swait.ge [sflag:s12], $0x1000  }
0x2e1: {  	[sflag:s12] =	ssyncset.done $0x0  }
0x2e2: {  	[sflag:s12] =	ssyncadd.s32 $0xFFFFF000  }
0x2e3: {  	_ =	swait.ge [sflag:s13], $0x1000  }
0x2e4: {  	[sflag:s13] =	ssyncset.done $0x0  }
0x2e5: {  	[sflag:s13] =	ssyncadd.s32 $0xFFFFF000  }
0x2e6: {  	_ =	swait.ge [sflag:s14], $0x1000  }
0x2e7: {  	[sflag:s14] =	ssyncset.done $0x0  }
0x2e8: {  	[sflag:s14] =	ssyncadd.s32 $0xFFFFF000  }
0x2e9: {  	_ =	swait.ge [sflag:s16], $0x1000  }
0x2ea: {  	[sflag:s16] =	ssyncset.done $0x0  }
0x2eb: {  	s19 =	sadd.s32 $0x1, s19;
	[sflag:s16] =	ssyncadd.s32 $0xFFFFF000  }
0x2ec: {  	p1 =	seq.s32 s19, $0x7;
	_ =	swait.ge [sflag:s17], $0x1000  }
.Ltmp19:
0x2ed: {  	[sflag:s17] =	ssyncset.done $0x0;
	(pc) =	sbr.rel @!p1 .LBB2_14-.Ltmp19, $4  }
0x2ee: {  	[sflag:s17] =	ssyncadd.s32 $0xFFFFF000  }
0x2ef: {  	_ =	swait.ge [sflag:s18], $0x1000  }
0x2f0: {  	[sflag:s18] =	ssyncset.done $0x0  }
0x2f1: {  	[sflag:s18] =	ssyncadd.s32 $0xFFFFF000  }
.Ltmp20:
0x2f2: {  	(pc) =	sbr.rel .LBB2_34-.Ltmp20, $3  }
0x2f3: {  	_ =	sdelay $0x1  }
0x2f4: {  	s3 =	rddreg [dreg:$0xe]  }
0x2f5: {  	s10 =	rddreg [dreg:$0x7]  }
.LBB2_35:
0x2f6: {  	_ =	sfence.sel $0x180000  }
0x2f7: {  	[bflag:$0x0] =	sbarrier.arrive $0xFFFF  }
0x2f8: {  	_ =	strace $0x90000047  }
0x2f9: {  	s0 =	stileid.u32;
	[bflag:$0x2] =	sbarrier.arrive $0xFFFF  }
0x2fa: {  	p0 =	sne.s32 s0, $0x0;
	s0 =	rddreg [dreg:$0x6]  }
0x2fb: {  	s0 =	sadd.s32 @!p0 $0x100000, s0  }
0x2fc: {  	[sflag:s0] =	ssyncadd.tile.s32 @!p0 $0x1;
	_ =	shalt  }
.Lfunc_end2:
_tile_overlayer_lowered:
.L_overlay_start_2:
0x2fd: {  	(tag) =	ssettag $0x2  }
0x2fe: {  	s0 =	rddreg [dreg:$0x0];
	s2 =	stileid.u32  }
0x2ff: {  	s1 =	rddreg [dreg:$0x1];
	p0 =	sne.s32 s2, $0x0  }
0x300: {  	s3 =	rddreg [dreg:$0x2];
	[bflag:$0x3] =	sbarrier.arrive $0xFFFF;
	s2 =	simm.s32 @!p0 $0x1C0E  }
0x301: {  	[timem:s3], [sflag:s2] =	dma.local @!p0 [hbm:s0], s1  }
0x302: {  	s0 =	simm.s32 @!p0 $0xE  }
0x303: {  	_ =	swait.ge @!p0 [sflag:s0], s1  }
0x304: {  	s1 =	ssub.s32 @!p0 $0x0, s1;
	[sflag:s0] =	ssyncset.done @!p0 $0x0  }
0x305: {  	[sflag:s0] =	ssyncadd.s32 @!p0 s1  }
0x306: {  	[bflag:$0x3] =	sbarrier.arrive $0xFFFF  }
0x307: {  	_ =	shalt  }

</sc_bundles>
